<compile_context>
chip_gen: v7x
topology: tpu7x:2x2x1
jax: 0.10.2.dev20260603
libtpu: 0.0.44.dev20260713+nightly
codegen_flags: <defaults>
</compile_context>

<pallas_src>
import jax
import jax.numpy as jnp
from jax import lax
from jax.experimental import pallas as pl
from jax.experimental.pallas import tpu as pltpu
from jax.experimental.pallas import tpu_sc as plsc

N = 10000
E = 160000
D = 256
DH = 128

_INFO = plsc.get_sparse_core_info()
NC = _INFO.num_cores
NS = _INFO.num_subcores
EPT = E // NS
RPT = 624
REM = N - NS * RPT
CHUNK = 96
NCH = EPT // CHUNK
TAIL = EPT - NCH * CHUNK
NBUF = 3

BF = jnp.float32


def _sc_agg_body(src2_hbm, dst_hbm, hb_hbm, out_hbm,
                 idx_s, db0, db1, db2, dbt, rowst, rows, acc,
                 sg0, sg1, sg2, sd0, sd1, sd2, ss0, ss1, ss2, semt):
    c = lax.axis_index("c")
    s = lax.axis_index("s")
    sg = (sg0, sg1, sg2)
    sd = (sd0, sd1, sd2)
    ss = (ss0, ss1, ss2)
    db = (db0, db1, db2)

    zv = jnp.zeros((16,), BF)

    def fill(r, carry):
        for j in range(DH // 16):
            rows[0, r, pl.ds(16 * j, 16)] = zv
        return carry

    lax.fori_loop(0, CHUNK, fill, 0)
    for q in range(RPT // CHUNK):
        pltpu.sync_copy(rows.at[0, pl.ds(0, CHUNK)],
                        acc.at[pl.ds(s * RPT + q * CHUNK, CHUNK)])
    _R0 = RPT % CHUNK
    if _R0:
        pltpu.sync_copy(rows.at[0, pl.ds(0, _R0)],
                        acc.at[pl.ds(s * RPT + RPT - _R0, _R0)])

    @pl.when(s == NS - 1)
    def _():
        pltpu.sync_copy(rows.at[0, pl.ds(0, REM)],
                        acc.at[pl.ds(NS * RPT, REM)])

    pltpu.sync_copy(src2_hbm.at[pl.ds(c * E + s * EPT, EPT)], idx_s)
    plsc.subcore_barrier()

    def gather_start(i, b):
        pltpu.async_copy(hb_hbm.at[idx_s.at[pl.ds(i * CHUNK, CHUNK)]],
                         rows.at[b], sg[b])

    def gather_wait(b):
        pltpu.make_async_copy(hb_hbm.at[idx_s.at[pl.ds(0, CHUNK)]],
                              rows.at[b], sg[b]).wait()

    def dst_start(i, b):
        pltpu.async_copy(dst_hbm.at[pl.ds(s * EPT + i * CHUNK, CHUNK)],
                         db[b], sd[b])

    def dst_wait(b):
        pltpu.make_async_copy(dst_hbm.at[pl.ds(0, CHUNK)], db[b],
                              sd[b]).wait()

    def scatter_start(b):
        pltpu.async_copy(rows.at[b], acc.at[db[b]], ss[b], add=True, priority=1)

    def scatter_wait(b):
        pltpu.make_async_copy(rows.at[b], acc.at[db[b]], ss[b]).wait()

    for i in range(NBUF - 1):
        dst_start(i, i)
        gather_start(i, i)

    def slot(i, b, wait_prev=True):
        gather_wait(b)
        dst_wait(b)
        scatter_start(b)
        if wait_prev:
            scatter_wait((b + NBUF - 1) % NBUF)

        @pl.when(i + NBUF - 1 < NCH)
        def _():
            dst_start(i + NBUF - 1, (b + NBUF - 1) % NBUF)
            gather_start(i + NBUF - 1, (b + NBUF - 1) % NBUF)

    for i in range(NBUF):
        slot(i, i % NBUF, wait_prev=(i > 0))

    def step(k, carry):
        i0 = NBUF * k + NBUF
        for j in range(NBUF):
            slot(i0 + j, j)
        return carry

    main = (NCH - NBUF) // NBUF
    lax.fori_loop(0, main, step, 0)
    for i in range(NBUF * (main + 1), NCH):
        slot(i, i % NBUF)
    scatter_wait((NCH - 1) % NBUF)

    tb = NCH * CHUNK
    pltpu.sync_copy(dst_hbm.at[pl.ds(s * EPT + tb, TAIL)], dbt)
    pltpu.async_copy(hb_hbm.at[idx_s.at[pl.ds(tb, TAIL)]], rowst, semt).wait()
    pltpu.sync_copy(rowst, acc.at[dbt], add=True)

    plsc.subcore_barrier()
    pltpu.sync_copy(acc.at[pl.ds(s * RPT, RPT)],
                    out_hbm.at[c, pl.ds(s * RPT, RPT)])

    @pl.when(s == NS - 1)
    def _():
        pltpu.sync_copy(acc.at[pl.ds(NS * RPT, REM)],
                        out_hbm.at[c, pl.ds(NS * RPT, REM)])


_sc_agg = pl.kernel(
    _sc_agg_body,
    out_type=jax.ShapeDtypeStruct((NC, N, DH), BF),
    mesh=plsc.VectorSubcoreMesh(core_axis_name="c", subcore_axis_name="s"),
    scratch_types=(
        [pltpu.VMEM((EPT,), jnp.int32)]
        + [pltpu.VMEM((CHUNK,), jnp.int32) for _ in range(NBUF)]
        + [pltpu.VMEM((TAIL,), jnp.int32),
           pltpu.VMEM((TAIL, DH), BF),
           pltpu.VMEM((NBUF, CHUNK, DH), BF),
           pltpu.VMEM_SHARED((N, DH), BF)]
        + [pltpu.SemaphoreType.DMA for _ in range(3 * NBUF + 1)]
    ),
)


BM = 1000


def _sum_cat(h_ref, a_ref):
    h = jnp.concatenate([h_ref[0], h_ref[1]], axis=1)
    a = jnp.concatenate([a_ref[0], a_ref[1]], axis=1)
    return h + a


def _mm_mid_body(h_ref, a_ref, w_ref, b_ref, o_ref):
    r = jnp.dot(_sum_cat(h_ref, a_ref), w_ref[...],
                preferred_element_type=jnp.float32) + b_ref[...]
    o_ref[0] = r[:, :DH]
    o_ref[1] = r[:, DH:]


def _mm_last_body(h_ref, a_ref, w_ref, b_ref, o_ref):
    o_ref[...] = jnp.dot(_sum_cat(h_ref, a_ref), w_ref[...],
                         preferred_element_type=jnp.float32) + b_ref[...]


_PLANE_SPECS = [
    pl.BlockSpec((NC, BM, DH), lambda i: (0, i, 0)),
    pl.BlockSpec((NC, BM, DH), lambda i: (0, i, 0)),
    pl.BlockSpec((D, D), lambda i: (0, 0)),
    pl.BlockSpec((1, D), lambda i: (0, 0)),
]


def _tc_mm_mid(h2, agg, w, b2d):
    return pl.pallas_call(
        _mm_mid_body,
        grid=(N // BM,),
        in_specs=_PLANE_SPECS,
        out_specs=pl.BlockSpec((NC, BM, DH), lambda i: (0, i, 0)),
        out_shape=jax.ShapeDtypeStruct((NC, N, DH), jnp.float32),
    )(h2, agg, w, b2d)


def _tc_mm_last(h2, agg, w, b2d):
    return pl.pallas_call(
        _mm_last_body,
        grid=(N // BM,),
        in_specs=_PLANE_SPECS,
        out_specs=pl.BlockSpec((BM, D), lambda i: (i, 0)),
        out_shape=jax.ShapeDtypeStruct((N, D), jnp.float32),
    )(h2, agg, w, b2d)


def kernel(x, edge_index, W0, b0, W1, b1, W2, b2):
    src = edge_index[0].astype(jnp.int32)
    dst = edge_index[1].astype(jnp.int32)
    src2 = jnp.concatenate([src, src + N])

    h2 = jnp.stack([x[:, :DH], x[:, DH:]])
    for W, b in ((W0, b0), (W1, b1)):
        agg = _sc_agg(src2, dst, h2.reshape(NC * N, DH))
        h2 = _tc_mm_mid(h2, agg, W, b.reshape(1, D))
    agg = _sc_agg(src2, dst, h2.reshape(NC * N, DH))
    return _tc_mm_last(h2, agg, W2, b2.reshape(1, D))

# --- scband reference (transcript-rebuilt; emitter-appended) ---
"""Pipeline reference for scband-gin-13039520710797 (READ-ONLY COPY).

The authoritative reference and input builder live on the scoring server;
editing this copy changes nothing except your own understanding.
"""

import jax, jax.numpy as jnp
import numpy as np

N_NODES = 10000
N_EDGES = 160000
D_IN = 256
D_HID = 256
D_OUT = 256


def setup_inputs(seed: int = 0) -> dict:
    key = jax.random.key(seed)
    ks = jax.random.split(key, 8)
    x = jax.random.normal(ks[0], (N_NODES, D_IN), dtype=jnp.float32)
    edge_index = jax.random.randint(ks[1], (2, N_EDGES), 0, N_NODES, dtype=jnp.int64)
    # Linear layer params (stored as [in, out] for jnp matmul)
    W0 = jax.random.normal(ks[2], (D_IN, D_HID), dtype=jnp.float32) * (1.0 / np.sqrt(D_IN))
    b0 = jnp.zeros((D_HID,), dtype=jnp.float32)
    W1 = jax.random.normal(ks[3], (D_HID, D_HID), dtype=jnp.float32) * (1.0 / np.sqrt(D_HID))
    b1 = jnp.zeros((D_HID,), dtype=jnp.float32)
    W2 = jax.random.normal(ks[4], (D_HID, D_OUT), dtype=jnp.float32) * (1.0 / np.sqrt(D_HID))
    b2 = jnp.zeros((D_OUT,), dtype=jnp.float32)
    return {"x": x, "edge_index": edge_index, "W0": W0, "b0": b0, "W1": W1, "b1": b1, "W2": W2, "b2": b2}


def gin_layer(h, src, dst, W, b, eps=0.0):
    # GINConv with 'sum' aggregator: h_v = MLP((1+eps)*h_v + sum_{u->v} h_u)
    msg = jnp.take(h, src, axis=0)
    agg = jax.ops.segment_sum(msg, dst, num_segments=N_NODES)
    rst = (1.0 + eps) * h + agg
    return rst @ W + b


def reference(x, edge_index, W0, b0, W1, b1, W2, b2):
    src = edge_index[0]
    dst = edge_index[1]
    h = gin_layer(x, src, dst, W0, b0)
    h = gin_layer(h, src, dst, W1, b1)
    h = gin_layer(h, src, dst, W2, b2)
    return h

if __name__ == "__main__":
    import jax
    _d = setup_inputs()
    print(jax.jit(kernel)(*tuple(_d.values())))

</pallas_src>

<mosaic_0001>
#map = affine_map<(d0, d1) -> (0)>
#map1 = affine_map<(d0, d1) -> (0, 0)>
#map2 = affine_map<(d0, d1) -> (0, 0, 0)>
module attributes {stable_mosaic.version = 14 : i64} {
  func.func @_sc_agg_body(%arg0: i32, %arg1: i32, %arg2: memref<320000xi32, #tpu.memory_space<hbm>>, %arg3: memref<160000xi32, #tpu.memory_space<hbm>>, %arg4: memref<20000x128xf32, #tpu.memory_space<hbm>>, %arg5: memref<2x10000x128xf32, #tpu.memory_space<hbm>>, %arg6: memref<10000xi32, #tpu.memory_space<vmem>>, %arg7: memref<96xi32, #tpu.memory_space<vmem>>, %arg8: memref<96xi32, #tpu.memory_space<vmem>>, %arg9: memref<96xi32, #tpu.memory_space<vmem>>, %arg10: memref<16xi32, #tpu.memory_space<vmem>>, %arg11: memref<16x128xf32, #tpu.memory_space<vmem>>, %arg12: memref<3x96x128xf32, #tpu.memory_space<vmem>>, %arg13: memref<10000x128xf32, #tpu.memory_space<vmem_shared>>, %arg14: memref<!tpu.dma_semaphore, #tpu.memory_space<semaphore_mem>>, %arg15: memref<!tpu.dma_semaphore, #tpu.memory_space<semaphore_mem>>, %arg16: memref<!tpu.dma_semaphore, #tpu.memory_space<semaphore_mem>>, %arg17: memref<!tpu.dma_semaphore, #tpu.memory_space<semaphore_mem>>, %arg18: memref<!tpu.dma_semaphore, #tpu.memory_space<semaphore_mem>>, %arg19: memref<!tpu.dma_semaphore, #tpu.memory_space<semaphore_mem>>, %arg20: memref<!tpu.dma_semaphore, #tpu.memory_space<semaphore_mem>>, %arg21: memref<!tpu.dma_semaphore, #tpu.memory_space<semaphore_mem>>, %arg22: memref<!tpu.dma_semaphore, #tpu.memory_space<semaphore_mem>>, %arg23: memref<!tpu.dma_semaphore, #tpu.memory_space<semaphore_mem>>) attributes {dimension_semantics = [#tpu.dimension_semantics<core_parallel>, #tpu.dimension_semantics<subcore_parallel>], iteration_bounds = array<i64: 2, 16>, scalar_prefetch = 0 : i64, scratch_operands = 18 : i64, tpu.core_type = #tpu.core_type<sc_vector_subcore>, window_params = [{transform_indices = #map}, {transform_indices = #map}, {transform_indices = #map1}, {transform_indices = #map2}]} {
    %broadcast_in_dim3A = arith.constant 0.000000e+00 : f32
    %broadcast_in_dim3A_0 = vector.broadcast %broadcast_in_dim3A : f32 to vector<16xf32>
    %scan3A = arith.constant 0 : i32
    %scan3A_1 = arith.constant 0 : i32
    %scan3A_2 = arith.constant 96 : i32
    %scan3A_3 = arith.addi %scan3A_1, %scan3A_2 : i32
    %scan3A_4 = arith.constant 1 : i32
    scf.for %scan3A_304 = %scan3A_1 to %scan3A_3 step %scan3A_4  : i32 {
      %swap3A = arith.constant 0 : i32
      %swap3A_305 = arith.index_cast %swap3A : i32 to index
      %swap3A_306 = arith.index_cast %scan3A_304 : i32 to index
      %swap3A_307 = arith.constant 0 : index
      %swap3A_308 = tpu.vector_load %arg12[%swap3A_305, %swap3A_306, %swap3A_307] {strides = array<i32>} : memref<3x96x128xf32, #tpu.memory_space<vmem>>, vector<1x1x16xf32>,
      %swap3A_309 = vector.shape_cast %swap3A_308 : vector<1x1x16xf32> to vector<16xf32>
      %swap3A_310 = vector.shape_cast %broadcast_in_dim3A_0 : vector<16xf32> to vector<1x1x16xf32>
      tpu.vector_store %arg12[%swap3A_305, %swap3A_306, %swap3A_307], %swap3A_310 {strides = array<i32>} : memref<3x96x128xf32, #tpu.memory_space<vmem>>, vector<1x1x16xf32>,
      %swap3A_311 = arith.constant 0 : i32
      %swap3A_312 = arith.index_cast %swap3A_311 : i32 to index
      %swap3A_313 = arith.index_cast %scan3A_304 : i32 to index
      %swap3A_314 = arith.constant 16 : index
      %swap3A_315 = tpu.vector_load %arg12[%swap3A_312, %swap3A_313, %swap3A_314] {strides = array<i32>} : memref<3x96x128xf32, #tpu.memory_space<vmem>>, vector<1x1x16xf32>,
      %swap3A_316 = vector.shape_cast %swap3A_315 : vector<1x1x16xf32> to vector<16xf32>
      %swap3A_317 = vector.shape_cast %broadcast_in_dim3A_0 : vector<16xf32> to vector<1x1x16xf32>
      tpu.vector_store %arg12[%swap3A_312, %swap3A_313, %swap3A_314], %swap3A_317 {strides = array<i32>} : memref<3x96x128xf32, #tpu.memory_space<vmem>>, vector<1x1x16xf32>,
      %swap3A_318 = arith.constant 0 : i32
      %swap3A_319 = arith.index_cast %swap3A_318 : i32 to index
      %swap3A_320 = arith.index_cast %scan3A_304 : i32 to index
      %swap3A_321 = arith.constant 32 : index
      %swap3A_322 = tpu.vector_load %arg12[%swap3A_319, %swap3A_320, %swap3A_321] {strides = array<i32>} : memref<3x96x128xf32, #tpu.memory_space<vmem>>, vector<1x1x16xf32>,
      %swap3A_323 = vector.shape_cast %swap3A_322 : vector<1x1x16xf32> to vector<16xf32>
      %swap3A_324 = vector.shape_cast %broadcast_in_dim3A_0 : vector<16xf32> to vector<1x1x16xf32>
      tpu.vector_store %arg12[%swap3A_319, %swap3A_320, %swap3A_321], %swap3A_324 {strides = array<i32>} : memref<3x96x128xf32, #tpu.memory_space<vmem>>, vector<1x1x16xf32>,
      %swap3A_325 = arith.constant 0 : i32
      %swap3A_326 = arith.index_cast %swap3A_325 : i32 to index
      %swap3A_327 = arith.index_cast %scan3A_304 : i32 to index
      %swap3A_328 = arith.constant 48 : index
      %swap3A_329 = tpu.vector_load %arg12[%swap3A_326, %swap3A_327, %swap3A_328] {strides = array<i32>} : memref<3x96x128xf32, #tpu.memory_space<vmem>>, vector<1x1x16xf32>,
      %swap3A_330 = vector.shape_cast %swap3A_329 : vector<1x1x16xf32> to vector<16xf32>
      %swap3A_331 = vector.shape_cast %broadcast_in_dim3A_0 : vector<16xf32> to vector<1x1x16xf32>
      tpu.vector_store %arg12[%swap3A_326, %swap3A_327, %swap3A_328], %swap3A_331 {strides = array<i32>} : memref<3x96x128xf32, #tpu.memory_space<vmem>>, vector<1x1x16xf32>,
      %swap3A_332 = arith.constant 0 : i32
      %swap3A_333 = arith.index_cast %swap3A_332 : i32 to index
      %swap3A_334 = arith.index_cast %scan3A_304 : i32 to index
      %swap3A_335 = arith.constant 64 : index
      %swap3A_336 = tpu.vector_load %arg12[%swap3A_333, %swap3A_334, %swap3A_335] {strides = array<i32>} : memref<3x96x128xf32, #tpu.memory_space<vmem>>, vector<1x1x16xf32>,
      %swap3A_337 = vector.shape_cast %swap3A_336 : vector<1x1x16xf32> to vector<16xf32>
      %swap3A_338 = vector.shape_cast %broadcast_in_dim3A_0 : vector<16xf32> to vector<1x1x16xf32>
      tpu.vector_store %arg12[%swap3A_333, %swap3A_334, %swap3A_335], %swap3A_338 {strides = array<i32>} : memref<3x96x128xf32, #tpu.memory_space<vmem>>, vector<1x1x16xf32>,
      %swap3A_339 = arith.constant 0 : i32
      %swap3A_340 = arith.index_cast %swap3A_339 : i32 to index
      %swap3A_341 = arith.index_cast %scan3A_304 : i32 to index
      %swap3A_342 = arith.constant 80 : index
      %swap3A_343 = tpu.vector_load %arg12[%swap3A_340, %swap3A_341, %swap3A_342] {strides = array<i32>} : memref<3x96x128xf32, #tpu.memory_space<vmem>>, vector<1x1x16xf32>,
      %swap3A_344 = vector.shape_cast %swap3A_343 : vector<1x1x16xf32> to vector<16xf32>
      %swap3A_345 = vector.shape_cast %broadcast_in_dim3A_0 : vector<16xf32> to vector<1x1x16xf32>
      tpu.vector_store %arg12[%swap3A_340, %swap3A_341, %swap3A_342], %swap3A_345 {strides = array<i32>} : memref<3x96x128xf32, #tpu.memory_space<vmem>>, vector<1x1x16xf32>,
      %swap3A_346 = arith.constant 0 : i32
      %swap3A_347 = arith.index_cast %swap3A_346 : i32 to index
      %swap3A_348 = arith.index_cast %scan3A_304 : i32 to index
      %swap3A_349 = arith.constant 96 : index
      %swap3A_350 = tpu.vector_load %arg12[%swap3A_347, %swap3A_348, %swap3A_349] {strides = array<i32>} : memref<3x96x128xf32, #tpu.memory_space<vmem>>, vector<1x1x16xf32>,
      %swap3A_351 = vector.shape_cast %swap3A_350 : vector<1x1x16xf32> to vector<16xf32>
      %swap3A_352 = vector.shape_cast %broadcast_in_dim3A_0 : vector<16xf32> to vector<1x1x16xf32>
      tpu.vector_store %arg12[%swap3A_347, %swap3A_348, %swap3A_349], %swap3A_352 {strides = array<i32>} : memref<3x96x128xf32, #tpu.memory_space<vmem>>, vector<1x1x16xf32>,
      %swap3A_353 = arith.constant 0 : i32
      %swap3A_354 = arith.index_cast %swap3A_353 : i32 to index
      %swap3A_355 = arith.index_cast %scan3A_304 : i32 to index
      %swap3A_356 = arith.constant 112 : index
      %swap3A_357 = tpu.vector_load %arg12[%swap3A_354, %swap3A_355, %swap3A_356] {strides = array<i32>} : memref<3x96x128xf32, #tpu.memory_space<vmem>>, vector<1x1x16xf32>,
      %swap3A_358 = vector.shape_cast %swap3A_357 : vector<1x1x16xf32> to vector<16xf32>
      %swap3A_359 = vector.shape_cast %broadcast_in_dim3A_0 : vector<16xf32> to vector<1x1x16xf32>
      tpu.vector_store %arg12[%swap3A_354, %swap3A_355, %swap3A_356], %swap3A_359 {strides = array<i32>} : memref<3x96x128xf32, #tpu.memory_space<vmem>>, vector<1x1x16xf32>,
    }
    %scan3A_5 = arith.constant 96 : i32
    %mul3A = arith.constant 624 : i32
    %mul3A_6 = arith.muli %arg1, %mul3A : i32
    %add3A = arith.constant 0 : i32
    %add3A_7 = arith.addi %mul3A_6, %add3A : i32
    %run_scoped3A = arith.constant 0 : i32
    "tpu.region"() ({
      %run_scoped3A_304 = tpu.sem_alloc : memref<!tpu.dma_semaphore, #tpu.memory_space<semaphore_mem>>
      %dma_start3A_305 = arith.constant 0 : i32
      %dma_start3A_306 = arith.constant 0 : i32
      %dma_start3A_307 = tpu.memref_slice %arg12[%run_scoped3A, %dma_start3A_305, %dma_start3A_306] : memref<3x96x128xf32, #tpu.memory_space<vmem>> -> memref<1x96x128xf32, #tpu.memory_space<vmem>>
      %dma_start3A_308 = tpu.memref_squeeze %dma_start3A_307 : memref<1x96x128xf32, #tpu.memory_space<vmem>> -> memref<96x128xf32, #tpu.memory_space<vmem>>
      %dma_start3A_309 = arith.constant 0 : i32
      %dma_start3A_310 = tpu.memref_slice %arg13[%add3A_7, %dma_start3A_309] : memref<10000x128xf32, #tpu.memory_space<vmem_shared>> -> memref<96x128xf32, #tpu.memory_space<vmem_shared>>
      %dma_start3A_311 = arith.constant 0 : i32
      %dma_start3A_312 = tpu.memref_slice %arg13[%add3A_7, %dma_start3A_311] : memref<10000x128xf32, #tpu.memory_space<vmem_shared>> -> memref<96x128xf32, #tpu.memory_space<vmem_shared>>
      %dma_start3A_313 = arith.constant 0 : i32
      %dma_start3A_314 = arith.constant 0 : i32
      %dma_start3A_315 = tpu.memref_slice %arg12[%run_scoped3A, %dma_start3A_313, %dma_start3A_314] : memref<3x96x128xf32, #tpu.memory_space<vmem>> -> memref<1x96x128xf32, #tpu.memory_space<vmem>>
      %dma_start3A_316 = tpu.memref_squeeze %dma_start3A_315 : memref<1x96x128xf32, #tpu.memory_space<vmem>> -> memref<96x128xf32, #tpu.memory_space<vmem>>
      tpu.enqueue_dma source(%dma_start3A_316 : memref<96x128xf32, #tpu.memory_space<vmem>>) target(%dma_start3A_312 : memref<96x128xf32, #tpu.memory_space<vmem_shared>>) target_semaphore(%run_scoped3A_304 : memref<!tpu.dma_semaphore, #tpu.memory_space<semaphore_mem>>)
      %dma_wait3A_317 = arith.constant 0 : i32
      %dma_wait3A_318 = arith.constant 0 : i32
      %dma_wait3A_319 = tpu.memref_slice %arg12[%run_scoped3A, %dma_wait3A_317, %dma_wait3A_318] : memref<3x96x128xf32, #tpu.memory_space<vmem>> -> memref<1x96x128xf32, #tpu.memory_space<vmem>>
      %dma_wait3A_320 = tpu.memref_squeeze %dma_wait3A_319 : memref<1x96x128xf32, #tpu.memory_space<vmem>> -> memref<96x128xf32, #tpu.memory_space<vmem>>
      %dma_wait3A_321 = arith.constant 0 : i32
      %dma_wait3A_322 = tpu.memref_slice %arg13[%add3A_7, %dma_wait3A_321] : memref<10000x128xf32, #tpu.memory_space<vmem_shared>> -> memref<96x128xf32, #tpu.memory_space<vmem_shared>>
      %dma_wait3A_323 = arith.constant 0 : i32
      %dma_wait3A_324 = tpu.memref_slice %arg13[%add3A_7, %dma_wait3A_323] : memref<10000x128xf32, #tpu.memory_space<vmem_shared>> -> memref<96x128xf32, #tpu.memory_space<vmem_shared>>
      %dma_wait3A_325 = arith.constant 0 : i32
      %dma_wait3A_326 = arith.constant 0 : i32
      %dma_wait3A_327 = tpu.memref_slice %arg12[%run_scoped3A, %dma_wait3A_325, %dma_wait3A_326] : memref<3x96x128xf32, #tpu.memory_space<vmem>> -> memref<1x96x128xf32, #tpu.memory_space<vmem>>
      %dma_wait3A_328 = tpu.memref_squeeze %dma_wait3A_327 : memref<1x96x128xf32, #tpu.memory_space<vmem>> -> memref<96x128xf32, #tpu.memory_space<vmem>>
      tpu.wait_dma2 semaphore(%run_scoped3A_304 : memref<!tpu.dma_semaphore, #tpu.memory_space<semaphore_mem>>) src(%dma_wait3A_328 : memref<96x128xf32, #tpu.memory_space<vmem>>) dst(%dma_wait3A_324 : memref<96x128xf32, #tpu.memory_space<vmem_shared>>)
      tpu.yield
    }) : () -> ()
    %mul3A_8 = arith.constant 624 : i32
    %mul3A_9 = arith.muli %arg1, %mul3A_8 : i32
    %add3A_10 = arith.constant 96 : i32
    %add3A_11 = arith.addi %mul3A_9, %add3A_10 : i32
    %run_scoped3A_12 = arith.constant 0 : i32
    "tpu.region"() ({
      %run_scoped3A_304 = tpu.sem_alloc : memref<!tpu.dma_semaphore, #tpu.memory_space<semaphore_mem>>
      %dma_start3A_305 = arith.constant 0 : i32
      %dma_start3A_306 = arith.constant 0 : i32
      %dma_start3A_307 = tpu.memref_slice %arg12[%run_scoped3A_12, %dma_start3A_305, %dma_start3A_306] : memref<3x96x128xf32, #tpu.memory_space<vmem>> -> memref<1x96x128xf32, #tpu.memory_space<vmem>>
      %dma_start3A_308 = tpu.memref_squeeze %dma_start3A_307 : memref<1x96x128xf32, #tpu.memory_space<vmem>> -> memref<96x128xf32, #tpu.memory_space<vmem>>
      %dma_start3A_309 = arith.constant 0 : i32
      %dma_start3A_310 = tpu.memref_slice %arg13[%add3A_11, %dma_start3A_309] : memref<10000x128xf32, #tpu.memory_space<vmem_shared>> -> memref<96x128xf32, #tpu.memory_space<vmem_shared>>
      %dma_start3A_311 = arith.constant 0 : i32
      %dma_start3A_312 = tpu.memref_slice %arg13[%add3A_11, %dma_start3A_311] : memref<10000x128xf32, #tpu.memory_space<vmem_shared>> -> memref<96x128xf32, #tpu.memory_space<vmem_shared>>
      %dma_start3A_313 = arith.constant 0 : i32
      %dma_start3A_314 = arith.constant 0 : i32
      %dma_start3A_315 = tpu.memref_slice %arg12[%run_scoped3A_12, %dma_start3A_313, %dma_start3A_314] : memref<3x96x128xf32, #tpu.memory_space<vmem>> -> memref<1x96x128xf32, #tpu.memory_space<vmem>>
      %dma_start3A_316 = tpu.memref_squeeze %dma_start3A_315 : memref<1x96x128xf32, #tpu.memory_space<vmem>> -> memref<96x128xf32, #tpu.memory_space<vmem>>
      tpu.enqueue_dma source(%dma_start3A_316 : memref<96x128xf32, #tpu.memory_space<vmem>>) target(%dma_start3A_312 : memref<96x128xf32, #tpu.memory_space<vmem_shared>>) target_semaphore(%run_scoped3A_304 : memref<!tpu.dma_semaphore, #tpu.memory_space<semaphore_mem>>)
      %dma_wait3A_317 = arith.constant 0 : i32
      %dma_wait3A_318 = arith.constant 0 : i32
      %dma_wait3A_319 = tpu.memref_slice %arg12[%run_scoped3A_12, %dma_wait3A_317, %dma_wait3A_318] : memref<3x96x128xf32, #tpu.memory_space<vmem>> -> memref<1x96x128xf32, #tpu.memory_space<vmem>>
      %dma_wait3A_320 = tpu.memref_squeeze %dma_wait3A_319 : memref<1x96x128xf32, #tpu.memory_space<vmem>> -> memref<96x128xf32, #tpu.memory_space<vmem>>
      %dma_wait3A_321 = arith.constant 0 : i32
      %dma_wait3A_322 = tpu.memref_slice %arg13[%add3A_11, %dma_wait3A_321] : memref<10000x128xf32, #tpu.memory_space<vmem_shared>> -> memref<96x128xf32, #tpu.memory_space<vmem_shared>>
      %dma_wait3A_323 = arith.constant 0 : i32
      %dma_wait3A_324 = tpu.memref_slice %arg13[%add3A_11, %dma_wait3A_323] : memref<10000x128xf32, #tpu.memory_space<vmem_shared>> -> memref<96x128xf32, #tpu.memory_space<vmem_shared>>
      %dma_wait3A_325 = arith.constant 0 : i32
      %dma_wait3A_326 = arith.constant 0 : i32
      %dma_wait3A_327 = tpu.memref_slice %arg12[%run_scoped3A_12, %dma_wait3A_325, %dma_wait3A_326] : memref<3x96x128xf32, #tpu.memory_space<vmem>> -> memref<1x96x128xf32, #tpu.memory_space<vmem>>
      %dma_wait3A_328 = tpu.memref_squeeze %dma_wait3A_327 : memref<1x96x128xf32, #tpu.memory_space<vmem>> -> memref<96x128xf32, #tpu.memory_space<vmem>>
      tpu.wait_dma2 semaphore(%run_scoped3A_304 : memref<!tpu.dma_semaphore, #tpu.memory_space<semaphore_mem>>) src(%dma_wait3A_328 : memref<96x128xf32, #tpu.memory_space<vmem>>) dst(%dma_wait3A_324 : memref<96x128xf32, #tpu.memory_space<vmem_shared>>)
      tpu.yield
    }) : () -> ()
    %mul3A_13 = arith.constant 624 : i32
    %mul3A_14 = arith.muli %arg1, %mul3A_13 : i32
    %add3A_15 = arith.constant 192 : i32
    %add3A_16 = arith.addi %mul3A_14, %add3A_15 : i32
    %run_scoped3A_17 = arith.constant 0 : i32
    "tpu.region"() ({
      %run_scoped3A_304 = tpu.sem_alloc : memref<!tpu.dma_semaphore, #tpu.memory_space<semaphore_mem>>
      %dma_start3A_305 = arith.constant 0 : i32
      %dma_start3A_306 = arith.constant 0 : i32
      %dma_start3A_307 = tpu.memref_slice %arg12[%run_scoped3A_17, %dma_start3A_305, %dma_start3A_306] : memref<3x96x128xf32, #tpu.memory_space<vmem>> -> memref<1x96x128xf32, #tpu.memory_space<vmem>>
      %dma_start3A_308 = tpu.memref_squeeze %dma_start3A_307 : memref<1x96x128xf32, #tpu.memory_space<vmem>> -> memref<96x128xf32, #tpu.memory_space<vmem>>
      %dma_start3A_309 = arith.constant 0 : i32
      %dma_start3A_310 = tpu.memref_slice %arg13[%add3A_16, %dma_start3A_309] : memref<10000x128xf32, #tpu.memory_space<vmem_shared>> -> memref<96x128xf32, #tpu.memory_space<vmem_shared>>
      %dma_start3A_311 = arith.constant 0 : i32
      %dma_start3A_312 = tpu.memref_slice %arg13[%add3A_16, %dma_start3A_311] : memref<10000x128xf32, #tpu.memory_space<vmem_shared>> -> memref<96x128xf32, #tpu.memory_space<vmem_shared>>
      %dma_start3A_313 = arith.constant 0 : i32
      %dma_start3A_314 = arith.constant 0 : i32
      %dma_start3A_315 = tpu.memref_slice %arg12[%run_scoped3A_17, %dma_start3A_313, %dma_start3A_314] : memref<3x96x128xf32, #tpu.memory_space<vmem>> -> memref<1x96x128xf32, #tpu.memory_space<vmem>>
      %dma_start3A_316 = tpu.memref_squeeze %dma_start3A_315 : memref<1x96x128xf32, #tpu.memory_space<vmem>> -> memref<96x128xf32, #tpu.memory_space<vmem>>
      tpu.enqueue_dma source(%dma_start3A_316 : memref<96x128xf32, #tpu.memory_space<vmem>>) target(%dma_start3A_312 : memref<96x128xf32, #tpu.memory_space<vmem_shared>>) target_semaphore(%run_scoped3A_304 : memref<!tpu.dma_semaphore, #tpu.memory_space<semaphore_mem>>)
      %dma_wait3A_317 = arith.constant 0 : i32
      %dma_wait3A_318 = arith.constant 0 : i32
      %dma_wait3A_319 = tpu.memref_slice %arg12[%run_scoped3A_17, %dma_wait3A_317, %dma_wait3A_318] : memref<3x96x128xf32, #tpu.memory_space<vmem>> -> memref<1x96x128xf32, #tpu.memory_space<vmem>>
      %dma_wait3A_320 = tpu.memref_squeeze %dma_wait3A_319 : memref<1x96x128xf32, #tpu.memory_space<vmem>> -> memref<96x128xf32, #tpu.memory_space<vmem>>
      %dma_wait3A_321 = arith.constant 0 : i32
      %dma_wait3A_322 = tpu.memref_slice %arg13[%add3A_16, %dma_wait3A_321] : memref<10000x128xf32, #tpu.memory_space<vmem_shared>> -> memref<96x128xf32, #tpu.memory_space<vmem_shared>>
      %dma_wait3A_323 = arith.constant 0 : i32
      %dma_wait3A_324 = tpu.memref_slice %arg13[%add3A_16, %dma_wait3A_323] : memref<10000x128xf32, #tpu.memory_space<vmem_shared>> -> memref<96x128xf32, #tpu.memory_space<vmem_shared>>
      %dma_wait3A_325 = arith.constant 0 : i32
      %dma_wait3A_326 = arith.constant 0 : i32
      %dma_wait3A_327 = tpu.memref_slice %arg12[%run_scoped3A_17, %dma_wait3A_325, %dma_wait3A_326] : memref<3x96x128xf32, #tpu.memory_space<vmem>> -> memref<1x96x128xf32, #tpu.memory_space<vmem>>
      %dma_wait3A_328 = tpu.memref_squeeze %dma_wait3A_327 : memref<1x96x128xf32, #tpu.memory_space<vmem>> -> memref<96x128xf32, #tpu.memory_space<vmem>>
      tpu.wait_dma2 semaphore(%run_scoped3A_304 : memref<!tpu.dma_semaphore, #tpu.memory_space<semaphore_mem>>) src(%dma_wait3A_328 : memref<96x128xf32, #tpu.memory_space<vmem>>) dst(%dma_wait3A_324 : memref<96x128xf32, #tpu.memory_space<vmem_shared>>)
      tpu.yield
    }) : () -> ()
    %mul3A_18 = arith.constant 624 : i32
    %mul3A_19 = arith.muli %arg1, %mul3A_18 : i32
    %add3A_20 = arith.constant 288 : i32
    %add3A_21 = arith.addi %mul3A_19, %add3A_20 : i32
    %run_scoped3A_22 = arith.constant 0 : i32
    "tpu.region"() ({
      %run_scoped3A_304 = tpu.sem_alloc : memref<!tpu.dma_semaphore, #tpu.memory_space<semaphore_mem>>
      %dma_start3A_305 = arith.constant 0 : i32
      %dma_start3A_306 = arith.constant 0 : i32
      %dma_start3A_307 = tpu.memref_slice %arg12[%run_scoped3A_22, %dma_start3A_305, %dma_start3A_306] : memref<3x96x128xf32, #tpu.memory_space<vmem>> -> memref<1x96x128xf32, #tpu.memory_space<vmem>>
      %dma_start3A_308 = tpu.memref_squeeze %dma_start3A_307 : memref<1x96x128xf32, #tpu.memory_space<vmem>> -> memref<96x128xf32, #tpu.memory_space<vmem>>
      %dma_start3A_309 = arith.constant 0 : i32
      %dma_start3A_310 = tpu.memref_slice %arg13[%add3A_21, %dma_start3A_309] : memref<10000x128xf32, #tpu.memory_space<vmem_shared>> -> memref<96x128xf32, #tpu.memory_space<vmem_shared>>
      %dma_start3A_311 = arith.constant 0 : i32
      %dma_start3A_312 = tpu.memref_slice %arg13[%add3A_21, %dma_start3A_311] : memref<10000x128xf32, #tpu.memory_space<vmem_shared>> -> memref<96x128xf32, #tpu.memory_space<vmem_shared>>
      %dma_start3A_313 = arith.constant 0 : i32
      %dma_start3A_314 = arith.constant 0 : i32
      %dma_start3A_315 = tpu.memref_slice %arg12[%run_scoped3A_22, %dma_start3A_313, %dma_start3A_314] : memref<3x96x128xf32, #tpu.memory_space<vmem>> -> memref<1x96x128xf32, #tpu.memory_space<vmem>>
      %dma_start3A_316 = tpu.memref_squeeze %dma_start3A_315 : memref<1x96x128xf32, #tpu.memory_space<vmem>> -> memref<96x128xf32, #tpu.memory_space<vmem>>
      tpu.enqueue_dma source(%dma_start3A_316 : memref<96x128xf32, #tpu.memory_space<vmem>>) target(%dma_start3A_312 : memref<96x128xf32, #tpu.memory_space<vmem_shared>>) target_semaphore(%run_scoped3A_304 : memref<!tpu.dma_semaphore, #tpu.memory_space<semaphore_mem>>)
      %dma_wait3A_317 = arith.constant 0 : i32
      %dma_wait3A_318 = arith.constant 0 : i32
      %dma_wait3A_319 = tpu.memref_slice %arg12[%run_scoped3A_22, %dma_wait3A_317, %dma_wait3A_318] : memref<3x96x128xf32, #tpu.memory_space<vmem>> -> memref<1x96x128xf32, #tpu.memory_space<vmem>>
      %dma_wait3A_320 = tpu.memref_squeeze %dma_wait3A_319 : memref<1x96x128xf32, #tpu.memory_space<vmem>> -> memref<96x128xf32, #tpu.memory_space<vmem>>
      %dma_wait3A_321 = arith.constant 0 : i32
      %dma_wait3A_322 = tpu.memref_slice %arg13[%add3A_21, %dma_wait3A_321] : memref<10000x128xf32, #tpu.memory_space<vmem_shared>> -> memref<96x128xf32, #tpu.memory_space<vmem_shared>>
      %dma_wait3A_323 = arith.constant 0 : i32
      %dma_wait3A_324 = tpu.memref_slice %arg13[%add3A_21, %dma_wait3A_323] : memref<10000x128xf32, #tpu.memory_space<vmem_shared>> -> memref<96x128xf32, #tpu.memory_space<vmem_shared>>
      %dma_wait3A_325 = arith.constant 0 : i32
      %dma_wait3A_326 = arith.constant 0 : i32
      %dma_wait3A_327 = tpu.memref_slice %arg12[%run_scoped3A_22, %dma_wait3A_325, %dma_wait3A_326] : memref<3x96x128xf32, #tpu.memory_space<vmem>> -> memref<1x96x128xf32, #tpu.memory_space<vmem>>
      %dma_wait3A_328 = tpu.memref_squeeze %dma_wait3A_327 : memref<1x96x128xf32, #tpu.memory_space<vmem>> -> memref<96x128xf32, #tpu.memory_space<vmem>>
      tpu.wait_dma2 semaphore(%run_scoped3A_304 : memref<!tpu.dma_semaphore, #tpu.memory_space<semaphore_mem>>) src(%dma_wait3A_328 : memref<96x128xf32, #tpu.memory_space<vmem>>) dst(%dma_wait3A_324 : memref<96x128xf32, #tpu.memory_space<vmem_shared>>)
      tpu.yield
    }) : () -> ()
    %mul3A_23 = arith.constant 624 : i32
    %mul3A_24 = arith.muli %arg1, %mul3A_23 : i32
    %add3A_25 = arith.constant 384 : i32
    %add3A_26 = arith.addi %mul3A_24, %add3A_25 : i32
    %run_scoped3A_27 = arith.constant 0 : i32
    "tpu.region"() ({
      %run_scoped3A_304 = tpu.sem_alloc : memref<!tpu.dma_semaphore, #tpu.memory_space<semaphore_mem>>
      %dma_start3A_305 = arith.constant 0 : i32
      %dma_start3A_306 = arith.constant 0 : i32
      %dma_start3A_307 = tpu.memref_slice %arg12[%run_scoped3A_27, %dma_start3A_305, %dma_start3A_306] : memref<3x96x128xf32, #tpu.memory_space<vmem>> -> memref<1x96x128xf32, #tpu.memory_space<vmem>>
      %dma_start3A_308 = tpu.memref_squeeze %dma_start3A_307 : memref<1x96x128xf32, #tpu.memory_space<vmem>> -> memref<96x128xf32, #tpu.memory_space<vmem>>
      %dma_start3A_309 = arith.constant 0 : i32
      %dma_start3A_310 = tpu.memref_slice %arg13[%add3A_26, %dma_start3A_309] : memref<10000x128xf32, #tpu.memory_space<vmem_shared>> -> memref<96x128xf32, #tpu.memory_space<vmem_shared>>
      %dma_start3A_311 = arith.constant 0 : i32
      %dma_start3A_312 = tpu.memref_slice %arg13[%add3A_26, %dma_start3A_311] : memref<10000x128xf32, #tpu.memory_space<vmem_shared>> -> memref<96x128xf32, #tpu.memory_space<vmem_shared>>
      %dma_start3A_313 = arith.constant 0 : i32
      %dma_start3A_314 = arith.constant 0 : i32
      %dma_start3A_315 = tpu.memref_slice %arg12[%run_scoped3A_27, %dma_start3A_313, %dma_start3A_314] : memref<3x96x128xf32, #tpu.memory_space<vmem>> -> memref<1x96x128xf32, #tpu.memory_space<vmem>>
      %dma_start3A_316 = tpu.memref_squeeze %dma_start3A_315 : memref<1x96x128xf32, #tpu.memory_space<vmem>> -> memref<96x128xf32, #tpu.memory_space<vmem>>
      tpu.enqueue_dma source(%dma_start3A_316 : memref<96x128xf32, #tpu.memory_space<vmem>>) target(%dma_start3A_312 : memref<96x128xf32, #tpu.memory_space<vmem_shared>>) target_semaphore(%run_scoped3A_304 : memref<!tpu.dma_semaphore, #tpu.memory_space<semaphore_mem>>)
      %dma_wait3A_317 = arith.constant 0 : i32
      %dma_wait3A_318 = arith.constant 0 : i32
      %dma_wait3A_319 = tpu.memref_slice %arg12[%run_scoped3A_27, %dma_wait3A_317, %dma_wait3A_318] : memref<3x96x128xf32, #tpu.memory_space<vmem>> -> memref<1x96x128xf32, #tpu.memory_space<vmem>>
      %dma_wait3A_320 = tpu.memref_squeeze %dma_wait3A_319 : memref<1x96x128xf32, #tpu.memory_space<vmem>> -> memref<96x128xf32, #tpu.memory_space<vmem>>
      %dma_wait3A_321 = arith.constant 0 : i32
      %dma_wait3A_322 = tpu.memref_slice %arg13[%add3A_26, %dma_wait3A_321] : memref<10000x128xf32, #tpu.memory_space<vmem_shared>> -> memref<96x128xf32, #tpu.memory_space<vmem_shared>>
      %dma_wait3A_323 = arith.constant 0 : i32
      %dma_wait3A_324 = tpu.memref_slice %arg13[%add3A_26, %dma_wait3A_323] : memref<10000x128xf32, #tpu.memory_space<vmem_shared>> -> memref<96x128xf32, #tpu.memory_space<vmem_shared>>
      %dma_wait3A_325 = arith.constant 0 : i32
      %dma_wait3A_326 = arith.constant 0 : i32
      %dma_wait3A_327 = tpu.memref_slice %arg12[%run_scoped3A_27, %dma_wait3A_325, %dma_wait3A_326] : memref<3x96x128xf32, #tpu.memory_space<vmem>> -> memref<1x96x128xf32, #tpu.memory_space<vmem>>
      %dma_wait3A_328 = tpu.memref_squeeze %dma_wait3A_327 : memref<1x96x128xf32, #tpu.memory_space<vmem>> -> memref<96x128xf32, #tpu.memory_space<vmem>>
      tpu.wait_dma2 semaphore(%run_scoped3A_304 : memref<!tpu.dma_semaphore, #tpu.memory_space<semaphore_mem>>) src(%dma_wait3A_328 : memref<96x128xf32, #tpu.memory_space<vmem>>) dst(%dma_wait3A_324 : memref<96x128xf32, #tpu.memory_space<vmem_shared>>)
      tpu.yield
    }) : () -> ()
    %mul3A_28 = arith.constant 624 : i32
    %mul3A_29 = arith.muli %arg1, %mul3A_28 : i32
    %add3A_30 = arith.constant 480 : i32
    %add3A_31 = arith.addi %mul3A_29, %add3A_30 : i32
    %run_scoped3A_32 = arith.constant 0 : i32
    "tpu.region"() ({
      %run_scoped3A_304 = tpu.sem_alloc : memref<!tpu.dma_semaphore, #tpu.memory_space<semaphore_mem>>
      %dma_start3A_305 = arith.constant 0 : i32
      %dma_start3A_306 = arith.constant 0 : i32
      %dma_start3A_307 = tpu.memref_slice %arg12[%run_scoped3A_32, %dma_start3A_305, %dma_start3A_306] : memref<3x96x128xf32, #tpu.memory_space<vmem>> -> memref<1x96x128xf32, #tpu.memory_space<vmem>>
      %dma_start3A_308 = tpu.memref_squeeze %dma_start3A_307 : memref<1x96x128xf32, #tpu.memory_space<vmem>> -> memref<96x128xf32, #tpu.memory_space<vmem>>
      %dma_start3A_309 = arith.constant 0 : i32
      %dma_start3A_310 = tpu.memref_slice %arg13[%add3A_31, %dma_start3A_309] : memref<10000x128xf32, #tpu.memory_space<vmem_shared>> -> memref<96x128xf32, #tpu.memory_space<vmem_shared>>
      %dma_start3A_311 = arith.constant 0 : i32
      %dma_start3A_312 = tpu.memref_slice %arg13[%add3A_31, %dma_start3A_311] : memref<10000x128xf32, #tpu.memory_space<vmem_shared>> -> memref<96x128xf32, #tpu.memory_space<vmem_shared>>
      %dma_start3A_313 = arith.constant 0 : i32
      %dma_start3A_314 = arith.constant 0 : i32
      %dma_start3A_315 = tpu.memref_slice %arg12[%run_scoped3A_32, %dma_start3A_313, %dma_start3A_314] : memref<3x96x128xf32, #tpu.memory_space<vmem>> -> memref<1x96x128xf32, #tpu.memory_space<vmem>>
      %dma_start3A_316 = tpu.memref_squeeze %dma_start3A_315 : memref<1x96x128xf32, #tpu.memory_space<vmem>> -> memref<96x128xf32, #tpu.memory_space<vmem>>
      tpu.enqueue_dma source(%dma_start3A_316 : memref<96x128xf32, #tpu.memory_space<vmem>>) target(%dma_start3A_312 : memref<96x128xf32, #tpu.memory_space<vmem_shared>>) target_semaphore(%run_scoped3A_304 : memref<!tpu.dma_semaphore, #tpu.memory_space<semaphore_mem>>)
      %dma_wait3A_317 = arith.constant 0 : i32
      %dma_wait3A_318 = arith.constant 0 : i32
      %dma_wait3A_319 = tpu.memref_slice %arg12[%run_scoped3A_32, %dma_wait3A_317, %dma_wait3A_318] : memref<3x96x128xf32, #tpu.memory_space<vmem>> -> memref<1x96x128xf32, #tpu.memory_space<vmem>>
      %dma_wait3A_320 = tpu.memref_squeeze %dma_wait3A_319 : memref<1x96x128xf32, #tpu.memory_space<vmem>> -> memref<96x128xf32, #tpu.memory_space<vmem>>
      %dma_wait3A_321 = arith.constant 0 : i32
      %dma_wait3A_322 = tpu.memref_slice %arg13[%add3A_31, %dma_wait3A_321] : memref<10000x128xf32, #tpu.memory_space<vmem_shared>> -> memref<96x128xf32, #tpu.memory_space<vmem_shared>>
      %dma_wait3A_323 = arith.constant 0 : i32
      %dma_wait3A_324 = tpu.memref_slice %arg13[%add3A_31, %dma_wait3A_323] : memref<10000x128xf32, #tpu.memory_space<vmem_shared>> -> memref<96x128xf32, #tpu.memory_space<vmem_shared>>
      %dma_wait3A_325 = arith.constant 0 : i32
      %dma_wait3A_326 = arith.constant 0 : i32
      %dma_wait3A_327 = tpu.memref_slice %arg12[%run_scoped3A_32, %dma_wait3A_325, %dma_wait3A_326] : memref<3x96x128xf32, #tpu.memory_space<vmem>> -> memref<1x96x128xf32, #tpu.memory_space<vmem>>
      %dma_wait3A_328 = tpu.memref_squeeze %dma_wait3A_327 : memref<1x96x128xf32, #tpu.memory_space<vmem>> -> memref<96x128xf32, #tpu.memory_space<vmem>>
      tpu.wait_dma2 semaphore(%run_scoped3A_304 : memref<!tpu.dma_semaphore, #tpu.memory_space<semaphore_mem>>) src(%dma_wait3A_328 : memref<96x128xf32, #tpu.memory_space<vmem>>) dst(%dma_wait3A_324 : memref<96x128xf32, #tpu.memory_space<vmem_shared>>)
      tpu.yield
    }) : () -> ()
    %mul3A_33 = arith.constant 624 : i32
    %mul3A_34 = arith.muli %arg1, %mul3A_33 : i32
    %add3A_35 = arith.constant 624 : i32
    %add3A_36 = arith.addi %mul3A_34, %add3A_35 : i32
    %sub3A = arith.constant 48 : i32
    %sub3A_37 = arith.subi %add3A_36, %sub3A : i32
    %run_scoped3A_38 = arith.constant 0 : i32
    "tpu.region"() ({
      %run_scoped3A_304 = tpu.sem_alloc : memref<!tpu.dma_semaphore, #tpu.memory_space<semaphore_mem>>
      %dma_start3A_305 = arith.constant 0 : i32
      %dma_start3A_306 = arith.constant 0 : i32
      %dma_start3A_307 = tpu.memref_slice %arg12[%run_scoped3A_38, %dma_start3A_305, %dma_start3A_306] : memref<3x96x128xf32, #tpu.memory_space<vmem>> -> memref<1x48x128xf32, #tpu.memory_space<vmem>>
      %dma_start3A_308 = tpu.memref_squeeze %dma_start3A_307 : memref<1x48x128xf32, #tpu.memory_space<vmem>> -> memref<48x128xf32, #tpu.memory_space<vmem>>
      %dma_start3A_309 = arith.constant 0 : i32
      %dma_start3A_310 = tpu.memref_slice %arg13[%sub3A_37, %dma_start3A_309] : memref<10000x128xf32, #tpu.memory_space<vmem_shared>> -> memref<48x128xf32, #tpu.memory_space<vmem_shared>>
      %dma_start3A_311 = arith.constant 0 : i32
      %dma_start3A_312 = tpu.memref_slice %arg13[%sub3A_37, %dma_start3A_311] : memref<10000x128xf32, #tpu.memory_space<vmem_shared>> -> memref<48x128xf32, #tpu.memory_space<vmem_shared>>
      %dma_start3A_313 = arith.constant 0 : i32
      %dma_start3A_314 = arith.constant 0 : i32
      %dma_start3A_315 = tpu.memref_slice %arg12[%run_scoped3A_38, %dma_start3A_313, %dma_start3A_314] : memref<3x96x128xf32, #tpu.memory_space<vmem>> -> memref<1x48x128xf32, #tpu.memory_space<vmem>>
      %dma_start3A_316 = tpu.memref_squeeze %dma_start3A_315 : memref<1x48x128xf32, #tpu.memory_space<vmem>> -> memref<48x128xf32, #tpu.memory_space<vmem>>
      tpu.enqueue_dma source(%dma_start3A_316 : memref<48x128xf32, #tpu.memory_space<vmem>>) target(%dma_start3A_312 : memref<48x128xf32, #tpu.memory_space<vmem_shared>>) target_semaphore(%run_scoped3A_304 : memref<!tpu.dma_semaphore, #tpu.memory_space<semaphore_mem>>)
      %dma_wait3A_317 = arith.constant 0 : i32
      %dma_wait3A_318 = arith.constant 0 : i32
      %dma_wait3A_319 = tpu.memref_slice %arg12[%run_scoped3A_38, %dma_wait3A_317, %dma_wait3A_318] : memref<3x96x128xf32, #tpu.memory_space<vmem>> -> memref<1x48x128xf32, #tpu.memory_space<vmem>>
      %dma_wait3A_320 = tpu.memref_squeeze %dma_wait3A_319 : memref<1x48x128xf32, #tpu.memory_space<vmem>> -> memref<48x128xf32, #tpu.memory_space<vmem>>
      %dma_wait3A_321 = arith.constant 0 : i32
      %dma_wait3A_322 = tpu.memref_slice %arg13[%sub3A_37, %dma_wait3A_321] : memref<10000x128xf32, #tpu.memory_space<vmem_shared>> -> memref<48x128xf32, #tpu.memory_space<vmem_shared>>
      %dma_wait3A_323 = arith.constant 0 : i32
      %dma_wait3A_324 = tpu.memref_slice %arg13[%sub3A_37, %dma_wait3A_323] : memref<10000x128xf32, #tpu.memory_space<vmem_shared>> -> memref<48x128xf32, #tpu.memory_space<vmem_shared>>
      %dma_wait3A_325 = arith.constant 0 : i32
      %dma_wait3A_326 = arith.constant 0 : i32
      %dma_wait3A_327 = tpu.memref_slice %arg12[%run_scoped3A_38, %dma_wait3A_325, %dma_wait3A_326] : memref<3x96x128xf32, #tpu.memory_space<vmem>> -> memref<1x48x128xf32, #tpu.memory_space<vmem>>
      %dma_wait3A_328 = tpu.memref_squeeze %dma_wait3A_327 : memref<1x48x128xf32, #tpu.memory_space<vmem>> -> memref<48x128xf32, #tpu.memory_space<vmem>>
      tpu.wait_dma2 semaphore(%run_scoped3A_304 : memref<!tpu.dma_semaphore, #tpu.memory_space<semaphore_mem>>) src(%dma_wait3A_328 : memref<48x128xf32, #tpu.memory_space<vmem>>) dst(%dma_wait3A_324 : memref<48x128xf32, #tpu.memory_space<vmem_shared>>)
      tpu.yield
    }) : () -> ()
    %eq3A = arith.constant 15 : i32
    %eq3A_39 = arith.cmpi eq, %arg1, %eq3A : i32
    %convert_element_type3A = arith.extui %eq3A_39 : i1 to i32
    %cond3A = arith.constant 0 : i32
    %cond3A_40 = arith.cmpi ne, %convert_element_type3A, %cond3A : i32
    scf.if %cond3A_40 {
      %run_scoped3A_304 = arith.constant 0 : i32
      "tpu.region"() ({
        %run_scoped3A_305 = tpu.sem_alloc : memref<!tpu.dma_semaphore, #tpu.memory_space<semaphore_mem>>
        %dma_start3A_306 = arith.constant 0 : i32
        %dma_start3A_307 = arith.constant 0 : i32
        %dma_start3A_308 = tpu.memref_slice %arg12[%run_scoped3A_304, %dma_start3A_306, %dma_start3A_307] : memref<3x96x128xf32, #tpu.memory_space<vmem>> -> memref<1x16x128xf32, #tpu.memory_space<vmem>>
        %dma_start3A_309 = tpu.memref_squeeze %dma_start3A_308 : memref<1x16x128xf32, #tpu.memory_space<vmem>> -> memref<16x128xf32, #tpu.memory_space<vmem>>
        %dma_start3A_310 = arith.constant 9984 : i32
        %dma_start3A_311 = arith.constant 0 : i32
        %dma_start3A_312 = tpu.memref_slice %arg13[%dma_start3A_310, %dma_start3A_311] : memref<10000x128xf32, #tpu.memory_space<vmem_shared>> -> memref<16x128xf32, #tpu.memory_space<vmem_shared>>
        %dma_start3A_313 = arith.constant 9984 : i32
        %dma_start3A_314 = arith.constant 0 : i32
        %dma_start3A_315 = tpu.memref_slice %arg13[%dma_start3A_313, %dma_start3A_314] : memref<10000x128xf32, #tpu.memory_space<vmem_shared>> -> memref<16x128xf32, #tpu.memory_space<vmem_shared>>
        %dma_start3A_316 = arith.constant 0 : i32
        %dma_start3A_317 = arith.constant 0 : i32
        %dma_start3A_318 = tpu.memref_slice %arg12[%run_scoped3A_304, %dma_start3A_316, %dma_start3A_317] : memref<3x96x128xf32, #tpu.memory_space<vmem>> -> memref<1x16x128xf32, #tpu.memory_space<vmem>>
        %dma_start3A_319 = tpu.memref_squeeze %dma_start3A_318 : memref<1x16x128xf32, #tpu.memory_space<vmem>> -> memref<16x128xf32, #tpu.memory_space<vmem>>
        tpu.enqueue_dma source(%dma_start3A_319 : memref<16x128xf32, #tpu.memory_space<vmem>>) target(%dma_start3A_315 : memref<16x128xf32, #tpu.memory_space<vmem_shared>>) target_semaphore(%run_scoped3A_305 : memref<!tpu.dma_semaphore, #tpu.memory_space<semaphore_mem>>)
        %dma_wait3A_320 = arith.constant 0 : i32
        %dma_wait3A_321 = arith.constant 0 : i32
        %dma_wait3A_322 = tpu.memref_slice %arg12[%run_scoped3A_304, %dma_wait3A_320, %dma_wait3A_321] : memref<3x96x128xf32, #tpu.memory_space<vmem>> -> memref<1x16x128xf32, #tpu.memory_space<vmem>>
        %dma_wait3A_323 = tpu.memref_squeeze %dma_wait3A_322 : memref<1x16x128xf32, #tpu.memory_space<vmem>> -> memref<16x128xf32, #tpu.memory_space<vmem>>
        %dma_wait3A_324 = arith.constant 9984 : i32
        %dma_wait3A_325 = arith.constant 0 : i32
        %dma_wait3A_326 = tpu.memref_slice %arg13[%dma_wait3A_324, %dma_wait3A_325] : memref<10000x128xf32, #tpu.memory_space<vmem_shared>> -> memref<16x128xf32, #tpu.memory_space<vmem_shared>>
        %dma_wait3A_327 = arith.constant 9984 : i32
        %dma_wait3A_328 = arith.constant 0 : i32
        %dma_wait3A_329 = tpu.memref_slice %arg13[%dma_wait3A_327, %dma_wait3A_328] : memref<10000x128xf32, #tpu.memory_space<vmem_shared>> -> memref<16x128xf32, #tpu.memory_space<vmem_shared>>
        %dma_wait3A_330 = arith.constant 0 : i32
        %dma_wait3A_331 = arith.constant 0 : i32
        %dma_wait3A_332 = tpu.memref_slice %arg12[%run_scoped3A_304, %dma_wait3A_330, %dma_wait3A_331] : memref<3x96x128xf32, #tpu.memory_space<vmem>> -> memref<1x16x128xf32, #tpu.memory_space<vmem>>
        %dma_wait3A_333 = tpu.memref_squeeze %dma_wait3A_332 : memref<1x16x128xf32, #tpu.memory_space<vmem>> -> memref<16x128xf32, #tpu.memory_space<vmem>>
        tpu.wait_dma2 semaphore(%run_scoped3A_305 : memref<!tpu.dma_semaphore, #tpu.memory_space<semaphore_mem>>) src(%dma_wait3A_333 : memref<16x128xf32, #tpu.memory_space<vmem>>) dst(%dma_wait3A_329 : memref<16x128xf32, #tpu.memory_space<vmem_shared>>)
        tpu.yield
      }) : () -> ()
    } else {
    }
    %mul3A_41 = arith.constant 160000 : i32
    %mul3A_42 = arith.muli %arg0, %mul3A_41 : i32
    %mul3A_43 = arith.constant 10000 : i32
    %mul3A_44 = arith.muli %arg1, %mul3A_43 : i32
    %add3A_45 = arith.addi %mul3A_42, %mul3A_44 : i32
    "tpu.region"() ({
      %run_scoped3A_304 = tpu.sem_alloc : memref<!tpu.dma_semaphore, #tpu.memory_space<semaphore_mem>>
      %dma_start3A_305 = tpu.memref_slice %arg2[%add3A_45] : memref<320000xi32, #tpu.memory_space<hbm>> -> memref<10000xi32, #tpu.memory_space<hbm>>
      %dma_start3A_306 = tpu.memref_slice %arg2[%add3A_45] : memref<320000xi32, #tpu.memory_space<hbm>> -> memref<10000xi32, #tpu.memory_space<hbm>>
      tpu.enqueue_dma source(%dma_start3A_306 : memref<10000xi32, #tpu.memory_space<hbm>>) target(%arg6 : memref<10000xi32, #tpu.memory_space<vmem>>) target_semaphore(%run_scoped3A_304 : memref<!tpu.dma_semaphore, #tpu.memory_space<semaphore_mem>>)
      %dma_wait3A_307 = tpu.memref_slice %arg2[%add3A_45] : memref<320000xi32, #tpu.memory_space<hbm>> -> memref<10000xi32, #tpu.memory_space<hbm>>
      %dma_wait3A_308 = tpu.memref_slice %arg2[%add3A_45] : memref<320000xi32, #tpu.memory_space<hbm>> -> memref<10000xi32, #tpu.memory_space<hbm>>
      tpu.wait_dma2 semaphore(%run_scoped3A_304 : memref<!tpu.dma_semaphore, #tpu.memory_space<semaphore_mem>>) src(%dma_wait3A_308 : memref<10000xi32, #tpu.memory_space<hbm>>) dst(%arg6 : memref<10000xi32, #tpu.memory_space<vmem>>)
      tpu.yield
    }) : () -> ()
    %barrier3A = arith.constant 0 : index
    tpu.barrier barrier_id(%barrier3A)
    %mul3A_46 = arith.constant 10000 : i32
    %mul3A_47 = arith.muli %arg1, %mul3A_46 : i32
    %add3A_48 = arith.constant 0 : i32
    %add3A_49 = arith.addi %mul3A_47, %add3A_48 : i32
    %dma_start3A = tpu.memref_slice %arg3[%add3A_49] : memref<160000xi32, #tpu.memory_space<hbm>> -> memref<96xi32, #tpu.memory_space<hbm>>
    %dma_start3A_50 = tpu.memref_slice %arg3[%add3A_49] : memref<160000xi32, #tpu.memory_space<hbm>> -> memref<96xi32, #tpu.memory_space<hbm>>
    tpu.enqueue_dma source(%dma_start3A_50 : memref<96xi32, #tpu.memory_space<hbm>>) target(%arg7 : memref<96xi32, #tpu.memory_space<vmem>>) target_semaphore(%arg17 : memref<!tpu.dma_semaphore, #tpu.memory_space<semaphore_mem>>)
    %dma_start3A_51 = arith.constant 0 : i32
    %dma_start3A_52 = arith.constant 0 : i32
    %dma_start3A_53 = arith.constant 0 : i32
    %dma_start3A_54 = tpu.memref_slice %arg12[%dma_start3A_51, %dma_start3A_52, %dma_start3A_53] : memref<3x96x128xf32, #tpu.memory_space<vmem>> -> memref<1x96x128xf32, #tpu.memory_space<vmem>>
    %dma_start3A_55 = tpu.memref_squeeze %dma_start3A_54 : memref<1x96x128xf32, #tpu.memory_space<vmem>> -> memref<96x128xf32, #tpu.memory_space<vmem>>
    %dma_start3A_56 = arith.constant 0 : i32
    %dma_start3A_57 = tpu.memref_slice %arg6[%dma_start3A_56] : memref<10000xi32, #tpu.memory_space<vmem>> -> memref<96xi32, #tpu.memory_space<vmem>>
    %dma_start3A_58 = arith.constant 0 : i32
    %dma_start3A_59 = arith.constant 0 : i32
    %dma_start3A_60 = tpu.memref_slice %arg4[%dma_start3A_58, %dma_start3A_59] : memref<20000x128xf32, #tpu.memory_space<hbm>> -> memref<20000x128xf32, #tpu.memory_space<hbm>>
    tpu.enqueue_indirect_dma source(%dma_start3A_60 : memref<20000x128xf32, #tpu.memory_space<hbm>>) target(%dma_start3A_55 : memref<96x128xf32, #tpu.memory_space<vmem>>) offsets(%dma_start3A_57 : memref<96xi32, #tpu.memory_space<vmem>>) semaphore(%arg14 : memref<!tpu.dma_semaphore, #tpu.memory_space<semaphore_mem>>)
    %mul3A_61 = arith.constant 10000 : i32
    %mul3A_62 = arith.muli %arg1, %mul3A_61 : i32
    %add3A_63 = arith.constant 96 : i32
    %add3A_64 = arith.addi %mul3A_62, %add3A_63 : i32
    %dma_start3A_65 = tpu.memref_slice %arg3[%add3A_64] : memref<160000xi32, #tpu.memory_space<hbm>> -> memref<96xi32, #tpu.memory_space<hbm>>
    %dma_start3A_66 = tpu.memref_slice %arg3[%add3A_64] : memref<160000xi32, #tpu.memory_space<hbm>> -> memref<96xi32, #tpu.memory_space<hbm>>
    tpu.enqueue_dma source(%dma_start3A_66 : memref<96xi32, #tpu.memory_space<hbm>>) target(%arg8 : memref<96xi32, #tpu.memory_space<vmem>>) target_semaphore(%arg18 : memref<!tpu.dma_semaphore, #tpu.memory_space<semaphore_mem>>)
    %dma_start3A_67 = arith.constant 1 : i32
    %dma_start3A_68 = arith.constant 0 : i32
    %dma_start3A_69 = arith.constant 0 : i32
    %dma_start3A_70 = tpu.memref_slice %arg12[%dma_start3A_67, %dma_start3A_68, %dma_start3A_69] : memref<3x96x128xf32, #tpu.memory_space<vmem>> -> memref<1x96x128xf32, #tpu.memory_space<vmem>>
    %dma_start3A_71 = tpu.memref_squeeze %dma_start3A_70 : memref<1x96x128xf32, #tpu.memory_space<vmem>> -> memref<96x128xf32, #tpu.memory_space<vmem>>
    %dma_start3A_72 = arith.constant 96 : i32
    %dma_start3A_73 = tpu.memref_slice %arg6[%dma_start3A_72] : memref<10000xi32, #tpu.memory_space<vmem>> -> memref<96xi32, #tpu.memory_space<vmem>>
    %dma_start3A_74 = arith.constant 0 : i32
    %dma_start3A_75 = arith.constant 0 : i32
    %dma_start3A_76 = tpu.memref_slice %arg4[%dma_start3A_74, %dma_start3A_75] : memref<20000x128xf32, #tpu.memory_space<hbm>> -> memref<20000x128xf32, #tpu.memory_space<hbm>>
    tpu.enqueue_indirect_dma source(%dma_start3A_76 : memref<20000x128xf32, #tpu.memory_space<hbm>>) target(%dma_start3A_71 : memref<96x128xf32, #tpu.memory_space<vmem>>) offsets(%dma_start3A_73 : memref<96xi32, #tpu.memory_space<vmem>>) semaphore(%arg15 : memref<!tpu.dma_semaphore, #tpu.memory_space<semaphore_mem>>)
    %dma_wait3A = arith.constant 0 : i32
    %dma_wait3A_77 = arith.constant 0 : i32
    %dma_wait3A_78 = arith.constant 0 : i32
    %dma_wait3A_79 = tpu.memref_slice %arg12[%dma_wait3A, %dma_wait3A_77, %dma_wait3A_78] : memref<3x96x128xf32, #tpu.memory_space<vmem>> -> memref<1x96x128xf32, #tpu.memory_space<vmem>>
    %dma_wait3A_80 = tpu.memref_squeeze %dma_wait3A_79 : memref<1x96x128xf32, #tpu.memory_space<vmem>> -> memref<96x128xf32, #tpu.memory_space<vmem>>
    %dma_wait3A_81 = arith.constant 0 : i32
    %dma_wait3A_82 = tpu.memref_slice %arg6[%dma_wait3A_81] : memref<10000xi32, #tpu.memory_space<vmem>> -> memref<96xi32, #tpu.memory_space<vmem>>
    %dma_wait3A_83 = arith.constant 0 : i32
    %dma_wait3A_84 = arith.constant 0 : i32
    %dma_wait3A_85 = tpu.memref_slice %arg4[%dma_wait3A_83, %dma_wait3A_84] : memref<20000x128xf32, #tpu.memory_space<hbm>> -> memref<20000x128xf32, #tpu.memory_space<hbm>>
    tpu.wait_indirect_dma semaphore(%arg14 : memref<!tpu.dma_semaphore, #tpu.memory_space<semaphore_mem>>) src(%dma_wait3A_85 : memref<20000x128xf32, #tpu.memory_space<hbm>>) dst(%dma_wait3A_80 : memref<96x128xf32, #tpu.memory_space<vmem>>)
    %dma_wait3A_86 = arith.constant 0 : i32
    %dma_wait3A_87 = tpu.memref_slice %arg3[%dma_wait3A_86] : memref<160000xi32, #tpu.memory_space<hbm>> -> memref<96xi32, #tpu.memory_space<hbm>>
    %dma_wait3A_88 = arith.constant 0 : i32
    %dma_wait3A_89 = tpu.memref_slice %arg3[%dma_wait3A_88] : memref<160000xi32, #tpu.memory_space<hbm>> -> memref<96xi32, #tpu.memory_space<hbm>>
    tpu.wait_dma2 semaphore(%arg17 : memref<!tpu.dma_semaphore, #tpu.memory_space<semaphore_mem>>) src(%dma_wait3A_89 : memref<96xi32, #tpu.memory_space<hbm>>) dst(%arg7 : memref<96xi32, #tpu.memory_space<vmem>>)
    %dma_start3A_90 = arith.constant 0 : i32
    %dma_start3A_91 = arith.constant 0 : i32
    %dma_start3A_92 = arith.constant 0 : i32
    %dma_start3A_93 = tpu.memref_slice %arg12[%dma_start3A_90, %dma_start3A_91, %dma_start3A_92] : memref<3x96x128xf32, #tpu.memory_space<vmem>> -> memref<1x96x128xf32, #tpu.memory_space<vmem>>
    %dma_start3A_94 = tpu.memref_squeeze %dma_start3A_93 : memref<1x96x128xf32, #tpu.memory_space<vmem>> -> memref<96x128xf32, #tpu.memory_space<vmem>>
    %dma_start3A_95 = arith.constant 0 : i32
    %dma_start3A_96 = arith.constant 0 : i32
    %dma_start3A_97 = tpu.memref_slice %arg13[%dma_start3A_95, %dma_start3A_96] : memref<10000x128xf32, #tpu.memory_space<vmem_shared>> -> memref<10000x128xf32, #tpu.memory_space<vmem_shared>>
    tpu.enqueue_indirect_dma source(%dma_start3A_94 : memref<96x128xf32, #tpu.memory_space<vmem>>) target(%dma_start3A_97 : memref<10000x128xf32, #tpu.memory_space<vmem_shared>>) offsets(%arg7 : memref<96xi32, #tpu.memory_space<vmem>>) semaphore(%arg20 : memref<!tpu.dma_semaphore, #tpu.memory_space<semaphore_mem>>) {add = true}
    %mul3A_98 = arith.constant 10000 : i32
    %mul3A_99 = arith.muli %arg1, %mul3A_98 : i32
    %add3A_100 = arith.constant 192 : i32
    %add3A_101 = arith.addi %mul3A_99, %add3A_100 : i32
    %dma_start3A_102 = tpu.memref_slice %arg3[%add3A_101] : memref<160000xi32, #tpu.memory_space<hbm>> -> memref<96xi32, #tpu.memory_space<hbm>>
    %dma_start3A_103 = tpu.memref_slice %arg3[%add3A_101] : memref<160000xi32, #tpu.memory_space<hbm>> -> memref<96xi32, #tpu.memory_space<hbm>>
    tpu.enqueue_dma source(%dma_start3A_103 : memref<96xi32, #tpu.memory_space<hbm>>) target(%arg9 : memref<96xi32, #tpu.memory_space<vmem>>) target_semaphore(%arg19 : memref<!tpu.dma_semaphore, #tpu.memory_space<semaphore_mem>>)
    %dma_start3A_104 = arith.constant 2 : i32
    %dma_start3A_105 = arith.constant 0 : i32
    %dma_start3A_106 = arith.constant 0 : i32
    %dma_start3A_107 = tpu.memref_slice %arg12[%dma_start3A_104, %dma_start3A_105, %dma_start3A_106] : memref<3x96x128xf32, #tpu.memory_space<vmem>> -> memref<1x96x128xf32, #tpu.memory_space<vmem>>
    %dma_start3A_108 = tpu.memref_squeeze %dma_start3A_107 : memref<1x96x128xf32, #tpu.memory_space<vmem>> -> memref<96x128xf32, #tpu.memory_space<vmem>>
    %dma_start3A_109 = arith.constant 192 : i32
    %dma_start3A_110 = tpu.memref_slice %arg6[%dma_start3A_109] : memref<10000xi32, #tpu.memory_space<vmem>> -> memref<96xi32, #tpu.memory_space<vmem>>
    %dma_start3A_111 = arith.constant 0 : i32
    %dma_start3A_112 = arith.constant 0 : i32
    %dma_start3A_113 = tpu.memref_slice %arg4[%dma_start3A_111, %dma_start3A_112] : memref<20000x128xf32, #tpu.memory_space<hbm>> -> memref<20000x128xf32, #tpu.memory_space<hbm>>
    tpu.enqueue_indirect_dma source(%dma_start3A_113 : memref<20000x128xf32, #tpu.memory_space<hbm>>) target(%dma_start3A_108 : memref<96x128xf32, #tpu.memory_space<vmem>>) offsets(%dma_start3A_110 : memref<96xi32, #tpu.memory_space<vmem>>) semaphore(%arg16 : memref<!tpu.dma_semaphore, #tpu.memory_space<semaphore_mem>>)
    %dma_wait3A_114 = arith.constant 1 : i32
    %dma_wait3A_115 = arith.constant 0 : i32
    %dma_wait3A_116 = arith.constant 0 : i32
    %dma_wait3A_117 = tpu.memref_slice %arg12[%dma_wait3A_114, %dma_wait3A_115, %dma_wait3A_116] : memref<3x96x128xf32, #tpu.memory_space<vmem>> -> memref<1x96x128xf32, #tpu.memory_space<vmem>>
    %dma_wait3A_118 = tpu.memref_squeeze %dma_wait3A_117 : memref<1x96x128xf32, #tpu.memory_space<vmem>> -> memref<96x128xf32, #tpu.memory_space<vmem>>
    %dma_wait3A_119 = arith.constant 0 : i32
    %dma_wait3A_120 = tpu.memref_slice %arg6[%dma_wait3A_119] : memref<10000xi32, #tpu.memory_space<vmem>> -> memref<96xi32, #tpu.memory_space<vmem>>
    %dma_wait3A_121 = arith.constant 0 : i32
    %dma_wait3A_122 = arith.constant 0 : i32
    %dma_wait3A_123 = tpu.memref_slice %arg4[%dma_wait3A_121, %dma_wait3A_122] : memref<20000x128xf32, #tpu.memory_space<hbm>> -> memref<20000x128xf32, #tpu.memory_space<hbm>>
    tpu.wait_indirect_dma semaphore(%arg15 : memref<!tpu.dma_semaphore, #tpu.memory_space<semaphore_mem>>) src(%dma_wait3A_123 : memref<20000x128xf32, #tpu.memory_space<hbm>>) dst(%dma_wait3A_118 : memref<96x128xf32, #tpu.memory_space<vmem>>)
    %dma_wait3A_124 = arith.constant 0 : i32
    %dma_wait3A_125 = tpu.memref_slice %arg3[%dma_wait3A_124] : memref<160000xi32, #tpu.memory_space<hbm>> -> memref<96xi32, #tpu.memory_space<hbm>>
    %dma_wait3A_126 = arith.constant 0 : i32
    %dma_wait3A_127 = tpu.memref_slice %arg3[%dma_wait3A_126] : memref<160000xi32, #tpu.memory_space<hbm>> -> memref<96xi32, #tpu.memory_space<hbm>>
    tpu.wait_dma2 semaphore(%arg18 : memref<!tpu.dma_semaphore, #tpu.memory_space<semaphore_mem>>) src(%dma_wait3A_127 : memref<96xi32, #tpu.memory_space<hbm>>) dst(%arg8 : memref<96xi32, #tpu.memory_space<vmem>>)
    %dma_start3A_128 = arith.constant 1 : i32
    %dma_start3A_129 = arith.constant 0 : i32
    %dma_start3A_130 = arith.constant 0 : i32
    %dma_start3A_131 = tpu.memref_slice %arg12[%dma_start3A_128, %dma_start3A_129, %dma_start3A_130] : memref<3x96x128xf32, #tpu.memory_space<vmem>> -> memref<1x96x128xf32, #tpu.memory_space<vmem>>
    %dma_start3A_132 = tpu.memref_squeeze %dma_start3A_131 : memref<1x96x128xf32, #tpu.memory_space<vmem>> -> memref<96x128xf32, #tpu.memory_space<vmem>>
    %dma_start3A_133 = arith.constant 0 : i32
    %dma_start3A_134 = arith.constant 0 : i32
    %dma_start3A_135 = tpu.memref_slice %arg13[%dma_start3A_133, %dma_start3A_134] : memref<10000x128xf32, #tpu.memory_space<vmem_shared>> -> memref<10000x128xf32, #tpu.memory_space<vmem_shared>>
    tpu.enqueue_indirect_dma source(%dma_start3A_132 : memref<96x128xf32, #tpu.memory_space<vmem>>) target(%dma_start3A_135 : memref<10000x128xf32, #tpu.memory_space<vmem_shared>>) offsets(%arg8 : memref<96xi32, #tpu.memory_space<vmem>>) semaphore(%arg21 : memref<!tpu.dma_semaphore, #tpu.memory_space<semaphore_mem>>) {add = true}
    %dma_wait3A_136 = arith.constant 0 : i32
    %dma_wait3A_137 = arith.constant 0 : i32
    %dma_wait3A_138 = arith.constant 0 : i32
    %dma_wait3A_139 = tpu.memref_slice %arg12[%dma_wait3A_136, %dma_wait3A_137, %dma_wait3A_138] : memref<3x96x128xf32, #tpu.memory_space<vmem>> -> memref<1x96x128xf32, #tpu.memory_space<vmem>>
    %dma_wait3A_140 = tpu.memref_squeeze %dma_wait3A_139 : memref<1x96x128xf32, #tpu.memory_space<vmem>> -> memref<96x128xf32, #tpu.memory_space<vmem>>
    %dma_wait3A_141 = arith.constant 0 : i32
    %dma_wait3A_142 = arith.constant 0 : i32
    %dma_wait3A_143 = tpu.memref_slice %arg13[%dma_wait3A_141, %dma_wait3A_142] : memref<10000x128xf32, #tpu.memory_space<vmem_shared>> -> memref<10000x128xf32, #tpu.memory_space<vmem_shared>>
    tpu.wait_indirect_dma semaphore(%arg20 : memref<!tpu.dma_semaphore, #tpu.memory_space<semaphore_mem>>) src(%dma_wait3A_140 : memref<96x128xf32, #tpu.memory_space<vmem>>) dst(%dma_wait3A_143 : memref<10000x128xf32, #tpu.memory_space<vmem_shared>>)
    %mul3A_144 = arith.constant 10000 : i32
    %mul3A_145 = arith.muli %arg1, %mul3A_144 : i32
    %add3A_146 = arith.constant 288 : i32
    %add3A_147 = arith.addi %mul3A_145, %add3A_146 : i32
    %dma_start3A_148 = tpu.memref_slice %arg3[%add3A_147] : memref<160000xi32, #tpu.memory_space<hbm>> -> memref<96xi32, #tpu.memory_space<hbm>>
    %dma_start3A_149 = tpu.memref_slice %arg3[%add3A_147] : memref<160000xi32, #tpu.memory_space<hbm>> -> memref<96xi32, #tpu.memory_space<hbm>>
    tpu.enqueue_dma source(%dma_start3A_149 : memref<96xi32, #tpu.memory_space<hbm>>) target(%arg7 : memref<96xi32, #tpu.memory_space<vmem>>) target_semaphore(%arg17 : memref<!tpu.dma_semaphore, #tpu.memory_space<semaphore_mem>>)
    %dma_start3A_150 = arith.constant 0 : i32
    %dma_start3A_151 = arith.constant 0 : i32
    %dma_start3A_152 = arith.constant 0 : i32
    %dma_start3A_153 = tpu.memref_slice %arg12[%dma_start3A_150, %dma_start3A_151, %dma_start3A_152] : memref<3x96x128xf32, #tpu.memory_space<vmem>> -> memref<1x96x128xf32, #tpu.memory_space<vmem>>
    %dma_start3A_154 = tpu.memref_squeeze %dma_start3A_153 : memref<1x96x128xf32, #tpu.memory_space<vmem>> -> memref<96x128xf32, #tpu.memory_space<vmem>>
    %dma_start3A_155 = arith.constant 288 : i32
    %dma_start3A_156 = tpu.memref_slice %arg6[%dma_start3A_155] : memref<10000xi32, #tpu.memory_space<vmem>> -> memref<96xi32, #tpu.memory_space<vmem>>
    %dma_start3A_157 = arith.constant 0 : i32
    %dma_start3A_158 = arith.constant 0 : i32
    %dma_start3A_159 = tpu.memref_slice %arg4[%dma_start3A_157, %dma_start3A_158] : memref<20000x128xf32, #tpu.memory_space<hbm>> -> memref<20000x128xf32, #tpu.memory_space<hbm>>
    tpu.enqueue_indirect_dma source(%dma_start3A_159 : memref<20000x128xf32, #tpu.memory_space<hbm>>) target(%dma_start3A_154 : memref<96x128xf32, #tpu.memory_space<vmem>>) offsets(%dma_start3A_156 : memref<96xi32, #tpu.memory_space<vmem>>) semaphore(%arg14 : memref<!tpu.dma_semaphore, #tpu.memory_space<semaphore_mem>>)
    %dma_wait3A_160 = arith.constant 2 : i32
    %dma_wait3A_161 = arith.constant 0 : i32
    %dma_wait3A_162 = arith.constant 0 : i32
    %dma_wait3A_163 = tpu.memref_slice %arg12[%dma_wait3A_160, %dma_wait3A_161, %dma_wait3A_162] : memref<3x96x128xf32, #tpu.memory_space<vmem>> -> memref<1x96x128xf32, #tpu.memory_space<vmem>>
    %dma_wait3A_164 = tpu.memref_squeeze %dma_wait3A_163 : memref<1x96x128xf32, #tpu.memory_space<vmem>> -> memref<96x128xf32, #tpu.memory_space<vmem>>
    %dma_wait3A_165 = arith.constant 0 : i32
    %dma_wait3A_166 = tpu.memref_slice %arg6[%dma_wait3A_165] : memref<10000xi32, #tpu.memory_space<vmem>> -> memref<96xi32, #tpu.memory_space<vmem>>
    %dma_wait3A_167 = arith.constant 0 : i32
    %dma_wait3A_168 = arith.constant 0 : i32
    %dma_wait3A_169 = tpu.memref_slice %arg4[%dma_wait3A_167, %dma_wait3A_168] : memref<20000x128xf32, #tpu.memory_space<hbm>> -> memref<20000x128xf32, #tpu.memory_space<hbm>>
    tpu.wait_indirect_dma semaphore(%arg16 : memref<!tpu.dma_semaphore, #tpu.memory_space<semaphore_mem>>) src(%dma_wait3A_169 : memref<20000x128xf32, #tpu.memory_space<hbm>>) dst(%dma_wait3A_164 : memref<96x128xf32, #tpu.memory_space<vmem>>)
    %dma_wait3A_170 = arith.constant 0 : i32
    %dma_wait3A_171 = tpu.memref_slice %arg3[%dma_wait3A_170] : memref<160000xi32, #tpu.memory_space<hbm>> -> memref<96xi32, #tpu.memory_space<hbm>>
    %dma_wait3A_172 = arith.constant 0 : i32
    %dma_wait3A_173 = tpu.memref_slice %arg3[%dma_wait3A_172] : memref<160000xi32, #tpu.memory_space<hbm>> -> memref<96xi32, #tpu.memory_space<hbm>>
    tpu.wait_dma2 semaphore(%arg19 : memref<!tpu.dma_semaphore, #tpu.memory_space<semaphore_mem>>) src(%dma_wait3A_173 : memref<96xi32, #tpu.memory_space<hbm>>) dst(%arg9 : memref<96xi32, #tpu.memory_space<vmem>>)
    %dma_start3A_174 = arith.constant 2 : i32
    %dma_start3A_175 = arith.constant 0 : i32
    %dma_start3A_176 = arith.constant 0 : i32
    %dma_start3A_177 = tpu.memref_slice %arg12[%dma_start3A_174, %dma_start3A_175, %dma_start3A_176] : memref<3x96x128xf32, #tpu.memory_space<vmem>> -> memref<1x96x128xf32, #tpu.memory_space<vmem>>
    %dma_start3A_178 = tpu.memref_squeeze %dma_start3A_177 : memref<1x96x128xf32, #tpu.memory_space<vmem>> -> memref<96x128xf32, #tpu.memory_space<vmem>>
    %dma_start3A_179 = arith.constant 0 : i32
    %dma_start3A_180 = arith.constant 0 : i32
    %dma_start3A_181 = tpu.memref_slice %arg13[%dma_start3A_179, %dma_start3A_180] : memref<10000x128xf32, #tpu.memory_space<vmem_shared>> -> memref<10000x128xf32, #tpu.memory_space<vmem_shared>>
    tpu.enqueue_indirect_dma source(%dma_start3A_178 : memref<96x128xf32, #tpu.memory_space<vmem>>) target(%dma_start3A_181 : memref<10000x128xf32, #tpu.memory_space<vmem_shared>>) offsets(%arg9 : memref<96xi32, #tpu.memory_space<vmem>>) semaphore(%arg22 : memref<!tpu.dma_semaphore, #tpu.memory_space<semaphore_mem>>) {add = true}
    %dma_wait3A_182 = arith.constant 1 : i32
    %dma_wait3A_183 = arith.constant 0 : i32
    %dma_wait3A_184 = arith.constant 0 : i32
    %dma_wait3A_185 = tpu.memref_slice %arg12[%dma_wait3A_182, %dma_wait3A_183, %dma_wait3A_184] : memref<3x96x128xf32, #tpu.memory_space<vmem>> -> memref<1x96x128xf32, #tpu.memory_space<vmem>>
    %dma_wait3A_186 = tpu.memref_squeeze %dma_wait3A_185 : memref<1x96x128xf32, #tpu.memory_space<vmem>> -> memref<96x128xf32, #tpu.memory_space<vmem>>
    %dma_wait3A_187 = arith.constant 0 : i32
    %dma_wait3A_188 = arith.constant 0 : i32
    %dma_wait3A_189 = tpu.memref_slice %arg13[%dma_wait3A_187, %dma_wait3A_188] : memref<10000x128xf32, #tpu.memory_space<vmem_shared>> -> memref<10000x128xf32, #tpu.memory_space<vmem_shared>>
    tpu.wait_indirect_dma semaphore(%arg21 : memref<!tpu.dma_semaphore, #tpu.memory_space<semaphore_mem>>) src(%dma_wait3A_186 : memref<96x128xf32, #tpu.memory_space<vmem>>) dst(%dma_wait3A_189 : memref<10000x128xf32, #tpu.memory_space<vmem_shared>>)
    %mul3A_190 = arith.constant 10000 : i32
    %mul3A_191 = arith.muli %arg1, %mul3A_190 : i32
    %add3A_192 = arith.constant 384 : i32
    %add3A_193 = arith.addi %mul3A_191, %add3A_192 : i32
    %dma_start3A_194 = tpu.memref_slice %arg3[%add3A_193] : memref<160000xi32, #tpu.memory_space<hbm>> -> memref<96xi32, #tpu.memory_space<hbm>>
    %dma_start3A_195 = tpu.memref_slice %arg3[%add3A_193] : memref<160000xi32, #tpu.memory_space<hbm>> -> memref<96xi32, #tpu.memory_space<hbm>>
    tpu.enqueue_dma source(%dma_start3A_195 : memref<96xi32, #tpu.memory_space<hbm>>) target(%arg8 : memref<96xi32, #tpu.memory_space<vmem>>) target_semaphore(%arg18 : memref<!tpu.dma_semaphore, #tpu.memory_space<semaphore_mem>>)
    %dma_start3A_196 = arith.constant 1 : i32
    %dma_start3A_197 = arith.constant 0 : i32
    %dma_start3A_198 = arith.constant 0 : i32
    %dma_start3A_199 = tpu.memref_slice %arg12[%dma_start3A_196, %dma_start3A_197, %dma_start3A_198] : memref<3x96x128xf32, #tpu.memory_space<vmem>> -> memref<1x96x128xf32, #tpu.memory_space<vmem>>
    %dma_start3A_200 = tpu.memref_squeeze %dma_start3A_199 : memref<1x96x128xf32, #tpu.memory_space<vmem>> -> memref<96x128xf32, #tpu.memory_space<vmem>>
    %dma_start3A_201 = arith.constant 384 : i32
    %dma_start3A_202 = tpu.memref_slice %arg6[%dma_start3A_201] : memref<10000xi32, #tpu.memory_space<vmem>> -> memref<96xi32, #tpu.memory_space<vmem>>
    %dma_start3A_203 = arith.constant 0 : i32
    %dma_start3A_204 = arith.constant 0 : i32
    %dma_start3A_205 = tpu.memref_slice %arg4[%dma_start3A_203, %dma_start3A_204] : memref<20000x128xf32, #tpu.memory_space<hbm>> -> memref<20000x128xf32, #tpu.memory_space<hbm>>
    tpu.enqueue_indirect_dma source(%dma_start3A_205 : memref<20000x128xf32, #tpu.memory_space<hbm>>) target(%dma_start3A_200 : memref<96x128xf32, #tpu.memory_space<vmem>>) offsets(%dma_start3A_202 : memref<96xi32, #tpu.memory_space<vmem>>) semaphore(%arg15 : memref<!tpu.dma_semaphore, #tpu.memory_space<semaphore_mem>>)
    %scan3A_206 = arith.constant 0 : i32
    %scan3A_207 = arith.constant 0 : i32
    %scan3A_208 = arith.constant 33 : i32
    %scan3A_209 = arith.addi %scan3A_207, %scan3A_208 : i32
    %scan3A_210 = arith.constant 1 : i32
    scf.for %scan3A_304 = %scan3A_207 to %scan3A_209 step %scan3A_210  : i32 {
      %mul3A_305 = arith.constant 3 : i32
      %mul3A_306 = arith.muli %mul3A_305, %scan3A_304 : i32
      %add3A_307 = arith.constant 3 : i32
      %add3A_308 = arith.addi %mul3A_306, %add3A_307 : i32
      %add3A_309 = arith.constant 0 : i32
      %add3A_310 = arith.addi %add3A_308, %add3A_309 : i32
      %dma_wait3A_311 = arith.constant 0 : i32
      %dma_wait3A_312 = arith.constant 0 : i32
      %dma_wait3A_313 = arith.constant 0 : i32
      %dma_wait3A_314 = tpu.memref_slice %arg12[%dma_wait3A_311, %dma_wait3A_312, %dma_wait3A_313] : memref<3x96x128xf32, #tpu.memory_space<vmem>> -> memref<1x96x128xf32, #tpu.memory_space<vmem>>
      %dma_wait3A_315 = tpu.memref_squeeze %dma_wait3A_314 : memref<1x96x128xf32, #tpu.memory_space<vmem>> -> memref<96x128xf32, #tpu.memory_space<vmem>>
      %dma_wait3A_316 = arith.constant 0 : i32
      %dma_wait3A_317 = tpu.memref_slice %arg6[%dma_wait3A_316] : memref<10000xi32, #tpu.memory_space<vmem>> -> memref<96xi32, #tpu.memory_space<vmem>>
      %dma_wait3A_318 = arith.constant 0 : i32
      %dma_wait3A_319 = arith.constant 0 : i32
      %dma_wait3A_320 = tpu.memref_slice %arg4[%dma_wait3A_318, %dma_wait3A_319] : memref<20000x128xf32, #tpu.memory_space<hbm>> -> memref<20000x128xf32, #tpu.memory_space<hbm>>
      tpu.wait_indirect_dma semaphore(%arg14 : memref<!tpu.dma_semaphore, #tpu.memory_space<semaphore_mem>>) src(%dma_wait3A_320 : memref<20000x128xf32, #tpu.memory_space<hbm>>) dst(%dma_wait3A_315 : memref<96x128xf32, #tpu.memory_space<vmem>>)
      %dma_wait3A_321 = arith.constant 0 : i32
      %dma_wait3A_322 = tpu.memref_slice %arg3[%dma_wait3A_321] : memref<160000xi32, #tpu.memory_space<hbm>> -> memref<96xi32, #tpu.memory_space<hbm>>
      %dma_wait3A_323 = arith.constant 0 : i32
      %dma_wait3A_324 = tpu.memref_slice %arg3[%dma_wait3A_323] : memref<160000xi32, #tpu.memory_space<hbm>> -> memref<96xi32, #tpu.memory_space<hbm>>
      tpu.wait_dma2 semaphore(%arg17 : memref<!tpu.dma_semaphore, #tpu.memory_space<semaphore_mem>>) src(%dma_wait3A_324 : memref<96xi32, #tpu.memory_space<hbm>>) dst(%arg7 : memref<96xi32, #tpu.memory_space<vmem>>)
      %dma_start3A_325 = arith.constant 0 : i32
      %dma_start3A_326 = arith.constant 0 : i32
      %dma_start3A_327 = arith.constant 0 : i32
      %dma_start3A_328 = tpu.memref_slice %arg12[%dma_start3A_325, %dma_start3A_326, %dma_start3A_327] : memref<3x96x128xf32, #tpu.memory_space<vmem>> -> memref<1x96x128xf32, #tpu.memory_space<vmem>>
      %dma_start3A_329 = tpu.memref_squeeze %dma_start3A_328 : memref<1x96x128xf32, #tpu.memory_space<vmem>> -> memref<96x128xf32, #tpu.memory_space<vmem>>
      %dma_start3A_330 = arith.constant 0 : i32
      %dma_start3A_331 = arith.constant 0 : i32
      %dma_start3A_332 = tpu.memref_slice %arg13[%dma_start3A_330, %dma_start3A_331] : memref<10000x128xf32, #tpu.memory_space<vmem_shared>> -> memref<10000x128xf32, #tpu.memory_space<vmem_shared>>
      tpu.enqueue_indirect_dma source(%dma_start3A_329 : memref<96x128xf32, #tpu.memory_space<vmem>>) target(%dma_start3A_332 : memref<10000x128xf32, #tpu.memory_space<vmem_shared>>) offsets(%arg7 : memref<96xi32, #tpu.memory_space<vmem>>) semaphore(%arg20 : memref<!tpu.dma_semaphore, #tpu.memory_space<semaphore_mem>>) {add = true}
      %dma_wait3A_333 = arith.constant 2 : i32
      %dma_wait3A_334 = arith.constant 0 : i32
      %dma_wait3A_335 = arith.constant 0 : i32
      %dma_wait3A_336 = tpu.memref_slice %arg12[%dma_wait3A_333, %dma_wait3A_334, %dma_wait3A_335] : memref<3x96x128xf32, #tpu.memory_space<vmem>> -> memref<1x96x128xf32, #tpu.memory_space<vmem>>
      %dma_wait3A_337 = tpu.memref_squeeze %dma_wait3A_336 : memref<1x96x128xf32, #tpu.memory_space<vmem>> -> memref<96x128xf32, #tpu.memory_space<vmem>>
      %dma_wait3A_338 = arith.constant 0 : i32
      %dma_wait3A_339 = arith.constant 0 : i32
      %dma_wait3A_340 = tpu.memref_slice %arg13[%dma_wait3A_338, %dma_wait3A_339] : memref<10000x128xf32, #tpu.memory_space<vmem_shared>> -> memref<10000x128xf32, #tpu.memory_space<vmem_shared>>
      tpu.wait_indirect_dma semaphore(%arg22 : memref<!tpu.dma_semaphore, #tpu.memory_space<semaphore_mem>>) src(%dma_wait3A_337 : memref<96x128xf32, #tpu.memory_space<vmem>>) dst(%dma_wait3A_340 : memref<10000x128xf32, #tpu.memory_space<vmem_shared>>)
      %add3A_341 = arith.constant 3 : i32
      %add3A_342 = arith.addi %add3A_310, %add3A_341 : i32
      %sub3A_343 = arith.constant 1 : i32
      %sub3A_344 = arith.subi %add3A_342, %sub3A_343 : i32
      %lt3A = arith.constant 104 : i32
      %lt3A_345 = arith.cmpi slt, %sub3A_344, %lt3A : i32
      %convert_element_type3A_346 = arith.extui %lt3A_345 : i1 to i32
      %cond3A_347 = arith.constant 0 : i32
      %cond3A_348 = arith.cmpi ne, %convert_element_type3A_346, %cond3A_347 : i32
      scf.if %cond3A_348 {
        %add3A_431 = arith.constant 3 : i32
        %add3A_432 = arith.addi %add3A_310, %add3A_431 : i32
        %sub3A_433 = arith.constant 1 : i32
        %sub3A_434 = arith.subi %add3A_432, %sub3A_433 : i32
        %mul3A_435 = arith.constant 10000 : i32
        %mul3A_436 = arith.muli %arg1, %mul3A_435 : i32
        %mul3A_437 = arith.constant 96 : i32
        %mul3A_438 = arith.muli %sub3A_434, %mul3A_437 : i32
        %add3A_439 = arith.addi %mul3A_436, %mul3A_438 : i32
        %dma_start3A_440 = tpu.memref_slice %arg3[%add3A_439] : memref<160000xi32, #tpu.memory_space<hbm>> -> memref<96xi32, #tpu.memory_space<hbm>>
        %dma_start3A_441 = tpu.memref_slice %arg3[%add3A_439] : memref<160000xi32, #tpu.memory_space<hbm>> -> memref<96xi32, #tpu.memory_space<hbm>>
        tpu.enqueue_dma source(%dma_start3A_441 : memref<96xi32, #tpu.memory_space<hbm>>) target(%arg9 : memref<96xi32, #tpu.memory_space<vmem>>) target_semaphore(%arg19 : memref<!tpu.dma_semaphore, #tpu.memory_space<semaphore_mem>>)
        %add3A_442 = arith.constant 3 : i32
        %add3A_443 = arith.addi %add3A_310, %add3A_442 : i32
        %sub3A_444 = arith.constant 1 : i32
        %sub3A_445 = arith.subi %add3A_443, %sub3A_444 : i32
        %mul3A_446 = arith.constant 96 : i32
        %mul3A_447 = arith.muli %sub3A_445, %mul3A_446 : i32
        %dma_start3A_448 = arith.constant 2 : i32
        %dma_start3A_449 = arith.constant 0 : i32
        %dma_start3A_450 = arith.constant 0 : i32
        %dma_start3A_451 = tpu.memref_slice %arg12[%dma_start3A_448, %dma_start3A_449, %dma_start3A_450] : memref<3x96x128xf32, #tpu.memory_space<vmem>> -> memref<1x96x128xf32, #tpu.memory_space<vmem>>
        %dma_start3A_452 = tpu.memref_squeeze %dma_start3A_451 : memref<1x96x128xf32, #tpu.memory_space<vmem>> -> memref<96x128xf32, #tpu.memory_space<vmem>>
        %dma_start3A_453 = tpu.memref_slice %arg6[%mul3A_447] : memref<10000xi32, #tpu.memory_space<vmem>> -> memref<96xi32, #tpu.memory_space<vmem>>
        %dma_start3A_454 = arith.constant 0 : i32
        %dma_start3A_455 = arith.constant 0 : i32
        %dma_start3A_456 = tpu.memref_slice %arg4[%dma_start3A_454, %dma_start3A_455] : memref<20000x128xf32, #tpu.memory_space<hbm>> -> memref<20000x128xf32, #tpu.memory_space<hbm>>
        tpu.enqueue_indirect_dma source(%dma_start3A_456 : memref<20000x128xf32, #tpu.memory_space<hbm>>) target(%dma_start3A_452 : memref<96x128xf32, #tpu.memory_space<vmem>>) offsets(%dma_start3A_453 : memref<96xi32, #tpu.memory_space<vmem>>) semaphore(%arg16 : memref<!tpu.dma_semaphore, #tpu.memory_space<semaphore_mem>>)
      } else {
      }
      %add3A_349 = arith.constant 1 : i32
      %add3A_350 = arith.addi %add3A_308, %add3A_349 : i32
      %dma_wait3A_351 = arith.constant 1 : i32
      %dma_wait3A_352 = arith.constant 0 : i32
      %dma_wait3A_353 = arith.constant 0 : i32
      %dma_wait3A_354 = tpu.memref_slice %arg12[%dma_wait3A_351, %dma_wait3A_352, %dma_wait3A_353] : memref<3x96x128xf32, #tpu.memory_space<vmem>> -> memref<1x96x128xf32, #tpu.memory_space<vmem>>
      %dma_wait3A_355 = tpu.memref_squeeze %dma_wait3A_354 : memref<1x96x128xf32, #tpu.memory_space<vmem>> -> memref<96x128xf32, #tpu.memory_space<vmem>>
      %dma_wait3A_356 = arith.constant 0 : i32
      %dma_wait3A_357 = tpu.memref_slice %arg6[%dma_wait3A_356] : memref<10000xi32, #tpu.memory_space<vmem>> -> memref<96xi32, #tpu.memory_space<vmem>>
      %dma_wait3A_358 = arith.constant 0 : i32
      %dma_wait3A_359 = arith.constant 0 : i32
      %dma_wait3A_360 = tpu.memref_slice %arg4[%dma_wait3A_358, %dma_wait3A_359] : memref<20000x128xf32, #tpu.memory_space<hbm>> -> memref<20000x128xf32, #tpu.memory_space<hbm>>
      tpu.wait_indirect_dma semaphore(%arg15 : memref<!tpu.dma_semaphore, #tpu.memory_space<semaphore_mem>>) src(%dma_wait3A_360 : memref<20000x128xf32, #tpu.memory_space<hbm>>) dst(%dma_wait3A_355 : memref<96x128xf32, #tpu.memory_space<vmem>>)
      %dma_wait3A_361 = arith.constant 0 : i32
      %dma_wait3A_362 = tpu.memref_slice %arg3[%dma_wait3A_361] : memref<160000xi32, #tpu.memory_space<hbm>> -> memref<96xi32, #tpu.memory_space<hbm>>
      %dma_wait3A_363 = arith.constant 0 : i32
      %dma_wait3A_364 = tpu.memref_slice %arg3[%dma_wait3A_363] : memref<160000xi32, #tpu.memory_space<hbm>> -> memref<96xi32, #tpu.memory_space<hbm>>
      tpu.wait_dma2 semaphore(%arg18 : memref<!tpu.dma_semaphore, #tpu.memory_space<semaphore_mem>>) src(%dma_wait3A_364 : memref<96xi32, #tpu.memory_space<hbm>>) dst(%arg8 : memref<96xi32, #tpu.memory_space<vmem>>)
      %dma_start3A_365 = arith.constant 1 : i32
      %dma_start3A_366 = arith.constant 0 : i32
      %dma_start3A_367 = arith.constant 0 : i32
      %dma_start3A_368 = tpu.memref_slice %arg12[%dma_start3A_365, %dma_start3A_366, %dma_start3A_367] : memref<3x96x128xf32, #tpu.memory_space<vmem>> -> memref<1x96x128xf32, #tpu.memory_space<vmem>>
      %dma_start3A_369 = tpu.memref_squeeze %dma_start3A_368 : memref<1x96x128xf32, #tpu.memory_space<vmem>> -> memref<96x128xf32, #tpu.memory_space<vmem>>
      %dma_start3A_370 = arith.constant 0 : i32
      %dma_start3A_371 = arith.constant 0 : i32
      %dma_start3A_372 = tpu.memref_slice %arg13[%dma_start3A_370, %dma_start3A_371] : memref<10000x128xf32, #tpu.memory_space<vmem_shared>> -> memref<10000x128xf32, #tpu.memory_space<vmem_shared>>
      tpu.enqueue_indirect_dma source(%dma_start3A_369 : memref<96x128xf32, #tpu.memory_space<vmem>>) target(%dma_start3A_372 : memref<10000x128xf32, #tpu.memory_space<vmem_shared>>) offsets(%arg8 : memref<96xi32, #tpu.memory_space<vmem>>) semaphore(%arg21 : memref<!tpu.dma_semaphore, #tpu.memory_space<semaphore_mem>>) {add = true}
      %dma_wait3A_373 = arith.constant 0 : i32
      %dma_wait3A_374 = arith.constant 0 : i32
      %dma_wait3A_375 = arith.constant 0 : i32
      %dma_wait3A_376 = tpu.memref_slice %arg12[%dma_wait3A_373, %dma_wait3A_374, %dma_wait3A_375] : memref<3x96x128xf32, #tpu.memory_space<vmem>> -> memref<1x96x128xf32, #tpu.memory_space<vmem>>
      %dma_wait3A_377 = tpu.memref_squeeze %dma_wait3A_376 : memref<1x96x128xf32, #tpu.memory_space<vmem>> -> memref<96x128xf32, #tpu.memory_space<vmem>>
      %dma_wait3A_378 = arith.constant 0 : i32
      %dma_wait3A_379 = arith.constant 0 : i32
      %dma_wait3A_380 = tpu.memref_slice %arg13[%dma_wait3A_378, %dma_wait3A_379] : memref<10000x128xf32, #tpu.memory_space<vmem_shared>> -> memref<10000x128xf32, #tpu.memory_space<vmem_shared>>
      tpu.wait_indirect_dma semaphore(%arg20 : memref<!tpu.dma_semaphore, #tpu.memory_space<semaphore_mem>>) src(%dma_wait3A_377 : memref<96x128xf32, #tpu.memory_space<vmem>>) dst(%dma_wait3A_380 : memref<10000x128xf32, #tpu.memory_space<vmem_shared>>)
      %add3A_381 = arith.constant 3 : i32
      %add3A_382 = arith.addi %add3A_350, %add3A_381 : i32
      %sub3A_383 = arith.constant 1 : i32
      %sub3A_384 = arith.subi %add3A_382, %sub3A_383 : i32
      %lt3A_385 = arith.constant 104 : i32
      %lt3A_386 = arith.cmpi slt, %sub3A_384, %lt3A_385 : i32
      %convert_element_type3A_387 = arith.extui %lt3A_386 : i1 to i32
      %cond3A_388 = arith.constant 0 : i32
      %cond3A_389 = arith.cmpi ne, %convert_element_type3A_387, %cond3A_388 : i32
      scf.if %cond3A_389 {
        %add3A_431 = arith.constant 3 : i32
        %add3A_432 = arith.addi %add3A_350, %add3A_431 : i32
        %sub3A_433 = arith.constant 1 : i32
        %sub3A_434 = arith.subi %add3A_432, %sub3A_433 : i32
        %mul3A_435 = arith.constant 10000 : i32
        %mul3A_436 = arith.muli %arg1, %mul3A_435 : i32
        %mul3A_437 = arith.constant 96 : i32
        %mul3A_438 = arith.muli %sub3A_434, %mul3A_437 : i32
        %add3A_439 = arith.addi %mul3A_436, %mul3A_438 : i32
        %dma_start3A_440 = tpu.memref_slice %arg3[%add3A_439] : memref<160000xi32, #tpu.memory_space<hbm>> -> memref<96xi32, #tpu.memory_space<hbm>>
        %dma_start3A_441 = tpu.memref_slice %arg3[%add3A_439] : memref<160000xi32, #tpu.memory_space<hbm>> -> memref<96xi32, #tpu.memory_space<hbm>>
        tpu.enqueue_dma source(%dma_start3A_441 : memref<96xi32, #tpu.memory_space<hbm>>) target(%arg7 : memref<96xi32, #tpu.memory_space<vmem>>) target_semaphore(%arg17 : memref<!tpu.dma_semaphore, #tpu.memory_space<semaphore_mem>>)
        %add3A_442 = arith.constant 3 : i32
        %add3A_443 = arith.addi %add3A_350, %add3A_442 : i32
        %sub3A_444 = arith.constant 1 : i32
        %sub3A_445 = arith.subi %add3A_443, %sub3A_444 : i32
        %mul3A_446 = arith.constant 96 : i32
        %mul3A_447 = arith.muli %sub3A_445, %mul3A_446 : i32
        %dma_start3A_448 = arith.constant 0 : i32
        %dma_start3A_449 = arith.constant 0 : i32
        %dma_start3A_450 = arith.constant 0 : i32
        %dma_start3A_451 = tpu.memref_slice %arg12[%dma_start3A_448, %dma_start3A_449, %dma_start3A_450] : memref<3x96x128xf32, #tpu.memory_space<vmem>> -> memref<1x96x128xf32, #tpu.memory_space<vmem>>
        %dma_start3A_452 = tpu.memref_squeeze %dma_start3A_451 : memref<1x96x128xf32, #tpu.memory_space<vmem>> -> memref<96x128xf32, #tpu.memory_space<vmem>>
        %dma_start3A_453 = tpu.memref_slice %arg6[%mul3A_447] : memref<10000xi32, #tpu.memory_space<vmem>> -> memref<96xi32, #tpu.memory_space<vmem>>
        %dma_start3A_454 = arith.constant 0 : i32
        %dma_start3A_455 = arith.constant 0 : i32
        %dma_start3A_456 = tpu.memref_slice %arg4[%dma_start3A_454, %dma_start3A_455] : memref<20000x128xf32, #tpu.memory_space<hbm>> -> memref<20000x128xf32, #tpu.memory_space<hbm>>
        tpu.enqueue_indirect_dma source(%dma_start3A_456 : memref<20000x128xf32, #tpu.memory_space<hbm>>) target(%dma_start3A_452 : memref<96x128xf32, #tpu.memory_space<vmem>>) offsets(%dma_start3A_453 : memref<96xi32, #tpu.memory_space<vmem>>) semaphore(%arg14 : memref<!tpu.dma_semaphore, #tpu.memory_space<semaphore_mem>>)
      } else {
      }
      %add3A_390 = arith.constant 2 : i32
      %add3A_391 = arith.addi %add3A_308, %add3A_390 : i32
      %dma_wait3A_392 = arith.constant 2 : i32
      %dma_wait3A_393 = arith.constant 0 : i32
      %dma_wait3A_394 = arith.constant 0 : i32
      %dma_wait3A_395 = tpu.memref_slice %arg12[%dma_wait3A_392, %dma_wait3A_393, %dma_wait3A_394] : memref<3x96x128xf32, #tpu.memory_space<vmem>> -> memref<1x96x128xf32, #tpu.memory_space<vmem>>
      %dma_wait3A_396 = tpu.memref_squeeze %dma_wait3A_395 : memref<1x96x128xf32, #tpu.memory_space<vmem>> -> memref<96x128xf32, #tpu.memory_space<vmem>>
      %dma_wait3A_397 = arith.constant 0 : i32
      %dma_wait3A_398 = tpu.memref_slice %arg6[%dma_wait3A_397] : memref<10000xi32, #tpu.memory_space<vmem>> -> memref<96xi32, #tpu.memory_space<vmem>>
      %dma_wait3A_399 = arith.constant 0 : i32
      %dma_wait3A_400 = arith.constant 0 : i32
      %dma_wait3A_401 = tpu.memref_slice %arg4[%dma_wait3A_399, %dma_wait3A_400] : memref<20000x128xf32, #tpu.memory_space<hbm>> -> memref<20000x128xf32, #tpu.memory_space<hbm>>
      tpu.wait_indirect_dma semaphore(%arg16 : memref<!tpu.dma_semaphore, #tpu.memory_space<semaphore_mem>>) src(%dma_wait3A_401 : memref<20000x128xf32, #tpu.memory_space<hbm>>) dst(%dma_wait3A_396 : memref<96x128xf32, #tpu.memory_space<vmem>>)
      %dma_wait3A_402 = arith.constant 0 : i32
      %dma_wait3A_403 = tpu.memref_slice %arg3[%dma_wait3A_402] : memref<160000xi32, #tpu.memory_space<hbm>> -> memref<96xi32, #tpu.memory_space<hbm>>
      %dma_wait3A_404 = arith.constant 0 : i32
      %dma_wait3A_405 = tpu.memref_slice %arg3[%dma_wait3A_404] : memref<160000xi32, #tpu.memory_space<hbm>> -> memref<96xi32, #tpu.memory_space<hbm>>
      tpu.wait_dma2 semaphore(%arg19 : memref<!tpu.dma_semaphore, #tpu.memory_space<semaphore_mem>>) src(%dma_wait3A_405 : memref<96xi32, #tpu.memory_space<hbm>>) dst(%arg9 : memref<96xi32, #tpu.memory_space<vmem>>)
      %dma_start3A_406 = arith.constant 2 : i32
      %dma_start3A_407 = arith.constant 0 : i32
      %dma_start3A_408 = arith.constant 0 : i32
      %dma_start3A_409 = tpu.memref_slice %arg12[%dma_start3A_406, %dma_start3A_407, %dma_start3A_408] : memref<3x96x128xf32, #tpu.memory_space<vmem>> -> memref<1x96x128xf32, #tpu.memory_space<vmem>>
      %dma_start3A_410 = tpu.memref_squeeze %dma_start3A_409 : memref<1x96x128xf32, #tpu.memory_space<vmem>> -> memref<96x128xf32, #tpu.memory_space<vmem>>
      %dma_start3A_411 = arith.constant 0 : i32
      %dma_start3A_412 = arith.constant 0 : i32
      %dma_start3A_413 = tpu.memref_slice %arg13[%dma_start3A_411, %dma_start3A_412] : memref<10000x128xf32, #tpu.memory_space<vmem_shared>> -> memref<10000x128xf32, #tpu.memory_space<vmem_shared>>
      tpu.enqueue_indirect_dma source(%dma_start3A_410 : memref<96x128xf32, #tpu.memory_space<vmem>>) target(%dma_start3A_413 : memref<10000x128xf32, #tpu.memory_space<vmem_shared>>) offsets(%arg9 : memref<96xi32, #tpu.memory_space<vmem>>) semaphore(%arg22 : memref<!tpu.dma_semaphore, #tpu.memory_space<semaphore_mem>>) {add = true}
      %dma_wait3A_414 = arith.constant 1 : i32
      %dma_wait3A_415 = arith.constant 0 : i32
      %dma_wait3A_416 = arith.constant 0 : i32
      %dma_wait3A_417 = tpu.memref_slice %arg12[%dma_wait3A_414, %dma_wait3A_415, %dma_wait3A_416] : memref<3x96x128xf32, #tpu.memory_space<vmem>> -> memref<1x96x128xf32, #tpu.memory_space<vmem>>
      %dma_wait3A_418 = tpu.memref_squeeze %dma_wait3A_417 : memref<1x96x128xf32, #tpu.memory_space<vmem>> -> memref<96x128xf32, #tpu.memory_space<vmem>>
      %dma_wait3A_419 = arith.constant 0 : i32
      %dma_wait3A_420 = arith.constant 0 : i32
      %dma_wait3A_421 = tpu.memref_slice %arg13[%dma_wait3A_419, %dma_wait3A_420] : memref<10000x128xf32, #tpu.memory_space<vmem_shared>> -> memref<10000x128xf32, #tpu.memory_space<vmem_shared>>
      tpu.wait_indirect_dma semaphore(%arg21 : memref<!tpu.dma_semaphore, #tpu.memory_space<semaphore_mem>>) src(%dma_wait3A_418 : memref<96x128xf32, #tpu.memory_space<vmem>>) dst(%dma_wait3A_421 : memref<10000x128xf32, #tpu.memory_space<vmem_shared>>)
      %add3A_422 = arith.constant 3 : i32
      %add3A_423 = arith.addi %add3A_391, %add3A_422 : i32
      %sub3A_424 = arith.constant 1 : i32
      %sub3A_425 = arith.subi %add3A_423, %sub3A_424 : i32
      %lt3A_426 = arith.constant 104 : i32
      %lt3A_427 = arith.cmpi slt, %sub3A_425, %lt3A_426 : i32
      %convert_element_type3A_428 = arith.extui %lt3A_427 : i1 to i32
      %cond3A_429 = arith.constant 0 : i32
      %cond3A_430 = arith.cmpi ne, %convert_element_type3A_428, %cond3A_429 : i32
      scf.if %cond3A_430 {
        %add3A_431 = arith.constant 3 : i32
        %add3A_432 = arith.addi %add3A_391, %add3A_431 : i32
        %sub3A_433 = arith.constant 1 : i32
        %sub3A_434 = arith.subi %add3A_432, %sub3A_433 : i32
        %mul3A_435 = arith.constant 10000 : i32
        %mul3A_436 = arith.muli %arg1, %mul3A_435 : i32
        %mul3A_437 = arith.constant 96 : i32
        %mul3A_438 = arith.muli %sub3A_434, %mul3A_437 : i32
        %add3A_439 = arith.addi %mul3A_436, %mul3A_438 : i32
        %dma_start3A_440 = tpu.memref_slice %arg3[%add3A_439] : memref<160000xi32, #tpu.memory_space<hbm>> -> memref<96xi32, #tpu.memory_space<hbm>>
        %dma_start3A_441 = tpu.memref_slice %arg3[%add3A_439] : memref<160000xi32, #tpu.memory_space<hbm>> -> memref<96xi32, #tpu.memory_space<hbm>>
        tpu.enqueue_dma source(%dma_start3A_441 : memref<96xi32, #tpu.memory_space<hbm>>) target(%arg8 : memref<96xi32, #tpu.memory_space<vmem>>) target_semaphore(%arg18 : memref<!tpu.dma_semaphore, #tpu.memory_space<semaphore_mem>>)
        %add3A_442 = arith.constant 3 : i32
        %add3A_443 = arith.addi %add3A_391, %add3A_442 : i32
        %sub3A_444 = arith.constant 1 : i32
        %sub3A_445 = arith.subi %add3A_443, %sub3A_444 : i32
        %mul3A_446 = arith.constant 96 : i32
        %mul3A_447 = arith.muli %sub3A_445, %mul3A_446 : i32
        %dma_start3A_448 = arith.constant 1 : i32
        %dma_start3A_449 = arith.constant 0 : i32
        %dma_start3A_450 = arith.constant 0 : i32
        %dma_start3A_451 = tpu.memref_slice %arg12[%dma_start3A_448, %dma_start3A_449, %dma_start3A_450] : memref<3x96x128xf32, #tpu.memory_space<vmem>> -> memref<1x96x128xf32, #tpu.memory_space<vmem>>
        %dma_start3A_452 = tpu.memref_squeeze %dma_start3A_451 : memref<1x96x128xf32, #tpu.memory_space<vmem>> -> memref<96x128xf32, #tpu.memory_space<vmem>>
        %dma_start3A_453 = tpu.memref_slice %arg6[%mul3A_447] : memref<10000xi32, #tpu.memory_space<vmem>> -> memref<96xi32, #tpu.memory_space<vmem>>
        %dma_start3A_454 = arith.constant 0 : i32
        %dma_start3A_455 = arith.constant 0 : i32
        %dma_start3A_456 = tpu.memref_slice %arg4[%dma_start3A_454, %dma_start3A_455] : memref<20000x128xf32, #tpu.memory_space<hbm>> -> memref<20000x128xf32, #tpu.memory_space<hbm>>
        tpu.enqueue_indirect_dma source(%dma_start3A_456 : memref<20000x128xf32, #tpu.memory_space<hbm>>) target(%dma_start3A_452 : memref<96x128xf32, #tpu.memory_space<vmem>>) offsets(%dma_start3A_453 : memref<96xi32, #tpu.memory_space<vmem>>) semaphore(%arg15 : memref<!tpu.dma_semaphore, #tpu.memory_space<semaphore_mem>>)
      } else {
      }
    }
    %scan3A_211 = arith.constant 33 : i32
    %dma_wait3A_212 = arith.constant 0 : i32
    %dma_wait3A_213 = arith.constant 0 : i32
    %dma_wait3A_214 = arith.constant 0 : i32
    %dma_wait3A_215 = tpu.memref_slice %arg12[%dma_wait3A_212, %dma_wait3A_213, %dma_wait3A_214] : memref<3x96x128xf32, #tpu.memory_space<vmem>> -> memref<1x96x128xf32, #tpu.memory_space<vmem>>
    %dma_wait3A_216 = tpu.memref_squeeze %dma_wait3A_215 : memref<1x96x128xf32, #tpu.memory_space<vmem>> -> memref<96x128xf32, #tpu.memory_space<vmem>>
    %dma_wait3A_217 = arith.constant 0 : i32
    %dma_wait3A_218 = tpu.memref_slice %arg6[%dma_wait3A_217] : memref<10000xi32, #tpu.memory_space<vmem>> -> memref<96xi32, #tpu.memory_space<vmem>>
    %dma_wait3A_219 = arith.constant 0 : i32
    %dma_wait3A_220 = arith.constant 0 : i32
    %dma_wait3A_221 = tpu.memref_slice %arg4[%dma_wait3A_219, %dma_wait3A_220] : memref<20000x128xf32, #tpu.memory_space<hbm>> -> memref<20000x128xf32, #tpu.memory_space<hbm>>
    tpu.wait_indirect_dma semaphore(%arg14 : memref<!tpu.dma_semaphore, #tpu.memory_space<semaphore_mem>>) src(%dma_wait3A_221 : memref<20000x128xf32, #tpu.memory_space<hbm>>) dst(%dma_wait3A_216 : memref<96x128xf32, #tpu.memory_space<vmem>>)
    %dma_wait3A_222 = arith.constant 0 : i32
    %dma_wait3A_223 = tpu.memref_slice %arg3[%dma_wait3A_222] : memref<160000xi32, #tpu.memory_space<hbm>> -> memref<96xi32, #tpu.memory_space<hbm>>
    %dma_wait3A_224 = arith.constant 0 : i32
    %dma_wait3A_225 = tpu.memref_slice %arg3[%dma_wait3A_224] : memref<160000xi32, #tpu.memory_space<hbm>> -> memref<96xi32, #tpu.memory_space<hbm>>
    tpu.wait_dma2 semaphore(%arg17 : memref<!tpu.dma_semaphore, #tpu.memory_space<semaphore_mem>>) src(%dma_wait3A_225 : memref<96xi32, #tpu.memory_space<hbm>>) dst(%arg7 : memref<96xi32, #tpu.memory_space<vmem>>)
    %dma_start3A_226 = arith.constant 0 : i32
    %dma_start3A_227 = arith.constant 0 : i32
    %dma_start3A_228 = arith.constant 0 : i32
    %dma_start3A_229 = tpu.memref_slice %arg12[%dma_start3A_226, %dma_start3A_227, %dma_start3A_228] : memref<3x96x128xf32, #tpu.memory_space<vmem>> -> memref<1x96x128xf32, #tpu.memory_space<vmem>>
    %dma_start3A_230 = tpu.memref_squeeze %dma_start3A_229 : memref<1x96x128xf32, #tpu.memory_space<vmem>> -> memref<96x128xf32, #tpu.memory_space<vmem>>
    %dma_start3A_231 = arith.constant 0 : i32
    %dma_start3A_232 = arith.constant 0 : i32
    %dma_start3A_233 = tpu.memref_slice %arg13[%dma_start3A_231, %dma_start3A_232] : memref<10000x128xf32, #tpu.memory_space<vmem_shared>> -> memref<10000x128xf32, #tpu.memory_space<vmem_shared>>
    tpu.enqueue_indirect_dma source(%dma_start3A_230 : memref<96x128xf32, #tpu.memory_space<vmem>>) target(%dma_start3A_233 : memref<10000x128xf32, #tpu.memory_space<vmem_shared>>) offsets(%arg7 : memref<96xi32, #tpu.memory_space<vmem>>) semaphore(%arg20 : memref<!tpu.dma_semaphore, #tpu.memory_space<semaphore_mem>>) {add = true}
    %dma_wait3A_234 = arith.constant 2 : i32
    %dma_wait3A_235 = arith.constant 0 : i32
    %dma_wait3A_236 = arith.constant 0 : i32
    %dma_wait3A_237 = tpu.memref_slice %arg12[%dma_wait3A_234, %dma_wait3A_235, %dma_wait3A_236] : memref<3x96x128xf32, #tpu.memory_space<vmem>> -> memref<1x96x128xf32, #tpu.memory_space<vmem>>
    %dma_wait3A_238 = tpu.memref_squeeze %dma_wait3A_237 : memref<1x96x128xf32, #tpu.memory_space<vmem>> -> memref<96x128xf32, #tpu.memory_space<vmem>>
    %dma_wait3A_239 = arith.constant 0 : i32
    %dma_wait3A_240 = arith.constant 0 : i32
    %dma_wait3A_241 = tpu.memref_slice %arg13[%dma_wait3A_239, %dma_wait3A_240] : memref<10000x128xf32, #tpu.memory_space<vmem_shared>> -> memref<10000x128xf32, #tpu.memory_space<vmem_shared>>
    tpu.wait_indirect_dma semaphore(%arg22 : memref<!tpu.dma_semaphore, #tpu.memory_space<semaphore_mem>>) src(%dma_wait3A_238 : memref<96x128xf32, #tpu.memory_space<vmem>>) dst(%dma_wait3A_241 : memref<10000x128xf32, #tpu.memory_space<vmem_shared>>)
    %dma_wait3A_242 = arith.constant 1 : i32
    %dma_wait3A_243 = arith.constant 0 : i32
    %dma_wait3A_244 = arith.constant 0 : i32
    %dma_wait3A_245 = tpu.memref_slice %arg12[%dma_wait3A_242, %dma_wait3A_243, %dma_wait3A_244] : memref<3x96x128xf32, #tpu.memory_space<vmem>> -> memref<1x96x128xf32, #tpu.memory_space<vmem>>
    %dma_wait3A_246 = tpu.memref_squeeze %dma_wait3A_245 : memref<1x96x128xf32, #tpu.memory_space<vmem>> -> memref<96x128xf32, #tpu.memory_space<vmem>>
    %dma_wait3A_247 = arith.constant 0 : i32
    %dma_wait3A_248 = tpu.memref_slice %arg6[%dma_wait3A_247] : memref<10000xi32, #tpu.memory_space<vmem>> -> memref<96xi32, #tpu.memory_space<vmem>>
    %dma_wait3A_249 = arith.constant 0 : i32
    %dma_wait3A_250 = arith.constant 0 : i32
    %dma_wait3A_251 = tpu.memref_slice %arg4[%dma_wait3A_249, %dma_wait3A_250] : memref<20000x128xf32, #tpu.memory_space<hbm>> -> memref<20000x128xf32, #tpu.memory_space<hbm>>
    tpu.wait_indirect_dma semaphore(%arg15 : memref<!tpu.dma_semaphore, #tpu.memory_space<semaphore_mem>>) src(%dma_wait3A_251 : memref<20000x128xf32, #tpu.memory_space<hbm>>) dst(%dma_wait3A_246 : memref<96x128xf32, #tpu.memory_space<vmem>>)
    %dma_wait3A_252 = arith.constant 0 : i32
    %dma_wait3A_253 = tpu.memref_slice %arg3[%dma_wait3A_252] : memref<160000xi32, #tpu.memory_space<hbm>> -> memref<96xi32, #tpu.memory_space<hbm>>
    %dma_wait3A_254 = arith.constant 0 : i32
    %dma_wait3A_255 = tpu.memref_slice %arg3[%dma_wait3A_254] : memref<160000xi32, #tpu.memory_space<hbm>> -> memref<96xi32, #tpu.memory_space<hbm>>
    tpu.wait_dma2 semaphore(%arg18 : memref<!tpu.dma_semaphore, #tpu.memory_space<semaphore_mem>>) src(%dma_wait3A_255 : memref<96xi32, #tpu.memory_space<hbm>>) dst(%arg8 : memref<96xi32, #tpu.memory_space<vmem>>)
    %dma_start3A_256 = arith.constant 1 : i32
    %dma_start3A_257 = arith.constant 0 : i32
    %dma_start3A_258 = arith.constant 0 : i32
    %dma_start3A_259 = tpu.memref_slice %arg12[%dma_start3A_256, %dma_start3A_257, %dma_start3A_258] : memref<3x96x128xf32, #tpu.memory_space<vmem>> -> memref<1x96x128xf32, #tpu.memory_space<vmem>>
    %dma_start3A_260 = tpu.memref_squeeze %dma_start3A_259 : memref<1x96x128xf32, #tpu.memory_space<vmem>> -> memref<96x128xf32, #tpu.memory_space<vmem>>
    %dma_start3A_261 = arith.constant 0 : i32
    %dma_start3A_262 = arith.constant 0 : i32
    %dma_start3A_263 = tpu.memref_slice %arg13[%dma_start3A_261, %dma_start3A_262] : memref<10000x128xf32, #tpu.memory_space<vmem_shared>> -> memref<10000x128xf32, #tpu.memory_space<vmem_shared>>
    tpu.enqueue_indirect_dma source(%dma_start3A_260 : memref<96x128xf32, #tpu.memory_space<vmem>>) target(%dma_start3A_263 : memref<10000x128xf32, #tpu.memory_space<vmem_shared>>) offsets(%arg8 : memref<96xi32, #tpu.memory_space<vmem>>) semaphore(%arg21 : memref<!tpu.dma_semaphore, #tpu.memory_space<semaphore_mem>>) {add = true}
    %dma_wait3A_264 = arith.constant 0 : i32
    %dma_wait3A_265 = arith.constant 0 : i32
    %dma_wait3A_266 = arith.constant 0 : i32
    %dma_wait3A_267 = tpu.memref_slice %arg12[%dma_wait3A_264, %dma_wait3A_265, %dma_wait3A_266] : memref<3x96x128xf32, #tpu.memory_space<vmem>> -> memref<1x96x128xf32, #tpu.memory_space<vmem>>
    %dma_wait3A_268 = tpu.memref_squeeze %dma_wait3A_267 : memref<1x96x128xf32, #tpu.memory_space<vmem>> -> memref<96x128xf32, #tpu.memory_space<vmem>>
    %dma_wait3A_269 = arith.constant 0 : i32
    %dma_wait3A_270 = arith.constant 0 : i32
    %dma_wait3A_271 = tpu.memref_slice %arg13[%dma_wait3A_269, %dma_wait3A_270] : memref<10000x128xf32, #tpu.memory_space<vmem_shared>> -> memref<10000x128xf32, #tpu.memory_space<vmem_shared>>
    tpu.wait_indirect_dma semaphore(%arg20 : memref<!tpu.dma_semaphore, #tpu.memory_space<semaphore_mem>>) src(%dma_wait3A_268 : memref<96x128xf32, #tpu.memory_space<vmem>>) dst(%dma_wait3A_271 : memref<10000x128xf32, #tpu.memory_space<vmem_shared>>)
    %dma_wait3A_272 = arith.constant 1 : i32
    %dma_wait3A_273 = arith.constant 0 : i32
    %dma_wait3A_274 = arith.constant 0 : i32
    %dma_wait3A_275 = tpu.memref_slice %arg12[%dma_wait3A_272, %dma_wait3A_273, %dma_wait3A_274] : memref<3x96x128xf32, #tpu.memory_space<vmem>> -> memref<1x96x128xf32, #tpu.memory_space<vmem>>
    %dma_wait3A_276 = tpu.memref_squeeze %dma_wait3A_275 : memref<1x96x128xf32, #tpu.memory_space<vmem>> -> memref<96x128xf32, #tpu.memory_space<vmem>>
    %dma_wait3A_277 = arith.constant 0 : i32
    %dma_wait3A_278 = arith.constant 0 : i32
    %dma_wait3A_279 = tpu.memref_slice %arg13[%dma_wait3A_277, %dma_wait3A_278] : memref<10000x128xf32, #tpu.memory_space<vmem_shared>> -> memref<10000x128xf32, #tpu.memory_space<vmem_shared>>
    tpu.wait_indirect_dma semaphore(%arg21 : memref<!tpu.dma_semaphore, #tpu.memory_space<semaphore_mem>>) src(%dma_wait3A_276 : memref<96x128xf32, #tpu.memory_space<vmem>>) dst(%dma_wait3A_279 : memref<10000x128xf32, #tpu.memory_space<vmem_shared>>)
    %mul3A_280 = arith.constant 10000 : i32
    %mul3A_281 = arith.muli %arg1, %mul3A_280 : i32
    %add3A_282 = arith.constant 9984 : i32
    %add3A_283 = arith.addi %mul3A_281, %add3A_282 : i32
    "tpu.region"() ({
      %run_scoped3A_304 = tpu.sem_alloc : memref<!tpu.dma_semaphore, #tpu.memory_space<semaphore_mem>>
      %dma_start3A_305 = tpu.memref_slice %arg3[%add3A_283] : memref<160000xi32, #tpu.memory_space<hbm>> -> memref<16xi32, #tpu.memory_space<hbm>>
      %dma_start3A_306 = tpu.memref_slice %arg3[%add3A_283] : memref<160000xi32, #tpu.memory_space<hbm>> -> memref<16xi32, #tpu.memory_space<hbm>>
      tpu.enqueue_dma source(%dma_start3A_306 : memref<16xi32, #tpu.memory_space<hbm>>) target(%arg10 : memref<16xi32, #tpu.memory_space<vmem>>) target_semaphore(%run_scoped3A_304 : memref<!tpu.dma_semaphore, #tpu.memory_space<semaphore_mem>>)
      %dma_wait3A_307 = tpu.memref_slice %arg3[%add3A_283] : memref<160000xi32, #tpu.memory_space<hbm>> -> memref<16xi32, #tpu.memory_space<hbm>>
      %dma_wait3A_308 = tpu.memref_slice %arg3[%add3A_283] : memref<160000xi32, #tpu.memory_space<hbm>> -> memref<16xi32, #tpu.memory_space<hbm>>
      tpu.wait_dma2 semaphore(%run_scoped3A_304 : memref<!tpu.dma_semaphore, #tpu.memory_space<semaphore_mem>>) src(%dma_wait3A_308 : memref<16xi32, #tpu.memory_space<hbm>>) dst(%arg10 : memref<16xi32, #tpu.memory_space<vmem>>)
      tpu.yield
    }) : () -> ()
    %dma_start3A_284 = arith.constant 9984 : i32
    %dma_start3A_285 = tpu.memref_slice %arg6[%dma_start3A_284] : memref<10000xi32, #tpu.memory_space<vmem>> -> memref<16xi32, #tpu.memory_space<vmem>>
    %dma_start3A_286 = arith.constant 0 : i32
    %dma_start3A_287 = arith.constant 0 : i32
    %dma_start3A_288 = tpu.memref_slice %arg4[%dma_start3A_286, %dma_start3A_287] : memref<20000x128xf32, #tpu.memory_space<hbm>> -> memref<20000x128xf32, #tpu.memory_space<hbm>>
    tpu.enqueue_indirect_dma source(%dma_start3A_288 : memref<20000x128xf32, #tpu.memory_space<hbm>>) target(%arg11 : memref<16x128xf32, #tpu.memory_space<vmem>>) offsets(%dma_start3A_285 : memref<16xi32, #tpu.memory_space<vmem>>) semaphore(%arg23 : memref<!tpu.dma_semaphore, #tpu.memory_space<semaphore_mem>>)
    %dma_wait3A_289 = arith.constant 9984 : i32
    %dma_wait3A_290 = tpu.memref_slice %arg6[%dma_wait3A_289] : memref<10000xi32, #tpu.memory_space<vmem>> -> memref<16xi32, #tpu.memory_space<vmem>>
    %dma_wait3A_291 = arith.constant 0 : i32
    %dma_wait3A_292 = arith.constant 0 : i32
    %dma_wait3A_293 = tpu.memref_slice %arg4[%dma_wait3A_291, %dma_wait3A_292] : memref<20000x128xf32, #tpu.memory_space<hbm>> -> memref<20000x128xf32, #tpu.memory_space<hbm>>
    tpu.wait_indirect_dma semaphore(%arg23 : memref<!tpu.dma_semaphore, #tpu.memory_space<semaphore_mem>>) src(%dma_wait3A_293 : memref<20000x128xf32, #tpu.memory_space<hbm>>) dst(%arg11 : memref<16x128xf32, #tpu.memory_space<vmem>>)
    "tpu.region"() ({
      %run_scoped3A_304 = tpu.sem_alloc : memref<!tpu.dma_semaphore, #tpu.memory_space<semaphore_mem>>
      %dma_start3A_305 = arith.constant 0 : i32
      %dma_start3A_306 = arith.constant 0 : i32
      %dma_start3A_307 = tpu.memref_slice %arg13[%dma_start3A_305, %dma_start3A_306] : memref<10000x128xf32, #tpu.memory_space<vmem_shared>> -> memref<10000x128xf32, #tpu.memory_space<vmem_shared>>
      tpu.enqueue_indirect_dma source(%arg11 : memref<16x128xf32, #tpu.memory_space<vmem>>) target(%dma_start3A_307 : memref<10000x128xf32, #tpu.memory_space<vmem_shared>>) offsets(%arg10 : memref<16xi32, #tpu.memory_space<vmem>>) semaphore(%run_scoped3A_304 : memref<!tpu.dma_semaphore, #tpu.memory_space<semaphore_mem>>) {add = true}
      %dma_wait3A_308 = arith.constant 0 : i32
      %dma_wait3A_309 = arith.constant 0 : i32
      %dma_wait3A_310 = tpu.memref_slice %arg13[%dma_wait3A_308, %dma_wait3A_309] : memref<10000x128xf32, #tpu.memory_space<vmem_shared>> -> memref<10000x128xf32, #tpu.memory_space<vmem_shared>>
      tpu.wait_indirect_dma semaphore(%run_scoped3A_304 : memref<!tpu.dma_semaphore, #tpu.memory_space<semaphore_mem>>) src(%arg11 : memref<16x128xf32, #tpu.memory_space<vmem>>) dst(%dma_wait3A_310 : memref<10000x128xf32, #tpu.memory_space<vmem_shared>>)
      tpu.yield
    }) : () -> ()
    %barrier3A_294 = arith.constant 0 : index
    tpu.barrier barrier_id(%barrier3A_294)
    %mul3A_295 = arith.constant 624 : i32
    %mul3A_296 = arith.muli %arg1, %mul3A_295 : i32
    %mul3A_297 = arith.constant 624 : i32
    %mul3A_298 = arith.muli %arg1, %mul3A_297 : i32
    "tpu.region"() ({
      %run_scoped3A_304 = tpu.sem_alloc : memref<!tpu.dma_semaphore, #tpu.memory_space<semaphore_mem>>
      %dma_start3A_305 = arith.constant 0 : i32
      %dma_start3A_306 = tpu.memref_slice %arg5[%arg0, %mul3A_298, %dma_start3A_305] : memref<2x10000x128xf32, #tpu.memory_space<hbm>> -> memref<1x624x128xf32, #tpu.memory_space<hbm>>
      %dma_start3A_307 = tpu.memref_squeeze %dma_start3A_306 : memref<1x624x128xf32, #tpu.memory_space<hbm>> -> memref<624x128xf32, #tpu.memory_space<hbm>>
      %dma_start3A_308 = arith.constant 0 : i32
      %dma_start3A_309 = tpu.memref_slice %arg13[%mul3A_296, %dma_start3A_308] : memref<10000x128xf32, #tpu.memory_space<vmem_shared>> -> memref<624x128xf32, #tpu.memory_space<vmem_shared>>
      tpu.enqueue_dma source(%dma_start3A_309 : memref<624x128xf32, #tpu.memory_space<vmem_shared>>) target(%dma_start3A_307 : memref<624x128xf32, #tpu.memory_space<hbm>>) target_semaphore(%run_scoped3A_304 : memref<!tpu.dma_semaphore, #tpu.memory_space<semaphore_mem>>)
      %dma_wait3A_310 = arith.constant 0 : i32
      %dma_wait3A_311 = tpu.memref_slice %arg5[%arg0, %mul3A_298, %dma_wait3A_310] : memref<2x10000x128xf32, #tpu.memory_space<hbm>> -> memref<1x624x128xf32, #tpu.memory_space<hbm>>
      %dma_wait3A_312 = tpu.memref_squeeze %dma_wait3A_311 : memref<1x624x128xf32, #tpu.memory_space<hbm>> -> memref<624x128xf32, #tpu.memory_space<hbm>>
      %dma_wait3A_313 = arith.constant 0 : i32
      %dma_wait3A_314 = tpu.memref_slice %arg13[%mul3A_296, %dma_wait3A_313] : memref<10000x128xf32, #tpu.memory_space<vmem_shared>> -> memref<624x128xf32, #tpu.memory_space<vmem_shared>>
      tpu.wait_dma2 semaphore(%run_scoped3A_304 : memref<!tpu.dma_semaphore, #tpu.memory_space<semaphore_mem>>) src(%dma_wait3A_314 : memref<624x128xf32, #tpu.memory_space<vmem_shared>>) dst(%dma_wait3A_312 : memref<624x128xf32, #tpu.memory_space<hbm>>)
      tpu.yield
    }) : () -> ()
    %eq3A_299 = arith.constant 15 : i32
    %eq3A_300 = arith.cmpi eq, %arg1, %eq3A_299 : i32
    %convert_element_type3A_301 = arith.extui %eq3A_300 : i1 to i32
    %cond3A_302 = arith.constant 0 : i32
    %cond3A_303 = arith.cmpi ne, %convert_element_type3A_301, %cond3A_302 : i32
    scf.if %cond3A_303 {
      "tpu.region"() ({
        %run_scoped3A_304 = tpu.sem_alloc : memref<!tpu.dma_semaphore, #tpu.memory_space<semaphore_mem>>
        %dma_start3A_305 = arith.constant 9984 : i32
        %dma_start3A_306 = arith.constant 0 : i32
        %dma_start3A_307 = tpu.memref_slice %arg5[%arg0, %dma_start3A_305, %dma_start3A_306] : memref<2x10000x128xf32, #tpu.memory_space<hbm>> -> memref<1x16x128xf32, #tpu.memory_space<hbm>>
        %dma_start3A_308 = tpu.memref_squeeze %dma_start3A_307 : memref<1x16x128xf32, #tpu.memory_space<hbm>> -> memref<16x128xf32, #tpu.memory_space<hbm>>
        %dma_start3A_309 = arith.constant 9984 : i32
        %dma_start3A_310 = arith.constant 0 : i32
        %dma_start3A_311 = tpu.memref_slice %arg13[%dma_start3A_309, %dma_start3A_310] : memref<10000x128xf32, #tpu.memory_space<vmem_shared>> -> memref<16x128xf32, #tpu.memory_space<vmem_shared>>
        tpu.enqueue_dma source(%dma_start3A_311 : memref<16x128xf32, #tpu.memory_space<vmem_shared>>) target(%dma_start3A_308 : memref<16x128xf32, #tpu.memory_space<hbm>>) target_semaphore(%run_scoped3A_304 : memref<!tpu.dma_semaphore, #tpu.memory_space<semaphore_mem>>)
        %dma_wait3A_312 = arith.constant 9984 : i32
        %dma_wait3A_313 = arith.constant 0 : i32
        %dma_wait3A_314 = tpu.memref_slice %arg5[%arg0, %dma_wait3A_312, %dma_wait3A_313] : memref<2x10000x128xf32, #tpu.memory_space<hbm>> -> memref<1x16x128xf32, #tpu.memory_space<hbm>>
        %dma_wait3A_315 = tpu.memref_squeeze %dma_wait3A_314 : memref<1x16x128xf32, #tpu.memory_space<hbm>> -> memref<16x128xf32, #tpu.memory_space<hbm>>
        %dma_wait3A_316 = arith.constant 9984 : i32
        %dma_wait3A_317 = arith.constant 0 : i32
        %dma_wait3A_318 = tpu.memref_slice %arg13[%dma_wait3A_316, %dma_wait3A_317] : memref<10000x128xf32, #tpu.memory_space<vmem_shared>> -> memref<16x128xf32, #tpu.memory_space<vmem_shared>>
        tpu.wait_dma2 semaphore(%run_scoped3A_304 : memref<!tpu.dma_semaphore, #tpu.memory_space<semaphore_mem>>) src(%dma_wait3A_318 : memref<16x128xf32, #tpu.memory_space<vmem_shared>>) dst(%dma_wait3A_315 : memref<16x128xf32, #tpu.memory_space<hbm>>)
        tpu.yield
      }) : () -> ()
    } else {
    }
    return
  }
}

#map = affine_map<(d0, d1) -> (0)>
#map1 = affine_map<(d0, d1) -> (0, 0)>
#map2 = affine_map<(d0, d1) -> (0, 0, 0)>
module attributes {stable_mosaic.version = 14 : i64} {
  func.func @_sc_agg_body(%arg0: i32, %arg1: i32, %arg2: memref<320000xi32, #tpu.memory_space<hbm>>, %arg3: memref<160000xi32, #tpu.memory_space<hbm>>, %arg4: memref<20000x128xf32, #tpu.memory_space<hbm>>, %arg5: memref<2x10000x128xf32, #tpu.memory_space<hbm>>, %arg6: memref<10000xi32, #tpu.memory_space<vmem>>, %arg7: memref<96xi32, #tpu.memory_space<vmem>>, %arg8: memref<96xi32, #tpu.memory_space<vmem>>, %arg9: memref<96xi32, #tpu.memory_space<vmem>>, %arg10: memref<16xi32, #tpu.memory_space<vmem>>, %arg11: memref<16x128xf32, #tpu.memory_space<vmem>>, %arg12: memref<3x96x128xf32, #tpu.memory_space<vmem>>, %arg13: memref<10000x128xf32, #tpu.memory_space<vmem_shared>>, %arg14: memref<!tpu.dma_semaphore, #tpu.memory_space<semaphore_mem>>, %arg15: memref<!tpu.dma_semaphore, #tpu.memory_space<semaphore_mem>>, %arg16: memref<!tpu.dma_semaphore, #tpu.memory_space<semaphore_mem>>, %arg17: memref<!tpu.dma_semaphore, #tpu.memory_space<semaphore_mem>>, %arg18: memref<!tpu.dma_semaphore, #tpu.memory_space<semaphore_mem>>, %arg19: memref<!tpu.dma_semaphore, #tpu.memory_space<semaphore_mem>>, %arg20: memref<!tpu.dma_semaphore, #tpu.memory_space<semaphore_mem>>, %arg21: memref<!tpu.dma_semaphore, #tpu.memory_space<semaphore_mem>>, %arg22: memref<!tpu.dma_semaphore, #tpu.memory_space<semaphore_mem>>, %arg23: memref<!tpu.dma_semaphore, #tpu.memory_space<semaphore_mem>>) attributes {dimension_semantics = [#tpu.dimension_semantics<core_parallel>, #tpu.dimension_semantics<subcore_parallel>], iteration_bounds = array<i64: 2, 16>, scalar_prefetch = 0 : i64, scratch_operands = 18 : i64, tpu.core_type = #tpu.core_type<sc_vector_subcore>, window_params = [{transform_indices = #map}, {transform_indices = #map}, {transform_indices = #map1}, {transform_indices = #map2}]} {
    %broadcast_in_dim3A = arith.constant 0.000000e+00 : f32
    %broadcast_in_dim3A_0 = vector.broadcast %broadcast_in_dim3A : f32 to vector<16xf32>
    %scan3A = arith.constant 0 : i32
    %scan3A_1 = arith.constant 0 : i32
    %scan3A_2 = arith.constant 96 : i32
    %scan3A_3 = arith.addi %scan3A_1, %scan3A_2 : i32
    %scan3A_4 = arith.constant 1 : i32
    scf.for %scan3A_304 = %scan3A_1 to %scan3A_3 step %scan3A_4  : i32 {
      %swap3A = arith.constant 0 : i32
      %swap3A_305 = arith.index_cast %swap3A : i32 to index
      %swap3A_306 = arith.index_cast %scan3A_304 : i32 to index
      %swap3A_307 = arith.constant 0 : index
      %swap3A_308 = tpu.vector_load %arg12[%swap3A_305, %swap3A_306, %swap3A_307] {strides = array<i32>} : memref<3x96x128xf32, #tpu.memory_space<vmem>>, vector<1x1x16xf32>,
      %swap3A_309 = vector.shape_cast %swap3A_308 : vector<1x1x16xf32> to vector<16xf32>
      %swap3A_310 = vector.shape_cast %broadcast_in_dim3A_0 : vector<16xf32> to vector<1x1x16xf32>
      tpu.vector_store %arg12[%swap3A_305, %swap3A_306, %swap3A_307], %swap3A_310 {strides = array<i32>} : memref<3x96x128xf32, #tpu.memory_space<vmem>>, vector<1x1x16xf32>,
      %swap3A_311 = arith.constant 0 : i32
      %swap3A_312 = arith.index_cast %swap3A_311 : i32 to index
      %swap3A_313 = arith.index_cast %scan3A_304 : i32 to index
      %swap3A_314 = arith.constant 16 : index
      %swap3A_315 = tpu.vector_load %arg12[%swap3A_312, %swap3A_313, %swap3A_314] {strides = array<i32>} : memref<3x96x128xf32, #tpu.memory_space<vmem>>, vector<1x1x16xf32>,
      %swap3A_316 = vector.shape_cast %swap3A_315 : vector<1x1x16xf32> to vector<16xf32>
      %swap3A_317 = vector.shape_cast %broadcast_in_dim3A_0 : vector<16xf32> to vector<1x1x16xf32>
      tpu.vector_store %arg12[%swap3A_312, %swap3A_313, %swap3A_314], %swap3A_317 {strides = array<i32>} : memref<3x96x128xf32, #tpu.memory_space<vmem>>, vector<1x1x16xf32>,
      %swap3A_318 = arith.constant 0 : i32
      %swap3A_319 = arith.index_cast %swap3A_318 : i32 to index
      %swap3A_320 = arith.index_cast %scan3A_304 : i32 to index
      %swap3A_321 = arith.constant 32 : index
      %swap3A_322 = tpu.vector_load %arg12[%swap3A_319, %swap3A_320, %swap3A_321] {strides = array<i32>} : memref<3x96x128xf32, #tpu.memory_space<vmem>>, vector<1x1x16xf32>,
      %swap3A_323 = vector.shape_cast %swap3A_322 : vector<1x1x16xf32> to vector<16xf32>
      %swap3A_324 = vector.shape_cast %broadcast_in_dim3A_0 : vector<16xf32> to vector<1x1x16xf32>
      tpu.vector_store %arg12[%swap3A_319, %swap3A_320, %swap3A_321], %swap3A_324 {strides = array<i32>} : memref<3x96x128xf32, #tpu.memory_space<vmem>>, vector<1x1x16xf32>,
      %swap3A_325 = arith.constant 0 : i32
      %swap3A_326 = arith.index_cast %swap3A_325 : i32 to index
      %swap3A_327 = arith.index_cast %scan3A_304 : i32 to index
      %swap3A_328 = arith.constant 48 : index
      %swap3A_329 = tpu.vector_load %arg12[%swap3A_326, %swap3A_327, %swap3A_328] {strides = array<i32>} : memref<3x96x128xf32, #tpu.memory_space<vmem>>, vector<1x1x16xf32>,
      %swap3A_330 = vector.shape_cast %swap3A_329 : vector<1x1x16xf32> to vector<16xf32>
      %swap3A_331 = vector.shape_cast %broadcast_in_dim3A_0 : vector<16xf32> to vector<1x1x16xf32>
      tpu.vector_store %arg12[%swap3A_326, %swap3A_327, %swap3A_328], %swap3A_331 {strides = array<i32>} : memref<3x96x128xf32, #tpu.memory_space<vmem>>, vector<1x1x16xf32>,
      %swap3A_332 = arith.constant 0 : i32
      %swap3A_333 = arith.index_cast %swap3A_332 : i32 to index
      %swap3A_334 = arith.index_cast %scan3A_304 : i32 to index
      %swap3A_335 = arith.constant 64 : index
      %swap3A_336 = tpu.vector_load %arg12[%swap3A_333, %swap3A_334, %swap3A_335] {strides = array<i32>} : memref<3x96x128xf32, #tpu.memory_space<vmem>>, vector<1x1x16xf32>,
      %swap3A_337 = vector.shape_cast %swap3A_336 : vector<1x1x16xf32> to vector<16xf32>
      %swap3A_338 = vector.shape_cast %broadcast_in_dim3A_0 : vector<16xf32> to vector<1x1x16xf32>
      tpu.vector_store %arg12[%swap3A_333, %swap3A_334, %swap3A_335], %swap3A_338 {strides = array<i32>} : memref<3x96x128xf32, #tpu.memory_space<vmem>>, vector<1x1x16xf32>,
      %swap3A_339 = arith.constant 0 : i32
      %swap3A_340 = arith.index_cast %swap3A_339 : i32 to index
      %swap3A_341 = arith.index_cast %scan3A_304 : i32 to index
      %swap3A_342 = arith.constant 80 : index
      %swap3A_343 = tpu.vector_load %arg12[%swap3A_340, %swap3A_341, %swap3A_342] {strides = array<i32>} : memref<3x96x128xf32, #tpu.memory_space<vmem>>, vector<1x1x16xf32>,
      %swap3A_344 = vector.shape_cast %swap3A_343 : vector<1x1x16xf32> to vector<16xf32>
      %swap3A_345 = vector.shape_cast %broadcast_in_dim3A_0 : vector<16xf32> to vector<1x1x16xf32>
      tpu.vector_store %arg12[%swap3A_340, %swap3A_341, %swap3A_342], %swap3A_345 {strides = array<i32>} : memref<3x96x128xf32, #tpu.memory_space<vmem>>, vector<1x1x16xf32>,
      %swap3A_346 = arith.constant 0 : i32
      %swap3A_347 = arith.index_cast %swap3A_346 : i32 to index
      %swap3A_348 = arith.index_cast %scan3A_304 : i32 to index
      %swap3A_349 = arith.constant 96 : index
      %swap3A_350 = tpu.vector_load %arg12[%swap3A_347, %swap3A_348, %swap3A_349] {strides = array<i32>} : memref<3x96x128xf32, #tpu.memory_space<vmem>>, vector<1x1x16xf32>,
      %swap3A_351 = vector.shape_cast %swap3A_350 : vector<1x1x16xf32> to vector<16xf32>
      %swap3A_352 = vector.shape_cast %broadcast_in_dim3A_0 : vector<16xf32> to vector<1x1x16xf32>
      tpu.vector_store %arg12[%swap3A_347, %swap3A_348, %swap3A_349], %swap3A_352 {strides = array<i32>} : memref<3x96x128xf32, #tpu.memory_space<vmem>>, vector<1x1x16xf32>,
      %swap3A_353 = arith.constant 0 : i32
      %swap3A_354 = arith.index_cast %swap3A_353 : i32 to index
      %swap3A_355 = arith.index_cast %scan3A_304 : i32 to index
      %swap3A_356 = arith.constant 112 : index
      %swap3A_357 = tpu.vector_load %arg12[%swap3A_354, %swap3A_355, %swap3A_356] {strides = array<i32>} : memref<3x96x128xf32, #tpu.memory_space<vmem>>, vector<1x1x16xf32>,
      %swap3A_358 = vector.shape_cast %swap3A_357 : vector<1x1x16xf32> to vector<16xf32>
      %swap3A_359 = vector.shape_cast %broadcast_in_dim3A_0 : vector<16xf32> to vector<1x1x16xf32>
      tpu.vector_store %arg12[%swap3A_354, %swap3A_355, %swap3A_356], %swap3A_359 {strides = array<i32>} : memref<3x96x128xf32, #tpu.memory_space<vmem>>, vector<1x1x16xf32>,
    }
    %scan3A_5 = arith.constant 96 : i32
    %mul3A = arith.constant 624 : i32
    %mul3A_6 = arith.muli %arg1, %mul3A : i32
    %add3A = arith.constant 0 : i32
    %add3A_7 = arith.addi %mul3A_6, %add3A : i32
    %run_scoped3A = arith.constant 0 : i32
    "tpu.region"() ({
      %run_scoped3A_304 = tpu.sem_alloc : memref<!tpu.dma_semaphore, #tpu.memory_space<semaphore_mem>>
      %dma_start3A_305 = arith.constant 0 : i32
      %dma_start3A_306 = arith.constant 0 : i32
      %dma_start3A_307 = tpu.memref_slice %arg12[%run_scoped3A, %dma_start3A_305, %dma_start3A_306] : memref<3x96x128xf32, #tpu.memory_space<vmem>> -> memref<1x96x128xf32, #tpu.memory_space<vmem>>
      %dma_start3A_308 = tpu.memref_squeeze %dma_start3A_307 : memref<1x96x128xf32, #tpu.memory_space<vmem>> -> memref<96x128xf32, #tpu.memory_space<vmem>>
      %dma_start3A_309 = arith.constant 0 : i32
      %dma_start3A_310 = tpu.memref_slice %arg13[%add3A_7, %dma_start3A_309] : memref<10000x128xf32, #tpu.memory_space<vmem_shared>> -> memref<96x128xf32, #tpu.memory_space<vmem_shared>>
      %dma_start3A_311 = arith.constant 0 : i32
      %dma_start3A_312 = tpu.memref_slice %arg13[%add3A_7, %dma_start3A_311] : memref<10000x128xf32, #tpu.memory_space<vmem_shared>> -> memref<96x128xf32, #tpu.memory_space<vmem_shared>>
      %dma_start3A_313 = arith.constant 0 : i32
      %dma_start3A_314 = arith.constant 0 : i32
      %dma_start3A_315 = tpu.memref_slice %arg12[%run_scoped3A, %dma_start3A_313, %dma_start3A_314] : memref<3x96x128xf32, #tpu.memory_space<vmem>> -> memref<1x96x128xf32, #tpu.memory_space<vmem>>
      %dma_start3A_316 = tpu.memref_squeeze %dma_start3A_315 : memref<1x96x128xf32, #tpu.memory_space<vmem>> -> memref<96x128xf32, #tpu.memory_space<vmem>>
      tpu.enqueue_dma source(%dma_start3A_316 : memref<96x128xf32, #tpu.memory_space<vmem>>) target(%dma_start3A_312 : memref<96x128xf32, #tpu.memory_space<vmem_shared>>) target_semaphore(%run_scoped3A_304 : memref<!tpu.dma_semaphore, #tpu.memory_space<semaphore_mem>>)
      %dma_wait3A_317 = arith.constant 0 : i32
      %dma_wait3A_318 = arith.constant 0 : i32
      %dma_wait3A_319 = tpu.memref_slice %arg12[%run_scoped3A, %dma_wait3A_317, %dma_wait3A_318] : memref<3x96x128xf32, #tpu.memory_space<vmem>> -> memref<1x96x128xf32, #tpu.memory_space<vmem>>
      %dma_wait3A_320 = tpu.memref_squeeze %dma_wait3A_319 : memref<1x96x128xf32, #tpu.memory_space<vmem>> -> memref<96x128xf32, #tpu.memory_space<vmem>>
      %dma_wait3A_321 = arith.constant 0 : i32
      %dma_wait3A_322 = tpu.memref_slice %arg13[%add3A_7, %dma_wait3A_321] : memref<10000x128xf32, #tpu.memory_space<vmem_shared>> -> memref<96x128xf32, #tpu.memory_space<vmem_shared>>
      %dma_wait3A_323 = arith.constant 0 : i32
      %dma_wait3A_324 = tpu.memref_slice %arg13[%add3A_7, %dma_wait3A_323] : memref<10000x128xf32, #tpu.memory_space<vmem_shared>> -> memref<96x128xf32, #tpu.memory_space<vmem_shared>>
      %dma_wait3A_325 = arith.constant 0 : i32
      %dma_wait3A_326 = arith.constant 0 : i32
      %dma_wait3A_327 = tpu.memref_slice %arg12[%run_scoped3A, %dma_wait3A_325, %dma_wait3A_326] : memref<3x96x128xf32, #tpu.memory_space<vmem>> -> memref<1x96x128xf32, #tpu.memory_space<vmem>>
      %dma_wait3A_328 = tpu.memref_squeeze %dma_wait3A_327 : memref<1x96x128xf32, #tpu.memory_space<vmem>> -> memref<96x128xf32, #tpu.memory_space<vmem>>
      tpu.wait_dma2 semaphore(%run_scoped3A_304 : memref<!tpu.dma_semaphore, #tpu.memory_space<semaphore_mem>>) src(%dma_wait3A_328 : memref<96x128xf32, #tpu.memory_space<vmem>>) dst(%dma_wait3A_324 : memref<96x128xf32, #tpu.memory_space<vmem_shared>>)
      tpu.yield
    }) : () -> ()
    %mul3A_8 = arith.constant 624 : i32
    %mul3A_9 = arith.muli %arg1, %mul3A_8 : i32
    %add3A_10 = arith.constant 96 : i32
    %add3A_11 = arith.addi %mul3A_9, %add3A_10 : i32
    %run_scoped3A_12 = arith.constant 0 : i32
    "tpu.region"() ({
      %run_scoped3A_304 = tpu.sem_alloc : memref<!tpu.dma_semaphore, #tpu.memory_space<semaphore_mem>>
      %dma_start3A_305 = arith.constant 0 : i32
      %dma_start3A_306 = arith.constant 0 : i32
      %dma_start3A_307 = tpu.memref_slice %arg12[%run_scoped3A_12, %dma_start3A_305, %dma_start3A_306] : memref<3x96x128xf32, #tpu.memory_space<vmem>> -> memref<1x96x128xf32, #tpu.memory_space<vmem>>
      %dma_start3A_308 = tpu.memref_squeeze %dma_start3A_307 : memref<1x96x128xf32, #tpu.memory_space<vmem>> -> memref<96x128xf32, #tpu.memory_space<vmem>>
      %dma_start3A_309 = arith.constant 0 : i32
      %dma_start3A_310 = tpu.memref_slice %arg13[%add3A_11, %dma_start3A_309] : memref<10000x128xf32, #tpu.memory_space<vmem_shared>> -> memref<96x128xf32, #tpu.memory_space<vmem_shared>>
      %dma_start3A_311 = arith.constant 0 : i32
      %dma_start3A_312 = tpu.memref_slice %arg13[%add3A_11, %dma_start3A_311] : memref<10000x128xf32, #tpu.memory_space<vmem_shared>> -> memref<96x128xf32, #tpu.memory_space<vmem_shared>>
      %dma_start3A_313 = arith.constant 0 : i32
      %dma_start3A_314 = arith.constant 0 : i32
      %dma_start3A_315 = tpu.memref_slice %arg12[%run_scoped3A_12, %dma_start3A_313, %dma_start3A_314] : memref<3x96x128xf32, #tpu.memory_space<vmem>> -> memref<1x96x128xf32, #tpu.memory_space<vmem>>
      %dma_start3A_316 = tpu.memref_squeeze %dma_start3A_315 : memref<1x96x128xf32, #tpu.memory_space<vmem>> -> memref<96x128xf32, #tpu.memory_space<vmem>>
      tpu.enqueue_dma source(%dma_start3A_316 : memref<96x128xf32, #tpu.memory_space<vmem>>) target(%dma_start3A_312 : memref<96x128xf32, #tpu.memory_space<vmem_shared>>) target_semaphore(%run_scoped3A_304 : memref<!tpu.dma_semaphore, #tpu.memory_space<semaphore_mem>>)
      %dma_wait3A_317 = arith.constant 0 : i32
      %dma_wait3A_318 = arith.constant 0 : i32
      %dma_wait3A_319 = tpu.memref_slice %arg12[%run_scoped3A_12, %dma_wait3A_317, %dma_wait3A_318] : memref<3x96x128xf32, #tpu.memory_space<vmem>> -> memref<1x96x128xf32, #tpu.memory_space<vmem>>
      %dma_wait3A_320 = tpu.memref_squeeze %dma_wait3A_319 : memref<1x96x128xf32, #tpu.memory_space<vmem>> -> memref<96x128xf32, #tpu.memory_space<vmem>>
      %dma_wait3A_321 = arith.constant 0 : i32
      %dma_wait3A_322 = tpu.memref_slice %arg13[%add3A_11, %dma_wait3A_321] : memref<10000x128xf32, #tpu.memory_space<vmem_shared>> -> memref<96x128xf32, #tpu.memory_space<vmem_shared>>
      %dma_wait3A_323 = arith.constant 0 : i32
      %dma_wait3A_324 = tpu.memref_slice %arg13[%add3A_11, %dma_wait3A_323] : memref<10000x128xf32, #tpu.memory_space<vmem_shared>> -> memref<96x128xf32, #tpu.memory_space<vmem_shared>>
      %dma_wait3A_325 = arith.constant 0 : i32
      %dma_wait3A_326 = arith.constant 0 : i32
      %dma_wait3A_327 = tpu.memref_slice %arg12[%run_scoped3A_12, %dma_wait3A_325, %dma_wait3A_326] : memref<3x96x128xf32, #tpu.memory_space<vmem>> -> memref<1x96x128xf32, #tpu.memory_space<vmem>>
      %dma_wait3A_328 = tpu.memref_squeeze %dma_wait3A_327 : memref<1x96x128xf32, #tpu.memory_space<vmem>> -> memref<96x128xf32, #tpu.memory_space<vmem>>
      tpu.wait_dma2 semaphore(%run_scoped3A_304 : memref<!tpu.dma_semaphore, #tpu.memory_space<semaphore_mem>>) src(%dma_wait3A_328 : memref<96x128xf32, #tpu.memory_space<vmem>>) dst(%dma_wait3A_324 : memref<96x128xf32, #tpu.memory_space<vmem_shared>>)
      tpu.yield
    }) : () -> ()
    %mul3A_13 = arith.constant 624 : i32
    %mul3A_14 = arith.muli %arg1, %mul3A_13 : i32
    %add3A_15 = arith.constant 192 : i32
    %add3A_16 = arith.addi %mul3A_14, %add3A_15 : i32
    %run_scoped3A_17 = arith.constant 0 : i32
    "tpu.region"() ({
      %run_scoped3A_304 = tpu.sem_alloc : memref<!tpu.dma_semaphore, #tpu.memory_space<semaphore_mem>>
      %dma_start3A_305 = arith.constant 0 : i32
      %dma_start3A_306 = arith.constant 0 : i32
      %dma_start3A_307 = tpu.memref_slice %arg12[%run_scoped3A_17, %dma_start3A_305, %dma_start3A_306] : memref<3x96x128xf32, #tpu.memory_space<vmem>> -> memref<1x96x128xf32, #tpu.memory_space<vmem>>
      %dma_start3A_308 = tpu.memref_squeeze %dma_start3A_307 : memref<1x96x128xf32, #tpu.memory_space<vmem>> -> memref<96x128xf32, #tpu.memory_space<vmem>>
      %dma_start3A_309 = arith.constant 0 : i32
      %dma_start3A_310 = tpu.memref_slice %arg13[%add3A_16, %dma_start3A_309] : memref<10000x128xf32, #tpu.memory_space<vmem_shared>> -> memref<96x128xf32, #tpu.memory_space<vmem_shared>>
      %dma_start3A_311 = arith.constant 0 : i32
      %dma_start3A_312 = tpu.memref_slice %arg13[%add3A_16, %dma_start3A_311] : memref<10000x128xf32, #tpu.memory_space<vmem_shared>> -> memref<96x128xf32, #tpu.memory_space<vmem_shared>>
      %dma_start3A_313 = arith.constant 0 : i32
      %dma_start3A_314 = arith.constant 0 : i32
      %dma_start3A_315 = tpu.memref_slice %arg12[%run_scoped3A_17, %dma_start3A_313, %dma_start3A_314] : memref<3x96x128xf32, #tpu.memory_space<vmem>> -> memref<1x96x128xf32, #tpu.memory_space<vmem>>
      %dma_start3A_316 = tpu.memref_squeeze %dma_start3A_315 : memref<1x96x128xf32, #tpu.memory_space<vmem>> -> memref<96x128xf32, #tpu.memory_space<vmem>>
      tpu.enqueue_dma source(%dma_start3A_316 : memref<96x128xf32, #tpu.memory_space<vmem>>) target(%dma_start3A_312 : memref<96x128xf32, #tpu.memory_space<vmem_shared>>) target_semaphore(%run_scoped3A_304 : memref<!tpu.dma_semaphore, #tpu.memory_space<semaphore_mem>>)
      %dma_wait3A_317 = arith.constant 0 : i32
      %dma_wait3A_318 = arith.constant 0 : i32
      %dma_wait3A_319 = tpu.memref_slice %arg12[%run_scoped3A_17, %dma_wait3A_317, %dma_wait3A_318] : memref<3x96x128xf32, #tpu.memory_space<vmem>> -> memref<1x96x128xf32, #tpu.memory_space<vmem>>
      %dma_wait3A_320 = tpu.memref_squeeze %dma_wait3A_319 : memref<1x96x128xf32, #tpu.memory_space<vmem>> -> memref<96x128xf32, #tpu.memory_space<vmem>>
      %dma_wait3A_321 = arith.constant 0 : i32
      %dma_wait3A_322 = tpu.memref_slice %arg13[%add3A_16, %dma_wait3A_321] : memref<10000x128xf32, #tpu.memory_space<vmem_shared>> -> memref<96x128xf32, #tpu.memory_space<vmem_shared>>
      %dma_wait3A_323 = arith.constant 0 : i32
      %dma_wait3A_324 = tpu.memref_slice %arg13[%add3A_16, %dma_wait3A_323] : memref<10000x128xf32, #tpu.memory_space<vmem_shared>> -> memref<96x128xf32, #tpu.memory_space<vmem_shared>>
      %dma_wait3A_325 = arith.constant 0 : i32
      %dma_wait3A_326 = arith.constant 0 : i32
      %dma_wait3A_327 = tpu.memref_slice %arg12[%run_scoped3A_17, %dma_wait3A_325, %dma_wait3A_326] : memref<3x96x128xf32, #tpu.memory_space<vmem>> -> memref<1x96x128xf32, #tpu.memory_space<vmem>>
      %dma_wait3A_328 = tpu.memref_squeeze %dma_wait3A_327 : memref<1x96x128xf32, #tpu.memory_space<vmem>> -> memref<96x128xf32, #tpu.memory_space<vmem>>
      tpu.wait_dma2 semaphore(%run_scoped3A_304 : memref<!tpu.dma_semaphore, #tpu.memory_space<semaphore_mem>>) src(%dma_wait3A_328 : memref<96x128xf32, #tpu.memory_space<vmem>>) dst(%dma_wait3A_324 : memref<96x128xf32, #tpu.memory_space<vmem_shared>>)
      tpu.yield
    }) : () -> ()
    %mul3A_18 = arith.constant 624 : i32
    %mul3A_19 = arith.muli %arg1, %mul3A_18 : i32
    %add3A_20 = arith.constant 288 : i32
    %add3A_21 = arith.addi %mul3A_19, %add3A_20 : i32
    %run_scoped3A_22 = arith.constant 0 : i32
    "tpu.region"() ({
      %run_scoped3A_304 = tpu.sem_alloc : memref<!tpu.dma_semaphore, #tpu.memory_space<semaphore_mem>>
      %dma_start3A_305 = arith.constant 0 : i32
      %dma_start3A_306 = arith.constant 0 : i32
      %dma_start3A_307 = tpu.memref_slice %arg12[%run_scoped3A_22, %dma_start3A_305, %dma_start3A_306] : memref<3x96x128xf32, #tpu.memory_space<vmem>> -> memref<1x96x128xf32, #tpu.memory_space<vmem>>
      %dma_start3A_308 = tpu.memref_squeeze %dma_start3A_307 : memref<1x96x128xf32, #tpu.memory_space<vmem>> -> memref<96x128xf32, #tpu.memory_space<vmem>>
      %dma_start3A_309 = arith.constant 0 : i32
      %dma_start3A_310 = tpu.memref_slice %arg13[%add3A_21, %dma_start3A_309] : memref<10000x128xf32, #tpu.memory_space<vmem_shared>> -> memref<96x128xf32, #tpu.memory_space<vmem_shared>>
      %dma_start3A_311 = arith.constant 0 : i32
      %dma_start3A_312 = tpu.memref_slice %arg13[%add3A_21, %dma_start3A_311] : memref<10000x128xf32, #tpu.memory_space<vmem_shared>> -> memref<96x128xf32, #tpu.memory_space<vmem_shared>>
      %dma_start3A_313 = arith.constant 0 : i32
      %dma_start3A_314 = arith.constant 0 : i32
      %dma_start3A_315 = tpu.memref_slice %arg12[%run_scoped3A_22, %dma_start3A_313, %dma_start3A_314] : memref<3x96x128xf32, #tpu.memory_space<vmem>> -> memref<1x96x128xf32, #tpu.memory_space<vmem>>
      %dma_start3A_316 = tpu.memref_squeeze %dma_start3A_315 : memref<1x96x128xf32, #tpu.memory_space<vmem>> -> memref<96x128xf32, #tpu.memory_space<vmem>>
      tpu.enqueue_dma source(%dma_start3A_316 : memref<96x128xf32, #tpu.memory_space<vmem>>) target(%dma_start3A_312 : memref<96x128xf32, #tpu.memory_space<vmem_shared>>) target_semaphore(%run_scoped3A_304 : memref<!tpu.dma_semaphore, #tpu.memory_space<semaphore_mem>>)
      %dma_wait3A_317 = arith.constant 0 : i32
      %dma_wait3A_318 = arith.constant 0 : i32
      %dma_wait3A_319 = tpu.memref_slice %arg12[%run_scoped3A_22, %dma_wait3A_317, %dma_wait3A_318] : memref<3x96x128xf32, #tpu.memory_space<vmem>> -> memref<1x96x128xf32, #tpu.memory_space<vmem>>
      %dma_wait3A_320 = tpu.memref_squeeze %dma_wait3A_319 : memref<1x96x128xf32, #tpu.memory_space<vmem>> -> memref<96x128xf32, #tpu.memory_space<vmem>>
      %dma_wait3A_321 = arith.constant 0 : i32
      %dma_wait3A_322 = tpu.memref_slice %arg13[%add3A_21, %dma_wait3A_321] : memref<10000x128xf32, #tpu.memory_space<vmem_shared>> -> memref<96x128xf32, #tpu.memory_space<vmem_shared>>
      %dma_wait3A_323 = arith.constant 0 : i32
      %dma_wait3A_324 = tpu.memref_slice %arg13[%add3A_21, %dma_wait3A_323] : memref<10000x128xf32, #tpu.memory_space<vmem_shared>> -> memref<96x128xf32, #tpu.memory_space<vmem_shared>>
      %dma_wait3A_325 = arith.constant 0 : i32
      %dma_wait3A_326 = arith.constant 0 : i32
      %dma_wait3A_327 = tpu.memref_slice %arg12[%run_scoped3A_22, %dma_wait3A_325, %dma_wait3A_326] : memref<3x96x128xf32, #tpu.memory_space<vmem>> -> memref<1x96x128xf32, #tpu.memory_space<vmem>>
      %dma_wait3A_328 = tpu.memref_squeeze %dma_wait3A_327 : memref<1x96x128xf32, #tpu.memory_space<vmem>> -> memref<96x128xf32, #tpu.memory_space<vmem>>
      tpu.wait_dma2 semaphore(%run_scoped3A_304 : memref<!tpu.dma_semaphore, #tpu.memory_space<semaphore_mem>>) src(%dma_wait3A_328 : memref<96x128xf32, #tpu.memory_space<vmem>>) dst(%dma_wait3A_324 : memref<96x128xf32, #tpu.memory_space<vmem_shared>>)
      tpu.yield
    }) : () -> ()
    %mul3A_23 = arith.constant 624 : i32
    %mul3A_24 = arith.muli %arg1, %mul3A_23 : i32
    %add3A_25 = arith.constant 384 : i32
    %add3A_26 = arith.addi %mul3A_24, %add3A_25 : i32
    %run_scoped3A_27 = arith.constant 0 : i32
    "tpu.region"() ({
      %run_scoped3A_304 = tpu.sem_alloc : memref<!tpu.dma_semaphore, #tpu.memory_space<semaphore_mem>>
      %dma_start3A_305 = arith.constant 0 : i32
      %dma_start3A_306 = arith.constant 0 : i32
      %dma_start3A_307 = tpu.memref_slice %arg12[%run_scoped3A_27, %dma_start3A_305, %dma_start3A_306] : memref<3x96x128xf32, #tpu.memory_space<vmem>> -> memref<1x96x128xf32, #tpu.memory_space<vmem>>
      %dma_start3A_308 = tpu.memref_squeeze %dma_start3A_307 : memref<1x96x128xf32, #tpu.memory_space<vmem>> -> memref<96x128xf32, #tpu.memory_space<vmem>>
      %dma_start3A_309 = arith.constant 0 : i32
      %dma_start3A_310 = tpu.memref_slice %arg13[%add3A_26, %dma_start3A_309] : memref<10000x128xf32, #tpu.memory_space<vmem_shared>> -> memref<96x128xf32, #tpu.memory_space<vmem_shared>>
      %dma_start3A_311 = arith.constant 0 : i32
      %dma_start3A_312 = tpu.memref_slice %arg13[%add3A_26, %dma_start3A_311] : memref<10000x128xf32, #tpu.memory_space<vmem_shared>> -> memref<96x128xf32, #tpu.memory_space<vmem_shared>>
      %dma_start3A_313 = arith.constant 0 : i32
      %dma_start3A_314 = arith.constant 0 : i32
      %dma_start3A_315 = tpu.memref_slice %arg12[%run_scoped3A_27, %dma_start3A_313, %dma_start3A_314] : memref<3x96x128xf32, #tpu.memory_space<vmem>> -> memref<1x96x128xf32, #tpu.memory_space<vmem>>
      %dma_start3A_316 = tpu.memref_squeeze %dma_start3A_315 : memref<1x96x128xf32, #tpu.memory_space<vmem>> -> memref<96x128xf32, #tpu.memory_space<vmem>>
      tpu.enqueue_dma source(%dma_start3A_316 : memref<96x128xf32, #tpu.memory_space<vmem>>) target(%dma_start3A_312 : memref<96x128xf32, #tpu.memory_space<vmem_shared>>) target_semaphore(%run_scoped3A_304 : memref<!tpu.dma_semaphore, #tpu.memory_space<semaphore_mem>>)
      %dma_wait3A_317 = arith.constant 0 : i32
      %dma_wait3A_318 = arith.constant 0 : i32
      %dma_wait3A_319 = tpu.memref_slice %arg12[%run_scoped3A_27, %dma_wait3A_317, %dma_wait3A_318] : memref<3x96x128xf32, #tpu.memory_space<vmem>> -> memref<1x96x128xf32, #tpu.memory_space<vmem>>
      %dma_wait3A_320 = tpu.memref_squeeze %dma_wait3A_319 : memref<1x96x128xf32, #tpu.memory_space<vmem>> -> memref<96x128xf32, #tpu.memory_space<vmem>>
      %dma_wait3A_321 = arith.constant 0 : i32
      %dma_wait3A_322 = tpu.memref_slice %arg13[%add3A_26, %dma_wait3A_321] : memref<10000x128xf32, #tpu.memory_space<vmem_shared>> -> memref<96x128xf32, #tpu.memory_space<vmem_shared>>
      %dma_wait3A_323 = arith.constant 0 : i32
      %dma_wait3A_324 = tpu.memref_slice %arg13[%add3A_26, %dma_wait3A_323] : memref<10000x128xf32, #tpu.memory_space<vmem_shared>> -> memref<96x128xf32, #tpu.memory_space<vmem_shared>>
      %dma_wait3A_325 = arith.constant 0 : i32
      %dma_wait3A_326 = arith.constant 0 : i32
      %dma_wait3A_327 = tpu.memref_slice %arg12[%run_scoped3A_27, %dma_wait3A_325, %dma_wait3A_326] : memref<3x96x128xf32, #tpu.memory_space<vmem>> -> memref<1x96x128xf32, #tpu.memory_space<vmem>>
      %dma_wait3A_328 = tpu.memref_squeeze %dma_wait3A_327 : memref<1x96x128xf32, #tpu.memory_space<vmem>> -> memref<96x128xf32, #tpu.memory_space<vmem>>
      tpu.wait_dma2 semaphore(%run_scoped3A_304 : memref<!tpu.dma_semaphore, #tpu.memory_space<semaphore_mem>>) src(%dma_wait3A_328 : memref<96x128xf32, #tpu.memory_space<vmem>>) dst(%dma_wait3A_324 : memref<96x128xf32, #tpu.memory_space<vmem_shared>>)
      tpu.yield
    }) : () -> ()
    %mul3A_28 = arith.constant 624 : i32
    %mul3A_29 = arith.muli %arg1, %mul3A_28 : i32
    %add3A_30 = arith.constant 480 : i32
    %add3A_31 = arith.addi %mul3A_29, %add3A_30 : i32
    %run_scoped3A_32 = arith.constant 0 : i32
    "tpu.region"() ({
      %run_scoped3A_304 = tpu.sem_alloc : memref<!tpu.dma_semaphore, #tpu.memory_space<semaphore_mem>>
      %dma_start3A_305 = arith.constant 0 : i32
      %dma_start3A_306 = arith.constant 0 : i32
      %dma_start3A_307 = tpu.memref_slice %arg12[%run_scoped3A_32, %dma_start3A_305, %dma_start3A_306] : memref<3x96x128xf32, #tpu.memory_space<vmem>> -> memref<1x96x128xf32, #tpu.memory_space<vmem>>
      %dma_start3A_308 = tpu.memref_squeeze %dma_start3A_307 : memref<1x96x128xf32, #tpu.memory_space<vmem>> -> memref<96x128xf32, #tpu.memory_space<vmem>>
      %dma_start3A_309 = arith.constant 0 : i32
      %dma_start3A_310 = tpu.memref_slice %arg13[%add3A_31, %dma_start3A_309] : memref<10000x128xf32, #tpu.memory_space<vmem_shared>> -> memref<96x128xf32, #tpu.memory_space<vmem_shared>>
      %dma_start3A_311 = arith.constant 0 : i32
      %dma_start3A_312 = tpu.memref_slice %arg13[%add3A_31, %dma_start3A_311] : memref<10000x128xf32, #tpu.memory_space<vmem_shared>> -> memref<96x128xf32, #tpu.memory_space<vmem_shared>>
      %dma_start3A_313 = arith.constant 0 : i32
      %dma_start3A_314 = arith.constant 0 : i32
      %dma_start3A_315 = tpu.memref_slice %arg12[%run_scoped3A_32, %dma_start3A_313, %dma_start3A_314] : memref<3x96x128xf32, #tpu.memory_space<vmem>> -> memref<1x96x128xf32, #tpu.memory_space<vmem>>
      %dma_start3A_316 = tpu.memref_squeeze %dma_start3A_315 : memref<1x96x128xf32, #tpu.memory_space<vmem>> -> memref<96x128xf32, #tpu.memory_space<vmem>>
      tpu.enqueue_dma source(%dma_start3A_316 : memref<96x128xf32, #tpu.memory_space<vmem>>) target(%dma_start3A_312 : memref<96x128xf32, #tpu.memory_space<vmem_shared>>) target_semaphore(%run_scoped3A_304 : memref<!tpu.dma_semaphore, #tpu.memory_space<semaphore_mem>>)
      %dma_wait3A_317 = arith.constant 0 : i32
      %dma_wait3A_318 = arith.constant 0 : i32
      %dma_wait3A_319 = tpu.memref_slice %arg12[%run_scoped3A_32, %dma_wait3A_317, %dma_wait3A_318] : memref<3x96x128xf32, #tpu.memory_space<vmem>> -> memref<1x96x128xf32, #tpu.memory_space<vmem>>
      %dma_wait3A_320 = tpu.memref_squeeze %dma_wait3A_319 : memref<1x96x128xf32, #tpu.memory_space<vmem>> -> memref<96x128xf32, #tpu.memory_space<vmem>>
      %dma_wait3A_321 = arith.constant 0 : i32
      %dma_wait3A_322 = tpu.memref_slice %arg13[%add3A_31, %dma_wait3A_321] : memref<10000x128xf32, #tpu.memory_space<vmem_shared>> -> memref<96x128xf32, #tpu.memory_space<vmem_shared>>
      %dma_wait3A_323 = arith.constant 0 : i32
      %dma_wait3A_324 = tpu.memref_slice %arg13[%add3A_31, %dma_wait3A_323] : memref<10000x128xf32, #tpu.memory_space<vmem_shared>> -> memref<96x128xf32, #tpu.memory_space<vmem_shared>>
      %dma_wait3A_325 = arith.constant 0 : i32
      %dma_wait3A_326 = arith.constant 0 : i32
      %dma_wait3A_327 = tpu.memref_slice %arg12[%run_scoped3A_32, %dma_wait3A_325, %dma_wait3A_326] : memref<3x96x128xf32, #tpu.memory_space<vmem>> -> memref<1x96x128xf32, #tpu.memory_space<vmem>>
      %dma_wait3A_328 = tpu.memref_squeeze %dma_wait3A_327 : memref<1x96x128xf32, #tpu.memory_space<vmem>> -> memref<96x128xf32, #tpu.memory_space<vmem>>
      tpu.wait_dma2 semaphore(%run_scoped3A_304 : memref<!tpu.dma_semaphore, #tpu.memory_space<semaphore_mem>>) src(%dma_wait3A_328 : memref<96x128xf32, #tpu.memory_space<vmem>>) dst(%dma_wait3A_324 : memref<96x128xf32, #tpu.memory_space<vmem_shared>>)
      tpu.yield
    }) : () -> ()
    %mul3A_33 = arith.constant 624 : i32
    %mul3A_34 = arith.muli %arg1, %mul3A_33 : i32
    %add3A_35 = arith.constant 624 : i32
    %add3A_36 = arith.addi %mul3A_34, %add3A_35 : i32
    %sub3A = arith.constant 48 : i32
    %sub3A_37 = arith.subi %add3A_36, %sub3A : i32
    %run_scoped3A_38 = arith.constant 0 : i32
    "tpu.region"() ({
      %run_scoped3A_304 = tpu.sem_alloc : memref<!tpu.dma_semaphore, #tpu.memory_space<semaphore_mem>>
      %dma_start3A_305 = arith.constant 0 : i32
      %dma_start3A_306 = arith.constant 0 : i32
      %dma_start3A_307 = tpu.memref_slice %arg12[%run_scoped3A_38, %dma_start3A_305, %dma_start3A_306] : memref<3x96x128xf32, #tpu.memory_space<vmem>> -> memref<1x48x128xf32, #tpu.memory_space<vmem>>
      %dma_start3A_308 = tpu.memref_squeeze %dma_start3A_307 : memref<1x48x128xf32, #tpu.memory_space<vmem>> -> memref<48x128xf32, #tpu.memory_space<vmem>>
      %dma_start3A_309 = arith.constant 0 : i32
      %dma_start3A_310 = tpu.memref_slice %arg13[%sub3A_37, %dma_start3A_309] : memref<10000x128xf32, #tpu.memory_space<vmem_shared>> -> memref<48x128xf32, #tpu.memory_space<vmem_shared>>
      %dma_start3A_311 = arith.constant 0 : i32
      %dma_start3A_312 = tpu.memref_slice %arg13[%sub3A_37, %dma_start3A_311] : memref<10000x128xf32, #tpu.memory_space<vmem_shared>> -> memref<48x128xf32, #tpu.memory_space<vmem_shared>>
      %dma_start3A_313 = arith.constant 0 : i32
      %dma_start3A_314 = arith.constant 0 : i32
      %dma_start3A_315 = tpu.memref_slice %arg12[%run_scoped3A_38, %dma_start3A_313, %dma_start3A_314] : memref<3x96x128xf32, #tpu.memory_space<vmem>> -> memref<1x48x128xf32, #tpu.memory_space<vmem>>
      %dma_start3A_316 = tpu.memref_squeeze %dma_start3A_315 : memref<1x48x128xf32, #tpu.memory_space<vmem>> -> memref<48x128xf32, #tpu.memory_space<vmem>>
      tpu.enqueue_dma source(%dma_start3A_316 : memref<48x128xf32, #tpu.memory_space<vmem>>) target(%dma_start3A_312 : memref<48x128xf32, #tpu.memory_space<vmem_shared>>) target_semaphore(%run_scoped3A_304 : memref<!tpu.dma_semaphore, #tpu.memory_space<semaphore_mem>>)
      %dma_wait3A_317 = arith.constant 0 : i32
      %dma_wait3A_318 = arith.constant 0 : i32
      %dma_wait3A_319 = tpu.memref_slice %arg12[%run_scoped3A_38, %dma_wait3A_317, %dma_wait3A_318] : memref<3x96x128xf32, #tpu.memory_space<vmem>> -> memref<1x48x128xf32, #tpu.memory_space<vmem>>
      %dma_wait3A_320 = tpu.memref_squeeze %dma_wait3A_319 : memref<1x48x128xf32, #tpu.memory_space<vmem>> -> memref<48x128xf32, #tpu.memory_space<vmem>>
      %dma_wait3A_321 = arith.constant 0 : i32
      %dma_wait3A_322 = tpu.memref_slice %arg13[%sub3A_37, %dma_wait3A_321] : memref<10000x128xf32, #tpu.memory_space<vmem_shared>> -> memref<48x128xf32, #tpu.memory_space<vmem_shared>>
      %dma_wait3A_323 = arith.constant 0 : i32
      %dma_wait3A_324 = tpu.memref_slice %arg13[%sub3A_37, %dma_wait3A_323] : memref<10000x128xf32, #tpu.memory_space<vmem_shared>> -> memref<48x128xf32, #tpu.memory_space<vmem_shared>>
      %dma_wait3A_325 = arith.constant 0 : i32
      %dma_wait3A_326 = arith.constant 0 : i32
      %dma_wait3A_327 = tpu.memref_slice %arg12[%run_scoped3A_38, %dma_wait3A_325, %dma_wait3A_326] : memref<3x96x128xf32, #tpu.memory_space<vmem>> -> memref<1x48x128xf32, #tpu.memory_space<vmem>>
      %dma_wait3A_328 = tpu.memref_squeeze %dma_wait3A_327 : memref<1x48x128xf32, #tpu.memory_space<vmem>> -> memref<48x128xf32, #tpu.memory_space<vmem>>
      tpu.wait_dma2 semaphore(%run_scoped3A_304 : memref<!tpu.dma_semaphore, #tpu.memory_space<semaphore_mem>>) src(%dma_wait3A_328 : memref<48x128xf32, #tpu.memory_space<vmem>>) dst(%dma_wait3A_324 : memref<48x128xf32, #tpu.memory_space<vmem_shared>>)
      tpu.yield
    }) : () -> ()
    %eq3A = arith.constant 15 : i32
    %eq3A_39 = arith.cmpi eq, %arg1, %eq3A : i32
    %convert_element_type3A = arith.extui %eq3A_39 : i1 to i32
    %cond3A = arith.constant 0 : i32
    %cond3A_40 = arith.cmpi ne, %convert_element_type3A, %cond3A : i32
    scf.if %cond3A_40 {
      %run_scoped3A_304 = arith.constant 0 : i32
      "tpu.region"() ({
        %run_scoped3A_305 = tpu.sem_alloc : memref<!tpu.dma_semaphore, #tpu.memory_space<semaphore_mem>>
        %dma_start3A_306 = arith.constant 0 : i32
        %dma_start3A_307 = arith.constant 0 : i32
        %dma_start3A_308 = tpu.memref_slice %arg12[%run_scoped3A_304, %dma_start3A_306, %dma_start3A_307] : memref<3x96x128xf32, #tpu.memory_space<vmem>> -> memref<1x16x128xf32, #tpu.memory_space<vmem>>
        %dma_start3A_309 = tpu.memref_squeeze %dma_start3A_308 : memref<1x16x128xf32, #tpu.memory_space<vmem>> -> memref<16x128xf32, #tpu.memory_space<vmem>>
        %dma_start3A_310 = arith.constant 9984 : i32
        %dma_start3A_311 = arith.constant 0 : i32
        %dma_start3A_312 = tpu.memref_slice %arg13[%dma_start3A_310, %dma_start3A_311] : memref<10000x128xf32, #tpu.memory_space<vmem_shared>> -> memref<16x128xf32, #tpu.memory_space<vmem_shared>>
        %dma_start3A_313 = arith.constant 9984 : i32
        %dma_start3A_314 = arith.constant 0 : i32
        %dma_start3A_315 = tpu.memref_slice %arg13[%dma_start3A_313, %dma_start3A_314] : memref<10000x128xf32, #tpu.memory_space<vmem_shared>> -> memref<16x128xf32, #tpu.memory_space<vmem_shared>>
        %dma_start3A_316 = arith.constant 0 : i32
        %dma_start3A_317 = arith.constant 0 : i32
        %dma_start3A_318 = tpu.memref_slice %arg12[%run_scoped3A_304, %dma_start3A_316, %dma_start3A_317] : memref<3x96x128xf32, #tpu.memory_space<vmem>> -> memref<1x16x128xf32, #tpu.memory_space<vmem>>
        %dma_start3A_319 = tpu.memref_squeeze %dma_start3A_318 : memref<1x16x128xf32, #tpu.memory_space<vmem>> -> memref<16x128xf32, #tpu.memory_space<vmem>>
        tpu.enqueue_dma source(%dma_start3A_319 : memref<16x128xf32, #tpu.memory_space<vmem>>) target(%dma_start3A_315 : memref<16x128xf32, #tpu.memory_space<vmem_shared>>) target_semaphore(%run_scoped3A_305 : memref<!tpu.dma_semaphore, #tpu.memory_space<semaphore_mem>>)
        %dma_wait3A_320 = arith.constant 0 : i32
        %dma_wait3A_321 = arith.constant 0 : i32
        %dma_wait3A_322 = tpu.memref_slice %arg12[%run_scoped3A_304, %dma_wait3A_320, %dma_wait3A_321] : memref<3x96x128xf32, #tpu.memory_space<vmem>> -> memref<1x16x128xf32, #tpu.memory_space<vmem>>
        %dma_wait3A_323 = tpu.memref_squeeze %dma_wait3A_322 : memref<1x16x128xf32, #tpu.memory_space<vmem>> -> memref<16x128xf32, #tpu.memory_space<vmem>>
        %dma_wait3A_324 = arith.constant 9984 : i32
        %dma_wait3A_325 = arith.constant 0 : i32
        %dma_wait3A_326 = tpu.memref_slice %arg13[%dma_wait3A_324, %dma_wait3A_325] : memref<10000x128xf32, #tpu.memory_space<vmem_shared>> -> memref<16x128xf32, #tpu.memory_space<vmem_shared>>
        %dma_wait3A_327 = arith.constant 9984 : i32
        %dma_wait3A_328 = arith.constant 0 : i32
        %dma_wait3A_329 = tpu.memref_slice %arg13[%dma_wait3A_327, %dma_wait3A_328] : memref<10000x128xf32, #tpu.memory_space<vmem_shared>> -> memref<16x128xf32, #tpu.memory_space<vmem_shared>>
        %dma_wait3A_330 = arith.constant 0 : i32
        %dma_wait3A_331 = arith.constant 0 : i32
        %dma_wait3A_332 = tpu.memref_slice %arg12[%run_scoped3A_304, %dma_wait3A_330, %dma_wait3A_331] : memref<3x96x128xf32, #tpu.memory_space<vmem>> -> memref<1x16x128xf32, #tpu.memory_space<vmem>>
        %dma_wait3A_333 = tpu.memref_squeeze %dma_wait3A_332 : memref<1x16x128xf32, #tpu.memory_space<vmem>> -> memref<16x128xf32, #tpu.memory_space<vmem>>
        tpu.wait_dma2 semaphore(%run_scoped3A_305 : memref<!tpu.dma_semaphore, #tpu.memory_space<semaphore_mem>>) src(%dma_wait3A_333 : memref<16x128xf32, #tpu.memory_space<vmem>>) dst(%dma_wait3A_329 : memref<16x128xf32, #tpu.memory_space<vmem_shared>>)
        tpu.yield
      }) : () -> ()
    } else {
    }
    %mul3A_41 = arith.constant 160000 : i32
    %mul3A_42 = arith.muli %arg0, %mul3A_41 : i32
    %mul3A_43 = arith.constant 10000 : i32
    %mul3A_44 = arith.muli %arg1, %mul3A_43 : i32
    %add3A_45 = arith.addi %mul3A_42, %mul3A_44 : i32
    "tpu.region"() ({
      %run_scoped3A_304 = tpu.sem_alloc : memref<!tpu.dma_semaphore, #tpu.memory_space<semaphore_mem>>
      %dma_start3A_305 = tpu.memref_slice %arg2[%add3A_45] : memref<320000xi32, #tpu.memory_space<hbm>> -> memref<10000xi32, #tpu.memory_space<hbm>>
      %dma_start3A_306 = tpu.memref_slice %arg2[%add3A_45] : memref<320000xi32, #tpu.memory_space<hbm>> -> memref<10000xi32, #tpu.memory_space<hbm>>
      tpu.enqueue_dma source(%dma_start3A_306 : memref<10000xi32, #tpu.memory_space<hbm>>) target(%arg6 : memref<10000xi32, #tpu.memory_space<vmem>>) target_semaphore(%run_scoped3A_304 : memref<!tpu.dma_semaphore, #tpu.memory_space<semaphore_mem>>)
      %dma_wait3A_307 = tpu.memref_slice %arg2[%add3A_45] : memref<320000xi32, #tpu.memory_space<hbm>> -> memref<10000xi32, #tpu.memory_space<hbm>>
      %dma_wait3A_308 = tpu.memref_slice %arg2[%add3A_45] : memref<320000xi32, #tpu.memory_space<hbm>> -> memref<10000xi32, #tpu.memory_space<hbm>>
      tpu.wait_dma2 semaphore(%run_scoped3A_304 : memref<!tpu.dma_semaphore, #tpu.memory_space<semaphore_mem>>) src(%dma_wait3A_308 : memref<10000xi32, #tpu.memory_space<hbm>>) dst(%arg6 : memref<10000xi32, #tpu.memory_space<vmem>>)
      tpu.yield
    }) : () -> ()
    %barrier3A = arith.constant 0 : index
    tpu.barrier barrier_id(%barrier3A)
    %mul3A_46 = arith.constant 10000 : i32
    %mul3A_47 = arith.muli %arg1, %mul3A_46 : i32
    %add3A_48 = arith.constant 0 : i32
    %add3A_49 = arith.addi %mul3A_47, %add3A_48 : i32
    %dma_start3A = tpu.memref_slice %arg3[%add3A_49] : memref<160000xi32, #tpu.memory_space<hbm>> -> memref<96xi32, #tpu.memory_space<hbm>>
    %dma_start3A_50 = tpu.memref_slice %arg3[%add3A_49] : memref<160000xi32, #tpu.memory_space<hbm>> -> memref<96xi32, #tpu.memory_space<hbm>>
    tpu.enqueue_dma source(%dma_start3A_50 : memref<96xi32, #tpu.memory_space<hbm>>) target(%arg7 : memref<96xi32, #tpu.memory_space<vmem>>) target_semaphore(%arg17 : memref<!tpu.dma_semaphore, #tpu.memory_space<semaphore_mem>>)
    %dma_start3A_51 = arith.constant 0 : i32
    %dma_start3A_52 = arith.constant 0 : i32
    %dma_start3A_53 = arith.constant 0 : i32
    %dma_start3A_54 = tpu.memref_slice %arg12[%dma_start3A_51, %dma_start3A_52, %dma_start3A_53] : memref<3x96x128xf32, #tpu.memory_space<vmem>> -> memref<1x96x128xf32, #tpu.memory_space<vmem>>
    %dma_start3A_55 = tpu.memref_squeeze %dma_start3A_54 : memref<1x96x128xf32, #tpu.memory_space<vmem>> -> memref<96x128xf32, #tpu.memory_space<vmem>>
    %dma_start3A_56 = arith.constant 0 : i32
    %dma_start3A_57 = tpu.memref_slice %arg6[%dma_start3A_56] : memref<10000xi32, #tpu.memory_space<vmem>> -> memref<96xi32, #tpu.memory_space<vmem>>
    %dma_start3A_58 = arith.constant 0 : i32
    %dma_start3A_59 = arith.constant 0 : i32
    %dma_start3A_60 = tpu.memref_slice %arg4[%dma_start3A_58, %dma_start3A_59] : memref<20000x128xf32, #tpu.memory_space<hbm>> -> memref<20000x128xf32, #tpu.memory_space<hbm>>
    tpu.enqueue_indirect_dma source(%dma_start3A_60 : memref<20000x128xf32, #tpu.memory_space<hbm>>) target(%dma_start3A_55 : memref<96x128xf32, #tpu.memory_space<vmem>>) offsets(%dma_start3A_57 : memref<96xi32, #tpu.memory_space<vmem>>) semaphore(%arg14 : memref<!tpu.dma_semaphore, #tpu.memory_space<semaphore_mem>>)
    %mul3A_61 = arith.constant 10000 : i32
    %mul3A_62 = arith.muli %arg1, %mul3A_61 : i32
    %add3A_63 = arith.constant 96 : i32
    %add3A_64 = arith.addi %mul3A_62, %add3A_63 : i32
    %dma_start3A_65 = tpu.memref_slice %arg3[%add3A_64] : memref<160000xi32, #tpu.memory_space<hbm>> -> memref<96xi32, #tpu.memory_space<hbm>>
    %dma_start3A_66 = tpu.memref_slice %arg3[%add3A_64] : memref<160000xi32, #tpu.memory_space<hbm>> -> memref<96xi32, #tpu.memory_space<hbm>>
    tpu.enqueue_dma source(%dma_start3A_66 : memref<96xi32, #tpu.memory_space<hbm>>) target(%arg8 : memref<96xi32, #tpu.memory_space<vmem>>) target_semaphore(%arg18 : memref<!tpu.dma_semaphore, #tpu.memory_space<semaphore_mem>>)
    %dma_start3A_67 = arith.constant 1 : i32
    %dma_start3A_68 = arith.constant 0 : i32
    %dma_start3A_69 = arith.constant 0 : i32
    %dma_start3A_70 = tpu.memref_slice %arg12[%dma_start3A_67, %dma_start3A_68, %dma_start3A_69] : memref<3x96x128xf32, #tpu.memory_space<vmem>> -> memref<1x96x128xf32, #tpu.memory_space<vmem>>
    %dma_start3A_71 = tpu.memref_squeeze %dma_start3A_70 : memref<1x96x128xf32, #tpu.memory_space<vmem>> -> memref<96x128xf32, #tpu.memory_space<vmem>>
    %dma_start3A_72 = arith.constant 96 : i32
    %dma_start3A_73 = tpu.memref_slice %arg6[%dma_start3A_72] : memref<10000xi32, #tpu.memory_space<vmem>> -> memref<96xi32, #tpu.memory_space<vmem>>
    %dma_start3A_74 = arith.constant 0 : i32
    %dma_start3A_75 = arith.constant 0 : i32
    %dma_start3A_76 = tpu.memref_slice %arg4[%dma_start3A_74, %dma_start3A_75] : memref<20000x128xf32, #tpu.memory_space<hbm>> -> memref<20000x128xf32, #tpu.memory_space<hbm>>
    tpu.enqueue_indirect_dma source(%dma_start3A_76 : memref<20000x128xf32, #tpu.memory_space<hbm>>) target(%dma_start3A_71 : memref<96x128xf32, #tpu.memory_space<vmem>>) offsets(%dma_start3A_73 : memref<96xi32, #tpu.memory_space<vmem>>) semaphore(%arg15 : memref<!tpu.dma_semaphore, #tpu.memory_space<semaphore_mem>>)
    %dma_wait3A = arith.constant 0 : i32
    %dma_wait3A_77 = arith.constant 0 : i32
    %dma_wait3A_78 = arith.constant 0 : i32
    %dma_wait3A_79 = tpu.memref_slice %arg12[%dma_wait3A, %dma_wait3A_77, %dma_wait3A_78] : memref<3x96x128xf32, #tpu.memory_space<vmem>> -> memref<1x96x128xf32, #tpu.memory_space<vmem>>
    %dma_wait3A_80 = tpu.memref_squeeze %dma_wait3A_79 : memref<1x96x128xf32, #tpu.memory_space<vmem>> -> memref<96x128xf32, #tpu.memory_space<vmem>>
    %dma_wait3A_81 = arith.constant 0 : i32
    %dma_wait3A_82 = tpu.memref_slice %arg6[%dma_wait3A_81] : memref<10000xi32, #tpu.memory_space<vmem>> -> memref<96xi32, #tpu.memory_space<vmem>>
    %dma_wait3A_83 = arith.constant 0 : i32
    %dma_wait3A_84 = arith.constant 0 : i32
    %dma_wait3A_85 = tpu.memref_slice %arg4[%dma_wait3A_83, %dma_wait3A_84] : memref<20000x128xf32, #tpu.memory_space<hbm>> -> memref<20000x128xf32, #tpu.memory_space<hbm>>
    tpu.wait_indirect_dma semaphore(%arg14 : memref<!tpu.dma_semaphore, #tpu.memory_space<semaphore_mem>>) src(%dma_wait3A_85 : memref<20000x128xf32, #tpu.memory_space<hbm>>) dst(%dma_wait3A_80 : memref<96x128xf32, #tpu.memory_space<vmem>>)
    %dma_wait3A_86 = arith.constant 0 : i32
    %dma_wait3A_87 = tpu.memref_slice %arg3[%dma_wait3A_86] : memref<160000xi32, #tpu.memory_space<hbm>> -> memref<96xi32, #tpu.memory_space<hbm>>
    %dma_wait3A_88 = arith.constant 0 : i32
    %dma_wait3A_89 = tpu.memref_slice %arg3[%dma_wait3A_88] : memref<160000xi32, #tpu.memory_space<hbm>> -> memref<96xi32, #tpu.memory_space<hbm>>
    tpu.wait_dma2 semaphore(%arg17 : memref<!tpu.dma_semaphore, #tpu.memory_space<semaphore_mem>>) src(%dma_wait3A_89 : memref<96xi32, #tpu.memory_space<hbm>>) dst(%arg7 : memref<96xi32, #tpu.memory_space<vmem>>)
    %dma_start3A_90 = arith.constant 0 : i32
    %dma_start3A_91 = arith.constant 0 : i32
    %dma_start3A_92 = arith.constant 0 : i32
    %dma_start3A_93 = tpu.memref_slice %arg12[%dma_start3A_90, %dma_start3A_91, %dma_start3A_92] : memref<3x96x128xf32, #tpu.memory_space<vmem>> -> memref<1x96x128xf32, #tpu.memory_space<vmem>>
    %dma_start3A_94 = tpu.memref_squeeze %dma_start3A_93 : memref<1x96x128xf32, #tpu.memory_space<vmem>> -> memref<96x128xf32, #tpu.memory_space<vmem>>
    %dma_start3A_95 = arith.constant 0 : i32
    %dma_start3A_96 = arith.constant 0 : i32
    %dma_start3A_97 = tpu.memref_slice %arg13[%dma_start3A_95, %dma_start3A_96] : memref<10000x128xf32, #tpu.memory_space<vmem_shared>> -> memref<10000x128xf32, #tpu.memory_space<vmem_shared>>
    tpu.enqueue_indirect_dma source(%dma_start3A_94 : memref<96x128xf32, #tpu.memory_space<vmem>>) target(%dma_start3A_97 : memref<10000x128xf32, #tpu.memory_space<vmem_shared>>) offsets(%arg7 : memref<96xi32, #tpu.memory_space<vmem>>) semaphore(%arg20 : memref<!tpu.dma_semaphore, #tpu.memory_space<semaphore_mem>>) {add = true}
    %mul3A_98 = arith.constant 10000 : i32
    %mul3A_99 = arith.muli %arg1, %mul3A_98 : i32
    %add3A_100 = arith.constant 192 : i32
    %add3A_101 = arith.addi %mul3A_99, %add3A_100 : i32
    %dma_start3A_102 = tpu.memref_slice %arg3[%add3A_101] : memref<160000xi32, #tpu.memory_space<hbm>> -> memref<96xi32, #tpu.memory_space<hbm>>
    %dma_start3A_103 = tpu.memref_slice %arg3[%add3A_101] : memref<160000xi32, #tpu.memory_space<hbm>> -> memref<96xi32, #tpu.memory_space<hbm>>
    tpu.enqueue_dma source(%dma_start3A_103 : memref<96xi32, #tpu.memory_space<hbm>>) target(%arg9 : memref<96xi32, #tpu.memory_space<vmem>>) target_semaphore(%arg19 : memref<!tpu.dma_semaphore, #tpu.memory_space<semaphore_mem>>)
    %dma_start3A_104 = arith.constant 2 : i32
    %dma_start3A_105 = arith.constant 0 : i32
    %dma_start3A_106 = arith.constant 0 : i32
    %dma_start3A_107 = tpu.memref_slice %arg12[%dma_start3A_104, %dma_start3A_105, %dma_start3A_106] : memref<3x96x128xf32, #tpu.memory_space<vmem>> -> memref<1x96x128xf32, #tpu.memory_space<vmem>>
    %dma_start3A_108 = tpu.memref_squeeze %dma_start3A_107 : memref<1x96x128xf32, #tpu.memory_space<vmem>> -> memref<96x128xf32, #tpu.memory_space<vmem>>
    %dma_start3A_109 = arith.constant 192 : i32
    %dma_start3A_110 = tpu.memref_slice %arg6[%dma_start3A_109] : memref<10000xi32, #tpu.memory_space<vmem>> -> memref<96xi32, #tpu.memory_space<vmem>>
    %dma_start3A_111 = arith.constant 0 : i32
    %dma_start3A_112 = arith.constant 0 : i32
    %dma_start3A_113 = tpu.memref_slice %arg4[%dma_start3A_111, %dma_start3A_112] : memref<20000x128xf32, #tpu.memory_space<hbm>> -> memref<20000x128xf32, #tpu.memory_space<hbm>>
    tpu.enqueue_indirect_dma source(%dma_start3A_113 : memref<20000x128xf32, #tpu.memory_space<hbm>>) target(%dma_start3A_108 : memref<96x128xf32, #tpu.memory_space<vmem>>) offsets(%dma_start3A_110 : memref<96xi32, #tpu.memory_space<vmem>>) semaphore(%arg16 : memref<!tpu.dma_semaphore, #tpu.memory_space<semaphore_mem>>)
    %dma_wait3A_114 = arith.constant 1 : i32
    %dma_wait3A_115 = arith.constant 0 : i32
    %dma_wait3A_116 = arith.constant 0 : i32
    %dma_wait3A_117 = tpu.memref_slice %arg12[%dma_wait3A_114, %dma_wait3A_115, %dma_wait3A_116] : memref<3x96x128xf32, #tpu.memory_space<vmem>> -> memref<1x96x128xf32, #tpu.memory_space<vmem>>
    %dma_wait3A_118 = tpu.memref_squeeze %dma_wait3A_117 : memref<1x96x128xf32, #tpu.memory_space<vmem>> -> memref<96x128xf32, #tpu.memory_space<vmem>>
    %dma_wait3A_119 = arith.constant 0 : i32
    %dma_wait3A_120 = tpu.memref_slice %arg6[%dma_wait3A_119] : memref<10000xi32, #tpu.memory_space<vmem>> -> memref<96xi32, #tpu.memory_space<vmem>>
    %dma_wait3A_121 = arith.constant 0 : i32
    %dma_wait3A_122 = arith.constant 0 : i32
    %dma_wait3A_123 = tpu.memref_slice %arg4[%dma_wait3A_121, %dma_wait3A_122] : memref<20000x128xf32, #tpu.memory_space<hbm>> -> memref<20000x128xf32, #tpu.memory_space<hbm>>
    tpu.wait_indirect_dma semaphore(%arg15 : memref<!tpu.dma_semaphore, #tpu.memory_space<semaphore_mem>>) src(%dma_wait3A_123 : memref<20000x128xf32, #tpu.memory_space<hbm>>) dst(%dma_wait3A_118 : memref<96x128xf32, #tpu.memory_space<vmem>>)
    %dma_wait3A_124 = arith.constant 0 : i32
    %dma_wait3A_125 = tpu.memref_slice %arg3[%dma_wait3A_124] : memref<160000xi32, #tpu.memory_space<hbm>> -> memref<96xi32, #tpu.memory_space<hbm>>
    %dma_wait3A_126 = arith.constant 0 : i32
    %dma_wait3A_127 = tpu.memref_slice %arg3[%dma_wait3A_126] : memref<160000xi32, #tpu.memory_space<hbm>> -> memref<96xi32, #tpu.memory_space<hbm>>
    tpu.wait_dma2 semaphore(%arg18 : memref<!tpu.dma_semaphore, #tpu.memory_space<semaphore_mem>>) src(%dma_wait3A_127 : memref<96xi32, #tpu.memory_space<hbm>>) dst(%arg8 : memref<96xi32, #tpu.memory_space<vmem>>)
    %dma_start3A_128 = arith.constant 1 : i32
    %dma_start3A_129 = arith.constant 0 : i32
    %dma_start3A_130 = arith.constant 0 : i32
    %dma_start3A_131 = tpu.memref_slice %arg12[%dma_start3A_128, %dma_start3A_129, %dma_start3A_130] : memref<3x96x128xf32, #tpu.memory_space<vmem>> -> memref<1x96x128xf32, #tpu.memory_space<vmem>>
    %dma_start3A_132 = tpu.memref_squeeze %dma_start3A_131 : memref<1x96x128xf32, #tpu.memory_space<vmem>> -> memref<96x128xf32, #tpu.memory_space<vmem>>
    %dma_start3A_133 = arith.constant 0 : i32
    %dma_start3A_134 = arith.constant 0 : i32
    %dma_start3A_135 = tpu.memref_slice %arg13[%dma_start3A_133, %dma_start3A_134] : memref<10000x128xf32, #tpu.memory_space<vmem_shared>> -> memref<10000x128xf32, #tpu.memory_space<vmem_shared>>
    tpu.enqueue_indirect_dma source(%dma_start3A_132 : memref<96x128xf32, #tpu.memory_space<vmem>>) target(%dma_start3A_135 : memref<10000x128xf32, #tpu.memory_space<vmem_shared>>) offsets(%arg8 : memref<96xi32, #tpu.memory_space<vmem>>) semaphore(%arg21 : memref<!tpu.dma_semaphore, #tpu.memory_space<semaphore_mem>>) {add = true}
    %dma_wait3A_136 = arith.constant 0 : i32
    %dma_wait3A_137 = arith.constant 0 : i32
    %dma_wait3A_138 = arith.constant 0 : i32
    %dma_wait3A_139 = tpu.memref_slice %arg12[%dma_wait3A_136, %dma_wait3A_137, %dma_wait3A_138] : memref<3x96x128xf32, #tpu.memory_space<vmem>> -> memref<1x96x128xf32, #tpu.memory_space<vmem>>
    %dma_wait3A_140 = tpu.memref_squeeze %dma_wait3A_139 : memref<1x96x128xf32, #tpu.memory_space<vmem>> -> memref<96x128xf32, #tpu.memory_space<vmem>>
    %dma_wait3A_141 = arith.constant 0 : i32
    %dma_wait3A_142 = arith.constant 0 : i32
    %dma_wait3A_143 = tpu.memref_slice %arg13[%dma_wait3A_141, %dma_wait3A_142] : memref<10000x128xf32, #tpu.memory_space<vmem_shared>> -> memref<10000x128xf32, #tpu.memory_space<vmem_shared>>
    tpu.wait_indirect_dma semaphore(%arg20 : memref<!tpu.dma_semaphore, #tpu.memory_space<semaphore_mem>>) src(%dma_wait3A_140 : memref<96x128xf32, #tpu.memory_space<vmem>>) dst(%dma_wait3A_143 : memref<10000x128xf32, #tpu.memory_space<vmem_shared>>)
    %mul3A_144 = arith.constant 10000 : i32
    %mul3A_145 = arith.muli %arg1, %mul3A_144 : i32
    %add3A_146 = arith.constant 288 : i32
    %add3A_147 = arith.addi %mul3A_145, %add3A_146 : i32
    %dma_start3A_148 = tpu.memref_slice %arg3[%add3A_147] : memref<160000xi32, #tpu.memory_space<hbm>> -> memref<96xi32, #tpu.memory_space<hbm>>
    %dma_start3A_149 = tpu.memref_slice %arg3[%add3A_147] : memref<160000xi32, #tpu.memory_space<hbm>> -> memref<96xi32, #tpu.memory_space<hbm>>
    tpu.enqueue_dma source(%dma_start3A_149 : memref<96xi32, #tpu.memory_space<hbm>>) target(%arg7 : memref<96xi32, #tpu.memory_space<vmem>>) target_semaphore(%arg17 : memref<!tpu.dma_semaphore, #tpu.memory_space<semaphore_mem>>)
    %dma_start3A_150 = arith.constant 0 : i32
    %dma_start3A_151 = arith.constant 0 : i32
    %dma_start3A_152 = arith.constant 0 : i32
    %dma_start3A_153 = tpu.memref_slice %arg12[%dma_start3A_150, %dma_start3A_151, %dma_start3A_152] : memref<3x96x128xf32, #tpu.memory_space<vmem>> -> memref<1x96x128xf32, #tpu.memory_space<vmem>>
    %dma_start3A_154 = tpu.memref_squeeze %dma_start3A_153 : memref<1x96x128xf32, #tpu.memory_space<vmem>> -> memref<96x128xf32, #tpu.memory_space<vmem>>
    %dma_start3A_155 = arith.constant 288 : i32
    %dma_start3A_156 = tpu.memref_slice %arg6[%dma_start3A_155] : memref<10000xi32, #tpu.memory_space<vmem>> -> memref<96xi32, #tpu.memory_space<vmem>>
    %dma_start3A_157 = arith.constant 0 : i32
    %dma_start3A_158 = arith.constant 0 : i32
    %dma_start3A_159 = tpu.memref_slice %arg4[%dma_start3A_157, %dma_start3A_158] : memref<20000x128xf32, #tpu.memory_space<hbm>> -> memref<20000x128xf32, #tpu.memory_space<hbm>>
    tpu.enqueue_indirect_dma source(%dma_start3A_159 : memref<20000x128xf32, #tpu.memory_space<hbm>>) target(%dma_start3A_154 : memref<96x128xf32, #tpu.memory_space<vmem>>) offsets(%dma_start3A_156 : memref<96xi32, #tpu.memory_space<vmem>>) semaphore(%arg14 : memref<!tpu.dma_semaphore, #tpu.memory_space<semaphore_mem>>)
    %dma_wait3A_160 = arith.constant 2 : i32
    %dma_wait3A_161 = arith.constant 0 : i32
    %dma_wait3A_162 = arith.constant 0 : i32
    %dma_wait3A_163 = tpu.memref_slice %arg12[%dma_wait3A_160, %dma_wait3A_161, %dma_wait3A_162] : memref<3x96x128xf32, #tpu.memory_space<vmem>> -> memref<1x96x128xf32, #tpu.memory_space<vmem>>
    %dma_wait3A_164 = tpu.memref_squeeze %dma_wait3A_163 : memref<1x96x128xf32, #tpu.memory_space<vmem>> -> memref<96x128xf32, #tpu.memory_space<vmem>>
    %dma_wait3A_165 = arith.constant 0 : i32
    %dma_wait3A_166 = tpu.memref_slice %arg6[%dma_wait3A_165] : memref<10000xi32, #tpu.memory_space<vmem>> -> memref<96xi32, #tpu.memory_space<vmem>>
    %dma_wait3A_167 = arith.constant 0 : i32
    %dma_wait3A_168 = arith.constant 0 : i32
    %dma_wait3A_169 = tpu.memref_slice %arg4[%dma_wait3A_167, %dma_wait3A_168] : memref<20000x128xf32, #tpu.memory_space<hbm>> -> memref<20000x128xf32, #tpu.memory_space<hbm>>
    tpu.wait_indirect_dma semaphore(%arg16 : memref<!tpu.dma_semaphore, #tpu.memory_space<semaphore_mem>>) src(%dma_wait3A_169 : memref<20000x128xf32, #tpu.memory_space<hbm>>) dst(%dma_wait3A_164 : memref<96x128xf32, #tpu.memory_space<vmem>>)
    %dma_wait3A_170 = arith.constant 0 : i32
    %dma_wait3A_171 = tpu.memref_slice %arg3[%dma_wait3A_170] : memref<160000xi32, #tpu.memory_space<hbm>> -> memref<96xi32, #tpu.memory_space<hbm>>
    %dma_wait3A_172 = arith.constant 0 : i32
    %dma_wait3A_173 = tpu.memref_slice %arg3[%dma_wait3A_172] : memref<160000xi32, #tpu.memory_space<hbm>> -> memref<96xi32, #tpu.memory_space<hbm>>
    tpu.wait_dma2 semaphore(%arg19 : memref<!tpu.dma_semaphore, #tpu.memory_space<semaphore_mem>>) src(%dma_wait3A_173 : memref<96xi32, #tpu.memory_space<hbm>>) dst(%arg9 : memref<96xi32, #tpu.memory_space<vmem>>)
    %dma_start3A_174 = arith.constant 2 : i32
    %dma_start3A_175 = arith.constant 0 : i32
    %dma_start3A_176 = arith.constant 0 : i32
    %dma_start3A_177 = tpu.memref_slice %arg12[%dma_start3A_174, %dma_start3A_175, %dma_start3A_176] : memref<3x96x128xf32, #tpu.memory_space<vmem>> -> memref<1x96x128xf32, #tpu.memory_space<vmem>>
    %dma_start3A_178 = tpu.memref_squeeze %dma_start3A_177 : memref<1x96x128xf32, #tpu.memory_space<vmem>> -> memref<96x128xf32, #tpu.memory_space<vmem>>
    %dma_start3A_179 = arith.constant 0 : i32
    %dma_start3A_180 = arith.constant 0 : i32
    %dma_start3A_181 = tpu.memref_slice %arg13[%dma_start3A_179, %dma_start3A_180] : memref<10000x128xf32, #tpu.memory_space<vmem_shared>> -> memref<10000x128xf32, #tpu.memory_space<vmem_shared>>
    tpu.enqueue_indirect_dma source(%dma_start3A_178 : memref<96x128xf32, #tpu.memory_space<vmem>>) target(%dma_start3A_181 : memref<10000x128xf32, #tpu.memory_space<vmem_shared>>) offsets(%arg9 : memref<96xi32, #tpu.memory_space<vmem>>) semaphore(%arg22 : memref<!tpu.dma_semaphore, #tpu.memory_space<semaphore_mem>>) {add = true}
    %dma_wait3A_182 = arith.constant 1 : i32
    %dma_wait3A_183 = arith.constant 0 : i32
    %dma_wait3A_184 = arith.constant 0 : i32
    %dma_wait3A_185 = tpu.memref_slice %arg12[%dma_wait3A_182, %dma_wait3A_183, %dma_wait3A_184] : memref<3x96x128xf32, #tpu.memory_space<vmem>> -> memref<1x96x128xf32, #tpu.memory_space<vmem>>
    %dma_wait3A_186 = tpu.memref_squeeze %dma_wait3A_185 : memref<1x96x128xf32, #tpu.memory_space<vmem>> -> memref<96x128xf32, #tpu.memory_space<vmem>>
    %dma_wait3A_187 = arith.constant 0 : i32
    %dma_wait3A_188 = arith.constant 0 : i32
    %dma_wait3A_189 = tpu.memref_slice %arg13[%dma_wait3A_187, %dma_wait3A_188] : memref<10000x128xf32, #tpu.memory_space<vmem_shared>> -> memref<10000x128xf32, #tpu.memory_space<vmem_shared>>
    tpu.wait_indirect_dma semaphore(%arg21 : memref<!tpu.dma_semaphore, #tpu.memory_space<semaphore_mem>>) src(%dma_wait3A_186 : memref<96x128xf32, #tpu.memory_space<vmem>>) dst(%dma_wait3A_189 : memref<10000x128xf32, #tpu.memory_space<vmem_shared>>)
    %mul3A_190 = arith.constant 10000 : i32
    %mul3A_191 = arith.muli %arg1, %mul3A_190 : i32
    %add3A_192 = arith.constant 384 : i32
    %add3A_193 = arith.addi %mul3A_191, %add3A_192 : i32
    %dma_start3A_194 = tpu.memref_slice %arg3[%add3A_193] : memref<160000xi32, #tpu.memory_space<hbm>> -> memref<96xi32, #tpu.memory_space<hbm>>
    %dma_start3A_195 = tpu.memref_slice %arg3[%add3A_193] : memref<160000xi32, #tpu.memory_space<hbm>> -> memref<96xi32, #tpu.memory_space<hbm>>
    tpu.enqueue_dma source(%dma_start3A_195 : memref<96xi32, #tpu.memory_space<hbm>>) target(%arg8 : memref<96xi32, #tpu.memory_space<vmem>>) target_semaphore(%arg18 : memref<!tpu.dma_semaphore, #tpu.memory_space<semaphore_mem>>)
    %dma_start3A_196 = arith.constant 1 : i32
    %dma_start3A_197 = arith.constant 0 : i32
    %dma_start3A_198 = arith.constant 0 : i32
    %dma_start3A_199 = tpu.memref_slice %arg12[%dma_start3A_196, %dma_start3A_197, %dma_start3A_198] : memref<3x96x128xf32, #tpu.memory_space<vmem>> -> memref<1x96x128xf32, #tpu.memory_space<vmem>>
    %dma_start3A_200 = tpu.memref_squeeze %dma_start3A_199 : memref<1x96x128xf32, #tpu.memory_space<vmem>> -> memref<96x128xf32, #tpu.memory_space<vmem>>
    %dma_start3A_201 = arith.constant 384 : i32
    %dma_start3A_202 = tpu.memref_slice %arg6[%dma_start3A_201] : memref<10000xi32, #tpu.memory_space<vmem>> -> memref<96xi32, #tpu.memory_space<vmem>>
    %dma_start3A_203 = arith.constant 0 : i32
    %dma_start3A_204 = arith.constant 0 : i32
    %dma_start3A_205 = tpu.memref_slice %arg4[%dma_start3A_203, %dma_start3A_204] : memref<20000x128xf32, #tpu.memory_space<hbm>> -> memref<20000x128xf32, #tpu.memory_space<hbm>>
    tpu.enqueue_indirect_dma source(%dma_start3A_205 : memref<20000x128xf32, #tpu.memory_space<hbm>>) target(%dma_start3A_200 : memref<96x128xf32, #tpu.memory_space<vmem>>) offsets(%dma_start3A_202 : memref<96xi32, #tpu.memory_space<vmem>>) semaphore(%arg15 : memref<!tpu.dma_semaphore, #tpu.memory_space<semaphore_mem>>)
    %scan3A_206 = arith.constant 0 : i32
    %scan3A_207 = arith.constant 0 : i32
    %scan3A_208 = arith.constant 33 : i32
    %scan3A_209 = arith.addi %scan3A_207, %scan3A_208 : i32
    %scan3A_210 = arith.constant 1 : i32
    scf.for %scan3A_304 = %scan3A_207 to %scan3A_209 step %scan3A_210  : i32 {
      %mul3A_305 = arith.constant 3 : i32
      %mul3A_306 = arith.muli %mul3A_305, %scan3A_304 : i32
      %add3A_307 = arith.constant 3 : i32
      %add3A_308 = arith.addi %mul3A_306, %add3A_307 : i32
      %add3A_309 = arith.constant 0 : i32
      %add3A_310 = arith.addi %add3A_308, %add3A_309 : i32
      %dma_wait3A_311 = arith.constant 0 : i32
      %dma_wait3A_312 = arith.constant 0 : i32
      %dma_wait3A_313 = arith.constant 0 : i32
      %dma_wait3A_314 = tpu.memref_slice %arg12[%dma_wait3A_311, %dma_wait3A_312, %dma_wait3A_313] : memref<3x96x128xf32, #tpu.memory_space<vmem>> -> memref<1x96x128xf32, #tpu.memory_space<vmem>>
      %dma_wait3A_315 = tpu.memref_squeeze %dma_wait3A_314 : memref<1x96x128xf32, #tpu.memory_space<vmem>> -> memref<96x128xf32, #tpu.memory_space<vmem>>
      %dma_wait3A_316 = arith.constant 0 : i32
      %dma_wait3A_317 = tpu.memref_slice %arg6[%dma_wait3A_316] : memref<10000xi32, #tpu.memory_space<vmem>> -> memref<96xi32, #tpu.memory_space<vmem>>
      %dma_wait3A_318 = arith.constant 0 : i32
      %dma_wait3A_319 = arith.constant 0 : i32
      %dma_wait3A_320 = tpu.memref_slice %arg4[%dma_wait3A_318, %dma_wait3A_319] : memref<20000x128xf32, #tpu.memory_space<hbm>> -> memref<20000x128xf32, #tpu.memory_space<hbm>>
      tpu.wait_indirect_dma semaphore(%arg14 : memref<!tpu.dma_semaphore, #tpu.memory_space<semaphore_mem>>) src(%dma_wait3A_320 : memref<20000x128xf32, #tpu.memory_space<hbm>>) dst(%dma_wait3A_315 : memref<96x128xf32, #tpu.memory_space<vmem>>)
      %dma_wait3A_321 = arith.constant 0 : i32
      %dma_wait3A_322 = tpu.memref_slice %arg3[%dma_wait3A_321] : memref<160000xi32, #tpu.memory_space<hbm>> -> memref<96xi32, #tpu.memory_space<hbm>>
      %dma_wait3A_323 = arith.constant 0 : i32
      %dma_wait3A_324 = tpu.memref_slice %arg3[%dma_wait3A_323] : memref<160000xi32, #tpu.memory_space<hbm>> -> memref<96xi32, #tpu.memory_space<hbm>>
      tpu.wait_dma2 semaphore(%arg17 : memref<!tpu.dma_semaphore, #tpu.memory_space<semaphore_mem>>) src(%dma_wait3A_324 : memref<96xi32, #tpu.memory_space<hbm>>) dst(%arg7 : memref<96xi32, #tpu.memory_space<vmem>>)
      %dma_start3A_325 = arith.constant 0 : i32
      %dma_start3A_326 = arith.constant 0 : i32
      %dma_start3A_327 = arith.constant 0 : i32
      %dma_start3A_328 = tpu.memref_slice %arg12[%dma_start3A_325, %dma_start3A_326, %dma_start3A_327] : memref<3x96x128xf32, #tpu.memory_space<vmem>> -> memref<1x96x128xf32, #tpu.memory_space<vmem>>
      %dma_start3A_329 = tpu.memref_squeeze %dma_start3A_328 : memref<1x96x128xf32, #tpu.memory_space<vmem>> -> memref<96x128xf32, #tpu.memory_space<vmem>>
      %dma_start3A_330 = arith.constant 0 : i32
      %dma_start3A_331 = arith.constant 0 : i32
      %dma_start3A_332 = tpu.memref_slice %arg13[%dma_start3A_330, %dma_start3A_331] : memref<10000x128xf32, #tpu.memory_space<vmem_shared>> -> memref<10000x128xf32, #tpu.memory_space<vmem_shared>>
      tpu.enqueue_indirect_dma source(%dma_start3A_329 : memref<96x128xf32, #tpu.memory_space<vmem>>) target(%dma_start3A_332 : memref<10000x128xf32, #tpu.memory_space<vmem_shared>>) offsets(%arg7 : memref<96xi32, #tpu.memory_space<vmem>>) semaphore(%arg20 : memref<!tpu.dma_semaphore, #tpu.memory_space<semaphore_mem>>) {add = true}
      %dma_wait3A_333 = arith.constant 2 : i32
      %dma_wait3A_334 = arith.constant 0 : i32
      %dma_wait3A_335 = arith.constant 0 : i32
      %dma_wait3A_336 = tpu.memref_slice %arg12[%dma_wait3A_333, %dma_wait3A_334, %dma_wait3A_335] : memref<3x96x128xf32, #tpu.memory_space<vmem>> -> memref<1x96x128xf32, #tpu.memory_space<vmem>>
      %dma_wait3A_337 = tpu.memref_squeeze %dma_wait3A_336 : memref<1x96x128xf32, #tpu.memory_space<vmem>> -> memref<96x128xf32, #tpu.memory_space<vmem>>
      %dma_wait3A_338 = arith.constant 0 : i32
      %dma_wait3A_339 = arith.constant 0 : i32
      %dma_wait3A_340 = tpu.memref_slice %arg13[%dma_wait3A_338, %dma_wait3A_339] : memref<10000x128xf32, #tpu.memory_space<vmem_shared>> -> memref<10000x128xf32, #tpu.memory_space<vmem_shared>>
      tpu.wait_indirect_dma semaphore(%arg22 : memref<!tpu.dma_semaphore, #tpu.memory_space<semaphore_mem>>) src(%dma_wait3A_337 : memref<96x128xf32, #tpu.memory_space<vmem>>) dst(%dma_wait3A_340 : memref<10000x128xf32, #tpu.memory_space<vmem_shared>>)
      %add3A_341 = arith.constant 3 : i32
      %add3A_342 = arith.addi %add3A_310, %add3A_341 : i32
      %sub3A_343 = arith.constant 1 : i32
      %sub3A_344 = arith.subi %add3A_342, %sub3A_343 : i32
      %lt3A = arith.constant 104 : i32
      %lt3A_345 = arith.cmpi slt, %sub3A_344, %lt3A : i32
      %convert_element_type3A_346 = arith.extui %lt3A_345 : i1 to i32
      %cond3A_347 = arith.constant 0 : i32
      %cond3A_348 = arith.cmpi ne, %convert_element_type3A_346, %cond3A_347 : i32
      scf.if %cond3A_348 {
        %add3A_431 = arith.constant 3 : i32
        %add3A_432 = arith.addi %add3A_310, %add3A_431 : i32
        %sub3A_433 = arith.constant 1 : i32
        %sub3A_434 = arith.subi %add3A_432, %sub3A_433 : i32
        %mul3A_435 = arith.constant 10000 : i32
        %mul3A_436 = arith.muli %arg1, %mul3A_435 : i32
        %mul3A_437 = arith.constant 96 : i32
        %mul3A_438 = arith.muli %sub3A_434, %mul3A_437 : i32
        %add3A_439 = arith.addi %mul3A_436, %mul3A_438 : i32
        %dma_start3A_440 = tpu.memref_slice %arg3[%add3A_439] : memref<160000xi32, #tpu.memory_space<hbm>> -> memref<96xi32, #tpu.memory_space<hbm>>
        %dma_start3A_441 = tpu.memref_slice %arg3[%add3A_439] : memref<160000xi32, #tpu.memory_space<hbm>> -> memref<96xi32, #tpu.memory_space<hbm>>
        tpu.enqueue_dma source(%dma_start3A_441 : memref<96xi32, #tpu.memory_space<hbm>>) target(%arg9 : memref<96xi32, #tpu.memory_space<vmem>>) target_semaphore(%arg19 : memref<!tpu.dma_semaphore, #tpu.memory_space<semaphore_mem>>)
        %add3A_442 = arith.constant 3 : i32
        %add3A_443 = arith.addi %add3A_310, %add3A_442 : i32
        %sub3A_444 = arith.constant 1 : i32
        %sub3A_445 = arith.subi %add3A_443, %sub3A_444 : i32
        %mul3A_446 = arith.constant 96 : i32
        %mul3A_447 = arith.muli %sub3A_445, %mul3A_446 : i32
        %dma_start3A_448 = arith.constant 2 : i32
        %dma_start3A_449 = arith.constant 0 : i32
        %dma_start3A_450 = arith.constant 0 : i32
        %dma_start3A_451 = tpu.memref_slice %arg12[%dma_start3A_448, %dma_start3A_449, %dma_start3A_450] : memref<3x96x128xf32, #tpu.memory_space<vmem>> -> memref<1x96x128xf32, #tpu.memory_space<vmem>>
        %dma_start3A_452 = tpu.memref_squeeze %dma_start3A_451 : memref<1x96x128xf32, #tpu.memory_space<vmem>> -> memref<96x128xf32, #tpu.memory_space<vmem>>
        %dma_start3A_453 = tpu.memref_slice %arg6[%mul3A_447] : memref<10000xi32, #tpu.memory_space<vmem>> -> memref<96xi32, #tpu.memory_space<vmem>>
        %dma_start3A_454 = arith.constant 0 : i32
        %dma_start3A_455 = arith.constant 0 : i32
        %dma_start3A_456 = tpu.memref_slice %arg4[%dma_start3A_454, %dma_start3A_455] : memref<20000x128xf32, #tpu.memory_space<hbm>> -> memref<20000x128xf32, #tpu.memory_space<hbm>>
        tpu.enqueue_indirect_dma source(%dma_start3A_456 : memref<20000x128xf32, #tpu.memory_space<hbm>>) target(%dma_start3A_452 : memref<96x128xf32, #tpu.memory_space<vmem>>) offsets(%dma_start3A_453 : memref<96xi32, #tpu.memory_space<vmem>>) semaphore(%arg16 : memref<!tpu.dma_semaphore, #tpu.memory_space<semaphore_mem>>)
      } else {
      }
      %add3A_349 = arith.constant 1 : i32
      %add3A_350 = arith.addi %add3A_308, %add3A_349 : i32
      %dma_wait3A_351 = arith.constant 1 : i32
      %dma_wait3A_352 = arith.constant 0 : i32
      %dma_wait3A_353 = arith.constant 0 : i32
      %dma_wait3A_354 = tpu.memref_slice %arg12[%dma_wait3A_351, %dma_wait3A_352, %dma_wait3A_353] : memref<3x96x128xf32, #tpu.memory_space<vmem>> -> memref<1x96x128xf32, #tpu.memory_space<vmem>>
      %dma_wait3A_355 = tpu.memref_squeeze %dma_wait3A_354 : memref<1x96x128xf32, #tpu.memory_space<vmem>> -> memref<96x128xf32, #tpu.memory_space<vmem>>
      %dma_wait3A_356 = arith.constant 0 : i32
      %dma_wait3A_357 = tpu.memref_slice %arg6[%dma_wait3A_356] : memref<10000xi32, #tpu.memory_space<vmem>> -> memref<96xi32, #tpu.memory_space<vmem>>
      %dma_wait3A_358 = arith.constant 0 : i32
      %dma_wait3A_359 = arith.constant 0 : i32
      %dma_wait3A_360 = tpu.memref_slice %arg4[%dma_wait3A_358, %dma_wait3A_359] : memref<20000x128xf32, #tpu.memory_space<hbm>> -> memref<20000x128xf32, #tpu.memory_space<hbm>>
      tpu.wait_indirect_dma semaphore(%arg15 : memref<!tpu.dma_semaphore, #tpu.memory_space<semaphore_mem>>) src(%dma_wait3A_360 : memref<20000x128xf32, #tpu.memory_space<hbm>>) dst(%dma_wait3A_355 : memref<96x128xf32, #tpu.memory_space<vmem>>)
      %dma_wait3A_361 = arith.constant 0 : i32
      %dma_wait3A_362 = tpu.memref_slice %arg3[%dma_wait3A_361] : memref<160000xi32, #tpu.memory_space<hbm>> -> memref<96xi32, #tpu.memory_space<hbm>>
      %dma_wait3A_363 = arith.constant 0 : i32
      %dma_wait3A_364 = tpu.memref_slice %arg3[%dma_wait3A_363] : memref<160000xi32, #tpu.memory_space<hbm>> -> memref<96xi32, #tpu.memory_space<hbm>>
      tpu.wait_dma2 semaphore(%arg18 : memref<!tpu.dma_semaphore, #tpu.memory_space<semaphore_mem>>) src(%dma_wait3A_364 : memref<96xi32, #tpu.memory_space<hbm>>) dst(%arg8 : memref<96xi32, #tpu.memory_space<vmem>>)
      %dma_start3A_365 = arith.constant 1 : i32
      %dma_start3A_366 = arith.constant 0 : i32
      %dma_start3A_367 = arith.constant 0 : i32
      %dma_start3A_368 = tpu.memref_slice %arg12[%dma_start3A_365, %dma_start3A_366, %dma_start3A_367] : memref<3x96x128xf32, #tpu.memory_space<vmem>> -> memref<1x96x128xf32, #tpu.memory_space<vmem>>
      %dma_start3A_369 = tpu.memref_squeeze %dma_start3A_368 : memref<1x96x128xf32, #tpu.memory_space<vmem>> -> memref<96x128xf32, #tpu.memory_space<vmem>>
      %dma_start3A_370 = arith.constant 0 : i32
      %dma_start3A_371 = arith.constant 0 : i32
      %dma_start3A_372 = tpu.memref_slice %arg13[%dma_start3A_370, %dma_start3A_371] : memref<10000x128xf32, #tpu.memory_space<vmem_shared>> -> memref<10000x128xf32, #tpu.memory_space<vmem_shared>>
      tpu.enqueue_indirect_dma source(%dma_start3A_369 : memref<96x128xf32, #tpu.memory_space<vmem>>) target(%dma_start3A_372 : memref<10000x128xf32, #tpu.memory_space<vmem_shared>>) offsets(%arg8 : memref<96xi32, #tpu.memory_space<vmem>>) semaphore(%arg21 : memref<!tpu.dma_semaphore, #tpu.memory_space<semaphore_mem>>) {add = true}
      %dma_wait3A_373 = arith.constant 0 : i32
      %dma_wait3A_374 = arith.constant 0 : i32
      %dma_wait3A_375 = arith.constant 0 : i32
      %dma_wait3A_376 = tpu.memref_slice %arg12[%dma_wait3A_373, %dma_wait3A_374, %dma_wait3A_375] : memref<3x96x128xf32, #tpu.memory_space<vmem>> -> memref<1x96x128xf32, #tpu.memory_space<vmem>>
      %dma_wait3A_377 = tpu.memref_squeeze %dma_wait3A_376 : memref<1x96x128xf32, #tpu.memory_space<vmem>> -> memref<96x128xf32, #tpu.memory_space<vmem>>
      %dma_wait3A_378 = arith.constant 0 : i32
      %dma_wait3A_379 = arith.constant 0 : i32
      %dma_wait3A_380 = tpu.memref_slice %arg13[%dma_wait3A_378, %dma_wait3A_379] : memref<10000x128xf32, #tpu.memory_space<vmem_shared>> -> memref<10000x128xf32, #tpu.memory_space<vmem_shared>>
      tpu.wait_indirect_dma semaphore(%arg20 : memref<!tpu.dma_semaphore, #tpu.memory_space<semaphore_mem>>) src(%dma_wait3A_377 : memref<96x128xf32, #tpu.memory_space<vmem>>) dst(%dma_wait3A_380 : memref<10000x128xf32, #tpu.memory_space<vmem_shared>>)
      %add3A_381 = arith.constant 3 : i32
      %add3A_382 = arith.addi %add3A_350, %add3A_381 : i32
      %sub3A_383 = arith.constant 1 : i32
      %sub3A_384 = arith.subi %add3A_382, %sub3A_383 : i32
      %lt3A_385 = arith.constant 104 : i32
      %lt3A_386 = arith.cmpi slt, %sub3A_384, %lt3A_385 : i32
      %convert_element_type3A_387 = arith.extui %lt3A_386 : i1 to i32
      %cond3A_388 = arith.constant 0 : i32
      %cond3A_389 = arith.cmpi ne, %convert_element_type3A_387, %cond3A_388 : i32
      scf.if %cond3A_389 {
        %add3A_431 = arith.constant 3 : i32
        %add3A_432 = arith.addi %add3A_350, %add3A_431 : i32
        %sub3A_433 = arith.constant 1 : i32
        %sub3A_434 = arith.subi %add3A_432, %sub3A_433 : i32
        %mul3A_435 = arith.constant 10000 : i32
        %mul3A_436 = arith.muli %arg1, %mul3A_435 : i32
        %mul3A_437 = arith.constant 96 : i32
        %mul3A_438 = arith.muli %sub3A_434, %mul3A_437 : i32
        %add3A_439 = arith.addi %mul3A_436, %mul3A_438 : i32
        %dma_start3A_440 = tpu.memref_slice %arg3[%add3A_439] : memref<160000xi32, #tpu.memory_space<hbm>> -> memref<96xi32, #tpu.memory_space<hbm>>
        %dma_start3A_441 = tpu.memref_slice %arg3[%add3A_439] : memref<160000xi32, #tpu.memory_space<hbm>> -> memref<96xi32, #tpu.memory_space<hbm>>
        tpu.enqueue_dma source(%dma_start3A_441 : memref<96xi32, #tpu.memory_space<hbm>>) target(%arg7 : memref<96xi32, #tpu.memory_space<vmem>>) target_semaphore(%arg17 : memref<!tpu.dma_semaphore, #tpu.memory_space<semaphore_mem>>)
        %add3A_442 = arith.constant 3 : i32
        %add3A_443 = arith.addi %add3A_350, %add3A_442 : i32
        %sub3A_444 = arith.constant 1 : i32
        %sub3A_445 = arith.subi %add3A_443, %sub3A_444 : i32
        %mul3A_446 = arith.constant 96 : i32
        %mul3A_447 = arith.muli %sub3A_445, %mul3A_446 : i32
        %dma_start3A_448 = arith.constant 0 : i32
        %dma_start3A_449 = arith.constant 0 : i32
        %dma_start3A_450 = arith.constant 0 : i32
        %dma_start3A_451 = tpu.memref_slice %arg12[%dma_start3A_448, %dma_start3A_449, %dma_start3A_450] : memref<3x96x128xf32, #tpu.memory_space<vmem>> -> memref<1x96x128xf32, #tpu.memory_space<vmem>>
        %dma_start3A_452 = tpu.memref_squeeze %dma_start3A_451 : memref<1x96x128xf32, #tpu.memory_space<vmem>> -> memref<96x128xf32, #tpu.memory_space<vmem>>
        %dma_start3A_453 = tpu.memref_slice %arg6[%mul3A_447] : memref<10000xi32, #tpu.memory_space<vmem>> -> memref<96xi32, #tpu.memory_space<vmem>>
        %dma_start3A_454 = arith.constant 0 : i32
        %dma_start3A_455 = arith.constant 0 : i32
        %dma_start3A_456 = tpu.memref_slice %arg4[%dma_start3A_454, %dma_start3A_455] : memref<20000x128xf32, #tpu.memory_space<hbm>> -> memref<20000x128xf32, #tpu.memory_space<hbm>>
        tpu.enqueue_indirect_dma source(%dma_start3A_456 : memref<20000x128xf32, #tpu.memory_space<hbm>>) target(%dma_start3A_452 : memref<96x128xf32, #tpu.memory_space<vmem>>) offsets(%dma_start3A_453 : memref<96xi32, #tpu.memory_space<vmem>>) semaphore(%arg14 : memref<!tpu.dma_semaphore, #tpu.memory_space<semaphore_mem>>)
      } else {
      }
      %add3A_390 = arith.constant 2 : i32
      %add3A_391 = arith.addi %add3A_308, %add3A_390 : i32
      %dma_wait3A_392 = arith.constant 2 : i32
      %dma_wait3A_393 = arith.constant 0 : i32
      %dma_wait3A_394 = arith.constant 0 : i32
      %dma_wait3A_395 = tpu.memref_slice %arg12[%dma_wait3A_392, %dma_wait3A_393, %dma_wait3A_394] : memref<3x96x128xf32, #tpu.memory_space<vmem>> -> memref<1x96x128xf32, #tpu.memory_space<vmem>>
      %dma_wait3A_396 = tpu.memref_squeeze %dma_wait3A_395 : memref<1x96x128xf32, #tpu.memory_space<vmem>> -> memref<96x128xf32, #tpu.memory_space<vmem>>
      %dma_wait3A_397 = arith.constant 0 : i32
      %dma_wait3A_398 = tpu.memref_slice %arg6[%dma_wait3A_397] : memref<10000xi32, #tpu.memory_space<vmem>> -> memref<96xi32, #tpu.memory_space<vmem>>
      %dma_wait3A_399 = arith.constant 0 : i32
      %dma_wait3A_400 = arith.constant 0 : i32
      %dma_wait3A_401 = tpu.memref_slice %arg4[%dma_wait3A_399, %dma_wait3A_400] : memref<20000x128xf32, #tpu.memory_space<hbm>> -> memref<20000x128xf32, #tpu.memory_space<hbm>>
      tpu.wait_indirect_dma semaphore(%arg16 : memref<!tpu.dma_semaphore, #tpu.memory_space<semaphore_mem>>) src(%dma_wait3A_401 : memref<20000x128xf32, #tpu.memory_space<hbm>>) dst(%dma_wait3A_396 : memref<96x128xf32, #tpu.memory_space<vmem>>)
      %dma_wait3A_402 = arith.constant 0 : i32
      %dma_wait3A_403 = tpu.memref_slice %arg3[%dma_wait3A_402] : memref<160000xi32, #tpu.memory_space<hbm>> -> memref<96xi32, #tpu.memory_space<hbm>>
      %dma_wait3A_404 = arith.constant 0 : i32
      %dma_wait3A_405 = tpu.memref_slice %arg3[%dma_wait3A_404] : memref<160000xi32, #tpu.memory_space<hbm>> -> memref<96xi32, #tpu.memory_space<hbm>>
      tpu.wait_dma2 semaphore(%arg19 : memref<!tpu.dma_semaphore, #tpu.memory_space<semaphore_mem>>) src(%dma_wait3A_405 : memref<96xi32, #tpu.memory_space<hbm>>) dst(%arg9 : memref<96xi32, #tpu.memory_space<vmem>>)
      %dma_start3A_406 = arith.constant 2 : i32
      %dma_start3A_407 = arith.constant 0 : i32
      %dma_start3A_408 = arith.constant 0 : i32
      %dma_start3A_409 = tpu.memref_slice %arg12[%dma_start3A_406, %dma_start3A_407, %dma_start3A_408] : memref<3x96x128xf32, #tpu.memory_space<vmem>> -> memref<1x96x128xf32, #tpu.memory_space<vmem>>
      %dma_start3A_410 = tpu.memref_squeeze %dma_start3A_409 : memref<1x96x128xf32, #tpu.memory_space<vmem>> -> memref<96x128xf32, #tpu.memory_space<vmem>>
      %dma_start3A_411 = arith.constant 0 : i32
      %dma_start3A_412 = arith.constant 0 : i32
      %dma_start3A_413 = tpu.memref_slice %arg13[%dma_start3A_411, %dma_start3A_412] : memref<10000x128xf32, #tpu.memory_space<vmem_shared>> -> memref<10000x128xf32, #tpu.memory_space<vmem_shared>>
      tpu.enqueue_indirect_dma source(%dma_start3A_410 : memref<96x128xf32, #tpu.memory_space<vmem>>) target(%dma_start3A_413 : memref<10000x128xf32, #tpu.memory_space<vmem_shared>>) offsets(%arg9 : memref<96xi32, #tpu.memory_space<vmem>>) semaphore(%arg22 : memref<!tpu.dma_semaphore, #tpu.memory_space<semaphore_mem>>) {add = true}
      %dma_wait3A_414 = arith.constant 1 : i32
      %dma_wait3A_415 = arith.constant 0 : i32
      %dma_wait3A_416 = arith.constant 0 : i32
      %dma_wait3A_417 = tpu.memref_slice %arg12[%dma_wait3A_414, %dma_wait3A_415, %dma_wait3A_416] : memref<3x96x128xf32, #tpu.memory_space<vmem>> -> memref<1x96x128xf32, #tpu.memory_space<vmem>>
      %dma_wait3A_418 = tpu.memref_squeeze %dma_wait3A_417 : memref<1x96x128xf32, #tpu.memory_space<vmem>> -> memref<96x128xf32, #tpu.memory_space<vmem>>
      %dma_wait3A_419 = arith.constant 0 : i32
      %dma_wait3A_420 = arith.constant 0 : i32
      %dma_wait3A_421 = tpu.memref_slice %arg13[%dma_wait3A_419, %dma_wait3A_420] : memref<10000x128xf32, #tpu.memory_space<vmem_shared>> -> memref<10000x128xf32, #tpu.memory_space<vmem_shared>>
      tpu.wait_indirect_dma semaphore(%arg21 : memref<!tpu.dma_semaphore, #tpu.memory_space<semaphore_mem>>) src(%dma_wait3A_418 : memref<96x128xf32, #tpu.memory_space<vmem>>) dst(%dma_wait3A_421 : memref<10000x128xf32, #tpu.memory_space<vmem_shared>>)
      %add3A_422 = arith.constant 3 : i32
      %add3A_423 = arith.addi %add3A_391, %add3A_422 : i32
      %sub3A_424 = arith.constant 1 : i32
      %sub3A_425 = arith.subi %add3A_423, %sub3A_424 : i32
      %lt3A_426 = arith.constant 104 : i32
      %lt3A_427 = arith.cmpi slt, %sub3A_425, %lt3A_426 : i32
      %convert_element_type3A_428 = arith.extui %lt3A_427 : i1 to i32
      %cond3A_429 = arith.constant 0 : i32
      %cond3A_430 = arith.cmpi ne, %convert_element_type3A_428, %cond3A_429 : i32
      scf.if %cond3A_430 {
        %add3A_431 = arith.constant 3 : i32
        %add3A_432 = arith.addi %add3A_391, %add3A_431 : i32
        %sub3A_433 = arith.constant 1 : i32
        %sub3A_434 = arith.subi %add3A_432, %sub3A_433 : i32
        %mul3A_435 = arith.constant 10000 : i32
        %mul3A_436 = arith.muli %arg1, %mul3A_435 : i32
        %mul3A_437 = arith.constant 96 : i32
        %mul3A_438 = arith.muli %sub3A_434, %mul3A_437 : i32
        %add3A_439 = arith.addi %mul3A_436, %mul3A_438 : i32
        %dma_start3A_440 = tpu.memref_slice %arg3[%add3A_439] : memref<160000xi32, #tpu.memory_space<hbm>> -> memref<96xi32, #tpu.memory_space<hbm>>
        %dma_start3A_441 = tpu.memref_slice %arg3[%add3A_439] : memref<160000xi32, #tpu.memory_space<hbm>> -> memref<96xi32, #tpu.memory_space<hbm>>
        tpu.enqueue_dma source(%dma_start3A_441 : memref<96xi32, #tpu.memory_space<hbm>>) target(%arg8 : memref<96xi32, #tpu.memory_space<vmem>>) target_semaphore(%arg18 : memref<!tpu.dma_semaphore, #tpu.memory_space<semaphore_mem>>)
        %add3A_442 = arith.constant 3 : i32
        %add3A_443 = arith.addi %add3A_391, %add3A_442 : i32
        %sub3A_444 = arith.constant 1 : i32
        %sub3A_445 = arith.subi %add3A_443, %sub3A_444 : i32
        %mul3A_446 = arith.constant 96 : i32
        %mul3A_447 = arith.muli %sub3A_445, %mul3A_446 : i32
        %dma_start3A_448 = arith.constant 1 : i32
        %dma_start3A_449 = arith.constant 0 : i32
        %dma_start3A_450 = arith.constant 0 : i32
        %dma_start3A_451 = tpu.memref_slice %arg12[%dma_start3A_448, %dma_start3A_449, %dma_start3A_450] : memref<3x96x128xf32, #tpu.memory_space<vmem>> -> memref<1x96x128xf32, #tpu.memory_space<vmem>>
        %dma_start3A_452 = tpu.memref_squeeze %dma_start3A_451 : memref<1x96x128xf32, #tpu.memory_space<vmem>> -> memref<96x128xf32, #tpu.memory_space<vmem>>
        %dma_start3A_453 = tpu.memref_slice %arg6[%mul3A_447] : memref<10000xi32, #tpu.memory_space<vmem>> -> memref<96xi32, #tpu.memory_space<vmem>>
        %dma_start3A_454 = arith.constant 0 : i32
        %dma_start3A_455 = arith.constant 0 : i32
        %dma_start3A_456 = tpu.memref_slice %arg4[%dma_start3A_454, %dma_start3A_455] : memref<20000x128xf32, #tpu.memory_space<hbm>> -> memref<20000x128xf32, #tpu.memory_space<hbm>>
        tpu.enqueue_indirect_dma source(%dma_start3A_456 : memref<20000x128xf32, #tpu.memory_space<hbm>>) target(%dma_start3A_452 : memref<96x128xf32, #tpu.memory_space<vmem>>) offsets(%dma_start3A_453 : memref<96xi32, #tpu.memory_space<vmem>>) semaphore(%arg15 : memref<!tpu.dma_semaphore, #tpu.memory_space<semaphore_mem>>)
      } else {
      }
    }
    %scan3A_211 = arith.constant 33 : i32
    %dma_wait3A_212 = arith.constant 0 : i32
    %dma_wait3A_213 = arith.constant 0 : i32
    %dma_wait3A_214 = arith.constant 0 : i32
    %dma_wait3A_215 = tpu.memref_slice %arg12[%dma_wait3A_212, %dma_wait3A_213, %dma_wait3A_214] : memref<3x96x128xf32, #tpu.memory_space<vmem>> -> memref<1x96x128xf32, #tpu.memory_space<vmem>>
    %dma_wait3A_216 = tpu.memref_squeeze %dma_wait3A_215 : memref<1x96x128xf32, #tpu.memory_space<vmem>> -> memref<96x128xf32, #tpu.memory_space<vmem>>
    %dma_wait3A_217 = arith.constant 0 : i32
    %dma_wait3A_218 = tpu.memref_slice %arg6[%dma_wait3A_217] : memref<10000xi32, #tpu.memory_space<vmem>> -> memref<96xi32, #tpu.memory_space<vmem>>
    %dma_wait3A_219 = arith.constant 0 : i32
    %dma_wait3A_220 = arith.constant 0 : i32
    %dma_wait3A_221 = tpu.memref_slice %arg4[%dma_wait3A_219, %dma_wait3A_220] : memref<20000x128xf32, #tpu.memory_space<hbm>> -> memref<20000x128xf32, #tpu.memory_space<hbm>>
    tpu.wait_indirect_dma semaphore(%arg14 : memref<!tpu.dma_semaphore, #tpu.memory_space<semaphore_mem>>) src(%dma_wait3A_221 : memref<20000x128xf32, #tpu.memory_space<hbm>>) dst(%dma_wait3A_216 : memref<96x128xf32, #tpu.memory_space<vmem>>)
    %dma_wait3A_222 = arith.constant 0 : i32
    %dma_wait3A_223 = tpu.memref_slice %arg3[%dma_wait3A_222] : memref<160000xi32, #tpu.memory_space<hbm>> -> memref<96xi32, #tpu.memory_space<hbm>>
    %dma_wait3A_224 = arith.constant 0 : i32
    %dma_wait3A_225 = tpu.memref_slice %arg3[%dma_wait3A_224] : memref<160000xi32, #tpu.memory_space<hbm>> -> memref<96xi32, #tpu.memory_space<hbm>>
    tpu.wait_dma2 semaphore(%arg17 : memref<!tpu.dma_semaphore, #tpu.memory_space<semaphore_mem>>) src(%dma_wait3A_225 : memref<96xi32, #tpu.memory_space<hbm>>) dst(%arg7 : memref<96xi32, #tpu.memory_space<vmem>>)
    %dma_start3A_226 = arith.constant 0 : i32
    %dma_start3A_227 = arith.constant 0 : i32
    %dma_start3A_228 = arith.constant 0 : i32
    %dma_start3A_229 = tpu.memref_slice %arg12[%dma_start3A_226, %dma_start3A_227, %dma_start3A_228] : memref<3x96x128xf32, #tpu.memory_space<vmem>> -> memref<1x96x128xf32, #tpu.memory_space<vmem>>
    %dma_start3A_230 = tpu.memref_squeeze %dma_start3A_229 : memref<1x96x128xf32, #tpu.memory_space<vmem>> -> memref<96x128xf32, #tpu.memory_space<vmem>>
    %dma_start3A_231 = arith.constant 0 : i32
    %dma_start3A_232 = arith.constant 0 : i32
    %dma_start3A_233 = tpu.memref_slice %arg13[%dma_start3A_231, %dma_start3A_232] : memref<10000x128xf32, #tpu.memory_space<vmem_shared>> -> memref<10000x128xf32, #tpu.memory_space<vmem_shared>>
    tpu.enqueue_indirect_dma source(%dma_start3A_230 : memref<96x128xf32, #tpu.memory_space<vmem>>) target(%dma_start3A_233 : memref<10000x128xf32, #tpu.memory_space<vmem_shared>>) offsets(%arg7 : memref<96xi32, #tpu.memory_space<vmem>>) semaphore(%arg20 : memref<!tpu.dma_semaphore, #tpu.memory_space<semaphore_mem>>) {add = true}
    %dma_wait3A_234 = arith.constant 2 : i32
    %dma_wait3A_235 = arith.constant 0 : i32
    %dma_wait3A_236 = arith.constant 0 : i32
    %dma_wait3A_237 = tpu.memref_slice %arg12[%dma_wait3A_234, %dma_wait3A_235, %dma_wait3A_236] : memref<3x96x128xf32, #tpu.memory_space<vmem>> -> memref<1x96x128xf32, #tpu.memory_space<vmem>>
    %dma_wait3A_238 = tpu.memref_squeeze %dma_wait3A_237 : memref<1x96x128xf32, #tpu.memory_space<vmem>> -> memref<96x128xf32, #tpu.memory_space<vmem>>
    %dma_wait3A_239 = arith.constant 0 : i32
    %dma_wait3A_240 = arith.constant 0 : i32
    %dma_wait3A_241 = tpu.memref_slice %arg13[%dma_wait3A_239, %dma_wait3A_240] : memref<10000x128xf32, #tpu.memory_space<vmem_shared>> -> memref<10000x128xf32, #tpu.memory_space<vmem_shared>>
    tpu.wait_indirect_dma semaphore(%arg22 : memref<!tpu.dma_semaphore, #tpu.memory_space<semaphore_mem>>) src(%dma_wait3A_238 : memref<96x128xf32, #tpu.memory_space<vmem>>) dst(%dma_wait3A_241 : memref<10000x128xf32, #tpu.memory_space<vmem_shared>>)
    %dma_wait3A_242 = arith.constant 1 : i32
    %dma_wait3A_243 = arith.constant 0 : i32
    %dma_wait3A_244 = arith.constant 0 : i32
    %dma_wait3A_245 = tpu.memref_slice %arg12[%dma_wait3A_242, %dma_wait3A_243, %dma_wait3A_244] : memref<3x96x128xf32, #tpu.memory_space<vmem>> -> memref<1x96x128xf32, #tpu.memory_space<vmem>>
    %dma_wait3A_246 = tpu.memref_squeeze %dma_wait3A_245 : memref<1x96x128xf32, #tpu.memory_space<vmem>> -> memref<96x128xf32, #tpu.memory_space<vmem>>
    %dma_wait3A_247 = arith.constant 0 : i32
    %dma_wait3A_248 = tpu.memref_slice %arg6[%dma_wait3A_247] : memref<10000xi32, #tpu.memory_space<vmem>> -> memref<96xi32, #tpu.memory_space<vmem>>
    %dma_wait3A_249 = arith.constant 0 : i32
    %dma_wait3A_250 = arith.constant 0 : i32
    %dma_wait3A_251 = tpu.memref_slice %arg4[%dma_wait3A_249, %dma_wait3A_250] : memref<20000x128xf32, #tpu.memory_space<hbm>> -> memref<20000x128xf32, #tpu.memory_space<hbm>>
    tpu.wait_indirect_dma semaphore(%arg15 : memref<!tpu.dma_semaphore, #tpu.memory_space<semaphore_mem>>) src(%dma_wait3A_251 : memref<20000x128xf32, #tpu.memory_space<hbm>>) dst(%dma_wait3A_246 : memref<96x128xf32, #tpu.memory_space<vmem>>)
    %dma_wait3A_252 = arith.constant 0 : i32
    %dma_wait3A_253 = tpu.memref_slice %arg3[%dma_wait3A_252] : memref<160000xi32, #tpu.memory_space<hbm>> -> memref<96xi32, #tpu.memory_space<hbm>>
    %dma_wait3A_254 = arith.constant 0 : i32
    %dma_wait3A_255 = tpu.memref_slice %arg3[%dma_wait3A_254] : memref<160000xi32, #tpu.memory_space<hbm>> -> memref<96xi32, #tpu.memory_space<hbm>>
    tpu.wait_dma2 semaphore(%arg18 : memref<!tpu.dma_semaphore, #tpu.memory_space<semaphore_mem>>) src(%dma_wait3A_255 : memref<96xi32, #tpu.memory_space<hbm>>) dst(%arg8 : memref<96xi32, #tpu.memory_space<vmem>>)
    %dma_start3A_256 = arith.constant 1 : i32
    %dma_start3A_257 = arith.constant 0 : i32
    %dma_start3A_258 = arith.constant 0 : i32
    %dma_start3A_259 = tpu.memref_slice %arg12[%dma_start3A_256, %dma_start3A_257, %dma_start3A_258] : memref<3x96x128xf32, #tpu.memory_space<vmem>> -> memref<1x96x128xf32, #tpu.memory_space<vmem>>
    %dma_start3A_260 = tpu.memref_squeeze %dma_start3A_259 : memref<1x96x128xf32, #tpu.memory_space<vmem>> -> memref<96x128xf32, #tpu.memory_space<vmem>>
    %dma_start3A_261 = arith.constant 0 : i32
    %dma_start3A_262 = arith.constant 0 : i32
    %dma_start3A_263 = tpu.memref_slice %arg13[%dma_start3A_261, %dma_start3A_262] : memref<10000x128xf32, #tpu.memory_space<vmem_shared>> -> memref<10000x128xf32, #tpu.memory_space<vmem_shared>>
    tpu.enqueue_indirect_dma source(%dma_start3A_260 : memref<96x128xf32, #tpu.memory_space<vmem>>) target(%dma_start3A_263 : memref<10000x128xf32, #tpu.memory_space<vmem_shared>>) offsets(%arg8 : memref<96xi32, #tpu.memory_space<vmem>>) semaphore(%arg21 : memref<!tpu.dma_semaphore, #tpu.memory_space<semaphore_mem>>) {add = true}
    %dma_wait3A_264 = arith.constant 0 : i32
    %dma_wait3A_265 = arith.constant 0 : i32
    %dma_wait3A_266 = arith.constant 0 : i32
    %dma_wait3A_267 = tpu.memref_slice %arg12[%dma_wait3A_264, %dma_wait3A_265, %dma_wait3A_266] : memref<3x96x128xf32, #tpu.memory_space<vmem>> -> memref<1x96x128xf32, #tpu.memory_space<vmem>>
    %dma_wait3A_268 = tpu.memref_squeeze %dma_wait3A_267 : memref<1x96x128xf32, #tpu.memory_space<vmem>> -> memref<96x128xf32, #tpu.memory_space<vmem>>
    %dma_wait3A_269 = arith.constant 0 : i32
    %dma_wait3A_270 = arith.constant 0 : i32
    %dma_wait3A_271 = tpu.memref_slice %arg13[%dma_wait3A_269, %dma_wait3A_270] : memref<10000x128xf32, #tpu.memory_space<vmem_shared>> -> memref<10000x128xf32, #tpu.memory_space<vmem_shared>>
    tpu.wait_indirect_dma semaphore(%arg20 : memref<!tpu.dma_semaphore, #tpu.memory_space<semaphore_mem>>) src(%dma_wait3A_268 : memref<96x128xf32, #tpu.memory_space<vmem>>) dst(%dma_wait3A_271 : memref<10000x128xf32, #tpu.memory_space<vmem_shared>>)
    %dma_wait3A_272 = arith.constant 1 : i32
    %dma_wait3A_273 = arith.constant 0 : i32
    %dma_wait3A_274 = arith.constant 0 : i32
    %dma_wait3A_275 = tpu.memref_slice %arg12[%dma_wait3A_272, %dma_wait3A_273, %dma_wait3A_274] : memref<3x96x128xf32, #tpu.memory_space<vmem>> -> memref<1x96x128xf32, #tpu.memory_space<vmem>>
    %dma_wait3A_276 = tpu.memref_squeeze %dma_wait3A_275 : memref<1x96x128xf32, #tpu.memory_space<vmem>> -> memref<96x128xf32, #tpu.memory_space<vmem>>
    %dma_wait3A_277 = arith.constant 0 : i32
    %dma_wait3A_278 = arith.constant 0 : i32
    %dma_wait3A_279 = tpu.memref_slice %arg13[%dma_wait3A_277, %dma_wait3A_278] : memref<10000x128xf32, #tpu.memory_space<vmem_shared>> -> memref<10000x128xf32, #tpu.memory_space<vmem_shared>>
    tpu.wait_indirect_dma semaphore(%arg21 : memref<!tpu.dma_semaphore, #tpu.memory_space<semaphore_mem>>) src(%dma_wait3A_276 : memref<96x128xf32, #tpu.memory_space<vmem>>) dst(%dma_wait3A_279 : memref<10000x128xf32, #tpu.memory_space<vmem_shared>>)
    %mul3A_280 = arith.constant 10000 : i32
    %mul3A_281 = arith.muli %arg1, %mul3A_280 : i32
    %add3A_282 = arith.constant 9984 : i32
    %add3A_283 = arith.addi %mul3A_281, %add3A_282 : i32
    "tpu.region"() ({
      %run_scoped3A_304 = tpu.sem_alloc : memref<!tpu.dma_semaphore, #tpu.memory_space<semaphore_mem>>
      %dma_start3A_305 = tpu.memref_slice %arg3[%add3A_283] : memref<160000xi32, #tpu.memory_space<hbm>> -> memref<16xi32, #tpu.memory_space<hbm>>
      %dma_start3A_306 = tpu.memref_slice %arg3[%add3A_283] : memref<160000xi32, #tpu.memory_space<hbm>> -> memref<16xi32, #tpu.memory_space<hbm>>
      tpu.enqueue_dma source(%dma_start3A_306 : memref<16xi32, #tpu.memory_space<hbm>>) target(%arg10 : memref<16xi32, #tpu.memory_space<vmem>>) target_semaphore(%run_scoped3A_304 : memref<!tpu.dma_semaphore, #tpu.memory_space<semaphore_mem>>)
      %dma_wait3A_307 = tpu.memref_slice %arg3[%add3A_283] : memref<160000xi32, #tpu.memory_space<hbm>> -> memref<16xi32, #tpu.memory_space<hbm>>
      %dma_wait3A_308 = tpu.memref_slice %arg3[%add3A_283] : memref<160000xi32, #tpu.memory_space<hbm>> -> memref<16xi32, #tpu.memory_space<hbm>>
      tpu.wait_dma2 semaphore(%run_scoped3A_304 : memref<!tpu.dma_semaphore, #tpu.memory_space<semaphore_mem>>) src(%dma_wait3A_308 : memref<16xi32, #tpu.memory_space<hbm>>) dst(%arg10 : memref<16xi32, #tpu.memory_space<vmem>>)
      tpu.yield
    }) : () -> ()
    %dma_start3A_284 = arith.constant 9984 : i32
    %dma_start3A_285 = tpu.memref_slice %arg6[%dma_start3A_284] : memref<10000xi32, #tpu.memory_space<vmem>> -> memref<16xi32, #tpu.memory_space<vmem>>
    %dma_start3A_286 = arith.constant 0 : i32
    %dma_start3A_287 = arith.constant 0 : i32
    %dma_start3A_288 = tpu.memref_slice %arg4[%dma_start3A_286, %dma_start3A_287] : memref<20000x128xf32, #tpu.memory_space<hbm>> -> memref<20000x128xf32, #tpu.memory_space<hbm>>
    tpu.enqueue_indirect_dma source(%dma_start3A_288 : memref<20000x128xf32, #tpu.memory_space<hbm>>) target(%arg11 : memref<16x128xf32, #tpu.memory_space<vmem>>) offsets(%dma_start3A_285 : memref<16xi32, #tpu.memory_space<vmem>>) semaphore(%arg23 : memref<!tpu.dma_semaphore, #tpu.memory_space<semaphore_mem>>)
    %dma_wait3A_289 = arith.constant 9984 : i32
    %dma_wait3A_290 = tpu.memref_slice %arg6[%dma_wait3A_289] : memref<10000xi32, #tpu.memory_space<vmem>> -> memref<16xi32, #tpu.memory_space<vmem>>
    %dma_wait3A_291 = arith.constant 0 : i32
    %dma_wait3A_292 = arith.constant 0 : i32
    %dma_wait3A_293 = tpu.memref_slice %arg4[%dma_wait3A_291, %dma_wait3A_292] : memref<20000x128xf32, #tpu.memory_space<hbm>> -> memref<20000x128xf32, #tpu.memory_space<hbm>>
    tpu.wait_indirect_dma semaphore(%arg23 : memref<!tpu.dma_semaphore, #tpu.memory_space<semaphore_mem>>) src(%dma_wait3A_293 : memref<20000x128xf32, #tpu.memory_space<hbm>>) dst(%arg11 : memref<16x128xf32, #tpu.memory_space<vmem>>)
    "tpu.region"() ({
      %run_scoped3A_304 = tpu.sem_alloc : memref<!tpu.dma_semaphore, #tpu.memory_space<semaphore_mem>>
      %dma_start3A_305 = arith.constant 0 : i32
      %dma_start3A_306 = arith.constant 0 : i32
      %dma_start3A_307 = tpu.memref_slice %arg13[%dma_start3A_305, %dma_start3A_306] : memref<10000x128xf32, #tpu.memory_space<vmem_shared>> -> memref<10000x128xf32, #tpu.memory_space<vmem_shared>>
      tpu.enqueue_indirect_dma source(%arg11 : memref<16x128xf32, #tpu.memory_space<vmem>>) target(%dma_start3A_307 : memref<10000x128xf32, #tpu.memory_space<vmem_shared>>) offsets(%arg10 : memref<16xi32, #tpu.memory_space<vmem>>) semaphore(%run_scoped3A_304 : memref<!tpu.dma_semaphore, #tpu.memory_space<semaphore_mem>>) {add = true}
      %dma_wait3A_308 = arith.constant 0 : i32
      %dma_wait3A_309 = arith.constant 0 : i32
      %dma_wait3A_310 = tpu.memref_slice %arg13[%dma_wait3A_308, %dma_wait3A_309] : memref<10000x128xf32, #tpu.memory_space<vmem_shared>> -> memref<10000x128xf32, #tpu.memory_space<vmem_shared>>
      tpu.wait_indirect_dma semaphore(%run_scoped3A_304 : memref<!tpu.dma_semaphore, #tpu.memory_space<semaphore_mem>>) src(%arg11 : memref<16x128xf32, #tpu.memory_space<vmem>>) dst(%dma_wait3A_310 : memref<10000x128xf32, #tpu.memory_space<vmem_shared>>)
      tpu.yield
    }) : () -> ()
    %barrier3A_294 = arith.constant 0 : index
    tpu.barrier barrier_id(%barrier3A_294)
    %mul3A_295 = arith.constant 624 : i32
    %mul3A_296 = arith.muli %arg1, %mul3A_295 : i32
    %mul3A_297 = arith.constant 624 : i32
    %mul3A_298 = arith.muli %arg1, %mul3A_297 : i32
    "tpu.region"() ({
      %run_scoped3A_304 = tpu.sem_alloc : memref<!tpu.dma_semaphore, #tpu.memory_space<semaphore_mem>>
      %dma_start3A_305 = arith.constant 0 : i32
      %dma_start3A_306 = tpu.memref_slice %arg5[%arg0, %mul3A_298, %dma_start3A_305] : memref<2x10000x128xf32, #tpu.memory_space<hbm>> -> memref<1x624x128xf32, #tpu.memory_space<hbm>>
      %dma_start3A_307 = tpu.memref_squeeze %dma_start3A_306 : memref<1x624x128xf32, #tpu.memory_space<hbm>> -> memref<624x128xf32, #tpu.memory_space<hbm>>
      %dma_start3A_308 = arith.constant 0 : i32
      %dma_start3A_309 = tpu.memref_slice %arg13[%mul3A_296, %dma_start3A_308] : memref<10000x128xf32, #tpu.memory_space<vmem_shared>> -> memref<624x128xf32, #tpu.memory_space<vmem_shared>>
      tpu.enqueue_dma source(%dma_start3A_309 : memref<624x128xf32, #tpu.memory_space<vmem_shared>>) target(%dma_start3A_307 : memref<624x128xf32, #tpu.memory_space<hbm>>) target_semaphore(%run_scoped3A_304 : memref<!tpu.dma_semaphore, #tpu.memory_space<semaphore_mem>>)
      %dma_wait3A_310 = arith.constant 0 : i32
      %dma_wait3A_311 = tpu.memref_slice %arg5[%arg0, %mul3A_298, %dma_wait3A_310] : memref<2x10000x128xf32, #tpu.memory_space<hbm>> -> memref<1x624x128xf32, #tpu.memory_space<hbm>>
      %dma_wait3A_312 = tpu.memref_squeeze %dma_wait3A_311 : memref<1x624x128xf32, #tpu.memory_space<hbm>> -> memref<624x128xf32, #tpu.memory_space<hbm>>
      %dma_wait3A_313 = arith.constant 0 : i32
      %dma_wait3A_314 = tpu.memref_slice %arg13[%mul3A_296, %dma_wait3A_313] : memref<10000x128xf32, #tpu.memory_space<vmem_shared>> -> memref<624x128xf32, #tpu.memory_space<vmem_shared>>
      tpu.wait_dma2 semaphore(%run_scoped3A_304 : memref<!tpu.dma_semaphore, #tpu.memory_space<semaphore_mem>>) src(%dma_wait3A_314 : memref<624x128xf32, #tpu.memory_space<vmem_shared>>) dst(%dma_wait3A_312 : memref<624x128xf32, #tpu.memory_space<hbm>>)
      tpu.yield
    }) : () -> ()
    %eq3A_299 = arith.constant 15 : i32
    %eq3A_300 = arith.cmpi eq, %arg1, %eq3A_299 : i32
    %convert_element_type3A_301 = arith.extui %eq3A_300 : i1 to i32
    %cond3A_302 = arith.constant 0 : i32
    %cond3A_303 = arith.cmpi ne, %convert_element_type3A_301, %cond3A_302 : i32
    scf.if %cond3A_303 {
      "tpu.region"() ({
        %run_scoped3A_304 = tpu.sem_alloc : memref<!tpu.dma_semaphore, #tpu.memory_space<semaphore_mem>>
        %dma_start3A_305 = arith.constant 9984 : i32
        %dma_start3A_306 = arith.constant 0 : i32
        %dma_start3A_307 = tpu.memref_slice %arg5[%arg0, %dma_start3A_305, %dma_start3A_306] : memref<2x10000x128xf32, #tpu.memory_space<hbm>> -> memref<1x16x128xf32, #tpu.memory_space<hbm>>
        %dma_start3A_308 = tpu.memref_squeeze %dma_start3A_307 : memref<1x16x128xf32, #tpu.memory_space<hbm>> -> memref<16x128xf32, #tpu.memory_space<hbm>>
        %dma_start3A_309 = arith.constant 9984 : i32
        %dma_start3A_310 = arith.constant 0 : i32
        %dma_start3A_311 = tpu.memref_slice %arg13[%dma_start3A_309, %dma_start3A_310] : memref<10000x128xf32, #tpu.memory_space<vmem_shared>> -> memref<16x128xf32, #tpu.memory_space<vmem_shared>>
        tpu.enqueue_dma source(%dma_start3A_311 : memref<16x128xf32, #tpu.memory_space<vmem_shared>>) target(%dma_start3A_308 : memref<16x128xf32, #tpu.memory_space<hbm>>) target_semaphore(%run_scoped3A_304 : memref<!tpu.dma_semaphore, #tpu.memory_space<semaphore_mem>>)
        %dma_wait3A_312 = arith.constant 9984 : i32
        %dma_wait3A_313 = arith.constant 0 : i32
        %dma_wait3A_314 = tpu.memref_slice %arg5[%arg0, %dma_wait3A_312, %dma_wait3A_313] : memref<2x10000x128xf32, #tpu.memory_space<hbm>> -> memref<1x16x128xf32, #tpu.memory_space<hbm>>
        %dma_wait3A_315 = tpu.memref_squeeze %dma_wait3A_314 : memref<1x16x128xf32, #tpu.memory_space<hbm>> -> memref<16x128xf32, #tpu.memory_space<hbm>>
        %dma_wait3A_316 = arith.constant 9984 : i32
        %dma_wait3A_317 = arith.constant 0 : i32
        %dma_wait3A_318 = tpu.memref_slice %arg13[%dma_wait3A_316, %dma_wait3A_317] : memref<10000x128xf32, #tpu.memory_space<vmem_shared>> -> memref<16x128xf32, #tpu.memory_space<vmem_shared>>
        tpu.wait_dma2 semaphore(%run_scoped3A_304 : memref<!tpu.dma_semaphore, #tpu.memory_space<semaphore_mem>>) src(%dma_wait3A_318 : memref<16x128xf32, #tpu.memory_space<vmem_shared>>) dst(%dma_wait3A_315 : memref<16x128xf32, #tpu.memory_space<hbm>>)
        tpu.yield
      }) : () -> ()
    } else {
    }
    return
  }
}

#map = affine_map<(d0, d1) -> (0)>
#map1 = affine_map<(d0, d1) -> (0, 0)>
#map2 = affine_map<(d0, d1) -> (0, 0, 0)>
module attributes {stable_mosaic.version = 14 : i64} {
  func.func @_sc_agg_body(%arg0: i32, %arg1: i32, %arg2: memref<320000xi32, #tpu.memory_space<hbm>>, %arg3: memref<160000xi32, #tpu.memory_space<hbm>>, %arg4: memref<20000x128xf32, #tpu.memory_space<hbm>>, %arg5: memref<2x10000x128xf32, #tpu.memory_space<hbm>>, %arg6: memref<10000xi32, #tpu.memory_space<vmem>>, %arg7: memref<96xi32, #tpu.memory_space<vmem>>, %arg8: memref<96xi32, #tpu.memory_space<vmem>>, %arg9: memref<96xi32, #tpu.memory_space<vmem>>, %arg10: memref<16xi32, #tpu.memory_space<vmem>>, %arg11: memref<16x128xf32, #tpu.memory_space<vmem>>, %arg12: memref<3x96x128xf32, #tpu.memory_space<vmem>>, %arg13: memref<10000x128xf32, #tpu.memory_space<vmem_shared>>, %arg14: memref<!tpu.dma_semaphore, #tpu.memory_space<semaphore_mem>>, %arg15: memref<!tpu.dma_semaphore, #tpu.memory_space<semaphore_mem>>, %arg16: memref<!tpu.dma_semaphore, #tpu.memory_space<semaphore_mem>>, %arg17: memref<!tpu.dma_semaphore, #tpu.memory_space<semaphore_mem>>, %arg18: memref<!tpu.dma_semaphore, #tpu.memory_space<semaphore_mem>>, %arg19: memref<!tpu.dma_semaphore, #tpu.memory_space<semaphore_mem>>, %arg20: memref<!tpu.dma_semaphore, #tpu.memory_space<semaphore_mem>>, %arg21: memref<!tpu.dma_semaphore, #tpu.memory_space<semaphore_mem>>, %arg22: memref<!tpu.dma_semaphore, #tpu.memory_space<semaphore_mem>>, %arg23: memref<!tpu.dma_semaphore, #tpu.memory_space<semaphore_mem>>) attributes {dimension_semantics = [#tpu.dimension_semantics<core_parallel>, #tpu.dimension_semantics<subcore_parallel>], iteration_bounds = array<i64: 2, 16>, scalar_prefetch = 0 : i64, scratch_operands = 18 : i64, tpu.core_type = #tpu.core_type<sc_vector_subcore>, window_params = [{transform_indices = #map}, {transform_indices = #map}, {transform_indices = #map1}, {transform_indices = #map2}]} {
    %broadcast_in_dim3A = arith.constant 0.000000e+00 : f32
    %broadcast_in_dim3A_0 = vector.broadcast %broadcast_in_dim3A : f32 to vector<16xf32>
    %scan3A = arith.constant 0 : i32
    %scan3A_1 = arith.constant 0 : i32
    %scan3A_2 = arith.constant 96 : i32
    %scan3A_3 = arith.addi %scan3A_1, %scan3A_2 : i32
    %scan3A_4 = arith.constant 1 : i32
    scf.for %scan3A_304 = %scan3A_1 to %scan3A_3 step %scan3A_4  : i32 {
      %swap3A = arith.constant 0 : i32
      %swap3A_305 = arith.index_cast %swap3A : i32 to index
      %swap3A_306 = arith.index_cast %scan3A_304 : i32 to index
      %swap3A_307 = arith.constant 0 : index
      %swap3A_308 = tpu.vector_load %arg12[%swap3A_305, %swap3A_306, %swap3A_307] {strides = array<i32>} : memref<3x96x128xf32, #tpu.memory_space<vmem>>, vector<1x1x16xf32>,
      %swap3A_309 = vector.shape_cast %swap3A_308 : vector<1x1x16xf32> to vector<16xf32>
      %swap3A_310 = vector.shape_cast %broadcast_in_dim3A_0 : vector<16xf32> to vector<1x1x16xf32>
      tpu.vector_store %arg12[%swap3A_305, %swap3A_306, %swap3A_307], %swap3A_310 {strides = array<i32>} : memref<3x96x128xf32, #tpu.memory_space<vmem>>, vector<1x1x16xf32>,
      %swap3A_311 = arith.constant 0 : i32
      %swap3A_312 = arith.index_cast %swap3A_311 : i32 to index
      %swap3A_313 = arith.index_cast %scan3A_304 : i32 to index
      %swap3A_314 = arith.constant 16 : index
      %swap3A_315 = tpu.vector_load %arg12[%swap3A_312, %swap3A_313, %swap3A_314] {strides = array<i32>} : memref<3x96x128xf32, #tpu.memory_space<vmem>>, vector<1x1x16xf32>,
      %swap3A_316 = vector.shape_cast %swap3A_315 : vector<1x1x16xf32> to vector<16xf32>
      %swap3A_317 = vector.shape_cast %broadcast_in_dim3A_0 : vector<16xf32> to vector<1x1x16xf32>
      tpu.vector_store %arg12[%swap3A_312, %swap3A_313, %swap3A_314], %swap3A_317 {strides = array<i32>} : memref<3x96x128xf32, #tpu.memory_space<vmem>>, vector<1x1x16xf32>,
      %swap3A_318 = arith.constant 0 : i32
      %swap3A_319 = arith.index_cast %swap3A_318 : i32 to index
      %swap3A_320 = arith.index_cast %scan3A_304 : i32 to index
      %swap3A_321 = arith.constant 32 : index
      %swap3A_322 = tpu.vector_load %arg12[%swap3A_319, %swap3A_320, %swap3A_321] {strides = array<i32>} : memref<3x96x128xf32, #tpu.memory_space<vmem>>, vector<1x1x16xf32>,
      %swap3A_323 = vector.shape_cast %swap3A_322 : vector<1x1x16xf32> to vector<16xf32>
      %swap3A_324 = vector.shape_cast %broadcast_in_dim3A_0 : vector<16xf32> to vector<1x1x16xf32>
      tpu.vector_store %arg12[%swap3A_319, %swap3A_320, %swap3A_321], %swap3A_324 {strides = array<i32>} : memref<3x96x128xf32, #tpu.memory_space<vmem>>, vector<1x1x16xf32>,
      %swap3A_325 = arith.constant 0 : i32
      %swap3A_326 = arith.index_cast %swap3A_325 : i32 to index
      %swap3A_327 = arith.index_cast %scan3A_304 : i32 to index
      %swap3A_328 = arith.constant 48 : index
      %swap3A_329 = tpu.vector_load %arg12[%swap3A_326, %swap3A_327, %swap3A_328] {strides = array<i32>} : memref<3x96x128xf32, #tpu.memory_space<vmem>>, vector<1x1x16xf32>,
      %swap3A_330 = vector.shape_cast %swap3A_329 : vector<1x1x16xf32> to vector<16xf32>
      %swap3A_331 = vector.shape_cast %broadcast_in_dim3A_0 : vector<16xf32> to vector<1x1x16xf32>
      tpu.vector_store %arg12[%swap3A_326, %swap3A_327, %swap3A_328], %swap3A_331 {strides = array<i32>} : memref<3x96x128xf32, #tpu.memory_space<vmem>>, vector<1x1x16xf32>,
      %swap3A_332 = arith.constant 0 : i32
      %swap3A_333 = arith.index_cast %swap3A_332 : i32 to index
      %swap3A_334 = arith.index_cast %scan3A_304 : i32 to index
      %swap3A_335 = arith.constant 64 : index
      %swap3A_336 = tpu.vector_load %arg12[%swap3A_333, %swap3A_334, %swap3A_335] {strides = array<i32>} : memref<3x96x128xf32, #tpu.memory_space<vmem>>, vector<1x1x16xf32>,
      %swap3A_337 = vector.shape_cast %swap3A_336 : vector<1x1x16xf32> to vector<16xf32>
      %swap3A_338 = vector.shape_cast %broadcast_in_dim3A_0 : vector<16xf32> to vector<1x1x16xf32>
      tpu.vector_store %arg12[%swap3A_333, %swap3A_334, %swap3A_335], %swap3A_338 {strides = array<i32>} : memref<3x96x128xf32, #tpu.memory_space<vmem>>, vector<1x1x16xf32>,
      %swap3A_339 = arith.constant 0 : i32
      %swap3A_340 = arith.index_cast %swap3A_339 : i32 to index
      %swap3A_341 = arith.index_cast %scan3A_304 : i32 to index
      %swap3A_342 = arith.constant 80 : index
      %swap3A_343 = tpu.vector_load %arg12[%swap3A_340, %swap3A_341, %swap3A_342] {strides = array<i32>} : memref<3x96x128xf32, #tpu.memory_space<vmem>>, vector<1x1x16xf32>,
      %swap3A_344 = vector.shape_cast %swap3A_343 : vector<1x1x16xf32> to vector<16xf32>
      %swap3A_345 = vector.shape_cast %broadcast_in_dim3A_0 : vector<16xf32> to vector<1x1x16xf32>
      tpu.vector_store %arg12[%swap3A_340, %swap3A_341, %swap3A_342], %swap3A_345 {strides = array<i32>} : memref<3x96x128xf32, #tpu.memory_space<vmem>>, vector<1x1x16xf32>,
      %swap3A_346 = arith.constant 0 : i32
      %swap3A_347 = arith.index_cast %swap3A_346 : i32 to index
      %swap3A_348 = arith.index_cast %scan3A_304 : i32 to index
      %swap3A_349 = arith.constant 96 : index
      %swap3A_350 = tpu.vector_load %arg12[%swap3A_347, %swap3A_348, %swap3A_349] {strides = array<i32>} : memref<3x96x128xf32, #tpu.memory_space<vmem>>, vector<1x1x16xf32>,
      %swap3A_351 = vector.shape_cast %swap3A_350 : vector<1x1x16xf32> to vector<16xf32>
      %swap3A_352 = vector.shape_cast %broadcast_in_dim3A_0 : vector<16xf32> to vector<1x1x16xf32>
      tpu.vector_store %arg12[%swap3A_347, %swap3A_348, %swap3A_349], %swap3A_352 {strides = array<i32>} : memref<3x96x128xf32, #tpu.memory_space<vmem>>, vector<1x1x16xf32>,
      %swap3A_353 = arith.constant 0 : i32
      %swap3A_354 = arith.index_cast %swap3A_353 : i32 to index
      %swap3A_355 = arith.index_cast %scan3A_304 : i32 to index
      %swap3A_356 = arith.constant 112 : index
      %swap3A_357 = tpu.vector_load %arg12[%swap3A_354, %swap3A_355, %swap3A_356] {strides = array<i32>} : memref<3x96x128xf32, #tpu.memory_space<vmem>>, vector<1x1x16xf32>,
      %swap3A_358 = vector.shape_cast %swap3A_357 : vector<1x1x16xf32> to vector<16xf32>
      %swap3A_359 = vector.shape_cast %broadcast_in_dim3A_0 : vector<16xf32> to vector<1x1x16xf32>
      tpu.vector_store %arg12[%swap3A_354, %swap3A_355, %swap3A_356], %swap3A_359 {strides = array<i32>} : memref<3x96x128xf32, #tpu.memory_space<vmem>>, vector<1x1x16xf32>,
    }
    %scan3A_5 = arith.constant 96 : i32
    %mul3A = arith.constant 624 : i32
    %mul3A_6 = arith.muli %arg1, %mul3A : i32
    %add3A = arith.constant 0 : i32
    %add3A_7 = arith.addi %mul3A_6, %add3A : i32
    %run_scoped3A = arith.constant 0 : i32
    "tpu.region"() ({
      %run_scoped3A_304 = tpu.sem_alloc : memref<!tpu.dma_semaphore, #tpu.memory_space<semaphore_mem>>
      %dma_start3A_305 = arith.constant 0 : i32
      %dma_start3A_306 = arith.constant 0 : i32
      %dma_start3A_307 = tpu.memref_slice %arg12[%run_scoped3A, %dma_start3A_305, %dma_start3A_306] : memref<3x96x128xf32, #tpu.memory_space<vmem>> -> memref<1x96x128xf32, #tpu.memory_space<vmem>>
      %dma_start3A_308 = tpu.memref_squeeze %dma_start3A_307 : memref<1x96x128xf32, #tpu.memory_space<vmem>> -> memref<96x128xf32, #tpu.memory_space<vmem>>
      %dma_start3A_309 = arith.constant 0 : i32
      %dma_start3A_310 = tpu.memref_slice %arg13[%add3A_7, %dma_start3A_309] : memref<10000x128xf32, #tpu.memory_space<vmem_shared>> -> memref<96x128xf32, #tpu.memory_space<vmem_shared>>
      %dma_start3A_311 = arith.constant 0 : i32
      %dma_start3A_312 = tpu.memref_slice %arg13[%add3A_7, %dma_start3A_311] : memref<10000x128xf32, #tpu.memory_space<vmem_shared>> -> memref<96x128xf32, #tpu.memory_space<vmem_shared>>
      %dma_start3A_313 = arith.constant 0 : i32
      %dma_start3A_314 = arith.constant 0 : i32
      %dma_start3A_315 = tpu.memref_slice %arg12[%run_scoped3A, %dma_start3A_313, %dma_start3A_314] : memref<3x96x128xf32, #tpu.memory_space<vmem>> -> memref<1x96x128xf32, #tpu.memory_space<vmem>>
      %dma_start3A_316 = tpu.memref_squeeze %dma_start3A_315 : memref<1x96x128xf32, #tpu.memory_space<vmem>> -> memref<96x128xf32, #tpu.memory_space<vmem>>
      tpu.enqueue_dma source(%dma_start3A_316 : memref<96x128xf32, #tpu.memory_space<vmem>>) target(%dma_start3A_312 : memref<96x128xf32, #tpu.memory_space<vmem_shared>>) target_semaphore(%run_scoped3A_304 : memref<!tpu.dma_semaphore, #tpu.memory_space<semaphore_mem>>)
      %dma_wait3A_317 = arith.constant 0 : i32
      %dma_wait3A_318 = arith.constant 0 : i32
      %dma_wait3A_319 = tpu.memref_slice %arg12[%run_scoped3A, %dma_wait3A_317, %dma_wait3A_318] : memref<3x96x128xf32, #tpu.memory_space<vmem>> -> memref<1x96x128xf32, #tpu.memory_space<vmem>>
      %dma_wait3A_320 = tpu.memref_squeeze %dma_wait3A_319 : memref<1x96x128xf32, #tpu.memory_space<vmem>> -> memref<96x128xf32, #tpu.memory_space<vmem>>
      %dma_wait3A_321 = arith.constant 0 : i32
      %dma_wait3A_322 = tpu.memref_slice %arg13[%add3A_7, %dma_wait3A_321] : memref<10000x128xf32, #tpu.memory_space<vmem_shared>> -> memref<96x128xf32, #tpu.memory_space<vmem_shared>>
      %dma_wait3A_323 = arith.constant 0 : i32
      %dma_wait3A_324 = tpu.memref_slice %arg13[%add3A_7, %dma_wait3A_323] : memref<10000x128xf32, #tpu.memory_space<vmem_shared>> -> memref<96x128xf32, #tpu.memory_space<vmem_shared>>
      %dma_wait3A_325 = arith.constant 0 : i32
      %dma_wait3A_326 = arith.constant 0 : i32
      %dma_wait3A_327 = tpu.memref_slice %arg12[%run_scoped3A, %dma_wait3A_325, %dma_wait3A_326] : memref<3x96x128xf32, #tpu.memory_space<vmem>> -> memref<1x96x128xf32, #tpu.memory_space<vmem>>
      %dma_wait3A_328 = tpu.memref_squeeze %dma_wait3A_327 : memref<1x96x128xf32, #tpu.memory_space<vmem>> -> memref<96x128xf32, #tpu.memory_space<vmem>>
      tpu.wait_dma2 semaphore(%run_scoped3A_304 : memref<!tpu.dma_semaphore, #tpu.memory_space<semaphore_mem>>) src(%dma_wait3A_328 : memref<96x128xf32, #tpu.memory_space<vmem>>) dst(%dma_wait3A_324 : memref<96x128xf32, #tpu.memory_space<vmem_shared>>)
      tpu.yield
    }) : () -> ()
    %mul3A_8 = arith.constant 624 : i32
    %mul3A_9 = arith.muli %arg1, %mul3A_8 : i32
    %add3A_10 = arith.constant 96 : i32
    %add3A_11 = arith.addi %mul3A_9, %add3A_10 : i32
    %run_scoped3A_12 = arith.constant 0 : i32
    "tpu.region"() ({
      %run_scoped3A_304 = tpu.sem_alloc : memref<!tpu.dma_semaphore, #tpu.memory_space<semaphore_mem>>
      %dma_start3A_305 = arith.constant 0 : i32
      %dma_start3A_306 = arith.constant 0 : i32
      %dma_start3A_307 = tpu.memref_slice %arg12[%run_scoped3A_12, %dma_start3A_305, %dma_start3A_306] : memref<3x96x128xf32, #tpu.memory_space<vmem>> -> memref<1x96x128xf32, #tpu.memory_space<vmem>>
      %dma_start3A_308 = tpu.memref_squeeze %dma_start3A_307 : memref<1x96x128xf32, #tpu.memory_space<vmem>> -> memref<96x128xf32, #tpu.memory_space<vmem>>
      %dma_start3A_309 = arith.constant 0 : i32
      %dma_start3A_310 = tpu.memref_slice %arg13[%add3A_11, %dma_start3A_309] : memref<10000x128xf32, #tpu.memory_space<vmem_shared>> -> memref<96x128xf32, #tpu.memory_space<vmem_shared>>
      %dma_start3A_311 = arith.constant 0 : i32
      %dma_start3A_312 = tpu.memref_slice %arg13[%add3A_11, %dma_start3A_311] : memref<10000x128xf32, #tpu.memory_space<vmem_shared>> -> memref<96x128xf32, #tpu.memory_space<vmem_shared>>
      %dma_start3A_313 = arith.constant 0 : i32
      %dma_start3A_314 = arith.constant 0 : i32
      %dma_start3A_315 = tpu.memref_slice %arg12[%run_scoped3A_12, %dma_start3A_313, %dma_start3A_314] : memref<3x96x128xf32, #tpu.memory_space<vmem>> -> memref<1x96x128xf32, #tpu.memory_space<vmem>>
      %dma_start3A_316 = tpu.memref_squeeze %dma_start3A_315 : memref<1x96x128xf32, #tpu.memory_space<vmem>> -> memref<96x128xf32, #tpu.memory_space<vmem>>
      tpu.enqueue_dma source(%dma_start3A_316 : memref<96x128xf32, #tpu.memory_space<vmem>>) target(%dma_start3A_312 : memref<96x128xf32, #tpu.memory_space<vmem_shared>>) target_semaphore(%run_scoped3A_304 : memref<!tpu.dma_semaphore, #tpu.memory_space<semaphore_mem>>)
      %dma_wait3A_317 = arith.constant 0 : i32
      %dma_wait3A_318 = arith.constant 0 : i32
      %dma_wait3A_319 = tpu.memref_slice %arg12[%run_scoped3A_12, %dma_wait3A_317, %dma_wait3A_318] : memref<3x96x128xf32, #tpu.memory_space<vmem>> -> memref<1x96x128xf32, #tpu.memory_space<vmem>>
      %dma_wait3A_320 = tpu.memref_squeeze %dma_wait3A_319 : memref<1x96x128xf32, #tpu.memory_space<vmem>> -> memref<96x128xf32, #tpu.memory_space<vmem>>
      %dma_wait3A_321 = arith.constant 0 : i32
      %dma_wait3A_322 = tpu.memref_slice %arg13[%add3A_11, %dma_wait3A_321] : memref<10000x128xf32, #tpu.memory_space<vmem_shared>> -> memref<96x128xf32, #tpu.memory_space<vmem_shared>>
      %dma_wait3A_323 = arith.constant 0 : i32
      %dma_wait3A_324 = tpu.memref_slice %arg13[%add3A_11, %dma_wait3A_323] : memref<10000x128xf32, #tpu.memory_space<vmem_shared>> -> memref<96x128xf32, #tpu.memory_space<vmem_shared>>
      %dma_wait3A_325 = arith.constant 0 : i32
      %dma_wait3A_326 = arith.constant 0 : i32
      %dma_wait3A_327 = tpu.memref_slice %arg12[%run_scoped3A_12, %dma_wait3A_325, %dma_wait3A_326] : memref<3x96x128xf32, #tpu.memory_space<vmem>> -> memref<1x96x128xf32, #tpu.memory_space<vmem>>
      %dma_wait3A_328 = tpu.memref_squeeze %dma_wait3A_327 : memref<1x96x128xf32, #tpu.memory_space<vmem>> -> memref<96x128xf32, #tpu.memory_space<vmem>>
      tpu.wait_dma2 semaphore(%run_scoped3A_304 : memref<!tpu.dma_semaphore, #tpu.memory_space<semaphore_mem>>) src(%dma_wait3A_328 : memref<96x128xf32, #tpu.memory_space<vmem>>) dst(%dma_wait3A_324 : memref<96x128xf32, #tpu.memory_space<vmem_shared>>)
      tpu.yield
    }) : () -> ()
    %mul3A_13 = arith.constant 624 : i32
    %mul3A_14 = arith.muli %arg1, %mul3A_13 : i32
    %add3A_15 = arith.constant 192 : i32
    %add3A_16 = arith.addi %mul3A_14, %add3A_15 : i32
    %run_scoped3A_17 = arith.constant 0 : i32
    "tpu.region"() ({
      %run_scoped3A_304 = tpu.sem_alloc : memref<!tpu.dma_semaphore, #tpu.memory_space<semaphore_mem>>
      %dma_start3A_305 = arith.constant 0 : i32
      %dma_start3A_306 = arith.constant 0 : i32
      %dma_start3A_307 = tpu.memref_slice %arg12[%run_scoped3A_17, %dma_start3A_305, %dma_start3A_306] : memref<3x96x128xf32, #tpu.memory_space<vmem>> -> memref<1x96x128xf32, #tpu.memory_space<vmem>>
      %dma_start3A_308 = tpu.memref_squeeze %dma_start3A_307 : memref<1x96x128xf32, #tpu.memory_space<vmem>> -> memref<96x128xf32, #tpu.memory_space<vmem>>
      %dma_start3A_309 = arith.constant 0 : i32
      %dma_start3A_310 = tpu.memref_slice %arg13[%add3A_16, %dma_start3A_309] : memref<10000x128xf32, #tpu.memory_space<vmem_shared>> -> memref<96x128xf32, #tpu.memory_space<vmem_shared>>
      %dma_start3A_311 = arith.constant 0 : i32
      %dma_start3A_312 = tpu.memref_slice %arg13[%add3A_16, %dma_start3A_311] : memref<10000x128xf32, #tpu.memory_space<vmem_shared>> -> memref<96x128xf32, #tpu.memory_space<vmem_shared>>
      %dma_start3A_313 = arith.constant 0 : i32
      %dma_start3A_314 = arith.constant 0 : i32
      %dma_start3A_315 = tpu.memref_slice %arg12[%run_scoped3A_17, %dma_start3A_313, %dma_start3A_314] : memref<3x96x128xf32, #tpu.memory_space<vmem>> -> memref<1x96x128xf32, #tpu.memory_space<vmem>>
      %dma_start3A_316 = tpu.memref_squeeze %dma_start3A_315 : memref<1x96x128xf32, #tpu.memory_space<vmem>> -> memref<96x128xf32, #tpu.memory_space<vmem>>
      tpu.enqueue_dma source(%dma_start3A_316 : memref<96x128xf32, #tpu.memory_space<vmem>>) target(%dma_start3A_312 : memref<96x128xf32, #tpu.memory_space<vmem_shared>>) target_semaphore(%run_scoped3A_304 : memref<!tpu.dma_semaphore, #tpu.memory_space<semaphore_mem>>)
      %dma_wait3A_317 = arith.constant 0 : i32
      %dma_wait3A_318 = arith.constant 0 : i32
      %dma_wait3A_319 = tpu.memref_slice %arg12[%run_scoped3A_17, %dma_wait3A_317, %dma_wait3A_318] : memref<3x96x128xf32, #tpu.memory_space<vmem>> -> memref<1x96x128xf32, #tpu.memory_space<vmem>>
      %dma_wait3A_320 = tpu.memref_squeeze %dma_wait3A_319 : memref<1x96x128xf32, #tpu.memory_space<vmem>> -> memref<96x128xf32, #tpu.memory_space<vmem>>
      %dma_wait3A_321 = arith.constant 0 : i32
      %dma_wait3A_322 = tpu.memref_slice %arg13[%add3A_16, %dma_wait3A_321] : memref<10000x128xf32, #tpu.memory_space<vmem_shared>> -> memref<96x128xf32, #tpu.memory_space<vmem_shared>>
      %dma_wait3A_323 = arith.constant 0 : i32
      %dma_wait3A_324 = tpu.memref_slice %arg13[%add3A_16, %dma_wait3A_323] : memref<10000x128xf32, #tpu.memory_space<vmem_shared>> -> memref<96x128xf32, #tpu.memory_space<vmem_shared>>
      %dma_wait3A_325 = arith.constant 0 : i32
      %dma_wait3A_326 = arith.constant 0 : i32
      %dma_wait3A_327 = tpu.memref_slice %arg12[%run_scoped3A_17, %dma_wait3A_325, %dma_wait3A_326] : memref<3x96x128xf32, #tpu.memory_space<vmem>> -> memref<1x96x128xf32, #tpu.memory_space<vmem>>
      %dma_wait3A_328 = tpu.memref_squeeze %dma_wait3A_327 : memref<1x96x128xf32, #tpu.memory_space<vmem>> -> memref<96x128xf32, #tpu.memory_space<vmem>>
      tpu.wait_dma2 semaphore(%run_scoped3A_304 : memref<!tpu.dma_semaphore, #tpu.memory_space<semaphore_mem>>) src(%dma_wait3A_328 : memref<96x128xf32, #tpu.memory_space<vmem>>) dst(%dma_wait3A_324 : memref<96x128xf32, #tpu.memory_space<vmem_shared>>)
      tpu.yield
    }) : () -> ()
    %mul3A_18 = arith.constant 624 : i32
    %mul3A_19 = arith.muli %arg1, %mul3A_18 : i32
    %add3A_20 = arith.constant 288 : i32
    %add3A_21 = arith.addi %mul3A_19, %add3A_20 : i32
    %run_scoped3A_22 = arith.constant 0 : i32
    "tpu.region"() ({
      %run_scoped3A_304 = tpu.sem_alloc : memref<!tpu.dma_semaphore, #tpu.memory_space<semaphore_mem>>
      %dma_start3A_305 = arith.constant 0 : i32
      %dma_start3A_306 = arith.constant 0 : i32
      %dma_start3A_307 = tpu.memref_slice %arg12[%run_scoped3A_22, %dma_start3A_305, %dma_start3A_306] : memref<3x96x128xf32, #tpu.memory_space<vmem>> -> memref<1x96x128xf32, #tpu.memory_space<vmem>>
      %dma_start3A_308 = tpu.memref_squeeze %dma_start3A_307 : memref<1x96x128xf32, #tpu.memory_space<vmem>> -> memref<96x128xf32, #tpu.memory_space<vmem>>
      %dma_start3A_309 = arith.constant 0 : i32
      %dma_start3A_310 = tpu.memref_slice %arg13[%add3A_21, %dma_start3A_309] : memref<10000x128xf32, #tpu.memory_space<vmem_shared>> -> memref<96x128xf32, #tpu.memory_space<vmem_shared>>
      %dma_start3A_311 = arith.constant 0 : i32
      %dma_start3A_312 = tpu.memref_slice %arg13[%add3A_21, %dma_start3A_311] : memref<10000x128xf32, #tpu.memory_space<vmem_shared>> -> memref<96x128xf32, #tpu.memory_space<vmem_shared>>
      %dma_start3A_313 = arith.constant 0 : i32
      %dma_start3A_314 = arith.constant 0 : i32
      %dma_start3A_315 = tpu.memref_slice %arg12[%run_scoped3A_22, %dma_start3A_313, %dma_start3A_314] : memref<3x96x128xf32, #tpu.memory_space<vmem>> -> memref<1x96x128xf32, #tpu.memory_space<vmem>>
      %dma_start3A_316 = tpu.memref_squeeze %dma_start3A_315 : memref<1x96x128xf32, #tpu.memory_space<vmem>> -> memref<96x128xf32, #tpu.memory_space<vmem>>
      tpu.enqueue_dma source(%dma_start3A_316 : memref<96x128xf32, #tpu.memory_space<vmem>>) target(%dma_start3A_312 : memref<96x128xf32, #tpu.memory_space<vmem_shared>>) target_semaphore(%run_scoped3A_304 : memref<!tpu.dma_semaphore, #tpu.memory_space<semaphore_mem>>)
      %dma_wait3A_317 = arith.constant 0 : i32
      %dma_wait3A_318 = arith.constant 0 : i32
      %dma_wait3A_319 = tpu.memref_slice %arg12[%run_scoped3A_22, %dma_wait3A_317, %dma_wait3A_318] : memref<3x96x128xf32, #tpu.memory_space<vmem>> -> memref<1x96x128xf32, #tpu.memory_space<vmem>>
      %dma_wait3A_320 = tpu.memref_squeeze %dma_wait3A_319 : memref<1x96x128xf32, #tpu.memory_space<vmem>> -> memref<96x128xf32, #tpu.memory_space<vmem>>
      %dma_wait3A_321 = arith.constant 0 : i32
      %dma_wait3A_322 = tpu.memref_slice %arg13[%add3A_21, %dma_wait3A_321] : memref<10000x128xf32, #tpu.memory_space<vmem_shared>> -> memref<96x128xf32, #tpu.memory_space<vmem_shared>>
      %dma_wait3A_323 = arith.constant 0 : i32
      %dma_wait3A_324 = tpu.memref_slice %arg13[%add3A_21, %dma_wait3A_323] : memref<10000x128xf32, #tpu.memory_space<vmem_shared>> -> memref<96x128xf32, #tpu.memory_space<vmem_shared>>
      %dma_wait3A_325 = arith.constant 0 : i32
      %dma_wait3A_326 = arith.constant 0 : i32
      %dma_wait3A_327 = tpu.memref_slice %arg12[%run_scoped3A_22, %dma_wait3A_325, %dma_wait3A_326] : memref<3x96x128xf32, #tpu.memory_space<vmem>> -> memref<1x96x128xf32, #tpu.memory_space<vmem>>
      %dma_wait3A_328 = tpu.memref_squeeze %dma_wait3A_327 : memref<1x96x128xf32, #tpu.memory_space<vmem>> -> memref<96x128xf32, #tpu.memory_space<vmem>>
      tpu.wait_dma2 semaphore(%run_scoped3A_304 : memref<!tpu.dma_semaphore, #tpu.memory_space<semaphore_mem>>) src(%dma_wait3A_328 : memref<96x128xf32, #tpu.memory_space<vmem>>) dst(%dma_wait3A_324 : memref<96x128xf32, #tpu.memory_space<vmem_shared>>)
      tpu.yield
    }) : () -> ()
    %mul3A_23 = arith.constant 624 : i32
    %mul3A_24 = arith.muli %arg1, %mul3A_23 : i32
    %add3A_25 = arith.constant 384 : i32
    %add3A_26 = arith.addi %mul3A_24, %add3A_25 : i32
    %run_scoped3A_27 = arith.constant 0 : i32
    "tpu.region"() ({
      %run_scoped3A_304 = tpu.sem_alloc : memref<!tpu.dma_semaphore, #tpu.memory_space<semaphore_mem>>
      %dma_start3A_305 = arith.constant 0 : i32
      %dma_start3A_306 = arith.constant 0 : i32
      %dma_start3A_307 = tpu.memref_slice %arg12[%run_scoped3A_27, %dma_start3A_305, %dma_start3A_306] : memref<3x96x128xf32, #tpu.memory_space<vmem>> -> memref<1x96x128xf32, #tpu.memory_space<vmem>>
      %dma_start3A_308 = tpu.memref_squeeze %dma_start3A_307 : memref<1x96x128xf32, #tpu.memory_space<vmem>> -> memref<96x128xf32, #tpu.memory_space<vmem>>
      %dma_start3A_309 = arith.constant 0 : i32
      %dma_start3A_310 = tpu.memref_slice %arg13[%add3A_26, %dma_start3A_309] : memref<10000x128xf32, #tpu.memory_space<vmem_shared>> -> memref<96x128xf32, #tpu.memory_space<vmem_shared>>
      %dma_start3A_311 = arith.constant 0 : i32
      %dma_start3A_312 = tpu.memref_slice %arg13[%add3A_26, %dma_start3A_311] : memref<10000x128xf32, #tpu.memory_space<vmem_shared>> -> memref<96x128xf32, #tpu.memory_space<vmem_shared>>
      %dma_start3A_313 = arith.constant 0 : i32
      %dma_start3A_314 = arith.constant 0 : i32
      %dma_start3A_315 = tpu.memref_slice %arg12[%run_scoped3A_27, %dma_start3A_313, %dma_start3A_314] : memref<3x96x128xf32, #tpu.memory_space<vmem>> -> memref<1x96x128xf32, #tpu.memory_space<vmem>>
      %dma_start3A_316 = tpu.memref_squeeze %dma_start3A_315 : memref<1x96x128xf32, #tpu.memory_space<vmem>> -> memref<96x128xf32, #tpu.memory_space<vmem>>
      tpu.enqueue_dma source(%dma_start3A_316 : memref<96x128xf32, #tpu.memory_space<vmem>>) target(%dma_start3A_312 : memref<96x128xf32, #tpu.memory_space<vmem_shared>>) target_semaphore(%run_scoped3A_304 : memref<!tpu.dma_semaphore, #tpu.memory_space<semaphore_mem>>)
      %dma_wait3A_317 = arith.constant 0 : i32
      %dma_wait3A_318 = arith.constant 0 : i32
      %dma_wait3A_319 = tpu.memref_slice %arg12[%run_scoped3A_27, %dma_wait3A_317, %dma_wait3A_318] : memref<3x96x128xf32, #tpu.memory_space<vmem>> -> memref<1x96x128xf32, #tpu.memory_space<vmem>>
      %dma_wait3A_320 = tpu.memref_squeeze %dma_wait3A_319 : memref<1x96x128xf32, #tpu.memory_space<vmem>> -> memref<96x128xf32, #tpu.memory_space<vmem>>
      %dma_wait3A_321 = arith.constant 0 : i32
      %dma_wait3A_322 = tpu.memref_slice %arg13[%add3A_26, %dma_wait3A_321] : memref<10000x128xf32, #tpu.memory_space<vmem_shared>> -> memref<96x128xf32, #tpu.memory_space<vmem_shared>>
      %dma_wait3A_323 = arith.constant 0 : i32
      %dma_wait3A_324 = tpu.memref_slice %arg13[%add3A_26, %dma_wait3A_323] : memref<10000x128xf32, #tpu.memory_space<vmem_shared>> -> memref<96x128xf32, #tpu.memory_space<vmem_shared>>
      %dma_wait3A_325 = arith.constant 0 : i32
      %dma_wait3A_326 = arith.constant 0 : i32
      %dma_wait3A_327 = tpu.memref_slice %arg12[%run_scoped3A_27, %dma_wait3A_325, %dma_wait3A_326] : memref<3x96x128xf32, #tpu.memory_space<vmem>> -> memref<1x96x128xf32, #tpu.memory_space<vmem>>
      %dma_wait3A_328 = tpu.memref_squeeze %dma_wait3A_327 : memref<1x96x128xf32, #tpu.memory_space<vmem>> -> memref<96x128xf32, #tpu.memory_space<vmem>>
      tpu.wait_dma2 semaphore(%run_scoped3A_304 : memref<!tpu.dma_semaphore, #tpu.memory_space<semaphore_mem>>) src(%dma_wait3A_328 : memref<96x128xf32, #tpu.memory_space<vmem>>) dst(%dma_wait3A_324 : memref<96x128xf32, #tpu.memory_space<vmem_shared>>)
      tpu.yield
    }) : () -> ()
    %mul3A_28 = arith.constant 624 : i32
    %mul3A_29 = arith.muli %arg1, %mul3A_28 : i32
    %add3A_30 = arith.constant 480 : i32
    %add3A_31 = arith.addi %mul3A_29, %add3A_30 : i32
    %run_scoped3A_32 = arith.constant 0 : i32
    "tpu.region"() ({
      %run_scoped3A_304 = tpu.sem_alloc : memref<!tpu.dma_semaphore, #tpu.memory_space<semaphore_mem>>
      %dma_start3A_305 = arith.constant 0 : i32
      %dma_start3A_306 = arith.constant 0 : i32
      %dma_start3A_307 = tpu.memref_slice %arg12[%run_scoped3A_32, %dma_start3A_305, %dma_start3A_306] : memref<3x96x128xf32, #tpu.memory_space<vmem>> -> memref<1x96x128xf32, #tpu.memory_space<vmem>>
      %dma_start3A_308 = tpu.memref_squeeze %dma_start3A_307 : memref<1x96x128xf32, #tpu.memory_space<vmem>> -> memref<96x128xf32, #tpu.memory_space<vmem>>
      %dma_start3A_309 = arith.constant 0 : i32
      %dma_start3A_310 = tpu.memref_slice %arg13[%add3A_31, %dma_start3A_309] : memref<10000x128xf32, #tpu.memory_space<vmem_shared>> -> memref<96x128xf32, #tpu.memory_space<vmem_shared>>
      %dma_start3A_311 = arith.constant 0 : i32
      %dma_start3A_312 = tpu.memref_slice %arg13[%add3A_31, %dma_start3A_311] : memref<10000x128xf32, #tpu.memory_space<vmem_shared>> -> memref<96x128xf32, #tpu.memory_space<vmem_shared>>
      %dma_start3A_313 = arith.constant 0 : i32
      %dma_start3A_314 = arith.constant 0 : i32
      %dma_start3A_315 = tpu.memref_slice %arg12[%run_scoped3A_32, %dma_start3A_313, %dma_start3A_314] : memref<3x96x128xf32, #tpu.memory_space<vmem>> -> memref<1x96x128xf32, #tpu.memory_space<vmem>>
      %dma_start3A_316 = tpu.memref_squeeze %dma_start3A_315 : memref<1x96x128xf32, #tpu.memory_space<vmem>> -> memref<96x128xf32, #tpu.memory_space<vmem>>
      tpu.enqueue_dma source(%dma_start3A_316 : memref<96x128xf32, #tpu.memory_space<vmem>>) target(%dma_start3A_312 : memref<96x128xf32, #tpu.memory_space<vmem_shared>>) target_semaphore(%run_scoped3A_304 : memref<!tpu.dma_semaphore, #tpu.memory_space<semaphore_mem>>)
      %dma_wait3A_317 = arith.constant 0 : i32
      %dma_wait3A_318 = arith.constant 0 : i32
      %dma_wait3A_319 = tpu.memref_slice %arg12[%run_scoped3A_32, %dma_wait3A_317, %dma_wait3A_318] : memref<3x96x128xf32, #tpu.memory_space<vmem>> -> memref<1x96x128xf32, #tpu.memory_space<vmem>>
      %dma_wait3A_320 = tpu.memref_squeeze %dma_wait3A_319 : memref<1x96x128xf32, #tpu.memory_space<vmem>> -> memref<96x128xf32, #tpu.memory_space<vmem>>
      %dma_wait3A_321 = arith.constant 0 : i32
      %dma_wait3A_322 = tpu.memref_slice %arg13[%add3A_31, %dma_wait3A_321] : memref<10000x128xf32, #tpu.memory_space<vmem_shared>> -> memref<96x128xf32, #tpu.memory_space<vmem_shared>>
      %dma_wait3A_323 = arith.constant 0 : i32
      %dma_wait3A_324 = tpu.memref_slice %arg13[%add3A_31, %dma_wait3A_323] : memref<10000x128xf32, #tpu.memory_space<vmem_shared>> -> memref<96x128xf32, #tpu.memory_space<vmem_shared>>
      %dma_wait3A_325 = arith.constant 0 : i32
      %dma_wait3A_326 = arith.constant 0 : i32
      %dma_wait3A_327 = tpu.memref_slice %arg12[%run_scoped3A_32, %dma_wait3A_325, %dma_wait3A_326] : memref<3x96x128xf32, #tpu.memory_space<vmem>> -> memref<1x96x128xf32, #tpu.memory_space<vmem>>
      %dma_wait3A_328 = tpu.memref_squeeze %dma_wait3A_327 : memref<1x96x128xf32, #tpu.memory_space<vmem>> -> memref<96x128xf32, #tpu.memory_space<vmem>>
      tpu.wait_dma2 semaphore(%run_scoped3A_304 : memref<!tpu.dma_semaphore, #tpu.memory_space<semaphore_mem>>) src(%dma_wait3A_328 : memref<96x128xf32, #tpu.memory_space<vmem>>) dst(%dma_wait3A_324 : memref<96x128xf32, #tpu.memory_space<vmem_shared>>)
      tpu.yield
    }) : () -> ()
    %mul3A_33 = arith.constant 624 : i32
    %mul3A_34 = arith.muli %arg1, %mul3A_33 : i32
    %add3A_35 = arith.constant 624 : i32
    %add3A_36 = arith.addi %mul3A_34, %add3A_35 : i32
    %sub3A = arith.constant 48 : i32
    %sub3A_37 = arith.subi %add3A_36, %sub3A : i32
    %run_scoped3A_38 = arith.constant 0 : i32
    "tpu.region"() ({
      %run_scoped3A_304 = tpu.sem_alloc : memref<!tpu.dma_semaphore, #tpu.memory_space<semaphore_mem>>
      %dma_start3A_305 = arith.constant 0 : i32
      %dma_start3A_306 = arith.constant 0 : i32
      %dma_start3A_307 = tpu.memref_slice %arg12[%run_scoped3A_38, %dma_start3A_305, %dma_start3A_306] : memref<3x96x128xf32, #tpu.memory_space<vmem>> -> memref<1x48x128xf32, #tpu.memory_space<vmem>>
      %dma_start3A_308 = tpu.memref_squeeze %dma_start3A_307 : memref<1x48x128xf32, #tpu.memory_space<vmem>> -> memref<48x128xf32, #tpu.memory_space<vmem>>
      %dma_start3A_309 = arith.constant 0 : i32
      %dma_start3A_310 = tpu.memref_slice %arg13[%sub3A_37, %dma_start3A_309] : memref<10000x128xf32, #tpu.memory_space<vmem_shared>> -> memref<48x128xf32, #tpu.memory_space<vmem_shared>>
      %dma_start3A_311 = arith.constant 0 : i32
      %dma_start3A_312 = tpu.memref_slice %arg13[%sub3A_37, %dma_start3A_311] : memref<10000x128xf32, #tpu.memory_space<vmem_shared>> -> memref<48x128xf32, #tpu.memory_space<vmem_shared>>
      %dma_start3A_313 = arith.constant 0 : i32
      %dma_start3A_314 = arith.constant 0 : i32
      %dma_start3A_315 = tpu.memref_slice %arg12[%run_scoped3A_38, %dma_start3A_313, %dma_start3A_314] : memref<3x96x128xf32, #tpu.memory_space<vmem>> -> memref<1x48x128xf32, #tpu.memory_space<vmem>>
      %dma_start3A_316 = tpu.memref_squeeze %dma_start3A_315 : memref<1x48x128xf32, #tpu.memory_space<vmem>> -> memref<48x128xf32, #tpu.memory_space<vmem>>
      tpu.enqueue_dma source(%dma_start3A_316 : memref<48x128xf32, #tpu.memory_space<vmem>>) target(%dma_start3A_312 : memref<48x128xf32, #tpu.memory_space<vmem_shared>>) target_semaphore(%run_scoped3A_304 : memref<!tpu.dma_semaphore, #tpu.memory_space<semaphore_mem>>)
      %dma_wait3A_317 = arith.constant 0 : i32
      %dma_wait3A_318 = arith.constant 0 : i32
      %dma_wait3A_319 = tpu.memref_slice %arg12[%run_scoped3A_38, %dma_wait3A_317, %dma_wait3A_318] : memref<3x96x128xf32, #tpu.memory_space<vmem>> -> memref<1x48x128xf32, #tpu.memory_space<vmem>>
      %dma_wait3A_320 = tpu.memref_squeeze %dma_wait3A_319 : memref<1x48x128xf32, #tpu.memory_space<vmem>> -> memref<48x128xf32, #tpu.memory_space<vmem>>
      %dma_wait3A_321 = arith.constant 0 : i32
      %dma_wait3A_322 = tpu.memref_slice %arg13[%sub3A_37, %dma_wait3A_321] : memref<10000x128xf32, #tpu.memory_space<vmem_shared>> -> memref<48x128xf32, #tpu.memory_space<vmem_shared>>
      %dma_wait3A_323 = arith.constant 0 : i32
      %dma_wait3A_324 = tpu.memref_slice %arg13[%sub3A_37, %dma_wait3A_323] : memref<10000x128xf32, #tpu.memory_space<vmem_shared>> -> memref<48x128xf32, #tpu.memory_space<vmem_shared>>
      %dma_wait3A_325 = arith.constant 0 : i32
      %dma_wait3A_326 = arith.constant 0 : i32
      %dma_wait3A_327 = tpu.memref_slice %arg12[%run_scoped3A_38, %dma_wait3A_325, %dma_wait3A_326] : memref<3x96x128xf32, #tpu.memory_space<vmem>> -> memref<1x48x128xf32, #tpu.memory_space<vmem>>
      %dma_wait3A_328 = tpu.memref_squeeze %dma_wait3A_327 : memref<1x48x128xf32, #tpu.memory_space<vmem>> -> memref<48x128xf32, #tpu.memory_space<vmem>>
      tpu.wait_dma2 semaphore(%run_scoped3A_304 : memref<!tpu.dma_semaphore, #tpu.memory_space<semaphore_mem>>) src(%dma_wait3A_328 : memref<48x128xf32, #tpu.memory_space<vmem>>) dst(%dma_wait3A_324 : memref<48x128xf32, #tpu.memory_space<vmem_shared>>)
      tpu.yield
    }) : () -> ()
    %eq3A = arith.constant 15 : i32
    %eq3A_39 = arith.cmpi eq, %arg1, %eq3A : i32
    %convert_element_type3A = arith.extui %eq3A_39 : i1 to i32
    %cond3A = arith.constant 0 : i32
    %cond3A_40 = arith.cmpi ne, %convert_element_type3A, %cond3A : i32
    scf.if %cond3A_40 {
      %run_scoped3A_304 = arith.constant 0 : i32
      "tpu.region"() ({
        %run_scoped3A_305 = tpu.sem_alloc : memref<!tpu.dma_semaphore, #tpu.memory_space<semaphore_mem>>
        %dma_start3A_306 = arith.constant 0 : i32
        %dma_start3A_307 = arith.constant 0 : i32
        %dma_start3A_308 = tpu.memref_slice %arg12[%run_scoped3A_304, %dma_start3A_306, %dma_start3A_307] : memref<3x96x128xf32, #tpu.memory_space<vmem>> -> memref<1x16x128xf32, #tpu.memory_space<vmem>>
        %dma_start3A_309 = tpu.memref_squeeze %dma_start3A_308 : memref<1x16x128xf32, #tpu.memory_space<vmem>> -> memref<16x128xf32, #tpu.memory_space<vmem>>
        %dma_start3A_310 = arith.constant 9984 : i32
        %dma_start3A_311 = arith.constant 0 : i32
        %dma_start3A_312 = tpu.memref_slice %arg13[%dma_start3A_310, %dma_start3A_311] : memref<10000x128xf32, #tpu.memory_space<vmem_shared>> -> memref<16x128xf32, #tpu.memory_space<vmem_shared>>
        %dma_start3A_313 = arith.constant 9984 : i32
        %dma_start3A_314 = arith.constant 0 : i32
        %dma_start3A_315 = tpu.memref_slice %arg13[%dma_start3A_313, %dma_start3A_314] : memref<10000x128xf32, #tpu.memory_space<vmem_shared>> -> memref<16x128xf32, #tpu.memory_space<vmem_shared>>
        %dma_start3A_316 = arith.constant 0 : i32
        %dma_start3A_317 = arith.constant 0 : i32
        %dma_start3A_318 = tpu.memref_slice %arg12[%run_scoped3A_304, %dma_start3A_316, %dma_start3A_317] : memref<3x96x128xf32, #tpu.memory_space<vmem>> -> memref<1x16x128xf32, #tpu.memory_space<vmem>>
        %dma_start3A_319 = tpu.memref_squeeze %dma_start3A_318 : memref<1x16x128xf32, #tpu.memory_space<vmem>> -> memref<16x128xf32, #tpu.memory_space<vmem>>
        tpu.enqueue_dma source(%dma_start3A_319 : memref<16x128xf32, #tpu.memory_space<vmem>>) target(%dma_start3A_315 : memref<16x128xf32, #tpu.memory_space<vmem_shared>>) target_semaphore(%run_scoped3A_305 : memref<!tpu.dma_semaphore, #tpu.memory_space<semaphore_mem>>)
        %dma_wait3A_320 = arith.constant 0 : i32
        %dma_wait3A_321 = arith.constant 0 : i32
        %dma_wait3A_322 = tpu.memref_slice %arg12[%run_scoped3A_304, %dma_wait3A_320, %dma_wait3A_321] : memref<3x96x128xf32, #tpu.memory_space<vmem>> -> memref<1x16x128xf32, #tpu.memory_space<vmem>>
        %dma_wait3A_323 = tpu.memref_squeeze %dma_wait3A_322 : memref<1x16x128xf32, #tpu.memory_space<vmem>> -> memref<16x128xf32, #tpu.memory_space<vmem>>
        %dma_wait3A_324 = arith.constant 9984 : i32
        %dma_wait3A_325 = arith.constant 0 : i32
        %dma_wait3A_326 = tpu.memref_slice %arg13[%dma_wait3A_324, %dma_wait3A_325] : memref<10000x128xf32, #tpu.memory_space<vmem_shared>> -> memref<16x128xf32, #tpu.memory_space<vmem_shared>>
        %dma_wait3A_327 = arith.constant 9984 : i32
        %dma_wait3A_328 = arith.constant 0 : i32
        %dma_wait3A_329 = tpu.memref_slice %arg13[%dma_wait3A_327, %dma_wait3A_328] : memref<10000x128xf32, #tpu.memory_space<vmem_shared>> -> memref<16x128xf32, #tpu.memory_space<vmem_shared>>
        %dma_wait3A_330 = arith.constant 0 : i32
        %dma_wait3A_331 = arith.constant 0 : i32
        %dma_wait3A_332 = tpu.memref_slice %arg12[%run_scoped3A_304, %dma_wait3A_330, %dma_wait3A_331] : memref<3x96x128xf32, #tpu.memory_space<vmem>> -> memref<1x16x128xf32, #tpu.memory_space<vmem>>
        %dma_wait3A_333 = tpu.memref_squeeze %dma_wait3A_332 : memref<1x16x128xf32, #tpu.memory_space<vmem>> -> memref<16x128xf32, #tpu.memory_space<vmem>>
        tpu.wait_dma2 semaphore(%run_scoped3A_305 : memref<!tpu.dma_semaphore, #tpu.memory_space<semaphore_mem>>) src(%dma_wait3A_333 : memref<16x128xf32, #tpu.memory_space<vmem>>) dst(%dma_wait3A_329 : memref<16x128xf32, #tpu.memory_space<vmem_shared>>)
        tpu.yield
      }) : () -> ()
    } else {
    }
    %mul3A_41 = arith.constant 160000 : i32
    %mul3A_42 = arith.muli %arg0, %mul3A_41 : i32
    %mul3A_43 = arith.constant 10000 : i32
    %mul3A_44 = arith.muli %arg1, %mul3A_43 : i32
    %add3A_45 = arith.addi %mul3A_42, %mul3A_44 : i32
    "tpu.region"() ({
      %run_scoped3A_304 = tpu.sem_alloc : memref<!tpu.dma_semaphore, #tpu.memory_space<semaphore_mem>>
      %dma_start3A_305 = tpu.memref_slice %arg2[%add3A_45] : memref<320000xi32, #tpu.memory_space<hbm>> -> memref<10000xi32, #tpu.memory_space<hbm>>
      %dma_start3A_306 = tpu.memref_slice %arg2[%add3A_45] : memref<320000xi32, #tpu.memory_space<hbm>> -> memref<10000xi32, #tpu.memory_space<hbm>>
      tpu.enqueue_dma source(%dma_start3A_306 : memref<10000xi32, #tpu.memory_space<hbm>>) target(%arg6 : memref<10000xi32, #tpu.memory_space<vmem>>) target_semaphore(%run_scoped3A_304 : memref<!tpu.dma_semaphore, #tpu.memory_space<semaphore_mem>>)
      %dma_wait3A_307 = tpu.memref_slice %arg2[%add3A_45] : memref<320000xi32, #tpu.memory_space<hbm>> -> memref<10000xi32, #tpu.memory_space<hbm>>
      %dma_wait3A_308 = tpu.memref_slice %arg2[%add3A_45] : memref<320000xi32, #tpu.memory_space<hbm>> -> memref<10000xi32, #tpu.memory_space<hbm>>
      tpu.wait_dma2 semaphore(%run_scoped3A_304 : memref<!tpu.dma_semaphore, #tpu.memory_space<semaphore_mem>>) src(%dma_wait3A_308 : memref<10000xi32, #tpu.memory_space<hbm>>) dst(%arg6 : memref<10000xi32, #tpu.memory_space<vmem>>)
      tpu.yield
    }) : () -> ()
    %barrier3A = arith.constant 0 : index
    tpu.barrier barrier_id(%barrier3A)
    %mul3A_46 = arith.constant 10000 : i32
    %mul3A_47 = arith.muli %arg1, %mul3A_46 : i32
    %add3A_48 = arith.constant 0 : i32
    %add3A_49 = arith.addi %mul3A_47, %add3A_48 : i32
    %dma_start3A = tpu.memref_slice %arg3[%add3A_49] : memref<160000xi32, #tpu.memory_space<hbm>> -> memref<96xi32, #tpu.memory_space<hbm>>
    %dma_start3A_50 = tpu.memref_slice %arg3[%add3A_49] : memref<160000xi32, #tpu.memory_space<hbm>> -> memref<96xi32, #tpu.memory_space<hbm>>
    tpu.enqueue_dma source(%dma_start3A_50 : memref<96xi32, #tpu.memory_space<hbm>>) target(%arg7 : memref<96xi32, #tpu.memory_space<vmem>>) target_semaphore(%arg17 : memref<!tpu.dma_semaphore, #tpu.memory_space<semaphore_mem>>)
    %dma_start3A_51 = arith.constant 0 : i32
    %dma_start3A_52 = arith.constant 0 : i32
    %dma_start3A_53 = arith.constant 0 : i32
    %dma_start3A_54 = tpu.memref_slice %arg12[%dma_start3A_51, %dma_start3A_52, %dma_start3A_53] : memref<3x96x128xf32, #tpu.memory_space<vmem>> -> memref<1x96x128xf32, #tpu.memory_space<vmem>>
    %dma_start3A_55 = tpu.memref_squeeze %dma_start3A_54 : memref<1x96x128xf32, #tpu.memory_space<vmem>> -> memref<96x128xf32, #tpu.memory_space<vmem>>
    %dma_start3A_56 = arith.constant 0 : i32
    %dma_start3A_57 = tpu.memref_slice %arg6[%dma_start3A_56] : memref<10000xi32, #tpu.memory_space<vmem>> -> memref<96xi32, #tpu.memory_space<vmem>>
    %dma_start3A_58 = arith.constant 0 : i32
    %dma_start3A_59 = arith.constant 0 : i32
    %dma_start3A_60 = tpu.memref_slice %arg4[%dma_start3A_58, %dma_start3A_59] : memref<20000x128xf32, #tpu.memory_space<hbm>> -> memref<20000x128xf32, #tpu.memory_space<hbm>>
    tpu.enqueue_indirect_dma source(%dma_start3A_60 : memref<20000x128xf32, #tpu.memory_space<hbm>>) target(%dma_start3A_55 : memref<96x128xf32, #tpu.memory_space<vmem>>) offsets(%dma_start3A_57 : memref<96xi32, #tpu.memory_space<vmem>>) semaphore(%arg14 : memref<!tpu.dma_semaphore, #tpu.memory_space<semaphore_mem>>)
    %mul3A_61 = arith.constant 10000 : i32
    %mul3A_62 = arith.muli %arg1, %mul3A_61 : i32
    %add3A_63 = arith.constant 96 : i32
    %add3A_64 = arith.addi %mul3A_62, %add3A_63 : i32
    %dma_start3A_65 = tpu.memref_slice %arg3[%add3A_64] : memref<160000xi32, #tpu.memory_space<hbm>> -> memref<96xi32, #tpu.memory_space<hbm>>
    %dma_start3A_66 = tpu.memref_slice %arg3[%add3A_64] : memref<160000xi32, #tpu.memory_space<hbm>> -> memref<96xi32, #tpu.memory_space<hbm>>
    tpu.enqueue_dma source(%dma_start3A_66 : memref<96xi32, #tpu.memory_space<hbm>>) target(%arg8 : memref<96xi32, #tpu.memory_space<vmem>>) target_semaphore(%arg18 : memref<!tpu.dma_semaphore, #tpu.memory_space<semaphore_mem>>)
    %dma_start3A_67 = arith.constant 1 : i32
    %dma_start3A_68 = arith.constant 0 : i32
    %dma_start3A_69 = arith.constant 0 : i32
    %dma_start3A_70 = tpu.memref_slice %arg12[%dma_start3A_67, %dma_start3A_68, %dma_start3A_69] : memref<3x96x128xf32, #tpu.memory_space<vmem>> -> memref<1x96x128xf32, #tpu.memory_space<vmem>>
    %dma_start3A_71 = tpu.memref_squeeze %dma_start3A_70 : memref<1x96x128xf32, #tpu.memory_space<vmem>> -> memref<96x128xf32, #tpu.memory_space<vmem>>
    %dma_start3A_72 = arith.constant 96 : i32
    %dma_start3A_73 = tpu.memref_slice %arg6[%dma_start3A_72] : memref<10000xi32, #tpu.memory_space<vmem>> -> memref<96xi32, #tpu.memory_space<vmem>>
    %dma_start3A_74 = arith.constant 0 : i32
    %dma_start3A_75 = arith.constant 0 : i32
    %dma_start3A_76 = tpu.memref_slice %arg4[%dma_start3A_74, %dma_start3A_75] : memref<20000x128xf32, #tpu.memory_space<hbm>> -> memref<20000x128xf32, #tpu.memory_space<hbm>>
    tpu.enqueue_indirect_dma source(%dma_start3A_76 : memref<20000x128xf32, #tpu.memory_space<hbm>>) target(%dma_start3A_71 : memref<96x128xf32, #tpu.memory_space<vmem>>) offsets(%dma_start3A_73 : memref<96xi32, #tpu.memory_space<vmem>>) semaphore(%arg15 : memref<!tpu.dma_semaphore, #tpu.memory_space<semaphore_mem>>)
    %dma_wait3A = arith.constant 0 : i32
    %dma_wait3A_77 = arith.constant 0 : i32
    %dma_wait3A_78 = arith.constant 0 : i32
    %dma_wait3A_79 = tpu.memref_slice %arg12[%dma_wait3A, %dma_wait3A_77, %dma_wait3A_78] : memref<3x96x128xf32, #tpu.memory_space<vmem>> -> memref<1x96x128xf32, #tpu.memory_space<vmem>>
    %dma_wait3A_80 = tpu.memref_squeeze %dma_wait3A_79 : memref<1x96x128xf32, #tpu.memory_space<vmem>> -> memref<96x128xf32, #tpu.memory_space<vmem>>
    %dma_wait3A_81 = arith.constant 0 : i32
    %dma_wait3A_82 = tpu.memref_slice %arg6[%dma_wait3A_81] : memref<10000xi32, #tpu.memory_space<vmem>> -> memref<96xi32, #tpu.memory_space<vmem>>
    %dma_wait3A_83 = arith.constant 0 : i32
    %dma_wait3A_84 = arith.constant 0 : i32
    %dma_wait3A_85 = tpu.memref_slice %arg4[%dma_wait3A_83, %dma_wait3A_84] : memref<20000x128xf32, #tpu.memory_space<hbm>> -> memref<20000x128xf32, #tpu.memory_space<hbm>>
    tpu.wait_indirect_dma semaphore(%arg14 : memref<!tpu.dma_semaphore, #tpu.memory_space<semaphore_mem>>) src(%dma_wait3A_85 : memref<20000x128xf32, #tpu.memory_space<hbm>>) dst(%dma_wait3A_80 : memref<96x128xf32, #tpu.memory_space<vmem>>)
    %dma_wait3A_86 = arith.constant 0 : i32
    %dma_wait3A_87 = tpu.memref_slice %arg3[%dma_wait3A_86] : memref<160000xi32, #tpu.memory_space<hbm>> -> memref<96xi32, #tpu.memory_space<hbm>>
    %dma_wait3A_88 = arith.constant 0 : i32
    %dma_wait3A_89 = tpu.memref_slice %arg3[%dma_wait3A_88] : memref<160000xi32, #tpu.memory_space<hbm>> -> memref<96xi32, #tpu.memory_space<hbm>>
    tpu.wait_dma2 semaphore(%arg17 : memref<!tpu.dma_semaphore, #tpu.memory_space<semaphore_mem>>) src(%dma_wait3A_89 : memref<96xi32, #tpu.memory_space<hbm>>) dst(%arg7 : memref<96xi32, #tpu.memory_space<vmem>>)
    %dma_start3A_90 = arith.constant 0 : i32
    %dma_start3A_91 = arith.constant 0 : i32
    %dma_start3A_92 = arith.constant 0 : i32
    %dma_start3A_93 = tpu.memref_slice %arg12[%dma_start3A_90, %dma_start3A_91, %dma_start3A_92] : memref<3x96x128xf32, #tpu.memory_space<vmem>> -> memref<1x96x128xf32, #tpu.memory_space<vmem>>
    %dma_start3A_94 = tpu.memref_squeeze %dma_start3A_93 : memref<1x96x128xf32, #tpu.memory_space<vmem>> -> memref<96x128xf32, #tpu.memory_space<vmem>>
    %dma_start3A_95 = arith.constant 0 : i32
    %dma_start3A_96 = arith.constant 0 : i32
    %dma_start3A_97 = tpu.memref_slice %arg13[%dma_start3A_95, %dma_start3A_96] : memref<10000x128xf32, #tpu.memory_space<vmem_shared>> -> memref<10000x128xf32, #tpu.memory_space<vmem_shared>>
    tpu.enqueue_indirect_dma source(%dma_start3A_94 : memref<96x128xf32, #tpu.memory_space<vmem>>) target(%dma_start3A_97 : memref<10000x128xf32, #tpu.memory_space<vmem_shared>>) offsets(%arg7 : memref<96xi32, #tpu.memory_space<vmem>>) semaphore(%arg20 : memref<!tpu.dma_semaphore, #tpu.memory_space<semaphore_mem>>) {add = true}
    %mul3A_98 = arith.constant 10000 : i32
    %mul3A_99 = arith.muli %arg1, %mul3A_98 : i32
    %add3A_100 = arith.constant 192 : i32
    %add3A_101 = arith.addi %mul3A_99, %add3A_100 : i32
    %dma_start3A_102 = tpu.memref_slice %arg3[%add3A_101] : memref<160000xi32, #tpu.memory_space<hbm>> -> memref<96xi32, #tpu.memory_space<hbm>>
    %dma_start3A_103 = tpu.memref_slice %arg3[%add3A_101] : memref<160000xi32, #tpu.memory_space<hbm>> -> memref<96xi32, #tpu.memory_space<hbm>>
    tpu.enqueue_dma source(%dma_start3A_103 : memref<96xi32, #tpu.memory_space<hbm>>) target(%arg9 : memref<96xi32, #tpu.memory_space<vmem>>) target_semaphore(%arg19 : memref<!tpu.dma_semaphore, #tpu.memory_space<semaphore_mem>>)
    %dma_start3A_104 = arith.constant 2 : i32
    %dma_start3A_105 = arith.constant 0 : i32
    %dma_start3A_106 = arith.constant 0 : i32
    %dma_start3A_107 = tpu.memref_slice %arg12[%dma_start3A_104, %dma_start3A_105, %dma_start3A_106] : memref<3x96x128xf32, #tpu.memory_space<vmem>> -> memref<1x96x128xf32, #tpu.memory_space<vmem>>
    %dma_start3A_108 = tpu.memref_squeeze %dma_start3A_107 : memref<1x96x128xf32, #tpu.memory_space<vmem>> -> memref<96x128xf32, #tpu.memory_space<vmem>>
    %dma_start3A_109 = arith.constant 192 : i32
    %dma_start3A_110 = tpu.memref_slice %arg6[%dma_start3A_109] : memref<10000xi32, #tpu.memory_space<vmem>> -> memref<96xi32, #tpu.memory_space<vmem>>
    %dma_start3A_111 = arith.constant 0 : i32
    %dma_start3A_112 = arith.constant 0 : i32
    %dma_start3A_113 = tpu.memref_slice %arg4[%dma_start3A_111, %dma_start3A_112] : memref<20000x128xf32, #tpu.memory_space<hbm>> -> memref<20000x128xf32, #tpu.memory_space<hbm>>
    tpu.enqueue_indirect_dma source(%dma_start3A_113 : memref<20000x128xf32, #tpu.memory_space<hbm>>) target(%dma_start3A_108 : memref<96x128xf32, #tpu.memory_space<vmem>>) offsets(%dma_start3A_110 : memref<96xi32, #tpu.memory_space<vmem>>) semaphore(%arg16 : memref<!tpu.dma_semaphore, #tpu.memory_space<semaphore_mem>>)
    %dma_wait3A_114 = arith.constant 1 : i32
    %dma_wait3A_115 = arith.constant 0 : i32
    %dma_wait3A_116 = arith.constant 0 : i32
    %dma_wait3A_117 = tpu.memref_slice %arg12[%dma_wait3A_114, %dma_wait3A_115, %dma_wait3A_116] : memref<3x96x128xf32, #tpu.memory_space<vmem>> -> memref<1x96x128xf32, #tpu.memory_space<vmem>>
    %dma_wait3A_118 = tpu.memref_squeeze %dma_wait3A_117 : memref<1x96x128xf32, #tpu.memory_space<vmem>> -> memref<96x128xf32, #tpu.memory_space<vmem>>
    %dma_wait3A_119 = arith.constant 0 : i32
    %dma_wait3A_120 = tpu.memref_slice %arg6[%dma_wait3A_119] : memref<10000xi32, #tpu.memory_space<vmem>> -> memref<96xi32, #tpu.memory_space<vmem>>
    %dma_wait3A_121 = arith.constant 0 : i32
    %dma_wait3A_122 = arith.constant 0 : i32
    %dma_wait3A_123 = tpu.memref_slice %arg4[%dma_wait3A_121, %dma_wait3A_122] : memref<20000x128xf32, #tpu.memory_space<hbm>> -> memref<20000x128xf32, #tpu.memory_space<hbm>>
    tpu.wait_indirect_dma semaphore(%arg15 : memref<!tpu.dma_semaphore, #tpu.memory_space<semaphore_mem>>) src(%dma_wait3A_123 : memref<20000x128xf32, #tpu.memory_space<hbm>>) dst(%dma_wait3A_118 : memref<96x128xf32, #tpu.memory_space<vmem>>)
    %dma_wait3A_124 = arith.constant 0 : i32
    %dma_wait3A_125 = tpu.memref_slice %arg3[%dma_wait3A_124] : memref<160000xi32, #tpu.memory_space<hbm>> -> memref<96xi32, #tpu.memory_space<hbm>>
    %dma_wait3A_126 = arith.constant 0 : i32
    %dma_wait3A_127 = tpu.memref_slice %arg3[%dma_wait3A_126] : memref<160000xi32, #tpu.memory_space<hbm>> -> memref<96xi32, #tpu.memory_space<hbm>>
    tpu.wait_dma2 semaphore(%arg18 : memref<!tpu.dma_semaphore, #tpu.memory_space<semaphore_mem>>) src(%dma_wait3A_127 : memref<96xi32, #tpu.memory_space<hbm>>) dst(%arg8 : memref<96xi32, #tpu.memory_space<vmem>>)
    %dma_start3A_128 = arith.constant 1 : i32
    %dma_start3A_129 = arith.constant 0 : i32
    %dma_start3A_130 = arith.constant 0 : i32
    %dma_start3A_131 = tpu.memref_slice %arg12[%dma_start3A_128, %dma_start3A_129, %dma_start3A_130] : memref<3x96x128xf32, #tpu.memory_space<vmem>> -> memref<1x96x128xf32, #tpu.memory_space<vmem>>
    %dma_start3A_132 = tpu.memref_squeeze %dma_start3A_131 : memref<1x96x128xf32, #tpu.memory_space<vmem>> -> memref<96x128xf32, #tpu.memory_space<vmem>>
    %dma_start3A_133 = arith.constant 0 : i32
    %dma_start3A_134 = arith.constant 0 : i32
    %dma_start3A_135 = tpu.memref_slice %arg13[%dma_start3A_133, %dma_start3A_134] : memref<10000x128xf32, #tpu.memory_space<vmem_shared>> -> memref<10000x128xf32, #tpu.memory_space<vmem_shared>>
    tpu.enqueue_indirect_dma source(%dma_start3A_132 : memref<96x128xf32, #tpu.memory_space<vmem>>) target(%dma_start3A_135 : memref<10000x128xf32, #tpu.memory_space<vmem_shared>>) offsets(%arg8 : memref<96xi32, #tpu.memory_space<vmem>>) semaphore(%arg21 : memref<!tpu.dma_semaphore, #tpu.memory_space<semaphore_mem>>) {add = true}
    %dma_wait3A_136 = arith.constant 0 : i32
    %dma_wait3A_137 = arith.constant 0 : i32
    %dma_wait3A_138 = arith.constant 0 : i32
    %dma_wait3A_139 = tpu.memref_slice %arg12[%dma_wait3A_136, %dma_wait3A_137, %dma_wait3A_138] : memref<3x96x128xf32, #tpu.memory_space<vmem>> -> memref<1x96x128xf32, #tpu.memory_space<vmem>>
    %dma_wait3A_140 = tpu.memref_squeeze %dma_wait3A_139 : memref<1x96x128xf32, #tpu.memory_space<vmem>> -> memref<96x128xf32, #tpu.memory_space<vmem>>
    %dma_wait3A_141 = arith.constant 0 : i32
    %dma_wait3A_142 = arith.constant 0 : i32
    %dma_wait3A_143 = tpu.memref_slice %arg13[%dma_wait3A_141, %dma_wait3A_142] : memref<10000x128xf32, #tpu.memory_space<vmem_shared>> -> memref<10000x128xf32, #tpu.memory_space<vmem_shared>>
    tpu.wait_indirect_dma semaphore(%arg20 : memref<!tpu.dma_semaphore, #tpu.memory_space<semaphore_mem>>) src(%dma_wait3A_140 : memref<96x128xf32, #tpu.memory_space<vmem>>) dst(%dma_wait3A_143 : memref<10000x128xf32, #tpu.memory_space<vmem_shared>>)
    %mul3A_144 = arith.constant 10000 : i32
    %mul3A_145 = arith.muli %arg1, %mul3A_144 : i32
    %add3A_146 = arith.constant 288 : i32
    %add3A_147 = arith.addi %mul3A_145, %add3A_146 : i32
    %dma_start3A_148 = tpu.memref_slice %arg3[%add3A_147] : memref<160000xi32, #tpu.memory_space<hbm>> -> memref<96xi32, #tpu.memory_space<hbm>>
    %dma_start3A_149 = tpu.memref_slice %arg3[%add3A_147] : memref<160000xi32, #tpu.memory_space<hbm>> -> memref<96xi32, #tpu.memory_space<hbm>>
    tpu.enqueue_dma source(%dma_start3A_149 : memref<96xi32, #tpu.memory_space<hbm>>) target(%arg7 : memref<96xi32, #tpu.memory_space<vmem>>) target_semaphore(%arg17 : memref<!tpu.dma_semaphore, #tpu.memory_space<semaphore_mem>>)
    %dma_start3A_150 = arith.constant 0 : i32
    %dma_start3A_151 = arith.constant 0 : i32
    %dma_start3A_152 = arith.constant 0 : i32
    %dma_start3A_153 = tpu.memref_slice %arg12[%dma_start3A_150, %dma_start3A_151, %dma_start3A_152] : memref<3x96x128xf32, #tpu.memory_space<vmem>> -> memref<1x96x128xf32, #tpu.memory_space<vmem>>
    %dma_start3A_154 = tpu.memref_squeeze %dma_start3A_153 : memref<1x96x128xf32, #tpu.memory_space<vmem>> -> memref<96x128xf32, #tpu.memory_space<vmem>>
    %dma_start3A_155 = arith.constant 288 : i32
    %dma_start3A_156 = tpu.memref_slice %arg6[%dma_start3A_155] : memref<10000xi32, #tpu.memory_space<vmem>> -> memref<96xi32, #tpu.memory_space<vmem>>
    %dma_start3A_157 = arith.constant 0 : i32
    %dma_start3A_158 = arith.constant 0 : i32
    %dma_start3A_159 = tpu.memref_slice %arg4[%dma_start3A_157, %dma_start3A_158] : memref<20000x128xf32, #tpu.memory_space<hbm>> -> memref<20000x128xf32, #tpu.memory_space<hbm>>
    tpu.enqueue_indirect_dma source(%dma_start3A_159 : memref<20000x128xf32, #tpu.memory_space<hbm>>) target(%dma_start3A_154 : memref<96x128xf32, #tpu.memory_space<vmem>>) offsets(%dma_start3A_156 : memref<96xi32, #tpu.memory_space<vmem>>) semaphore(%arg14 : memref<!tpu.dma_semaphore, #tpu.memory_space<semaphore_mem>>)
    %dma_wait3A_160 = arith.constant 2 : i32
    %dma_wait3A_161 = arith.constant 0 : i32
    %dma_wait3A_162 = arith.constant 0 : i32
    %dma_wait3A_163 = tpu.memref_slice %arg12[%dma_wait3A_160, %dma_wait3A_161, %dma_wait3A_162] : memref<3x96x128xf32, #tpu.memory_space<vmem>> -> memref<1x96x128xf32, #tpu.memory_space<vmem>>
    %dma_wait3A_164 = tpu.memref_squeeze %dma_wait3A_163 : memref<1x96x128xf32, #tpu.memory_space<vmem>> -> memref<96x128xf32, #tpu.memory_space<vmem>>
    %dma_wait3A_165 = arith.constant 0 : i32
    %dma_wait3A_166 = tpu.memref_slice %arg6[%dma_wait3A_165] : memref<10000xi32, #tpu.memory_space<vmem>> -> memref<96xi32, #tpu.memory_space<vmem>>
    %dma_wait3A_167 = arith.constant 0 : i32
    %dma_wait3A_168 = arith.constant 0 : i32
    %dma_wait3A_169 = tpu.memref_slice %arg4[%dma_wait3A_167, %dma_wait3A_168] : memref<20000x128xf32, #tpu.memory_space<hbm>> -> memref<20000x128xf32, #tpu.memory_space<hbm>>
    tpu.wait_indirect_dma semaphore(%arg16 : memref<!tpu.dma_semaphore, #tpu.memory_space<semaphore_mem>>) src(%dma_wait3A_169 : memref<20000x128xf32, #tpu.memory_space<hbm>>) dst(%dma_wait3A_164 : memref<96x128xf32, #tpu.memory_space<vmem>>)
    %dma_wait3A_170 = arith.constant 0 : i32
    %dma_wait3A_171 = tpu.memref_slice %arg3[%dma_wait3A_170] : memref<160000xi32, #tpu.memory_space<hbm>> -> memref<96xi32, #tpu.memory_space<hbm>>
    %dma_wait3A_172 = arith.constant 0 : i32
    %dma_wait3A_173 = tpu.memref_slice %arg3[%dma_wait3A_172] : memref<160000xi32, #tpu.memory_space<hbm>> -> memref<96xi32, #tpu.memory_space<hbm>>
    tpu.wait_dma2 semaphore(%arg19 : memref<!tpu.dma_semaphore, #tpu.memory_space<semaphore_mem>>) src(%dma_wait3A_173 : memref<96xi32, #tpu.memory_space<hbm>>) dst(%arg9 : memref<96xi32, #tpu.memory_space<vmem>>)
    %dma_start3A_174 = arith.constant 2 : i32
    %dma_start3A_175 = arith.constant 0 : i32
    %dma_start3A_176 = arith.constant 0 : i32
    %dma_start3A_177 = tpu.memref_slice %arg12[%dma_start3A_174, %dma_start3A_175, %dma_start3A_176] : memref<3x96x128xf32, #tpu.memory_space<vmem>> -> memref<1x96x128xf32, #tpu.memory_space<vmem>>
    %dma_start3A_178 = tpu.memref_squeeze %dma_start3A_177 : memref<1x96x128xf32, #tpu.memory_space<vmem>> -> memref<96x128xf32, #tpu.memory_space<vmem>>
    %dma_start3A_179 = arith.constant 0 : i32
    %dma_start3A_180 = arith.constant 0 : i32
    %dma_start3A_181 = tpu.memref_slice %arg13[%dma_start3A_179, %dma_start3A_180] : memref<10000x128xf32, #tpu.memory_space<vmem_shared>> -> memref<10000x128xf32, #tpu.memory_space<vmem_shared>>
    tpu.enqueue_indirect_dma source(%dma_start3A_178 : memref<96x128xf32, #tpu.memory_space<vmem>>) target(%dma_start3A_181 : memref<10000x128xf32, #tpu.memory_space<vmem_shared>>) offsets(%arg9 : memref<96xi32, #tpu.memory_space<vmem>>) semaphore(%arg22 : memref<!tpu.dma_semaphore, #tpu.memory_space<semaphore_mem>>) {add = true}
    %dma_wait3A_182 = arith.constant 1 : i32
    %dma_wait3A_183 = arith.constant 0 : i32
    %dma_wait3A_184 = arith.constant 0 : i32
    %dma_wait3A_185 = tpu.memref_slice %arg12[%dma_wait3A_182, %dma_wait3A_183, %dma_wait3A_184] : memref<3x96x128xf32, #tpu.memory_space<vmem>> -> memref<1x96x128xf32, #tpu.memory_space<vmem>>
    %dma_wait3A_186 = tpu.memref_squeeze %dma_wait3A_185 : memref<1x96x128xf32, #tpu.memory_space<vmem>> -> memref<96x128xf32, #tpu.memory_space<vmem>>
    %dma_wait3A_187 = arith.constant 0 : i32
    %dma_wait3A_188 = arith.constant 0 : i32
    %dma_wait3A_189 = tpu.memref_slice %arg13[%dma_wait3A_187, %dma_wait3A_188] : memref<10000x128xf32, #tpu.memory_space<vmem_shared>> -> memref<10000x128xf32, #tpu.memory_space<vmem_shared>>
    tpu.wait_indirect_dma semaphore(%arg21 : memref<!tpu.dma_semaphore, #tpu.memory_space<semaphore_mem>>) src(%dma_wait3A_186 : memref<96x128xf32, #tpu.memory_space<vmem>>) dst(%dma_wait3A_189 : memref<10000x128xf32, #tpu.memory_space<vmem_shared>>)
    %mul3A_190 = arith.constant 10000 : i32
    %mul3A_191 = arith.muli %arg1, %mul3A_190 : i32
    %add3A_192 = arith.constant 384 : i32
    %add3A_193 = arith.addi %mul3A_191, %add3A_192 : i32
    %dma_start3A_194 = tpu.memref_slice %arg3[%add3A_193] : memref<160000xi32, #tpu.memory_space<hbm>> -> memref<96xi32, #tpu.memory_space<hbm>>
    %dma_start3A_195 = tpu.memref_slice %arg3[%add3A_193] : memref<160000xi32, #tpu.memory_space<hbm>> -> memref<96xi32, #tpu.memory_space<hbm>>
    tpu.enqueue_dma source(%dma_start3A_195 : memref<96xi32, #tpu.memory_space<hbm>>) target(%arg8 : memref<96xi32, #tpu.memory_space<vmem>>) target_semaphore(%arg18 : memref<!tpu.dma_semaphore, #tpu.memory_space<semaphore_mem>>)
    %dma_start3A_196 = arith.constant 1 : i32
    %dma_start3A_197 = arith.constant 0 : i32
    %dma_start3A_198 = arith.constant 0 : i32
    %dma_start3A_199 = tpu.memref_slice %arg12[%dma_start3A_196, %dma_start3A_197, %dma_start3A_198] : memref<3x96x128xf32, #tpu.memory_space<vmem>> -> memref<1x96x128xf32, #tpu.memory_space<vmem>>
    %dma_start3A_200 = tpu.memref_squeeze %dma_start3A_199 : memref<1x96x128xf32, #tpu.memory_space<vmem>> -> memref<96x128xf32, #tpu.memory_space<vmem>>
    %dma_start3A_201 = arith.constant 384 : i32
    %dma_start3A_202 = tpu.memref_slice %arg6[%dma_start3A_201] : memref<10000xi32, #tpu.memory_space<vmem>> -> memref<96xi32, #tpu.memory_space<vmem>>
    %dma_start3A_203 = arith.constant 0 : i32
    %dma_start3A_204 = arith.constant 0 : i32
    %dma_start3A_205 = tpu.memref_slice %arg4[%dma_start3A_203, %dma_start3A_204] : memref<20000x128xf32, #tpu.memory_space<hbm>> -> memref<20000x128xf32, #tpu.memory_space<hbm>>
    tpu.enqueue_indirect_dma source(%dma_start3A_205 : memref<20000x128xf32, #tpu.memory_space<hbm>>) target(%dma_start3A_200 : memref<96x128xf32, #tpu.memory_space<vmem>>) offsets(%dma_start3A_202 : memref<96xi32, #tpu.memory_space<vmem>>) semaphore(%arg15 : memref<!tpu.dma_semaphore, #tpu.memory_space<semaphore_mem>>)
    %scan3A_206 = arith.constant 0 : i32
    %scan3A_207 = arith.constant 0 : i32
    %scan3A_208 = arith.constant 33 : i32
    %scan3A_209 = arith.addi %scan3A_207, %scan3A_208 : i32
    %scan3A_210 = arith.constant 1 : i32
    scf.for %scan3A_304 = %scan3A_207 to %scan3A_209 step %scan3A_210  : i32 {
      %mul3A_305 = arith.constant 3 : i32
      %mul3A_306 = arith.muli %mul3A_305, %scan3A_304 : i32
      %add3A_307 = arith.constant 3 : i32
      %add3A_308 = arith.addi %mul3A_306, %add3A_307 : i32
      %add3A_309 = arith.constant 0 : i32
      %add3A_310 = arith.addi %add3A_308, %add3A_309 : i32
      %dma_wait3A_311 = arith.constant 0 : i32
      %dma_wait3A_312 = arith.constant 0 : i32
      %dma_wait3A_313 = arith.constant 0 : i32
      %dma_wait3A_314 = tpu.memref_slice %arg12[%dma_wait3A_311, %dma_wait3A_312, %dma_wait3A_313] : memref<3x96x128xf32, #tpu.memory_space<vmem>> -> memref<1x96x128xf32, #tpu.memory_space<vmem>>
      %dma_wait3A_315 = tpu.memref_squeeze %dma_wait3A_314 : memref<1x96x128xf32, #tpu.memory_space<vmem>> -> memref<96x128xf32, #tpu.memory_space<vmem>>
      %dma_wait3A_316 = arith.constant 0 : i32
      %dma_wait3A_317 = tpu.memref_slice %arg6[%dma_wait3A_316] : memref<10000xi32, #tpu.memory_space<vmem>> -> memref<96xi32, #tpu.memory_space<vmem>>
      %dma_wait3A_318 = arith.constant 0 : i32
      %dma_wait3A_319 = arith.constant 0 : i32
      %dma_wait3A_320 = tpu.memref_slice %arg4[%dma_wait3A_318, %dma_wait3A_319] : memref<20000x128xf32, #tpu.memory_space<hbm>> -> memref<20000x128xf32, #tpu.memory_space<hbm>>
      tpu.wait_indirect_dma semaphore(%arg14 : memref<!tpu.dma_semaphore, #tpu.memory_space<semaphore_mem>>) src(%dma_wait3A_320 : memref<20000x128xf32, #tpu.memory_space<hbm>>) dst(%dma_wait3A_315 : memref<96x128xf32, #tpu.memory_space<vmem>>)
      %dma_wait3A_321 = arith.constant 0 : i32
      %dma_wait3A_322 = tpu.memref_slice %arg3[%dma_wait3A_321] : memref<160000xi32, #tpu.memory_space<hbm>> -> memref<96xi32, #tpu.memory_space<hbm>>
      %dma_wait3A_323 = arith.constant 0 : i32
      %dma_wait3A_324 = tpu.memref_slice %arg3[%dma_wait3A_323] : memref<160000xi32, #tpu.memory_space<hbm>> -> memref<96xi32, #tpu.memory_space<hbm>>
      tpu.wait_dma2 semaphore(%arg17 : memref<!tpu.dma_semaphore, #tpu.memory_space<semaphore_mem>>) src(%dma_wait3A_324 : memref<96xi32, #tpu.memory_space<hbm>>) dst(%arg7 : memref<96xi32, #tpu.memory_space<vmem>>)
      %dma_start3A_325 = arith.constant 0 : i32
      %dma_start3A_326 = arith.constant 0 : i32
      %dma_start3A_327 = arith.constant 0 : i32
      %dma_start3A_328 = tpu.memref_slice %arg12[%dma_start3A_325, %dma_start3A_326, %dma_start3A_327] : memref<3x96x128xf32, #tpu.memory_space<vmem>> -> memref<1x96x128xf32, #tpu.memory_space<vmem>>
      %dma_start3A_329 = tpu.memref_squeeze %dma_start3A_328 : memref<1x96x128xf32, #tpu.memory_space<vmem>> -> memref<96x128xf32, #tpu.memory_space<vmem>>
      %dma_start3A_330 = arith.constant 0 : i32
      %dma_start3A_331 = arith.constant 0 : i32
      %dma_start3A_332 = tpu.memref_slice %arg13[%dma_start3A_330, %dma_start3A_331] : memref<10000x128xf32, #tpu.memory_space<vmem_shared>> -> memref<10000x128xf32, #tpu.memory_space<vmem_shared>>
      tpu.enqueue_indirect_dma source(%dma_start3A_329 : memref<96x128xf32, #tpu.memory_space<vmem>>) target(%dma_start3A_332 : memref<10000x128xf32, #tpu.memory_space<vmem_shared>>) offsets(%arg7 : memref<96xi32, #tpu.memory_space<vmem>>) semaphore(%arg20 : memref<!tpu.dma_semaphore, #tpu.memory_space<semaphore_mem>>) {add = true}
      %dma_wait3A_333 = arith.constant 2 : i32
      %dma_wait3A_334 = arith.constant 0 : i32
      %dma_wait3A_335 = arith.constant 0 : i32
      %dma_wait3A_336 = tpu.memref_slice %arg12[%dma_wait3A_333, %dma_wait3A_334, %dma_wait3A_335] : memref<3x96x128xf32, #tpu.memory_space<vmem>> -> memref<1x96x128xf32, #tpu.memory_space<vmem>>
      %dma_wait3A_337 = tpu.memref_squeeze %dma_wait3A_336 : memref<1x96x128xf32, #tpu.memory_space<vmem>> -> memref<96x128xf32, #tpu.memory_space<vmem>>
      %dma_wait3A_338 = arith.constant 0 : i32
      %dma_wait3A_339 = arith.constant 0 : i32
      %dma_wait3A_340 = tpu.memref_slice %arg13[%dma_wait3A_338, %dma_wait3A_339] : memref<10000x128xf32, #tpu.memory_space<vmem_shared>> -> memref<10000x128xf32, #tpu.memory_space<vmem_shared>>
      tpu.wait_indirect_dma semaphore(%arg22 : memref<!tpu.dma_semaphore, #tpu.memory_space<semaphore_mem>>) src(%dma_wait3A_337 : memref<96x128xf32, #tpu.memory_space<vmem>>) dst(%dma_wait3A_340 : memref<10000x128xf32, #tpu.memory_space<vmem_shared>>)
      %add3A_341 = arith.constant 3 : i32
      %add3A_342 = arith.addi %add3A_310, %add3A_341 : i32
      %sub3A_343 = arith.constant 1 : i32
      %sub3A_344 = arith.subi %add3A_342, %sub3A_343 : i32
      %lt3A = arith.constant 104 : i32
      %lt3A_345 = arith.cmpi slt, %sub3A_344, %lt3A : i32
      %convert_element_type3A_346 = arith.extui %lt3A_345 : i1 to i32
      %cond3A_347 = arith.constant 0 : i32
      %cond3A_348 = arith.cmpi ne, %convert_element_type3A_346, %cond3A_347 : i32
      scf.if %cond3A_348 {
        %add3A_431 = arith.constant 3 : i32
        %add3A_432 = arith.addi %add3A_310, %add3A_431 : i32
        %sub3A_433 = arith.constant 1 : i32
        %sub3A_434 = arith.subi %add3A_432, %sub3A_433 : i32
        %mul3A_435 = arith.constant 10000 : i32
        %mul3A_436 = arith.muli %arg1, %mul3A_435 : i32
        %mul3A_437 = arith.constant 96 : i32
        %mul3A_438 = arith.muli %sub3A_434, %mul3A_437 : i32
        %add3A_439 = arith.addi %mul3A_436, %mul3A_438 : i32
        %dma_start3A_440 = tpu.memref_slice %arg3[%add3A_439] : memref<160000xi32, #tpu.memory_space<hbm>> -> memref<96xi32, #tpu.memory_space<hbm>>
        %dma_start3A_441 = tpu.memref_slice %arg3[%add3A_439] : memref<160000xi32, #tpu.memory_space<hbm>> -> memref<96xi32, #tpu.memory_space<hbm>>
        tpu.enqueue_dma source(%dma_start3A_441 : memref<96xi32, #tpu.memory_space<hbm>>) target(%arg9 : memref<96xi32, #tpu.memory_space<vmem>>) target_semaphore(%arg19 : memref<!tpu.dma_semaphore, #tpu.memory_space<semaphore_mem>>)
        %add3A_442 = arith.constant 3 : i32
        %add3A_443 = arith.addi %add3A_310, %add3A_442 : i32
        %sub3A_444 = arith.constant 1 : i32
        %sub3A_445 = arith.subi %add3A_443, %sub3A_444 : i32
        %mul3A_446 = arith.constant 96 : i32
        %mul3A_447 = arith.muli %sub3A_445, %mul3A_446 : i32
        %dma_start3A_448 = arith.constant 2 : i32
        %dma_start3A_449 = arith.constant 0 : i32
        %dma_start3A_450 = arith.constant 0 : i32
        %dma_start3A_451 = tpu.memref_slice %arg12[%dma_start3A_448, %dma_start3A_449, %dma_start3A_450] : memref<3x96x128xf32, #tpu.memory_space<vmem>> -> memref<1x96x128xf32, #tpu.memory_space<vmem>>
        %dma_start3A_452 = tpu.memref_squeeze %dma_start3A_451 : memref<1x96x128xf32, #tpu.memory_space<vmem>> -> memref<96x128xf32, #tpu.memory_space<vmem>>
        %dma_start3A_453 = tpu.memref_slice %arg6[%mul3A_447] : memref<10000xi32, #tpu.memory_space<vmem>> -> memref<96xi32, #tpu.memory_space<vmem>>
        %dma_start3A_454 = arith.constant 0 : i32
        %dma_start3A_455 = arith.constant 0 : i32
        %dma_start3A_456 = tpu.memref_slice %arg4[%dma_start3A_454, %dma_start3A_455] : memref<20000x128xf32, #tpu.memory_space<hbm>> -> memref<20000x128xf32, #tpu.memory_space<hbm>>
        tpu.enqueue_indirect_dma source(%dma_start3A_456 : memref<20000x128xf32, #tpu.memory_space<hbm>>) target(%dma_start3A_452 : memref<96x128xf32, #tpu.memory_space<vmem>>) offsets(%dma_start3A_453 : memref<96xi32, #tpu.memory_space<vmem>>) semaphore(%arg16 : memref<!tpu.dma_semaphore, #tpu.memory_space<semaphore_mem>>)
      } else {
      }
      %add3A_349 = arith.constant 1 : i32
      %add3A_350 = arith.addi %add3A_308, %add3A_349 : i32
      %dma_wait3A_351 = arith.constant 1 : i32
      %dma_wait3A_352 = arith.constant 0 : i32
      %dma_wait3A_353 = arith.constant 0 : i32
      %dma_wait3A_354 = tpu.memref_slice %arg12[%dma_wait3A_351, %dma_wait3A_352, %dma_wait3A_353] : memref<3x96x128xf32, #tpu.memory_space<vmem>> -> memref<1x96x128xf32, #tpu.memory_space<vmem>>
      %dma_wait3A_355 = tpu.memref_squeeze %dma_wait3A_354 : memref<1x96x128xf32, #tpu.memory_space<vmem>> -> memref<96x128xf32, #tpu.memory_space<vmem>>
      %dma_wait3A_356 = arith.constant 0 : i32
      %dma_wait3A_357 = tpu.memref_slice %arg6[%dma_wait3A_356] : memref<10000xi32, #tpu.memory_space<vmem>> -> memref<96xi32, #tpu.memory_space<vmem>>
      %dma_wait3A_358 = arith.constant 0 : i32
      %dma_wait3A_359 = arith.constant 0 : i32
      %dma_wait3A_360 = tpu.memref_slice %arg4[%dma_wait3A_358, %dma_wait3A_359] : memref<20000x128xf32, #tpu.memory_space<hbm>> -> memref<20000x128xf32, #tpu.memory_space<hbm>>
      tpu.wait_indirect_dma semaphore(%arg15 : memref<!tpu.dma_semaphore, #tpu.memory_space<semaphore_mem>>) src(%dma_wait3A_360 : memref<20000x128xf32, #tpu.memory_space<hbm>>) dst(%dma_wait3A_355 : memref<96x128xf32, #tpu.memory_space<vmem>>)
      %dma_wait3A_361 = arith.constant 0 : i32
      %dma_wait3A_362 = tpu.memref_slice %arg3[%dma_wait3A_361] : memref<160000xi32, #tpu.memory_space<hbm>> -> memref<96xi32, #tpu.memory_space<hbm>>
      %dma_wait3A_363 = arith.constant 0 : i32
      %dma_wait3A_364 = tpu.memref_slice %arg3[%dma_wait3A_363] : memref<160000xi32, #tpu.memory_space<hbm>> -> memref<96xi32, #tpu.memory_space<hbm>>
      tpu.wait_dma2 semaphore(%arg18 : memref<!tpu.dma_semaphore, #tpu.memory_space<semaphore_mem>>) src(%dma_wait3A_364 : memref<96xi32, #tpu.memory_space<hbm>>) dst(%arg8 : memref<96xi32, #tpu.memory_space<vmem>>)
      %dma_start3A_365 = arith.constant 1 : i32
      %dma_start3A_366 = arith.constant 0 : i32
      %dma_start3A_367 = arith.constant 0 : i32
      %dma_start3A_368 = tpu.memref_slice %arg12[%dma_start3A_365, %dma_start3A_366, %dma_start3A_367] : memref<3x96x128xf32, #tpu.memory_space<vmem>> -> memref<1x96x128xf32, #tpu.memory_space<vmem>>
      %dma_start3A_369 = tpu.memref_squeeze %dma_start3A_368 : memref<1x96x128xf32, #tpu.memory_space<vmem>> -> memref<96x128xf32, #tpu.memory_space<vmem>>
      %dma_start3A_370 = arith.constant 0 : i32
      %dma_start3A_371 = arith.constant 0 : i32
      %dma_start3A_372 = tpu.memref_slice %arg13[%dma_start3A_370, %dma_start3A_371] : memref<10000x128xf32, #tpu.memory_space<vmem_shared>> -> memref<10000x128xf32, #tpu.memory_space<vmem_shared>>
      tpu.enqueue_indirect_dma source(%dma_start3A_369 : memref<96x128xf32, #tpu.memory_space<vmem>>) target(%dma_start3A_372 : memref<10000x128xf32, #tpu.memory_space<vmem_shared>>) offsets(%arg8 : memref<96xi32, #tpu.memory_space<vmem>>) semaphore(%arg21 : memref<!tpu.dma_semaphore, #tpu.memory_space<semaphore_mem>>) {add = true}
      %dma_wait3A_373 = arith.constant 0 : i32
      %dma_wait3A_374 = arith.constant 0 : i32
      %dma_wait3A_375 = arith.constant 0 : i32
      %dma_wait3A_376 = tpu.memref_slice %arg12[%dma_wait3A_373, %dma_wait3A_374, %dma_wait3A_375] : memref<3x96x128xf32, #tpu.memory_space<vmem>> -> memref<1x96x128xf32, #tpu.memory_space<vmem>>
      %dma_wait3A_377 = tpu.memref_squeeze %dma_wait3A_376 : memref<1x96x128xf32, #tpu.memory_space<vmem>> -> memref<96x128xf32, #tpu.memory_space<vmem>>
      %dma_wait3A_378 = arith.constant 0 : i32
      %dma_wait3A_379 = arith.constant 0 : i32
      %dma_wait3A_380 = tpu.memref_slice %arg13[%dma_wait3A_378, %dma_wait3A_379] : memref<10000x128xf32, #tpu.memory_space<vmem_shared>> -> memref<10000x128xf32, #tpu.memory_space<vmem_shared>>
      tpu.wait_indirect_dma semaphore(%arg20 : memref<!tpu.dma_semaphore, #tpu.memory_space<semaphore_mem>>) src(%dma_wait3A_377 : memref<96x128xf32, #tpu.memory_space<vmem>>) dst(%dma_wait3A_380 : memref<10000x128xf32, #tpu.memory_space<vmem_shared>>)
      %add3A_381 = arith.constant 3 : i32
      %add3A_382 = arith.addi %add3A_350, %add3A_381 : i32
      %sub3A_383 = arith.constant 1 : i32
      %sub3A_384 = arith.subi %add3A_382, %sub3A_383 : i32
      %lt3A_385 = arith.constant 104 : i32
      %lt3A_386 = arith.cmpi slt, %sub3A_384, %lt3A_385 : i32
      %convert_element_type3A_387 = arith.extui %lt3A_386 : i1 to i32
      %cond3A_388 = arith.constant 0 : i32
      %cond3A_389 = arith.cmpi ne, %convert_element_type3A_387, %cond3A_388 : i32
      scf.if %cond3A_389 {
        %add3A_431 = arith.constant 3 : i32
        %add3A_432 = arith.addi %add3A_350, %add3A_431 : i32
        %sub3A_433 = arith.constant 1 : i32
        %sub3A_434 = arith.subi %add3A_432, %sub3A_433 : i32
        %mul3A_435 = arith.constant 10000 : i32
        %mul3A_436 = arith.muli %arg1, %mul3A_435 : i32
        %mul3A_437 = arith.constant 96 : i32
        %mul3A_438 = arith.muli %sub3A_434, %mul3A_437 : i32
        %add3A_439 = arith.addi %mul3A_436, %mul3A_438 : i32
        %dma_start3A_440 = tpu.memref_slice %arg3[%add3A_439] : memref<160000xi32, #tpu.memory_space<hbm>> -> memref<96xi32, #tpu.memory_space<hbm>>
        %dma_start3A_441 = tpu.memref_slice %arg3[%add3A_439] : memref<160000xi32, #tpu.memory_space<hbm>> -> memref<96xi32, #tpu.memory_space<hbm>>
        tpu.enqueue_dma source(%dma_start3A_441 : memref<96xi32, #tpu.memory_space<hbm>>) target(%arg7 : memref<96xi32, #tpu.memory_space<vmem>>) target_semaphore(%arg17 : memref<!tpu.dma_semaphore, #tpu.memory_space<semaphore_mem>>)
        %add3A_442 = arith.constant 3 : i32
        %add3A_443 = arith.addi %add3A_350, %add3A_442 : i32
        %sub3A_444 = arith.constant 1 : i32
        %sub3A_445 = arith.subi %add3A_443, %sub3A_444 : i32
        %mul3A_446 = arith.constant 96 : i32
        %mul3A_447 = arith.muli %sub3A_445, %mul3A_446 : i32
        %dma_start3A_448 = arith.constant 0 : i32
        %dma_start3A_449 = arith.constant 0 : i32
        %dma_start3A_450 = arith.constant 0 : i32
        %dma_start3A_451 = tpu.memref_slice %arg12[%dma_start3A_448, %dma_start3A_449, %dma_start3A_450] : memref<3x96x128xf32, #tpu.memory_space<vmem>> -> memref<1x96x128xf32, #tpu.memory_space<vmem>>
        %dma_start3A_452 = tpu.memref_squeeze %dma_start3A_451 : memref<1x96x128xf32, #tpu.memory_space<vmem>> -> memref<96x128xf32, #tpu.memory_space<vmem>>
        %dma_start3A_453 = tpu.memref_slice %arg6[%mul3A_447] : memref<10000xi32, #tpu.memory_space<vmem>> -> memref<96xi32, #tpu.memory_space<vmem>>
        %dma_start3A_454 = arith.constant 0 : i32
        %dma_start3A_455 = arith.constant 0 : i32
        %dma_start3A_456 = tpu.memref_slice %arg4[%dma_start3A_454, %dma_start3A_455] : memref<20000x128xf32, #tpu.memory_space<hbm>> -> memref<20000x128xf32, #tpu.memory_space<hbm>>
        tpu.enqueue_indirect_dma source(%dma_start3A_456 : memref<20000x128xf32, #tpu.memory_space<hbm>>) target(%dma_start3A_452 : memref<96x128xf32, #tpu.memory_space<vmem>>) offsets(%dma_start3A_453 : memref<96xi32, #tpu.memory_space<vmem>>) semaphore(%arg14 : memref<!tpu.dma_semaphore, #tpu.memory_space<semaphore_mem>>)
      } else {
      }
      %add3A_390 = arith.constant 2 : i32
      %add3A_391 = arith.addi %add3A_308, %add3A_390 : i32
      %dma_wait3A_392 = arith.constant 2 : i32
      %dma_wait3A_393 = arith.constant 0 : i32
      %dma_wait3A_394 = arith.constant 0 : i32
      %dma_wait3A_395 = tpu.memref_slice %arg12[%dma_wait3A_392, %dma_wait3A_393, %dma_wait3A_394] : memref<3x96x128xf32, #tpu.memory_space<vmem>> -> memref<1x96x128xf32, #tpu.memory_space<vmem>>
      %dma_wait3A_396 = tpu.memref_squeeze %dma_wait3A_395 : memref<1x96x128xf32, #tpu.memory_space<vmem>> -> memref<96x128xf32, #tpu.memory_space<vmem>>
      %dma_wait3A_397 = arith.constant 0 : i32
      %dma_wait3A_398 = tpu.memref_slice %arg6[%dma_wait3A_397] : memref<10000xi32, #tpu.memory_space<vmem>> -> memref<96xi32, #tpu.memory_space<vmem>>
      %dma_wait3A_399 = arith.constant 0 : i32
      %dma_wait3A_400 = arith.constant 0 : i32
      %dma_wait3A_401 = tpu.memref_slice %arg4[%dma_wait3A_399, %dma_wait3A_400] : memref<20000x128xf32, #tpu.memory_space<hbm>> -> memref<20000x128xf32, #tpu.memory_space<hbm>>
      tpu.wait_indirect_dma semaphore(%arg16 : memref<!tpu.dma_semaphore, #tpu.memory_space<semaphore_mem>>) src(%dma_wait3A_401 : memref<20000x128xf32, #tpu.memory_space<hbm>>) dst(%dma_wait3A_396 : memref<96x128xf32, #tpu.memory_space<vmem>>)
      %dma_wait3A_402 = arith.constant 0 : i32
      %dma_wait3A_403 = tpu.memref_slice %arg3[%dma_wait3A_402] : memref<160000xi32, #tpu.memory_space<hbm>> -> memref<96xi32, #tpu.memory_space<hbm>>
      %dma_wait3A_404 = arith.constant 0 : i32
      %dma_wait3A_405 = tpu.memref_slice %arg3[%dma_wait3A_404] : memref<160000xi32, #tpu.memory_space<hbm>> -> memref<96xi32, #tpu.memory_space<hbm>>
      tpu.wait_dma2 semaphore(%arg19 : memref<!tpu.dma_semaphore, #tpu.memory_space<semaphore_mem>>) src(%dma_wait3A_405 : memref<96xi32, #tpu.memory_space<hbm>>) dst(%arg9 : memref<96xi32, #tpu.memory_space<vmem>>)
      %dma_start3A_406 = arith.constant 2 : i32
      %dma_start3A_407 = arith.constant 0 : i32
      %dma_start3A_408 = arith.constant 0 : i32
      %dma_start3A_409 = tpu.memref_slice %arg12[%dma_start3A_406, %dma_start3A_407, %dma_start3A_408] : memref<3x96x128xf32, #tpu.memory_space<vmem>> -> memref<1x96x128xf32, #tpu.memory_space<vmem>>
      %dma_start3A_410 = tpu.memref_squeeze %dma_start3A_409 : memref<1x96x128xf32, #tpu.memory_space<vmem>> -> memref<96x128xf32, #tpu.memory_space<vmem>>
      %dma_start3A_411 = arith.constant 0 : i32
      %dma_start3A_412 = arith.constant 0 : i32
      %dma_start3A_413 = tpu.memref_slice %arg13[%dma_start3A_411, %dma_start3A_412] : memref<10000x128xf32, #tpu.memory_space<vmem_shared>> -> memref<10000x128xf32, #tpu.memory_space<vmem_shared>>
      tpu.enqueue_indirect_dma source(%dma_start3A_410 : memref<96x128xf32, #tpu.memory_space<vmem>>) target(%dma_start3A_413 : memref<10000x128xf32, #tpu.memory_space<vmem_shared>>) offsets(%arg9 : memref<96xi32, #tpu.memory_space<vmem>>) semaphore(%arg22 : memref<!tpu.dma_semaphore, #tpu.memory_space<semaphore_mem>>) {add = true}
      %dma_wait3A_414 = arith.constant 1 : i32
      %dma_wait3A_415 = arith.constant 0 : i32
      %dma_wait3A_416 = arith.constant 0 : i32
      %dma_wait3A_417 = tpu.memref_slice %arg12[%dma_wait3A_414, %dma_wait3A_415, %dma_wait3A_416] : memref<3x96x128xf32, #tpu.memory_space<vmem>> -> memref<1x96x128xf32, #tpu.memory_space<vmem>>
      %dma_wait3A_418 = tpu.memref_squeeze %dma_wait3A_417 : memref<1x96x128xf32, #tpu.memory_space<vmem>> -> memref<96x128xf32, #tpu.memory_space<vmem>>
      %dma_wait3A_419 = arith.constant 0 : i32
      %dma_wait3A_420 = arith.constant 0 : i32
      %dma_wait3A_421 = tpu.memref_slice %arg13[%dma_wait3A_419, %dma_wait3A_420] : memref<10000x128xf32, #tpu.memory_space<vmem_shared>> -> memref<10000x128xf32, #tpu.memory_space<vmem_shared>>
      tpu.wait_indirect_dma semaphore(%arg21 : memref<!tpu.dma_semaphore, #tpu.memory_space<semaphore_mem>>) src(%dma_wait3A_418 : memref<96x128xf32, #tpu.memory_space<vmem>>) dst(%dma_wait3A_421 : memref<10000x128xf32, #tpu.memory_space<vmem_shared>>)
      %add3A_422 = arith.constant 3 : i32
      %add3A_423 = arith.addi %add3A_391, %add3A_422 : i32
      %sub3A_424 = arith.constant 1 : i32
      %sub3A_425 = arith.subi %add3A_423, %sub3A_424 : i32
      %lt3A_426 = arith.constant 104 : i32
      %lt3A_427 = arith.cmpi slt, %sub3A_425, %lt3A_426 : i32
      %convert_element_type3A_428 = arith.extui %lt3A_427 : i1 to i32
      %cond3A_429 = arith.constant 0 : i32
      %cond3A_430 = arith.cmpi ne, %convert_element_type3A_428, %cond3A_429 : i32
      scf.if %cond3A_430 {
        %add3A_431 = arith.constant 3 : i32
        %add3A_432 = arith.addi %add3A_391, %add3A_431 : i32
        %sub3A_433 = arith.constant 1 : i32
        %sub3A_434 = arith.subi %add3A_432, %sub3A_433 : i32
        %mul3A_435 = arith.constant 10000 : i32
        %mul3A_436 = arith.muli %arg1, %mul3A_435 : i32
        %mul3A_437 = arith.constant 96 : i32
        %mul3A_438 = arith.muli %sub3A_434, %mul3A_437 : i32
        %add3A_439 = arith.addi %mul3A_436, %mul3A_438 : i32
        %dma_start3A_440 = tpu.memref_slice %arg3[%add3A_439] : memref<160000xi32, #tpu.memory_space<hbm>> -> memref<96xi32, #tpu.memory_space<hbm>>
        %dma_start3A_441 = tpu.memref_slice %arg3[%add3A_439] : memref<160000xi32, #tpu.memory_space<hbm>> -> memref<96xi32, #tpu.memory_space<hbm>>
        tpu.enqueue_dma source(%dma_start3A_441 : memref<96xi32, #tpu.memory_space<hbm>>) target(%arg8 : memref<96xi32, #tpu.memory_space<vmem>>) target_semaphore(%arg18 : memref<!tpu.dma_semaphore, #tpu.memory_space<semaphore_mem>>)
        %add3A_442 = arith.constant 3 : i32
        %add3A_443 = arith.addi %add3A_391, %add3A_442 : i32
        %sub3A_444 = arith.constant 1 : i32
        %sub3A_445 = arith.subi %add3A_443, %sub3A_444 : i32
        %mul3A_446 = arith.constant 96 : i32
        %mul3A_447 = arith.muli %sub3A_445, %mul3A_446 : i32
        %dma_start3A_448 = arith.constant 1 : i32
        %dma_start3A_449 = arith.constant 0 : i32
        %dma_start3A_450 = arith.constant 0 : i32
        %dma_start3A_451 = tpu.memref_slice %arg12[%dma_start3A_448, %dma_start3A_449, %dma_start3A_450] : memref<3x96x128xf32, #tpu.memory_space<vmem>> -> memref<1x96x128xf32, #tpu.memory_space<vmem>>
        %dma_start3A_452 = tpu.memref_squeeze %dma_start3A_451 : memref<1x96x128xf32, #tpu.memory_space<vmem>> -> memref<96x128xf32, #tpu.memory_space<vmem>>
        %dma_start3A_453 = tpu.memref_slice %arg6[%mul3A_447] : memref<10000xi32, #tpu.memory_space<vmem>> -> memref<96xi32, #tpu.memory_space<vmem>>
        %dma_start3A_454 = arith.constant 0 : i32
        %dma_start3A_455 = arith.constant 0 : i32
        %dma_start3A_456 = tpu.memref_slice %arg4[%dma_start3A_454, %dma_start3A_455] : memref<20000x128xf32, #tpu.memory_space<hbm>> -> memref<20000x128xf32, #tpu.memory_space<hbm>>
        tpu.enqueue_indirect_dma source(%dma_start3A_456 : memref<20000x128xf32, #tpu.memory_space<hbm>>) target(%dma_start3A_452 : memref<96x128xf32, #tpu.memory_space<vmem>>) offsets(%dma_start3A_453 : memref<96xi32, #tpu.memory_space<vmem>>) semaphore(%arg15 : memref<!tpu.dma_semaphore, #tpu.memory_space<semaphore_mem>>)
      } else {
      }
    }
    %scan3A_211 = arith.constant 33 : i32
    %dma_wait3A_212 = arith.constant 0 : i32
    %dma_wait3A_213 = arith.constant 0 : i32
    %dma_wait3A_214 = arith.constant 0 : i32
    %dma_wait3A_215 = tpu.memref_slice %arg12[%dma_wait3A_212, %dma_wait3A_213, %dma_wait3A_214] : memref<3x96x128xf32, #tpu.memory_space<vmem>> -> memref<1x96x128xf32, #tpu.memory_space<vmem>>
    %dma_wait3A_216 = tpu.memref_squeeze %dma_wait3A_215 : memref<1x96x128xf32, #tpu.memory_space<vmem>> -> memref<96x128xf32, #tpu.memory_space<vmem>>
    %dma_wait3A_217 = arith.constant 0 : i32
    %dma_wait3A_218 = tpu.memref_slice %arg6[%dma_wait3A_217] : memref<10000xi32, #tpu.memory_space<vmem>> -> memref<96xi32, #tpu.memory_space<vmem>>
    %dma_wait3A_219 = arith.constant 0 : i32
    %dma_wait3A_220 = arith.constant 0 : i32
    %dma_wait3A_221 = tpu.memref_slice %arg4[%dma_wait3A_219, %dma_wait3A_220] : memref<20000x128xf32, #tpu.memory_space<hbm>> -> memref<20000x128xf32, #tpu.memory_space<hbm>>
    tpu.wait_indirect_dma semaphore(%arg14 : memref<!tpu.dma_semaphore, #tpu.memory_space<semaphore_mem>>) src(%dma_wait3A_221 : memref<20000x128xf32, #tpu.memory_space<hbm>>) dst(%dma_wait3A_216 : memref<96x128xf32, #tpu.memory_space<vmem>>)
    %dma_wait3A_222 = arith.constant 0 : i32
    %dma_wait3A_223 = tpu.memref_slice %arg3[%dma_wait3A_222] : memref<160000xi32, #tpu.memory_space<hbm>> -> memref<96xi32, #tpu.memory_space<hbm>>
    %dma_wait3A_224 = arith.constant 0 : i32
    %dma_wait3A_225 = tpu.memref_slice %arg3[%dma_wait3A_224] : memref<160000xi32, #tpu.memory_space<hbm>> -> memref<96xi32, #tpu.memory_space<hbm>>
    tpu.wait_dma2 semaphore(%arg17 : memref<!tpu.dma_semaphore, #tpu.memory_space<semaphore_mem>>) src(%dma_wait3A_225 : memref<96xi32, #tpu.memory_space<hbm>>) dst(%arg7 : memref<96xi32, #tpu.memory_space<vmem>>)
    %dma_start3A_226 = arith.constant 0 : i32
    %dma_start3A_227 = arith.constant 0 : i32
    %dma_start3A_228 = arith.constant 0 : i32
    %dma_start3A_229 = tpu.memref_slice %arg12[%dma_start3A_226, %dma_start3A_227, %dma_start3A_228] : memref<3x96x128xf32, #tpu.memory_space<vmem>> -> memref<1x96x128xf32, #tpu.memory_space<vmem>>
    %dma_start3A_230 = tpu.memref_squeeze %dma_start3A_229 : memref<1x96x128xf32, #tpu.memory_space<vmem>> -> memref<96x128xf32, #tpu.memory_space<vmem>>
    %dma_start3A_231 = arith.constant 0 : i32
    %dma_start3A_232 = arith.constant 0 : i32
    %dma_start3A_233 = tpu.memref_slice %arg13[%dma_start3A_231, %dma_start3A_232] : memref<10000x128xf32, #tpu.memory_space<vmem_shared>> -> memref<10000x128xf32, #tpu.memory_space<vmem_shared>>
    tpu.enqueue_indirect_dma source(%dma_start3A_230 : memref<96x128xf32, #tpu.memory_space<vmem>>) target(%dma_start3A_233 : memref<10000x128xf32, #tpu.memory_space<vmem_shared>>) offsets(%arg7 : memref<96xi32, #tpu.memory_space<vmem>>) semaphore(%arg20 : memref<!tpu.dma_semaphore, #tpu.memory_space<semaphore_mem>>) {add = true}
    %dma_wait3A_234 = arith.constant 2 : i32
    %dma_wait3A_235 = arith.constant 0 : i32
    %dma_wait3A_236 = arith.constant 0 : i32
    %dma_wait3A_237 = tpu.memref_slice %arg12[%dma_wait3A_234, %dma_wait3A_235, %dma_wait3A_236] : memref<3x96x128xf32, #tpu.memory_space<vmem>> -> memref<1x96x128xf32, #tpu.memory_space<vmem>>
    %dma_wait3A_238 = tpu.memref_squeeze %dma_wait3A_237 : memref<1x96x128xf32, #tpu.memory_space<vmem>> -> memref<96x128xf32, #tpu.memory_space<vmem>>
    %dma_wait3A_239 = arith.constant 0 : i32
    %dma_wait3A_240 = arith.constant 0 : i32
    %dma_wait3A_241 = tpu.memref_slice %arg13[%dma_wait3A_239, %dma_wait3A_240] : memref<10000x128xf32, #tpu.memory_space<vmem_shared>> -> memref<10000x128xf32, #tpu.memory_space<vmem_shared>>
    tpu.wait_indirect_dma semaphore(%arg22 : memref<!tpu.dma_semaphore, #tpu.memory_space<semaphore_mem>>) src(%dma_wait3A_238 : memref<96x128xf32, #tpu.memory_space<vmem>>) dst(%dma_wait3A_241 : memref<10000x128xf32, #tpu.memory_space<vmem_shared>>)
    %dma_wait3A_242 = arith.constant 1 : i32
    %dma_wait3A_243 = arith.constant 0 : i32
    %dma_wait3A_244 = arith.constant 0 : i32
    %dma_wait3A_245 = tpu.memref_slice %arg12[%dma_wait3A_242, %dma_wait3A_243, %dma_wait3A_244] : memref<3x96x128xf32, #tpu.memory_space<vmem>> -> memref<1x96x128xf32, #tpu.memory_space<vmem>>
    %dma_wait3A_246 = tpu.memref_squeeze %dma_wait3A_245 : memref<1x96x128xf32, #tpu.memory_space<vmem>> -> memref<96x128xf32, #tpu.memory_space<vmem>>
    %dma_wait3A_247 = arith.constant 0 : i32
    %dma_wait3A_248 = tpu.memref_slice %arg6[%dma_wait3A_247] : memref<10000xi32, #tpu.memory_space<vmem>> -> memref<96xi32, #tpu.memory_space<vmem>>
    %dma_wait3A_249 = arith.constant 0 : i32
    %dma_wait3A_250 = arith.constant 0 : i32
    %dma_wait3A_251 = tpu.memref_slice %arg4[%dma_wait3A_249, %dma_wait3A_250] : memref<20000x128xf32, #tpu.memory_space<hbm>> -> memref<20000x128xf32, #tpu.memory_space<hbm>>
    tpu.wait_indirect_dma semaphore(%arg15 : memref<!tpu.dma_semaphore, #tpu.memory_space<semaphore_mem>>) src(%dma_wait3A_251 : memref<20000x128xf32, #tpu.memory_space<hbm>>) dst(%dma_wait3A_246 : memref<96x128xf32, #tpu.memory_space<vmem>>)
    %dma_wait3A_252 = arith.constant 0 : i32
    %dma_wait3A_253 = tpu.memref_slice %arg3[%dma_wait3A_252] : memref<160000xi32, #tpu.memory_space<hbm>> -> memref<96xi32, #tpu.memory_space<hbm>>
    %dma_wait3A_254 = arith.constant 0 : i32
    %dma_wait3A_255 = tpu.memref_slice %arg3[%dma_wait3A_254] : memref<160000xi32, #tpu.memory_space<hbm>> -> memref<96xi32, #tpu.memory_space<hbm>>
    tpu.wait_dma2 semaphore(%arg18 : memref<!tpu.dma_semaphore, #tpu.memory_space<semaphore_mem>>) src(%dma_wait3A_255 : memref<96xi32, #tpu.memory_space<hbm>>) dst(%arg8 : memref<96xi32, #tpu.memory_space<vmem>>)
    %dma_start3A_256 = arith.constant 1 : i32
    %dma_start3A_257 = arith.constant 0 : i32
    %dma_start3A_258 = arith.constant 0 : i32
    %dma_start3A_259 = tpu.memref_slice %arg12[%dma_start3A_256, %dma_start3A_257, %dma_start3A_258] : memref<3x96x128xf32, #tpu.memory_space<vmem>> -> memref<1x96x128xf32, #tpu.memory_space<vmem>>
    %dma_start3A_260 = tpu.memref_squeeze %dma_start3A_259 : memref<1x96x128xf32, #tpu.memory_space<vmem>> -> memref<96x128xf32, #tpu.memory_space<vmem>>
    %dma_start3A_261 = arith.constant 0 : i32
    %dma_start3A_262 = arith.constant 0 : i32
    %dma_start3A_263 = tpu.memref_slice %arg13[%dma_start3A_261, %dma_start3A_262] : memref<10000x128xf32, #tpu.memory_space<vmem_shared>> -> memref<10000x128xf32, #tpu.memory_space<vmem_shared>>
    tpu.enqueue_indirect_dma source(%dma_start3A_260 : memref<96x128xf32, #tpu.memory_space<vmem>>) target(%dma_start3A_263 : memref<10000x128xf32, #tpu.memory_space<vmem_shared>>) offsets(%arg8 : memref<96xi32, #tpu.memory_space<vmem>>) semaphore(%arg21 : memref<!tpu.dma_semaphore, #tpu.memory_space<semaphore_mem>>) {add = true}
    %dma_wait3A_264 = arith.constant 0 : i32
    %dma_wait3A_265 = arith.constant 0 : i32
    %dma_wait3A_266 = arith.constant 0 : i32
    %dma_wait3A_267 = tpu.memref_slice %arg12[%dma_wait3A_264, %dma_wait3A_265, %dma_wait3A_266] : memref<3x96x128xf32, #tpu.memory_space<vmem>> -> memref<1x96x128xf32, #tpu.memory_space<vmem>>
    %dma_wait3A_268 = tpu.memref_squeeze %dma_wait3A_267 : memref<1x96x128xf32, #tpu.memory_space<vmem>> -> memref<96x128xf32, #tpu.memory_space<vmem>>
    %dma_wait3A_269 = arith.constant 0 : i32
    %dma_wait3A_270 = arith.constant 0 : i32
    %dma_wait3A_271 = tpu.memref_slice %arg13[%dma_wait3A_269, %dma_wait3A_270] : memref<10000x128xf32, #tpu.memory_space<vmem_shared>> -> memref<10000x128xf32, #tpu.memory_space<vmem_shared>>
    tpu.wait_indirect_dma semaphore(%arg20 : memref<!tpu.dma_semaphore, #tpu.memory_space<semaphore_mem>>) src(%dma_wait3A_268 : memref<96x128xf32, #tpu.memory_space<vmem>>) dst(%dma_wait3A_271 : memref<10000x128xf32, #tpu.memory_space<vmem_shared>>)
    %dma_wait3A_272 = arith.constant 1 : i32
    %dma_wait3A_273 = arith.constant 0 : i32
    %dma_wait3A_274 = arith.constant 0 : i32
    %dma_wait3A_275 = tpu.memref_slice %arg12[%dma_wait3A_272, %dma_wait3A_273, %dma_wait3A_274] : memref<3x96x128xf32, #tpu.memory_space<vmem>> -> memref<1x96x128xf32, #tpu.memory_space<vmem>>
    %dma_wait3A_276 = tpu.memref_squeeze %dma_wait3A_275 : memref<1x96x128xf32, #tpu.memory_space<vmem>> -> memref<96x128xf32, #tpu.memory_space<vmem>>
    %dma_wait3A_277 = arith.constant 0 : i32
    %dma_wait3A_278 = arith.constant 0 : i32
    %dma_wait3A_279 = tpu.memref_slice %arg13[%dma_wait3A_277, %dma_wait3A_278] : memref<10000x128xf32, #tpu.memory_space<vmem_shared>> -> memref<10000x128xf32, #tpu.memory_space<vmem_shared>>
    tpu.wait_indirect_dma semaphore(%arg21 : memref<!tpu.dma_semaphore, #tpu.memory_space<semaphore_mem>>) src(%dma_wait3A_276 : memref<96x128xf32, #tpu.memory_space<vmem>>) dst(%dma_wait3A_279 : memref<10000x128xf32, #tpu.memory_space<vmem_shared>>)
    %mul3A_280 = arith.constant 10000 : i32
    %mul3A_281 = arith.muli %arg1, %mul3A_280 : i32
    %add3A_282 = arith.constant 9984 : i32
    %add3A_283 = arith.addi %mul3A_281, %add3A_282 : i32
    "tpu.region"() ({
      %run_scoped3A_304 = tpu.sem_alloc : memref<!tpu.dma_semaphore, #tpu.memory_space<semaphore_mem>>
      %dma_start3A_305 = tpu.memref_slice %arg3[%add3A_283] : memref<160000xi32, #tpu.memory_space<hbm>> -> memref<16xi32, #tpu.memory_space<hbm>>
      %dma_start3A_306 = tpu.memref_slice %arg3[%add3A_283] : memref<160000xi32, #tpu.memory_space<hbm>> -> memref<16xi32, #tpu.memory_space<hbm>>
      tpu.enqueue_dma source(%dma_start3A_306 : memref<16xi32, #tpu.memory_space<hbm>>) target(%arg10 : memref<16xi32, #tpu.memory_space<vmem>>) target_semaphore(%run_scoped3A_304 : memref<!tpu.dma_semaphore, #tpu.memory_space<semaphore_mem>>)
      %dma_wait3A_307 = tpu.memref_slice %arg3[%add3A_283] : memref<160000xi32, #tpu.memory_space<hbm>> -> memref<16xi32, #tpu.memory_space<hbm>>
      %dma_wait3A_308 = tpu.memref_slice %arg3[%add3A_283] : memref<160000xi32, #tpu.memory_space<hbm>> -> memref<16xi32, #tpu.memory_space<hbm>>
      tpu.wait_dma2 semaphore(%run_scoped3A_304 : memref<!tpu.dma_semaphore, #tpu.memory_space<semaphore_mem>>) src(%dma_wait3A_308 : memref<16xi32, #tpu.memory_space<hbm>>) dst(%arg10 : memref<16xi32, #tpu.memory_space<vmem>>)
      tpu.yield
    }) : () -> ()
    %dma_start3A_284 = arith.constant 9984 : i32
    %dma_start3A_285 = tpu.memref_slice %arg6[%dma_start3A_284] : memref<10000xi32, #tpu.memory_space<vmem>> -> memref<16xi32, #tpu.memory_space<vmem>>
    %dma_start3A_286 = arith.constant 0 : i32
    %dma_start3A_287 = arith.constant 0 : i32
    %dma_start3A_288 = tpu.memref_slice %arg4[%dma_start3A_286, %dma_start3A_287] : memref<20000x128xf32, #tpu.memory_space<hbm>> -> memref<20000x128xf32, #tpu.memory_space<hbm>>
    tpu.enqueue_indirect_dma source(%dma_start3A_288 : memref<20000x128xf32, #tpu.memory_space<hbm>>) target(%arg11 : memref<16x128xf32, #tpu.memory_space<vmem>>) offsets(%dma_start3A_285 : memref<16xi32, #tpu.memory_space<vmem>>) semaphore(%arg23 : memref<!tpu.dma_semaphore, #tpu.memory_space<semaphore_mem>>)
    %dma_wait3A_289 = arith.constant 9984 : i32
    %dma_wait3A_290 = tpu.memref_slice %arg6[%dma_wait3A_289] : memref<10000xi32, #tpu.memory_space<vmem>> -> memref<16xi32, #tpu.memory_space<vmem>>
    %dma_wait3A_291 = arith.constant 0 : i32
    %dma_wait3A_292 = arith.constant 0 : i32
    %dma_wait3A_293 = tpu.memref_slice %arg4[%dma_wait3A_291, %dma_wait3A_292] : memref<20000x128xf32, #tpu.memory_space<hbm>> -> memref<20000x128xf32, #tpu.memory_space<hbm>>
    tpu.wait_indirect_dma semaphore(%arg23 : memref<!tpu.dma_semaphore, #tpu.memory_space<semaphore_mem>>) src(%dma_wait3A_293 : memref<20000x128xf32, #tpu.memory_space<hbm>>) dst(%arg11 : memref<16x128xf32, #tpu.memory_space<vmem>>)
    "tpu.region"() ({
      %run_scoped3A_304 = tpu.sem_alloc : memref<!tpu.dma_semaphore, #tpu.memory_space<semaphore_mem>>
      %dma_start3A_305 = arith.constant 0 : i32
      %dma_start3A_306 = arith.constant 0 : i32
      %dma_start3A_307 = tpu.memref_slice %arg13[%dma_start3A_305, %dma_start3A_306] : memref<10000x128xf32, #tpu.memory_space<vmem_shared>> -> memref<10000x128xf32, #tpu.memory_space<vmem_shared>>
      tpu.enqueue_indirect_dma source(%arg11 : memref<16x128xf32, #tpu.memory_space<vmem>>) target(%dma_start3A_307 : memref<10000x128xf32, #tpu.memory_space<vmem_shared>>) offsets(%arg10 : memref<16xi32, #tpu.memory_space<vmem>>) semaphore(%run_scoped3A_304 : memref<!tpu.dma_semaphore, #tpu.memory_space<semaphore_mem>>) {add = true}
      %dma_wait3A_308 = arith.constant 0 : i32
      %dma_wait3A_309 = arith.constant 0 : i32
      %dma_wait3A_310 = tpu.memref_slice %arg13[%dma_wait3A_308, %dma_wait3A_309] : memref<10000x128xf32, #tpu.memory_space<vmem_shared>> -> memref<10000x128xf32, #tpu.memory_space<vmem_shared>>
      tpu.wait_indirect_dma semaphore(%run_scoped3A_304 : memref<!tpu.dma_semaphore, #tpu.memory_space<semaphore_mem>>) src(%arg11 : memref<16x128xf32, #tpu.memory_space<vmem>>) dst(%dma_wait3A_310 : memref<10000x128xf32, #tpu.memory_space<vmem_shared>>)
      tpu.yield
    }) : () -> ()
    %barrier3A_294 = arith.constant 0 : index
    tpu.barrier barrier_id(%barrier3A_294)
    %mul3A_295 = arith.constant 624 : i32
    %mul3A_296 = arith.muli %arg1, %mul3A_295 : i32
    %mul3A_297 = arith.constant 624 : i32
    %mul3A_298 = arith.muli %arg1, %mul3A_297 : i32
    "tpu.region"() ({
      %run_scoped3A_304 = tpu.sem_alloc : memref<!tpu.dma_semaphore, #tpu.memory_space<semaphore_mem>>
      %dma_start3A_305 = arith.constant 0 : i32
      %dma_start3A_306 = tpu.memref_slice %arg5[%arg0, %mul3A_298, %dma_start3A_305] : memref<2x10000x128xf32, #tpu.memory_space<hbm>> -> memref<1x624x128xf32, #tpu.memory_space<hbm>>
      %dma_start3A_307 = tpu.memref_squeeze %dma_start3A_306 : memref<1x624x128xf32, #tpu.memory_space<hbm>> -> memref<624x128xf32, #tpu.memory_space<hbm>>
      %dma_start3A_308 = arith.constant 0 : i32
      %dma_start3A_309 = tpu.memref_slice %arg13[%mul3A_296, %dma_start3A_308] : memref<10000x128xf32, #tpu.memory_space<vmem_shared>> -> memref<624x128xf32, #tpu.memory_space<vmem_shared>>
      tpu.enqueue_dma source(%dma_start3A_309 : memref<624x128xf32, #tpu.memory_space<vmem_shared>>) target(%dma_start3A_307 : memref<624x128xf32, #tpu.memory_space<hbm>>) target_semaphore(%run_scoped3A_304 : memref<!tpu.dma_semaphore, #tpu.memory_space<semaphore_mem>>)
      %dma_wait3A_310 = arith.constant 0 : i32
      %dma_wait3A_311 = tpu.memref_slice %arg5[%arg0, %mul3A_298, %dma_wait3A_310] : memref<2x10000x128xf32, #tpu.memory_space<hbm>> -> memref<1x624x128xf32, #tpu.memory_space<hbm>>
      %dma_wait3A_312 = tpu.memref_squeeze %dma_wait3A_311 : memref<1x624x128xf32, #tpu.memory_space<hbm>> -> memref<624x128xf32, #tpu.memory_space<hbm>>
      %dma_wait3A_313 = arith.constant 0 : i32
      %dma_wait3A_314 = tpu.memref_slice %arg13[%mul3A_296, %dma_wait3A_313] : memref<10000x128xf32, #tpu.memory_space<vmem_shared>> -> memref<624x128xf32, #tpu.memory_space<vmem_shared>>
      tpu.wait_dma2 semaphore(%run_scoped3A_304 : memref<!tpu.dma_semaphore, #tpu.memory_space<semaphore_mem>>) src(%dma_wait3A_314 : memref<624x128xf32, #tpu.memory_space<vmem_shared>>) dst(%dma_wait3A_312 : memref<624x128xf32, #tpu.memory_space<hbm>>)
      tpu.yield
    }) : () -> ()
    %eq3A_299 = arith.constant 15 : i32
    %eq3A_300 = arith.cmpi eq, %arg1, %eq3A_299 : i32
    %convert_element_type3A_301 = arith.extui %eq3A_300 : i1 to i32
    %cond3A_302 = arith.constant 0 : i32
    %cond3A_303 = arith.cmpi ne, %convert_element_type3A_301, %cond3A_302 : i32
    scf.if %cond3A_303 {
      "tpu.region"() ({
        %run_scoped3A_304 = tpu.sem_alloc : memref<!tpu.dma_semaphore, #tpu.memory_space<semaphore_mem>>
        %dma_start3A_305 = arith.constant 9984 : i32
        %dma_start3A_306 = arith.constant 0 : i32
        %dma_start3A_307 = tpu.memref_slice %arg5[%arg0, %dma_start3A_305, %dma_start3A_306] : memref<2x10000x128xf32, #tpu.memory_space<hbm>> -> memref<1x16x128xf32, #tpu.memory_space<hbm>>
        %dma_start3A_308 = tpu.memref_squeeze %dma_start3A_307 : memref<1x16x128xf32, #tpu.memory_space<hbm>> -> memref<16x128xf32, #tpu.memory_space<hbm>>
        %dma_start3A_309 = arith.constant 9984 : i32
        %dma_start3A_310 = arith.constant 0 : i32
        %dma_start3A_311 = tpu.memref_slice %arg13[%dma_start3A_309, %dma_start3A_310] : memref<10000x128xf32, #tpu.memory_space<vmem_shared>> -> memref<16x128xf32, #tpu.memory_space<vmem_shared>>
        tpu.enqueue_dma source(%dma_start3A_311 : memref<16x128xf32, #tpu.memory_space<vmem_shared>>) target(%dma_start3A_308 : memref<16x128xf32, #tpu.memory_space<hbm>>) target_semaphore(%run_scoped3A_304 : memref<!tpu.dma_semaphore, #tpu.memory_space<semaphore_mem>>)
        %dma_wait3A_312 = arith.constant 9984 : i32
        %dma_wait3A_313 = arith.constant 0 : i32
        %dma_wait3A_314 = tpu.memref_slice %arg5[%arg0, %dma_wait3A_312, %dma_wait3A_313] : memref<2x10000x128xf32, #tpu.memory_space<hbm>> -> memref<1x16x128xf32, #tpu.memory_space<hbm>>
        %dma_wait3A_315 = tpu.memref_squeeze %dma_wait3A_314 : memref<1x16x128xf32, #tpu.memory_space<hbm>> -> memref<16x128xf32, #tpu.memory_space<hbm>>
        %dma_wait3A_316 = arith.constant 9984 : i32
        %dma_wait3A_317 = arith.constant 0 : i32
        %dma_wait3A_318 = tpu.memref_slice %arg13[%dma_wait3A_316, %dma_wait3A_317] : memref<10000x128xf32, #tpu.memory_space<vmem_shared>> -> memref<16x128xf32, #tpu.memory_space<vmem_shared>>
        tpu.wait_dma2 semaphore(%run_scoped3A_304 : memref<!tpu.dma_semaphore, #tpu.memory_space<semaphore_mem>>) src(%dma_wait3A_318 : memref<16x128xf32, #tpu.memory_space<vmem_shared>>) dst(%dma_wait3A_315 : memref<16x128xf32, #tpu.memory_space<hbm>>)
        tpu.yield
      }) : () -> ()
    } else {
    }
    return
  }
}

module attributes {stable_mosaic.version = 14 : i64} {
  func.func @_mm_mid_body(%arg0: i32, %arg1: memref<2x1000x128xf32, #tpu.memory_space<vmem>>, %arg2: memref<2x1000x128xf32, #tpu.memory_space<vmem>>, %arg3: memref<256x256xf32, #tpu.memory_space<vmem>>, %arg4: memref<1x256xf32, #tpu.memory_space<vmem>>, %arg5: memref<2x1000x128xf32, #tpu.memory_space<vmem>>) attributes {dimension_semantics = [#tpu.dimension_semantics<arbitrary>], iteration_bounds = array<i64: 10>, scalar_prefetch = 0 : i64, scratch_operands = 0 : i64, tpu.core_type = #tpu.core_type<tc>, window_params = [{transform_indices = @transform_0, window_bounds = array<i64: 2, 1000, 128>}, {transform_indices = @transform_1, window_bounds = array<i64: 2, 1000, 128>}, {pipeline_mode = #tpu.pipeline_mode<synchronous>, transform_indices = @transform_2, window_bounds = array<i64: 256, 256>}, {pipeline_mode = #tpu.pipeline_mode<synchronous>, transform_indices = @transform_3, window_bounds = array<i64: 1, 256>}, {transform_indices = @transform_4, window_bounds = array<i64: 2, 1000, 128>}]} {
    %get3A = arith.constant 0 : index
    %get3A_0 = arith.constant 0 : index
    %get3A_1 = arith.constant 0 : index
    %get3A_2 = vector.load %arg1[%get3A, %get3A_0, %get3A_1] : memref<2x1000x128xf32, #tpu.memory_space<vmem>>, vector<1x1000x128xf32>
    %get3A_3 = vector.shape_cast %get3A_2 : vector<1x1000x128xf32> to vector<1000x128xf32>
    %get3A_4 = arith.constant 1 : index
    %get3A_5 = arith.constant 0 : index
    %get3A_6 = arith.constant 0 : index
    %get3A_7 = vector.load %arg1[%get3A_4, %get3A_5, %get3A_6] : memref<2x1000x128xf32, #tpu.memory_space<vmem>>, vector<1x1000x128xf32>
    %get3A_8 = vector.shape_cast %get3A_7 : vector<1x1000x128xf32> to vector<1000x128xf32>
    %concatenate3A = tpu.concatenate %get3A_3, %get3A_8 in 1 : vector<1000x128xf32>, vector<1000x128xf32> -> vector<1000x256xf32>
    %get3A_9 = arith.constant 0 : index
    %get3A_10 = arith.constant 0 : index
    %get3A_11 = arith.constant 0 : index
    %get3A_12 = vector.load %arg2[%get3A_9, %get3A_10, %get3A_11] : memref<2x1000x128xf32, #tpu.memory_space<vmem>>, vector<1x1000x128xf32>
    %get3A_13 = vector.shape_cast %get3A_12 : vector<1x1000x128xf32> to vector<1000x128xf32>
    %get3A_14 = arith.constant 1 : index
    %get3A_15 = arith.constant 0 : index
    %get3A_16 = arith.constant 0 : index
    %get3A_17 = vector.load %arg2[%get3A_14, %get3A_15, %get3A_16] : memref<2x1000x128xf32, #tpu.memory_space<vmem>>, vector<1x1000x128xf32>
    %get3A_18 = vector.shape_cast %get3A_17 : vector<1x1000x128xf32> to vector<1000x128xf32>
    %concatenate3A_19 = tpu.concatenate %get3A_13, %get3A_18 in 1 : vector<1000x128xf32>, vector<1000x128xf32> -> vector<1000x256xf32>
    %add3A = arith.addf %concatenate3A, %concatenate3A_19 : vector<1000x256xf32>
    %get3A_20 = arith.constant 0 : index
    %get3A_21 = arith.constant 0 : index
    %get3A_22 = vector.load %arg3[%get3A_20, %get3A_21] : memref<256x256xf32, #tpu.memory_space<vmem>>, vector<256x256xf32>
    %dot_general3A = arith.constant dense<0.000000e+00> : vector<1000x256xf32>
    %dot_general3A_23 = tpu.matmul %add3A, %get3A_22, %dot_general3A {dimension_numbers = #tpu.dot_dimension_numbers<[1], [0], [0], [1], [0, 0, 1, 1], [], []>, transpose_lhs_hint = false} : vector<1000x256xf32>, vector<256x256xf32>, vector<1000x256xf32> -> vector<1000x256xf32>
    %get3A_24 = arith.constant 0 : index
    %get3A_25 = arith.constant 0 : index
    %get3A_26 = vector.load %arg4[%get3A_24, %get3A_25] : memref<1x256xf32, #tpu.memory_space<vmem>>, vector<1x256xf32>
    %add3A_27 = vector.broadcast %get3A_26 : vector<1x256xf32> to vector<1000x256xf32>
    %add3A_28 = arith.addf %dot_general3A_23, %add3A_27 : vector<1000x256xf32>
    %slice3A = vector.extract_strided_slice %add3A_28 {offsets = [0, 0], sizes = [1000, 128], strides = [1, 1]} : vector<1000x256xf32> to vector<1000x128xf32>
    %swap3A = arith.constant 0 : index
    %swap3A_29 = arith.constant 0 : index
    %swap3A_30 = arith.constant 0 : index
    %swap3A_31 = vector.load %arg5[%swap3A, %swap3A_29, %swap3A_30] : memref<2x1000x128xf32, #tpu.memory_space<vmem>>, vector<1x1000x128xf32>
    %swap3A_32 = vector.shape_cast %swap3A_31 : vector<1x1000x128xf32> to vector<1000x128xf32>
    %swap3A_33 = vector.shape_cast %slice3A : vector<1000x128xf32> to vector<1x1000x128xf32>
    tpu.vector_store %arg5[%swap3A, %swap3A_29, %swap3A_30], %swap3A_33 {strides = array<i32>} : memref<2x1000x128xf32, #tpu.memory_space<vmem>>, vector<1x1000x128xf32>,
    %slice3A_34 = vector.extract_strided_slice %add3A_28 {offsets = [0, 128], sizes = [1000, 128], strides = [1, 1]} : vector<1000x256xf32> to vector<1000x128xf32>
    %swap3A_35 = arith.constant 1 : index
    %swap3A_36 = arith.constant 0 : index
    %swap3A_37 = arith.constant 0 : index
    %swap3A_38 = vector.load %arg5[%swap3A_35, %swap3A_36, %swap3A_37] : memref<2x1000x128xf32, #tpu.memory_space<vmem>>, vector<1x1000x128xf32>
    %swap3A_39 = vector.shape_cast %swap3A_38 : vector<1x1000x128xf32> to vector<1000x128xf32>
    %swap3A_40 = vector.shape_cast %slice3A_34 : vector<1000x128xf32> to vector<1x1000x128xf32>
    tpu.vector_store %arg5[%swap3A_35, %swap3A_36, %swap3A_37], %swap3A_40 {strides = array<i32>} : memref<2x1000x128xf32, #tpu.memory_space<vmem>>, vector<1x1000x128xf32>,
    return
  }
  func.func @transform_0(%arg0: i32) -> (i32, i32, i32) {
    %c0_i32 = arith.constant 0 : i32
    %c0_i32_0 = arith.constant 0 : i32
    %c0_i32_1 = arith.constant 0 : i32
    return %c0_i32, %arg0, %c0_i32_0 : i32, i32, i32
  }
  func.func @transform_1(%arg0: i32) -> (i32, i32, i32) {
    %c0_i32 = arith.constant 0 : i32
    %c0_i32_0 = arith.constant 0 : i32
    %c0_i32_1 = arith.constant 0 : i32
    return %c0_i32, %arg0, %c0_i32_0 : i32, i32, i32
  }
  func.func @transform_2(%arg0: i32) -> (i32, i32) {
    %c0_i32 = arith.constant 0 : i32
    %c0_i32_0 = arith.constant 0 : i32
    %c0_i32_1 = arith.constant 0 : i32
    return %c0_i32, %c0_i32_0 : i32, i32
  }
  func.func @transform_3(%arg0: i32) -> (i32, i32) {
    %c0_i32 = arith.constant 0 : i32
    %c0_i32_0 = arith.constant 0 : i32
    %c0_i32_1 = arith.constant 0 : i32
    return %c0_i32, %c0_i32_0 : i32, i32
  }
  func.func @transform_4(%arg0: i32) -> (i32, i32, i32) {
    %c0_i32 = arith.constant 0 : i32
    %c0_i32_0 = arith.constant 0 : i32
    %c0_i32_1 = arith.constant 0 : i32
    return %c0_i32, %arg0, %c0_i32_0 : i32, i32, i32
  }
}

module attributes {stable_mosaic.version = 14 : i64} {
  func.func @_mm_last_body(%arg0: i32, %arg1: memref<2x1000x128xf32, #tpu.memory_space<vmem>>, %arg2: memref<2x1000x128xf32, #tpu.memory_space<vmem>>, %arg3: memref<256x256xf32, #tpu.memory_space<vmem>>, %arg4: memref<1x256xf32, #tpu.memory_space<vmem>>, %arg5: memref<1000x256xf32, #tpu.memory_space<vmem>>) attributes {dimension_semantics = [#tpu.dimension_semantics<arbitrary>], iteration_bounds = array<i64: 10>, scalar_prefetch = 0 : i64, scratch_operands = 0 : i64, tpu.core_type = #tpu.core_type<tc>, window_params = [{transform_indices = @transform_0, window_bounds = array<i64: 2, 1000, 128>}, {transform_indices = @transform_1, window_bounds = array<i64: 2, 1000, 128>}, {pipeline_mode = #tpu.pipeline_mode<synchronous>, transform_indices = @transform_2, window_bounds = array<i64: 256, 256>}, {pipeline_mode = #tpu.pipeline_mode<synchronous>, transform_indices = @transform_3, window_bounds = array<i64: 1, 256>}, {transform_indices = @transform_4, window_bounds = array<i64: 1000, 256>}]} {
    %get3A = arith.constant 0 : index
    %get3A_0 = arith.constant 0 : index
    %get3A_1 = arith.constant 0 : index
    %get3A_2 = vector.load %arg1[%get3A, %get3A_0, %get3A_1] : memref<2x1000x128xf32, #tpu.memory_space<vmem>>, vector<1x1000x128xf32>
    %get3A_3 = vector.shape_cast %get3A_2 : vector<1x1000x128xf32> to vector<1000x128xf32>
    %get3A_4 = arith.constant 1 : index
    %get3A_5 = arith.constant 0 : index
    %get3A_6 = arith.constant 0 : index
    %get3A_7 = vector.load %arg1[%get3A_4, %get3A_5, %get3A_6] : memref<2x1000x128xf32, #tpu.memory_space<vmem>>, vector<1x1000x128xf32>
    %get3A_8 = vector.shape_cast %get3A_7 : vector<1x1000x128xf32> to vector<1000x128xf32>
    %concatenate3A = tpu.concatenate %get3A_3, %get3A_8 in 1 : vector<1000x128xf32>, vector<1000x128xf32> -> vector<1000x256xf32>
    %get3A_9 = arith.constant 0 : index
    %get3A_10 = arith.constant 0 : index
    %get3A_11 = arith.constant 0 : index
    %get3A_12 = vector.load %arg2[%get3A_9, %get3A_10, %get3A_11] : memref<2x1000x128xf32, #tpu.memory_space<vmem>>, vector<1x1000x128xf32>
    %get3A_13 = vector.shape_cast %get3A_12 : vector<1x1000x128xf32> to vector<1000x128xf32>
    %get3A_14 = arith.constant 1 : index
    %get3A_15 = arith.constant 0 : index
    %get3A_16 = arith.constant 0 : index
    %get3A_17 = vector.load %arg2[%get3A_14, %get3A_15, %get3A_16] : memref<2x1000x128xf32, #tpu.memory_space<vmem>>, vector<1x1000x128xf32>
    %get3A_18 = vector.shape_cast %get3A_17 : vector<1x1000x128xf32> to vector<1000x128xf32>
    %concatenate3A_19 = tpu.concatenate %get3A_13, %get3A_18 in 1 : vector<1000x128xf32>, vector<1000x128xf32> -> vector<1000x256xf32>
    %add3A = arith.addf %concatenate3A, %concatenate3A_19 : vector<1000x256xf32>
    %get3A_20 = arith.constant 0 : index
    %get3A_21 = arith.constant 0 : index
    %get3A_22 = vector.load %arg3[%get3A_20, %get3A_21] : memref<256x256xf32, #tpu.memory_space<vmem>>, vector<256x256xf32>
    %dot_general3A = arith.constant dense<0.000000e+00> : vector<1000x256xf32>
    %dot_general3A_23 = tpu.matmul %add3A, %get3A_22, %dot_general3A {dimension_numbers = #tpu.dot_dimension_numbers<[1], [0], [0], [1], [0, 0, 1, 1], [], []>, transpose_lhs_hint = false} : vector<1000x256xf32>, vector<256x256xf32>, vector<1000x256xf32> -> vector<1000x256xf32>
    %get3A_24 = arith.constant 0 : index
    %get3A_25 = arith.constant 0 : index
    %get3A_26 = vector.load %arg4[%get3A_24, %get3A_25] : memref<1x256xf32, #tpu.memory_space<vmem>>, vector<1x256xf32>
    %add3A_27 = vector.broadcast %get3A_26 : vector<1x256xf32> to vector<1000x256xf32>
    %add3A_28 = arith.addf %dot_general3A_23, %add3A_27 : vector<1000x256xf32>
    %swap3A = arith.constant 0 : index
    %swap3A_29 = arith.constant 0 : index
    %swap3A_30 = vector.load %arg5[%swap3A, %swap3A_29] : memref<1000x256xf32, #tpu.memory_space<vmem>>, vector<1000x256xf32>
    tpu.vector_store %arg5[%swap3A, %swap3A_29], %add3A_28 {strides = array<i32>} : memref<1000x256xf32, #tpu.memory_space<vmem>>, vector<1000x256xf32>,
    return
  }
  func.func @transform_0(%arg0: i32) -> (i32, i32, i32) {
    %c0_i32 = arith.constant 0 : i32
    %c0_i32_0 = arith.constant 0 : i32
    %c0_i32_1 = arith.constant 0 : i32
    return %c0_i32, %arg0, %c0_i32_0 : i32, i32, i32
  }
  func.func @transform_1(%arg0: i32) -> (i32, i32, i32) {
    %c0_i32 = arith.constant 0 : i32
    %c0_i32_0 = arith.constant 0 : i32
    %c0_i32_1 = arith.constant 0 : i32
    return %c0_i32, %arg0, %c0_i32_0 : i32, i32, i32
  }
  func.func @transform_2(%arg0: i32) -> (i32, i32) {
    %c0_i32 = arith.constant 0 : i32
    %c0_i32_0 = arith.constant 0 : i32
    %c0_i32_1 = arith.constant 0 : i32
    return %c0_i32, %c0_i32_0 : i32, i32
  }
  func.func @transform_3(%arg0: i32) -> (i32, i32) {
    %c0_i32 = arith.constant 0 : i32
    %c0_i32_0 = arith.constant 0 : i32
    %c0_i32_1 = arith.constant 0 : i32
    return %c0_i32, %c0_i32_0 : i32, i32
  }
  func.func @transform_4(%arg0: i32) -> (i32, i32) {
    %c0_i32 = arith.constant 0 : i32
    %c0_i32_0 = arith.constant 0 : i32
    return %arg0, %c0_i32 : i32, i32
  }
}

</mosaic_0001>

<sc_bundles>
// kernel: kernel.11.cloned.1.call-start
scs
__scs_entry_jumppad:
0x0: {  	(pc) =	sbr.rel $0x88, $3  }
0x1: {  	(tag) =	ssettag $0x0;
	lr =	simm.s32 $0x1  }
0x2: {  	[smem:$0x3F99] =	sst lr;
	_ =	strace $0xD0000000  }
0x3: {  	_ = 	snop  }
0x4: {  	_ = 	snop  }
0x5: {  	_ = 	snop  }
0x6: {  	_ = 	snop  }
0x7: {  	_ = 	snop  }
__scs_overlays_trampoline_lowered:
0x8: {  	[smem:$0x3FA8] =	sst s0  }
0x9: {  	[smem:$0x3FA9] =	sst s1  }
0xa: {  	[smem:$0x3FAA] =	sst s2  }
0xb: {  	[smem:$0x3FAB] =	sst s3  }
0xc: {  	[smem:$0x3FAC] =	sst s4  }
0xd: {  	[smem:$0x3FAD] =	sst s5  }
0xe: {  	[smem:$0x3FAE] =	sst s6  }
0xf: {  	[smem:$0x3FAF] =	sst s7  }
0x10: {  	[smem:$0x3FB0] =	sst s8  }
0x11: {  	[smem:$0x3FB1] =	sst s9;
	s0 =	simm.s32 @!p0 $0x0  }
0x12: {  	s1 =	sld [smem:$0x3F97];
	s0 =	simm.s32 @p0 $0x1  }
0x13: {  	[smem:$0x3FB2] =	sst s0;
	s0 =	simm.s32 @!p1 $0x0  }
0x14: {  	s2 =	sld [smem:$0x3F96];
	s0 =	simm.s32 @p1 $0x1  }
0x15: {  	[smem:$0x3FB3] =	sst s0;
	s0 =	simm.s32 @!p2 $0x0  }
0x16: {  	s3 =	sld [smem:$0x3FDB];
	s0 =	simm.s32 @p2 $0x1  }
0x17: {  	s4 =	simm.s32 $0x1BF5;
	[smem:$0x3FB5] =	sst s0  }
0x18: {  	s0 =	sld [smem:$0x3F98];
	_ =	swait.ge [sflag:s4], $0x0  }
0x19: {  	s7 =	sld [smem:$0x3F99]  }
0x1a: {  	s8 =	sadd.s32 $0xFFFFE003, lr  }
0x1b: {  	s9 =	sadd.s32 $0xFFFFFEF7, lr;
	s5 =	simm.s32 $0xFFFFFFFF;
	p2 =	slt.u32 s8, $0xFFFFF086  }
0x1c: {  	p1 =	slt.u32 s9, $0xF7A;
	s5 =	simm.s32 @!p2 $0x0  }
0x1d: {  	s5 =	simm.s32 @p1 $0x1;
	p0 =	seq.s32 s7, s2  }
0x1e: {  	s7 =	smul.u32 @!p0 $0xF7A, s2;
	p2 =	seq.s32 @!p0 s5, $0x0  }
0x1f: {  	s9 =	smul.u32 $0xF7A, s1;
	s8 =	simm.s32 @!p0 $0x1BF5;
	p2 =	por !p2, p0  }
0x20: {  	[sflag:s8] =	ssyncset.s32 @!p0 $0xFFFFF086;
	s6 =	sadd.s32 @!p0 s3, s7;
	s7 =	simm.s32 @!p0 $0x108  }
0x21: {  	s3 =	sadd.s32 s3, s9;
	s6 =	sadd.s32 @!p0 $0x88, s6;
	s7 =	simm.s32 @p2 $0x1082  }
0x22: {  	[simem:s7], [sflag:s8] =	dma.local @!p0 [hbm:s6], $0xF7A  }
0x23: {  	s9 =	sor.u32 $0xD0000000, s2;
	s6 =	simm.s32 $0x108;
	_ =	swait.ge @!p0 [sflag:s8], $0x0  }
0x24: {  	s3 =	sadd.s32 $0x88, s3;
	s6 =	simm.s32 @!p1 $0x1082;
	[sflag:s4] =	ssyncset.s32 $0xFFFFF086  }
0x25: {  	[simem:s6], [sflag:s4] =	dma.local [hbm:s3], $0xF7A  }
0x26: {  	[smem:$0x3F99] =	sst s1;
	(tag) =	ssettag s2;
	_ =	strace s9  }
0x27: {  	s1 =	sld [smem:$0x3FA9]  }
0x28: {  	s2 =	sld [smem:$0x3FAA]  }
0x29: {  	s4 =	sld [smem:$0x3FAC]  }
0x2a: {  	p0 =	seq.s32 s5, $0x0;
	s5 =	sld [smem:$0x3FAD]  }
0x2b: {  	s6 =	sld [smem:$0x3FAE]  }
0x2c: {  	s7 =	sld [smem:$0x3FAF]  }
0x2d: {  	s3 =	simm.s32 $0x108;
	s8 =	sld [smem:$0x3FB0]  }
0x2e: {  	s3 =	simm.s32 @!p0 $0x1082;
	s9 =	sld [smem:$0x3FB1]  }
0x2f: {  	lr =	sadd.s32 s0, s3;
	s0 =	sld [smem:$0x3FA8]  }
0x30: {  	s3 =	sld [smem:$0x3FAB]  }
0x31: {  	[smem:$0x3FB4] =	sst s10  }
0x32: {  	s10 =	sld [smem:$0x3FB2];
	_ =	sdelay $0x3  }
0x33: {  	p0 =	seq.s32 s10, $0x1;
	s10 =	sld [smem:$0x3FB4];
	_ =	sdelay $0x3  }
0x34: {  	[smem:$0x3FB4] =	sst s10  }
0x35: {  	s10 =	sld [smem:$0x3FB3];
	_ =	sdelay $0x3  }
0x36: {  	p1 =	seq.s32 s10, $0x1;
	s10 =	sld [smem:$0x3FB4];
	_ =	sdelay $0x3  }
0x37: {  	[smem:$0x3FB4] =	sst s10  }
0x38: {  	s10 =	sld [smem:$0x3FB5]  }
0x39: {  	_ = 	snop;
	(pc) =	sbr.ind lr, $3  }
0x3a: {  	_ = 	snop  }
0x3b: {  	_ = 	snop  }
0x3c: {  	p2 =	seq.s32 s10, $0x1;
	s10 =	sld [smem:$0x3FB4]  }
0x3d: {  	_ =	shalt  }
0x3e: {  	_ =	shalt  }
0x3f: {  	_ =	shalt  }
0x40: {  	_ =	shalt  }
0x41: {  	_ =	shalt  }
0x42: {  	_ =	shalt  }
0x43: {  	_ =	shalt  }
0x44: {  	_ =	shalt  }
0x45: {  	_ =	shalt  }
0x46: {  	_ =	shalt  }
0x47: {  	_ =	shalt  }
0x48: {  	_ =	shalt  }
0x49: {  	_ =	shalt  }
0x4a: {  	_ =	shalt  }
0x4b: {  	_ =	shalt  }
0x4c: {  	_ =	shalt  }
0x4d: {  	_ =	shalt  }
0x4e: {  	_ =	shalt  }
0x4f: {  	_ =	shalt  }
0x50: {  	_ =	shalt  }
0x51: {  	_ =	shalt  }
0x52: {  	_ =	shalt  }
0x53: {  	_ =	shalt  }
0x54: {  	_ =	shalt  }
0x55: {  	_ =	shalt  }
0x56: {  	_ =	shalt  }
0x57: {  	_ =	shalt  }
0x58: {  	_ =	shalt  }
0x59: {  	_ =	shalt  }
0x5a: {  	_ =	shalt  }
0x5b: {  	_ =	shalt  }
0x5c: {  	_ =	shalt  }
0x5d: {  	_ =	shalt  }
0x5e: {  	_ =	shalt  }
0x5f: {  	_ =	shalt  }
0x60: {  	_ =	shalt  }
0x61: {  	_ =	shalt  }
0x62: {  	_ =	shalt  }
0x63: {  	_ =	shalt  }
0x64: {  	_ =	shalt  }
0x65: {  	_ =	shalt  }
0x66: {  	_ =	shalt  }
0x67: {  	_ =	shalt  }
0x68: {  	_ =	shalt  }
0x69: {  	_ =	shalt  }
0x6a: {  	_ =	shalt  }
0x6b: {  	_ =	shalt  }
0x6c: {  	_ =	shalt  }
0x6d: {  	_ =	shalt  }
0x6e: {  	_ =	shalt  }
0x6f: {  	_ =	shalt  }
0x70: {  	_ =	shalt  }
0x71: {  	_ =	shalt  }
0x72: {  	_ =	shalt  }
0x73: {  	_ =	shalt  }
0x74: {  	_ =	shalt  }
0x75: {  	_ =	shalt  }
0x76: {  	_ =	shalt  }
0x77: {  	_ =	shalt  }
0x78: {  	_ =	shalt  }
0x79: {  	_ =	shalt  }
0x7a: {  	_ =	shalt  }
0x7b: {  	_ =	shalt  }
0x7c: {  	_ =	shalt  }
0x7d: {  	_ =	shalt  }
0x7e: {  	_ =	shalt  }
0x7f: {  	_ =	shalt  }
0x80: {  	_ =	shalt  }
0x81: {  	_ =	shalt  }
0x82: {  	_ =	shalt  }
0x83: {  	_ =	shalt  }
0x84: {  	_ =	shalt  }
0x85: {  	_ =	shalt  }
0x86: {  	_ =	shalt  }
0x87: {  	_ =	shalt  }
.Lfunc_end0:
.L_simem_size_0:
called_computation.1_lowered:
.L_overlay_start_0:
0x88: {  	s2 =	sld [smem:$0x3FD9]  }
0x89: {  	s3 =	sld [smem:$0x3FFE];
	_ =	sdelay $0x1  }
0x8a: {  	s1 =	srdreg.scid  }
0x8b: {  	s0 =	sand.u32 $0x1, s1  }
0x8c: {  	s17 =	sshll.u32 s0, $0xA;
	s2 =	sadd.s32 s3, s2  }
0x8d: {  	s2 =	sadd.s32 s2, s17  }
0x8e: {  	[smem:$0x3FC0] =	sst s2  }
0x8f: {  	_ = 	snop  }
0x90: {  	s2 =	sld [smem:$0x3FD0];
	(tm) =	ssettm $0x1  }
0x91: {  	s18 =	sld [smem:$0x3FFB];
	_ =	sdelay $0x3  }
0x92: {  	_ =	strace s18  }
0x93: {  	s3 =	sld [smem:$0x3FFC];
	_ =	sdelay $0x3  }
0x94: {  	_ =	strace s3  }
0x95: {  	s3 =	sld [smem:$0x3FFD];
	_ =	sdelay $0x3  }
0x96: {  	_ =	strace s3  }
0x97: {  	_ =	strace $0x8FFFFFFF  }
0x98: {  	s19 =	sld [smem:$0x3FDB];
	_ =	sdelay $0x1  }
0x99: {  	s4 =	simm.s32 $_scs_section_size  }
0x9a: {  	s5 =	simm.s32 $_size__tile_overlayer_lowered;
	s6 =	simm.s32 $_tile_overlayer_lowered  }
0x9b: {  	s22 =	simm.s32 $0x1BFF;
	s21 =	sshll.u32 s6, $0x1;
	s3 =	sadd.s32 s4, s19  }
0x9c: {  	s7 =	simm.s32 $0x0;
	s20 =	sshll.u32 s5, $0x1;
	s5 =	sadd.s32 s21, s3  }
0x9d: {  	[timem:s7], [sflag:s22] =	dma.local [hbm:s5], s20  }
0x9e: {  	_ =	swait.ge [sflag:s22], s20  }
0x9f: {  	s4 =	ssub.s32 $0x0, s20;
	[sflag:s22] =	ssyncset.done $0x0  }
0xa0: {  	[sflag:s22] =	ssyncadd.s32 s4;
	_ =	sdelay $0x1  }
0xa1: {  	s23 =	simm.s32 $0x1B8B  }
0xa2: {  	_ =	swait.ge [sflag:s23], $0x1  }
0xa3: {  	[sflag:s23] =	ssyncset.done $0x0  }
0xa4: {  	s25 =	simm.s32 $0x1B8E;
	s24 =	sld [smem:$0x3FFE];
	[sflag:s23] =	ssyncadd.s32 $0xFFFFFFFF  }
0xa5: {  	s26 =	simm.s32 $execute0_lowered;
	[smem:$0x3FD2] =	sst s25  }
0xa6: {  	s5 =	sshll.u32 s26, $0x1;
	_ =	strace $0x80000049;
	[dreg:$0x1] =	wrdreg $0xFFFFFFFF  }
0xa7: {  	s28 =	simm.s32 $_size_execute0_lowered;
	s3 =	sadd.s32 s3, s5;
	[dreg:$0x0] =	wrdreg $0x0  }
0xa8: {  	s5 =	sshll.u32 s28, $0x1;
	[dreg:$0x2] =	wrdreg s3  }
0xa9: {  	[dreg:$0x3] =	wrdreg s5  }
0xaa: {  	[dreg:$0x4] =	wrdreg $0xC0  }
0xab: {  	_ =	task [dreg:s7], $0x5FFFF  }
0xac: {  	[dreg:$0x1] =	wrdreg $0xFFFFFFFF  }
0xad: {  	[dreg:$0x0] =	wrdreg $0x60  }
0xae: {  	[dreg:$0x2] =	wrdreg s24  }
0xaf: {  	[dreg:$0x3] =	wrdreg s2  }
0xb0: {  	[dreg:$0x4] =	wrdreg $0xC1800  }
0xb1: {  	[dreg:$0x5] =	wrdreg $0x9  }
0xb2: {  	_ =	task.clear_ibuf [dreg:s7], $0x6FFFF;
	_ =	strace $0x90000049  }
0xb3: {  	s29 =	simm.s32 $0x9;
	_ =	strace $0x8000004B  }
0xb4: {  	_ =	swait.ge [sflag:s29], $0x1  }
0xb5: {  	[sflag:s29] =	ssyncadd.s32 $0xFFFFFFFF  }
0xb6: {  	_ =	strace $0x9000004B  }
0xb7: {  	_ =	sfence  }
0xb8: {  	s30 =	sld [smem:$0x0];
	_ =	sdelay $0x2  }
0xb9: {  	s31 =	sshll.u32 s1, $0xD;
	s1 =	sshrl.u32 s1, $0x2  }
0xba: {  	s3 =	sand.u32 $0x4000, s31;
	s1 =	sadd.s32 s1, s30  }
0xbb: {  	s0 =	sor.u32 s3, s0;
	s1 =	sshll.u32 s1, $0x11  }
0xbc: {  	s0 =	sor.u32 s1, s0  }
0xbd: {  	s0 =	sadd.s32 $0x8F2B, s0  }
0xbe: {  	[sflag:s0] =	ssyncadd.remote.s32 $0x1  }
0xbf: {  	_ =	sfence.sel $0xFFFF  }
0xc0: {  	[dreg:$0x0] =	wrdreg $0xFFFFFFFF;
	(pc) =	sbr.abs _section_cstart, $3  }
0xc1: {  	[dreg:$0x1] =	wrdreg $0xFFFFFFFF  }
0xc2: {  	_ =	task.clear_ibuf [dreg:s7], $0x2FFFF;
	_ =	strace $0x9FFFFFFF  }
0xc3: {  	(tm) =	ssettm $0x7FFFFFFF  }
tec
execute0_lowered:
.L_overlay_start_1:
0x0: {  	(tag) =	ssettag $0x1  }
0x1: {  	s1 =	rddreg [dreg:$0x0]  }
0x2: {  	s0 =	srdreg.scid;
	s2 =	rddreg [dreg:$0x1]  }
0x3: {  	s11 =	stileid.u32;
	s3 =	rddreg [dreg:$0x2]  }
0x4: {  	s4 =	simm.s32 $0x0;
	s28 =	simm.s32 $0x60;
	s6 =	smul.u32 $0x2710, s11  }
0x5: {  	s29 =	simm.s32 $0x2800;
	s30 =	simm.s32 $0x6180;
	s7 =	smul.u32 $0x4E000, s11  }
0x6: {  	s31 =	simm.s32 $0x1;
	s0 =	sand.u32 $0x1, s0;
	s19 =	smul.u32 $0x13800, s11  }
0x7: {  	[smem:$0x7FF] =	sst s4;
	s9 =	sadd.s32 $0x1E00, s1;
	s5 =	smul.u32 $0x27100, s0  }
0x8: {  	s24 =	smul.u32 $0x4E2, s11;
	p0 =	sne.s32 s11, $0xF;
	s11 =	simm.s32 $0x6  }
0x9: {  	_ =	strace $0x8000004A;
	s10 =	ssub.s32 $0x2, s0;
	s5 =	sadd.s32 s6, s5  }
0xa: {  	s0 =	smul.u32 $0x138800, s0;
	s7 =	sshrl.u32 s7, $0x2;
	s5 =	sshrl.u32 s5, $0x3  }
0xb: {  	s12 =	sshrl.u32 s10, $0x1;
	s8 =	sadd.s32 s5, s1;
	s5 =	sadd.s32 s7, s3  }
0xc: {  	s6 =	sshrl.u32 s6, $0x3;
	s1 =	sadd.s32 $0x10C00, s1;
	s13 =	sadd.s32 $0x3000, s5  }
0xd: {  	s7 =	ssub.s32 s10, s12;
	s14 =	sadd.s32 $0x6000, s5;
	[dreg:$0x4] =	wrdreg s13  }
0xe: {  	s12 =	sadd.s32 $0x138000, s3;
	s15 =	sadd.s32 $0x9000, s5;
	[dreg:$0x5] =	wrdreg s14  }
0xf: {  	s10 =	simm.s32 $0x3;
	s16 =	sadd.s32 $0xC000, s5;
	[dreg:$0x6] =	wrdreg s15  }
0x10: {  	s17 =	sadd.s32 $0xF000, s5;
	s18 =	sadd.s32 $0x12000, s5;
	[dreg:$0x7] =	wrdreg s16  }
0x11: {  	s8 =	sadd.s32 $0x6E00, s8;
	s26 =	smax.u32 s7, $0x1;
	[dreg:$0x8] =	wrdreg s17  }
0x12: {  	s7 =	simm.s32 $0x2;
	[dreg:$0x9] =	wrdreg s18;
	s13 =	sadd.s32 s9, s6  }
0x13: {  	[dreg:$0xa] =	wrdreg s8;
	s6 =	sadd.s32 s19, s0;
	s0 =	sshrl.u32 s0, $0x3  }
0x14: {  	[dreg:$0x12] =	wrdreg s26;
	s26 =	simm.s32 $0x2780;
	s20 =	sadd.s32 $0xC, s13  }
0x15: {  	s8 =	simm.s32 $0x5;
	s21 =	sadd.s32 $0x18, s13;
	[dreg:$0xb] =	wrdreg s20  }
0x16: {  	s14 =	simm.s32 $0x8;
	s22 =	sadd.s32 $0x24, s13;
	[dreg:$0xc] =	wrdreg s21  }
0x17: {  	s15 =	simm.s32 $0x9;
	s23 =	sadd.s32 $0x30, s13;
	[dreg:$0xd] =	wrdreg s22  }
0x18: {  	s19 =	simm.s32 $0xA;
	s25 =	sadd.s32 $0x4E0, s13;
	[dreg:$0xe] =	wrdreg s23  }
0x19: {  	s6 =	sshrl.u32 s6, $0x3;
	s0 =	sadd.s32 s1, s0;
	[dreg:$0xf] =	wrdreg s25  }
0x1a: {  	s6 =	sadd.s32 s1, s6;
	s0 =	sadd.s32 $0x27000, s0;
	s23 =	sadd.s32 s24, s9  }
0x1b: {  	s24 =	simm.s32 $0x3180;
	s25 =	simm.s32 $0xB;
	s1 =	simm.s32 $0x4  }
0x1c: {  	s9 =	simm.s32 $0x7;
	s20 =	simm.s32 $0x0;
	[dreg:$0x10] =	wrdreg s6  }
0x1d: {  	v0 =	vimm.f32 $0.0e+00;
	[dreg:$0x11] =	wrdreg s0;
	s0 =	simm.s32 $0x2880;
	s6 =	simm.s32 $0x9180  }
.LBB2_1:
0x1e: {  	s16 =	simm.s32 $0x0;
	s21 =	simm.s32 $0x200  }
.LBB2_2:
0x1f: {  	p1 =	sne.s32 s21, $0xBE00;
	[tilespmem:s16+$0x31F0] =	vst v0  }
0x20: {  	[tilespmem:s16+$0x3180] =	vst v0  }
0x21: {  	[tilespmem:s16+$0x3190] =	vst v0  }
.Ltmp0:
0x22: {  	[tilespmem:s16+$0x31A0] =	vst v0;
	(pc) =	sbr.rel @p1 .LBB2_2-.Ltmp0, $4  }
0x23: {  	[tilespmem:s16+$0x31B0] =	vst v0  }
0x24: {  	[tilespmem:s16+$0x31C0] =	vst v0  }
0x25: {  	[tilespmem:s16+$0x31D0] =	vst v0  }
0x26: {  	[tilespmem:s16+$0x31E0] =	vst v0;
	s16 =	sshra.s32 s21, $0x2;
	s21 =	sadd.s32 $0x200, s21  }
0x27: {  	[tilespmem:s16+$0x31F0] =	vst v0  }
0x28: {  	[tilespmem:s16+$0x3180] =	vst v0  }
0x29: {  	[tilespmem:s16+$0x3190] =	vst v0  }
0x2a: {  	[tilespmem:s16+$0x31A0] =	vst v0  }
0x2b: {  	[tilespmem:s16+$0x31B0] =	vst v0  }
0x2c: {  	[tilespmem:s16+$0x31C0] =	vst v0  }
0x2d: {  	[tilespmem:s16+$0x31D0] =	vst v0  }
0x2e: {  	[tilespmem:s16+$0x31E0] =	vst v0  }
0x2f: {  	[spmem:s5] =	stream.linear.scatter [tilespmem:s24], [sflag:$0xB], $0x3000, $0x38;
	[tilespmem:$0x1FA00] =	vst v63  }
0x30: {  	_ =	swait.ge [sflag:s25], $0x3000  }
0x31: {  	[sflag:s25] =	ssyncset.done $0x0  }
0x32: {  	s18 =	rddreg [dreg:$0x4];
	[sflag:s25] =	ssyncadd.s32 $0xFFFFD000  }
0x33: {  	[spmem:s18] =	stream.linear.scatter [tilespmem:s24], [sflag:$0xB], $0x3000, $0x38;
	[tilespmem:$0x1FA00] =	vst v63  }
0x34: {  	_ =	swait.ge [sflag:s25], $0x3000  }
0x35: {  	[sflag:s25] =	ssyncset.done $0x0  }
0x36: {  	s21 =	rddreg [dreg:$0x5];
	[sflag:s25] =	ssyncadd.s32 $0xFFFFD000  }
0x37: {  	[spmem:s21] =	stream.linear.scatter [tilespmem:s24], [sflag:$0xB], $0x3000, $0x38;
	[tilespmem:$0x1FA00] =	vst v63  }
0x38: {  	_ =	swait.ge [sflag:s25], $0x3000  }
0x39: {  	[sflag:s25] =	ssyncset.done $0x0  }
0x3a: {  	s22 =	rddreg [dreg:$0x6];
	[sflag:s25] =	ssyncadd.s32 $0xFFFFD000  }
0x3b: {  	[spmem:s22] =	stream.linear.scatter [tilespmem:s24], [sflag:$0xB], $0x3000, $0x38;
	[tilespmem:$0x1FA00] =	vst v63  }
0x3c: {  	_ =	swait.ge [sflag:s25], $0x3000  }
0x3d: {  	[sflag:s25] =	ssyncset.done $0x0  }
0x3e: {  	s17 =	rddreg [dreg:$0x7];
	[sflag:s25] =	ssyncadd.s32 $0xFFFFD000  }
0x3f: {  	[spmem:s17] =	stream.linear.scatter [tilespmem:s24], [sflag:$0xB], $0x3000, $0x38;
	[tilespmem:$0x1FA00] =	vst v63  }
0x40: {  	_ =	swait.ge [sflag:s25], $0x3000  }
0x41: {  	[sflag:s25] =	ssyncset.done $0x0  }
0x42: {  	s18 =	rddreg [dreg:$0x8];
	[sflag:s25] =	ssyncadd.s32 $0xFFFFD000  }
0x43: {  	[spmem:s18] =	stream.linear.scatter [tilespmem:s24], [sflag:$0xB], $0x3000, $0x38;
	[tilespmem:$0x1FA00] =	vst v63  }
0x44: {  	_ =	swait.ge [sflag:s25], $0x3000  }
0x45: {  	[sflag:s25] =	ssyncset.done $0x0  }
0x46: {  	s21 =	rddreg [dreg:$0x9];
	[sflag:s25] =	ssyncadd.s32 $0xFFFFD000  }
0x47: {  	[spmem:s21] =	stream.linear.scatter [tilespmem:s24], [sflag:$0xB], $0x1800, $0x38;
	[tilespmem:$0x1FA00] =	vst v63  }
0x48: {  	_ =	swait.ge [sflag:s25], $0x1800  }
0x49: {  	[sflag:s25] =	ssyncset.done $0x0  }
0x4a: {  	s16 =	simm.s32 @!p0 $0x3180;
	[sflag:s25] =	ssyncadd.s32 $0xFFFFE800  }
0x4b: {  	[spmem:s12] =	stream.linear.scatter @!p0 [tilespmem:s16], [sflag:$0xB], $0x800, $0x38;
	[tilespmem:$0x1FA00] =	vst v63  }
0x4c: {  	s16 =	simm.s32 @!p0 $0xB  }
0x4d: {  	_ =	swait.ge @!p0 [sflag:s16], $0x800  }
0x4e: {  	[sflag:s16] =	ssyncset.done @!p0 $0x0  }
0x4f: {  	s17 =	rddreg [dreg:$0xa];
	[sflag:s16] =	ssyncadd.s32 @!p0 $0xFFFFF800;
	s16 =	simm.s32 $0x0  }
0x50: {  	[tilespmem:s16], [sflag:$0xB] =	stream.linear.gather [hbm4b:s17+s16], $0x2710, $0x38;
	[tilespmem:$0x1FA00] =	vst v63  }
0x51: {  	_ =	swait.ge [sflag:s25], $0x2710  }
0x52: {  	[sflag:s25] =	ssyncset.done $0x0  }
0x53: {  	[sflag:s25] =	ssyncadd.s32 $0xFFFFD8F0  }
0x54: {  	[bflag:$0x0] =	sbarrier.arrive $0xFFFF  }
0x55: {  	[tilespmem:s26], [sflag:$0x4] =	stream.linear.gather [hbm4b:s13+s16], $0x60, $0x38;
	[tilespmem:$0x1FA00] =	vst v63  }
0x56: {  	_ = 	snop  }
0x57: {  	[tilespmem:s24], [sflag:$0x1] =	stream.indirect.gather [hbm4b:s2+s28], $0x80, s16, s28, $0xb8;
	[tilespmem:$0x1FA00] =	vst v63  }
0x58: {  	s22 =	rddreg [dreg:$0xb]  }
0x59: {  	[tilespmem:s29], [sflag:$0x5] =	stream.linear.gather [hbm4b:s22+s16], $0x60, $0x38;
	[tilespmem:$0x1FA00] =	vst v63  }
0x5a: {  	_ = 	snop  }
0x5b: {  	[tilespmem:s30], [sflag:$0x2] =	stream.indirect.gather [hbm4b:s2+s28], $0x80, s28, s28, $0xb8;
	[tilespmem:$0x1FA00] =	vst v63  }
0x5c: {  	_ =	swait.ge [sflag:s31], $0x3000  }
0x5d: {  	[sflag:s31] =	ssyncset.done $0x0  }
0x5e: {  	[sflag:s31] =	ssyncadd.s32 $0xFFFFD000  }
0x5f: {  	_ =	swait.ge [sflag:s1], $0x60  }
0x60: {  	[sflag:s1] =	ssyncset.done $0x0  }
0x61: {  	[sflag:s1] =	ssyncadd.s32 $0xFFFFFFA0  }
0x62: {  	[spmem:s3] =	stream.indirect.scatter.add.f32 [tilespmem:s24], [sflag:$0x7], $0x80, s26, s28, $0xb8;
	[tilespmem:$0x1FA00] =	vst v63  }
0x63: {  	s18 =	rddreg [dreg:$0xc]  }
0x64: {  	[tilespmem:s0], [sflag:$0x6] =	stream.linear.gather [hbm4b:s18+s16], $0x60, $0x38;
	[tilespmem:$0x1FA00] =	vst v63  }
0x65: {  	s21 =	simm.s32 $0xC0  }
0x66: {  	[tilespmem:s6], [sflag:$0x3] =	stream.indirect.gather [hbm4b:s2+s28], $0x80, s21, s28, $0xb8;
	[tilespmem:$0x1FA00] =	vst v63  }
0x67: {  	_ =	swait.ge [sflag:s7], $0x3000  }
0x68: {  	[sflag:s7] =	ssyncset.done $0x0  }
0x69: {  	[sflag:s7] =	ssyncadd.s32 $0xFFFFD000  }
0x6a: {  	_ =	swait.ge [sflag:s8], $0x60  }
0x6b: {  	[sflag:s8] =	ssyncset.done $0x0  }
0x6c: {  	[sflag:s8] =	ssyncadd.s32 $0xFFFFFFA0  }
0x6d: {  	[spmem:s3] =	stream.indirect.scatter.add.f32 [tilespmem:s30], [sflag:$0x8], $0x80, s29, s28, $0xb8;
	[tilespmem:$0x1FA00] =	vst v63  }
0x6e: {  	_ =	swait.ge [sflag:s9], $0x3000  }
0x6f: {  	[sflag:s9] =	ssyncset.done $0x0  }
0x70: {  	s22 =	rddreg [dreg:$0xd];
	[sflag:s9] =	ssyncadd.s32 $0xFFFFD000  }
0x71: {  	[tilespmem:s26], [sflag:$0x4] =	stream.linear.gather [hbm4b:s22+s16], $0x60, $0x38;
	[tilespmem:$0x1FA00] =	vst v63  }
0x72: {  	s18 =	simm.s32 $0x120  }
0x73: {  	[tilespmem:s24], [sflag:$0x1] =	stream.indirect.gather [hbm4b:s2+s28], $0x80, s18, s28, $0xb8;
	[tilespmem:$0x1FA00] =	vst v63  }
0x74: {  	_ =	swait.ge [sflag:s10], $0x3000  }
0x75: {  	[sflag:s10] =	ssyncset.done $0x0  }
0x76: {  	[sflag:s10] =	ssyncadd.s32 $0xFFFFD000  }
0x77: {  	_ =	swait.ge [sflag:s11], $0x60  }
0x78: {  	[sflag:s11] =	ssyncset.done $0x0  }
0x79: {  	[sflag:s11] =	ssyncadd.s32 $0xFFFFFFA0  }
0x7a: {  	[spmem:s3] =	stream.indirect.scatter.add.f32 [tilespmem:s6], [sflag:$0x9], $0x80, s0, s28, $0xb8;
	[tilespmem:$0x1FA00] =	vst v63  }
0x7b: {  	_ =	swait.ge [sflag:s14], $0x3000  }
0x7c: {  	[sflag:s14] =	ssyncset.done $0x0  }
0x7d: {  	s21 =	rddreg [dreg:$0xe];
	[sflag:s14] =	ssyncadd.s32 $0xFFFFD000  }
0x7e: {  	[tilespmem:s29], [sflag:$0x5] =	stream.linear.gather [hbm4b:s21+s16], $0x60, $0x38;
	[tilespmem:$0x1FA00] =	vst v63  }
0x7f: {  	s22 =	simm.s32 $0x180  }
0x80: {  	[tilespmem:s30], [sflag:$0x2] =	stream.indirect.gather [hbm4b:s2+s28], $0x80, s22, s28, $0xb8;
	[tilespmem:$0x1FA00] =	vst v63  }
0x81: {  	_ =	swait.ge [sflag:s31], $0x3000  }
0x82: {  	[sflag:s31] =	ssyncset.done $0x0  }
0x83: {  	[sflag:s31] =	ssyncadd.s32 $0xFFFFD000  }
0x84: {  	_ =	swait.ge [sflag:s1], $0x60  }
0x85: {  	[sflag:s1] =	ssyncset.done $0x0  }
0x86: {  	[sflag:s1] =	ssyncadd.s32 $0xFFFFFFA0  }
0x87: {  	[spmem:s3] =	stream.indirect.scatter.add.f32 [tilespmem:s24], [sflag:$0x7], $0x80, s26, s28, $0xb8;
	[tilespmem:$0x1FA00] =	vst v63  }
0x88: {  	_ =	swait.ge [sflag:s15], $0x3000  }
0x89: {  	s16 =	sadd.s32 $0x0, s23;
	[sflag:s15] =	ssyncset.done $0x0  }
0x8a: {  	s21 =	sadd.s32 $0x3C, s16;
	[sflag:s15] =	ssyncadd.s32 $0xFFFFD000  }
0x8b: {  	[tilespmem:s0], [sflag:$0x6] =	stream.linear.gather [hbm4b:s21+s4], $0x60, $0x38;
	[tilespmem:$0x1FA00] =	vst v63  }
0x8c: {  	s17 =	simm.s32 $0x1E0  }
0x8d: {  	[tilespmem:s6], [sflag:$0x3] =	stream.indirect.gather [hbm4b:s2+s28], $0x80, s17, s28, $0xb8;
	[tilespmem:$0x1FA00] =	vst v63  }
0x8e: {  	_ =	swait.ge [sflag:s7], $0x3000  }
0x8f: {  	[sflag:s7] =	ssyncset.done $0x0  }
0x90: {  	[sflag:s7] =	ssyncadd.s32 $0xFFFFD000  }
0x91: {  	_ =	swait.ge [sflag:s8], $0x60  }
0x92: {  	[sflag:s8] =	ssyncset.done $0x0  }
0x93: {  	[sflag:s8] =	ssyncadd.s32 $0xFFFFFFA0  }
0x94: {  	[spmem:s3] =	stream.indirect.scatter.add.f32 [tilespmem:s30], [sflag:$0x8], $0x80, s29, s28, $0xb8;
	[tilespmem:$0x1FA00] =	vst v63  }
0x95: {  	_ =	swait.ge [sflag:s9], $0x3000  }
0x96: {  	[sflag:s9] =	ssyncset.done $0x0  }
0x97: {  	s18 =	sadd.s32 $0x48, s16;
	[sflag:s9] =	ssyncadd.s32 $0xFFFFD000  }
0x98: {  	[tilespmem:s26], [sflag:$0x4] =	stream.linear.gather [hbm4b:s18+s4], $0x60, $0x38;
	[tilespmem:$0x1FA00] =	vst v63  }
0x99: {  	s22 =	simm.s32 $0x240  }
0x9a: {  	[tilespmem:s24], [sflag:$0x1] =	stream.indirect.gather [hbm4b:s2+s28], $0x80, s22, s28, $0xb8;
	[tilespmem:$0x1FA00] =	vst v63  }
0x9b: {  	_ =	swait.ge [sflag:s10], $0x3000  }
0x9c: {  	[sflag:s10] =	ssyncset.done $0x0  }
0x9d: {  	[sflag:s10] =	ssyncadd.s32 $0xFFFFD000  }
0x9e: {  	_ =	swait.ge [sflag:s11], $0x60  }
0x9f: {  	[sflag:s11] =	ssyncset.done $0x0  }
0xa0: {  	[sflag:s11] =	ssyncadd.s32 $0xFFFFFFA0  }
0xa1: {  	[spmem:s3] =	stream.indirect.scatter.add.f32 [tilespmem:s6], [sflag:$0x9], $0x80, s0, s28, $0xb8;
	[tilespmem:$0x1FA00] =	vst v63  }
0xa2: {  	_ =	swait.ge [sflag:s14], $0x3000  }
0xa3: {  	[sflag:s14] =	ssyncset.done $0x0  }
0xa4: {  	s16 =	sadd.s32 $0x54, s16;
	[sflag:s14] =	ssyncadd.s32 $0xFFFFD000  }
0xa5: {  	[tilespmem:s29], [sflag:$0x5] =	stream.linear.gather [hbm4b:s16+s4], $0x60, $0x38;
	[tilespmem:$0x1FA00] =	vst v63  }
0xa6: {  	s21 =	simm.s32 $0x2A0;
	s22 =	simm.s32 $0x24;
	s16 =	simm.s32 $0x3C0  }
.LBB2_4:
0xa7: {  	[tilespmem:s30], [sflag:$0x2] =	stream.indirect.gather [hbm4b:s2+s28], $0x80, s21, s28, $0xb8;
	[tilespmem:$0x1FA00] =	vst v63  }
0xa8: {  	s17 =	smov.u32 s22;
	s21 =	smov.u32 s16  }
0xa9: {  	p1 =	sne.s32 s22, $0x480;
	s22 =	sadd.s32 $0x24, s22;
	_ =	swait.ge [sflag:s31], $0x3000  }
0xaa: {  	[sflag:s31] =	ssyncset.done $0x0  }
0xab: {  	[sflag:s31] =	ssyncadd.s32 $0xFFFFD000  }
0xac: {  	_ =	swait.ge [sflag:s1], $0x60  }
0xad: {  	[sflag:s1] =	ssyncset.done $0x0  }
0xae: {  	[sflag:s1] =	ssyncadd.s32 $0xFFFFFFA0  }
0xaf: {  	[spmem:s3] =	stream.indirect.scatter.add.f32 [tilespmem:s24], [sflag:$0x7], $0x80, s26, s28, $0xb8;
	[tilespmem:$0x1FA00] =	vst v63  }
0xb0: {  	_ =	swait.ge [sflag:s15], $0x3000  }
0xb1: {  	s17 =	sadd.s32 s17, s23;
	[sflag:s15] =	ssyncset.done $0x0  }
0xb2: {  	s18 =	sadd.s32 $0x3C, s17;
	[sflag:s15] =	ssyncadd.s32 $0xFFFFD000  }
0xb3: {  	[tilespmem:s0], [sflag:$0x6] =	stream.linear.gather [hbm4b:s18+s4], $0x60, $0x38;
	[tilespmem:$0x1FA00] =	vst v63  }
0xb4: {  	s18 =	sadd.s32 $0xFFFFFF40, s16  }
0xb5: {  	[tilespmem:s6], [sflag:$0x3] =	stream.indirect.gather [hbm4b:s2+s28], $0x80, s18, s28, $0xb8;
	[tilespmem:$0x1FA00] =	vst v63  }
0xb6: {  	_ =	swait.ge [sflag:s7], $0x3000  }
0xb7: {  	[sflag:s7] =	ssyncset.done $0x0  }
0xb8: {  	[sflag:s7] =	ssyncadd.s32 $0xFFFFD000  }
0xb9: {  	_ =	swait.ge [sflag:s8], $0x60  }
0xba: {  	[sflag:s8] =	ssyncset.done $0x0  }
0xbb: {  	[sflag:s8] =	ssyncadd.s32 $0xFFFFFFA0  }
0xbc: {  	[spmem:s3] =	stream.indirect.scatter.add.f32 [tilespmem:s30], [sflag:$0x8], $0x80, s29, s28, $0xb8;
	[tilespmem:$0x1FA00] =	vst v63  }
0xbd: {  	_ =	swait.ge [sflag:s9], $0x3000  }
0xbe: {  	[sflag:s9] =	ssyncset.done $0x0  }
0xbf: {  	s18 =	sadd.s32 $0x48, s17;
	[sflag:s9] =	ssyncadd.s32 $0xFFFFD000  }
0xc0: {  	[tilespmem:s26], [sflag:$0x4] =	stream.linear.gather [hbm4b:s18+s4], $0x60, $0x38;
	[tilespmem:$0x1FA00] =	vst v63  }
0xc1: {  	s18 =	sadd.s32 $0xFFFFFFA0, s16  }
0xc2: {  	[tilespmem:s24], [sflag:$0x1] =	stream.indirect.gather [hbm4b:s2+s28], $0x80, s18, s28, $0xb8;
	[tilespmem:$0x1FA00] =	vst v63  }
0xc3: {  	_ =	swait.ge [sflag:s10], $0x3000  }
0xc4: {  	[sflag:s10] =	ssyncset.done $0x0  }
0xc5: {  	[sflag:s10] =	ssyncadd.s32 $0xFFFFD000  }
0xc6: {  	_ =	swait.ge [sflag:s11], $0x60  }
0xc7: {  	[sflag:s11] =	ssyncset.done $0x0  }
0xc8: {  	[sflag:s11] =	ssyncadd.s32 $0xFFFFFFA0  }
0xc9: {  	[spmem:s3] =	stream.indirect.scatter.add.f32 [tilespmem:s6], [sflag:$0x9], $0x80, s0, s28, $0xb8;
	[tilespmem:$0x1FA00] =	vst v63  }
.Ltmp1:
0xca: {  	_ =	swait.ge [sflag:s14], $0x3000;
	(pc) =	sbr.rel @p1 .LBB2_4-.Ltmp1, $4  }
0xcb: {  	[sflag:s14] =	ssyncset.done $0x0  }
0xcc: {  	s17 =	sadd.s32 $0x54, s17;
	[sflag:s14] =	ssyncadd.s32 $0xFFFFD000  }
0xcd: {  	[tilespmem:s29], [sflag:$0x5] =	stream.linear.gather [hbm4b:s17+s4], $0x60, $0x38;
	[tilespmem:$0x1FA00] =	vst v63  }
0xce: {  	s16 =	sadd.s32 $0x120, s16  }
0xcf: {  	[tilespmem:s30], [sflag:$0x2] =	stream.indirect.gather [hbm4b:s2+s28], $0x80, s21, s28, $0xb8;
	[tilespmem:$0x1FA00] =	vst v63  }
0xd0: {  	_ =	swait.ge [sflag:s31], $0x3000  }
0xd1: {  	[sflag:s31] =	ssyncset.done $0x0  }
0xd2: {  	[sflag:s31] =	ssyncadd.s32 $0xFFFFD000  }
0xd3: {  	_ =	swait.ge [sflag:s1], $0x60  }
0xd4: {  	[sflag:s1] =	ssyncset.done $0x0  }
0xd5: {  	[sflag:s1] =	ssyncadd.s32 $0xFFFFFFA0  }
0xd6: {  	[spmem:s3] =	stream.indirect.scatter.add.f32 [tilespmem:s24], [sflag:$0x7], $0x80, s26, s28, $0xb8;
	[tilespmem:$0x1FA00] =	vst v63  }
0xd7: {  	_ =	swait.ge [sflag:s15], $0x3000  }
0xd8: {  	[sflag:s15] =	ssyncset.done $0x0  }
0xd9: {  	[sflag:s15] =	ssyncadd.s32 $0xFFFFD000  }
0xda: {  	_ =	swait.ge [sflag:s7], $0x3000  }
0xdb: {  	[sflag:s7] =	ssyncset.done $0x0  }
0xdc: {  	[sflag:s7] =	ssyncadd.s32 $0xFFFFD000  }
0xdd: {  	_ =	swait.ge [sflag:s8], $0x60  }
0xde: {  	[sflag:s8] =	ssyncset.done $0x0  }
0xdf: {  	[sflag:s8] =	ssyncadd.s32 $0xFFFFFFA0  }
0xe0: {  	[spmem:s3] =	stream.indirect.scatter.add.f32 [tilespmem:s30], [sflag:$0x8], $0x80, s29, s28, $0xb8;
	[tilespmem:$0x1FA00] =	vst v63  }
0xe1: {  	_ =	swait.ge [sflag:s9], $0x3000  }
0xe2: {  	[sflag:s9] =	ssyncset.done $0x0  }
0xe3: {  	[sflag:s9] =	ssyncadd.s32 $0xFFFFD000  }
0xe4: {  	_ =	swait.ge [sflag:s14], $0x3000  }
0xe5: {  	[sflag:s14] =	ssyncset.done $0x0  }
0xe6: {  	s17 =	simm.s32 $0x2900;
	s16 =	rddreg [dreg:$0xf];
	[sflag:s14] =	ssyncadd.s32 $0xFFFFD000  }
0xe7: {  	[tilespmem:s17], [sflag:$0xB] =	stream.linear.gather [hbm4b:s16+s4], $0x10, $0x38;
	[tilespmem:$0x1FA00] =	vst v63  }
0xe8: {  	_ =	swait.ge [sflag:s25], $0x10  }
0xe9: {  	s21 =	simm.s32 $0x10;
	[sflag:s25] =	ssyncset.done $0x0  }
0xea: {  	s18 =	simm.s32 $0x2700;
	s22 =	simm.s32 $0x2980;
	[sflag:s25] =	ssyncadd.s32 $0xFFFFFFF0  }
0xeb: {  	[tilespmem:s22], [sflag:$0xA] =	stream.indirect.gather [hbm4b:s2+s21], $0x80, s18, s21, $0xb8;
	[tilespmem:$0x1FA00] =	vst v63  }
0xec: {  	_ =	swait.ge [sflag:s19], $0x800  }
0xed: {  	[sflag:s19] =	ssyncset.done $0x0  }
0xee: {  	[sflag:s19] =	ssyncadd.s32 $0xFFFFF800  }
0xef: {  	[spmem:s3] =	stream.indirect.scatter.add.f32 [tilespmem:s22], [sflag:$0xB], $0x80, s17, s21, $0xb8;
	[tilespmem:$0x1FA00] =	vst v63  }
0xf0: {  	_ =	swait.ge [sflag:s25], $0x800  }
0xf1: {  	[sflag:s25] =	ssyncset.done $0x0  }
0xf2: {  	s17 =	stileid.u32;
	[sflag:s25] =	ssyncadd.s32 $0xFFFFF800  }
0xf3: {  	s16 =	sshll.u32 s17, $0x6;
	[bflag:$0x0] =	sbarrier.arrive $0xFFFF  }
0xf4: {  	s18 =	sshrl.u32 s5, $0x3;
	s16 =	sor.u32 $0x1C0B, s16;
	s21 =	rddreg [dreg:$0x10]  }
0xf5: {  	[hbm:s21], [sflag:s16] =	dma.local [spmem:s18], $0x2700  }
0xf6: {  	_ =	swait.ge [sflag:s25], $0x2700  }
0xf7: {  	[sflag:s25] =	ssyncset.done $0x0  }
0xf8: {  	s17 =	sshrl.u32 @!p0 s12, $0x3;
	s18 =	rddreg [dreg:$0x11];
	[sflag:s25] =	ssyncadd.s32 $0xFFFFD900  }
0xf9: {  	[hbm:s18], [sflag:s16] =	dma.local @!p0 [spmem:s17], $0x100  }
0xfa: {  	s16 =	simm.s32 @!p0 $0xB  }
0xfb: {  	_ =	swait.ge @!p0 [sflag:s16], $0x100  }
0xfc: {  	s20 =	sadd.s32 $0x1, s20;
	s22 =	rddreg [dreg:$0x12]  }
0xfd: {  	p1 =	sne.s32 s20, s22  }
.Ltmp2:
0xfe: {  	_ = 	snop;
	(pc) =	sbr.rel @p1 .LBB2_1-.Ltmp2, $3  }
0xff: {  	_ =	sdelay $0x1  }
0x100: {  	[sflag:s16] =	ssyncset.done @!p0 $0x0  }
0x101: {  	[sflag:s16] =	ssyncadd.s32 @!p0 $0xFFFFFF00  }
0x102: {  	_ =	sfence.sel $0x180000  }
0x103: {  	[bflag:$0x0] =	sbarrier.arrive $0xFFFF  }
0x104: {  	_ =	strace $0x9000004A  }
0x105: {  	s0 =	stileid.u32;
	[bflag:$0x2] =	sbarrier.arrive $0xFFFF  }
0x106: {  	p0 =	sne.s32 s0, $0x0;
	s0 =	rddreg [dreg:$0x3]  }
0x107: {  	s0 =	sadd.s32 @!p0 $0x100000, s0  }
0x108: {  	[sflag:s0] =	ssyncadd.tile.s32 @!p0 $0x1;
	_ =	shalt  }
.Lfunc_end2:
_tile_overlayer_lowered:
.L_overlay_start_2:
0x109: {  	(tag) =	ssettag $0x2  }
0x10a: {  	s0 =	rddreg [dreg:$0x0];
	s2 =	stileid.u32  }
0x10b: {  	s1 =	rddreg [dreg:$0x1];
	p0 =	sne.s32 s2, $0x0  }
0x10c: {  	s3 =	rddreg [dreg:$0x2];
	[bflag:$0x3] =	sbarrier.arrive $0xFFFF;
	s2 =	simm.s32 @!p0 $0x1C0B  }
0x10d: {  	[timem:s3], [sflag:s2] =	dma.local @!p0 [hbm:s0], s1  }
0x10e: {  	s0 =	simm.s32 @!p0 $0xB  }
0x10f: {  	_ =	swait.ge @!p0 [sflag:s0], s1  }
0x110: {  	s1 =	ssub.s32 @!p0 $0x0, s1;
	[sflag:s0] =	ssyncset.done @!p0 $0x0  }
0x111: {  	[sflag:s0] =	ssyncadd.s32 @!p0 s1  }
0x112: {  	[bflag:$0x3] =	sbarrier.arrive $0xFFFF  }
0x113: {  	_ =	shalt  }

// kernel: kernel.14.cloned.1.call-start
scs
__scs_entry_jumppad:
0x0: {  	(pc) =	sbr.rel $0x88, $3  }
0x1: {  	(tag) =	ssettag $0x0;
	lr =	simm.s32 $0x1  }
0x2: {  	[smem:$0x3F99] =	sst lr;
	_ =	strace $0xD0000000  }
0x3: {  	_ = 	snop  }
0x4: {  	_ = 	snop  }
0x5: {  	_ = 	snop  }
0x6: {  	_ = 	snop  }
0x7: {  	_ = 	snop  }
__scs_overlays_trampoline_lowered:
0x8: {  	[smem:$0x3FA8] =	sst s0  }
0x9: {  	[smem:$0x3FA9] =	sst s1  }
0xa: {  	[smem:$0x3FAA] =	sst s2  }
0xb: {  	[smem:$0x3FAB] =	sst s3  }
0xc: {  	[smem:$0x3FAC] =	sst s4  }
0xd: {  	[smem:$0x3FAD] =	sst s5  }
0xe: {  	[smem:$0x3FAE] =	sst s6  }
0xf: {  	[smem:$0x3FAF] =	sst s7  }
0x10: {  	[smem:$0x3FB0] =	sst s8  }
0x11: {  	[smem:$0x3FB1] =	sst s9;
	s0 =	simm.s32 @!p0 $0x0  }
0x12: {  	s1 =	sld [smem:$0x3F97];
	s0 =	simm.s32 @p0 $0x1  }
0x13: {  	[smem:$0x3FB2] =	sst s0;
	s0 =	simm.s32 @!p1 $0x0  }
0x14: {  	s2 =	sld [smem:$0x3F96];
	s0 =	simm.s32 @p1 $0x1  }
0x15: {  	[smem:$0x3FB3] =	sst s0;
	s0 =	simm.s32 @!p2 $0x0  }
0x16: {  	s3 =	sld [smem:$0x3FDB];
	s0 =	simm.s32 @p2 $0x1  }
0x17: {  	s4 =	simm.s32 $0x1BF5;
	[smem:$0x3FB5] =	sst s0  }
0x18: {  	s0 =	sld [smem:$0x3F98];
	_ =	swait.ge [sflag:s4], $0x0  }
0x19: {  	s7 =	sld [smem:$0x3F99]  }
0x1a: {  	s8 =	sadd.s32 $0xFFFFE003, lr  }
0x1b: {  	s9 =	sadd.s32 $0xFFFFFEF7, lr;
	s5 =	simm.s32 $0xFFFFFFFF;
	p2 =	slt.u32 s8, $0xFFFFF086  }
0x1c: {  	p1 =	slt.u32 s9, $0xF7A;
	s5 =	simm.s32 @!p2 $0x0  }
0x1d: {  	s5 =	simm.s32 @p1 $0x1;
	p0 =	seq.s32 s7, s2  }
0x1e: {  	s7 =	smul.u32 @!p0 $0xF7A, s2;
	p2 =	seq.s32 @!p0 s5, $0x0  }
0x1f: {  	s9 =	smul.u32 $0xF7A, s1;
	s8 =	simm.s32 @!p0 $0x1BF5;
	p2 =	por !p2, p0  }
0x20: {  	[sflag:s8] =	ssyncset.s32 @!p0 $0xFFFFF086;
	s6 =	sadd.s32 @!p0 s3, s7;
	s7 =	simm.s32 @!p0 $0x108  }
0x21: {  	s3 =	sadd.s32 s3, s9;
	s6 =	sadd.s32 @!p0 $0x88, s6;
	s7 =	simm.s32 @p2 $0x1082  }
0x22: {  	[simem:s7], [sflag:s8] =	dma.local @!p0 [hbm:s6], $0xF7A  }
0x23: {  	s9 =	sor.u32 $0xD0000000, s2;
	s6 =	simm.s32 $0x108;
	_ =	swait.ge @!p0 [sflag:s8], $0x0  }
0x24: {  	s3 =	sadd.s32 $0x88, s3;
	s6 =	simm.s32 @!p1 $0x1082;
	[sflag:s4] =	ssyncset.s32 $0xFFFFF086  }
0x25: {  	[simem:s6], [sflag:s4] =	dma.local [hbm:s3], $0xF7A  }
0x26: {  	[smem:$0x3F99] =	sst s1;
	(tag) =	ssettag s2;
	_ =	strace s9  }
0x27: {  	s1 =	sld [smem:$0x3FA9]  }
0x28: {  	s2 =	sld [smem:$0x3FAA]  }
0x29: {  	s4 =	sld [smem:$0x3FAC]  }
0x2a: {  	p0 =	seq.s32 s5, $0x0;
	s5 =	sld [smem:$0x3FAD]  }
0x2b: {  	s6 =	sld [smem:$0x3FAE]  }
0x2c: {  	s7 =	sld [smem:$0x3FAF]  }
0x2d: {  	s3 =	simm.s32 $0x108;
	s8 =	sld [smem:$0x3FB0]  }
0x2e: {  	s3 =	simm.s32 @!p0 $0x1082;
	s9 =	sld [smem:$0x3FB1]  }
0x2f: {  	lr =	sadd.s32 s0, s3;
	s0 =	sld [smem:$0x3FA8]  }
0x30: {  	s3 =	sld [smem:$0x3FAB]  }
0x31: {  	[smem:$0x3FB4] =	sst s10  }
0x32: {  	s10 =	sld [smem:$0x3FB2];
	_ =	sdelay $0x3  }
0x33: {  	p0 =	seq.s32 s10, $0x1;
	s10 =	sld [smem:$0x3FB4];
	_ =	sdelay $0x3  }
0x34: {  	[smem:$0x3FB4] =	sst s10  }
0x35: {  	s10 =	sld [smem:$0x3FB3];
	_ =	sdelay $0x3  }
0x36: {  	p1 =	seq.s32 s10, $0x1;
	s10 =	sld [smem:$0x3FB4];
	_ =	sdelay $0x3  }
0x37: {  	[smem:$0x3FB4] =	sst s10  }
0x38: {  	s10 =	sld [smem:$0x3FB5]  }
0x39: {  	_ = 	snop;
	(pc) =	sbr.ind lr, $3  }
0x3a: {  	_ = 	snop  }
0x3b: {  	_ = 	snop  }
0x3c: {  	p2 =	seq.s32 s10, $0x1;
	s10 =	sld [smem:$0x3FB4]  }
0x3d: {  	_ =	shalt  }
0x3e: {  	_ =	shalt  }
0x3f: {  	_ =	shalt  }
0x40: {  	_ =	shalt  }
0x41: {  	_ =	shalt  }
0x42: {  	_ =	shalt  }
0x43: {  	_ =	shalt  }
0x44: {  	_ =	shalt  }
0x45: {  	_ =	shalt  }
0x46: {  	_ =	shalt  }
0x47: {  	_ =	shalt  }
0x48: {  	_ =	shalt  }
0x49: {  	_ =	shalt  }
0x4a: {  	_ =	shalt  }
0x4b: {  	_ =	shalt  }
0x4c: {  	_ =	shalt  }
0x4d: {  	_ =	shalt  }
0x4e: {  	_ =	shalt  }
0x4f: {  	_ =	shalt  }
0x50: {  	_ =	shalt  }
0x51: {  	_ =	shalt  }
0x52: {  	_ =	shalt  }
0x53: {  	_ =	shalt  }
0x54: {  	_ =	shalt  }
0x55: {  	_ =	shalt  }
0x56: {  	_ =	shalt  }
0x57: {  	_ =	shalt  }
0x58: {  	_ =	shalt  }
0x59: {  	_ =	shalt  }
0x5a: {  	_ =	shalt  }
0x5b: {  	_ =	shalt  }
0x5c: {  	_ =	shalt  }
0x5d: {  	_ =	shalt  }
0x5e: {  	_ =	shalt  }
0x5f: {  	_ =	shalt  }
0x60: {  	_ =	shalt  }
0x61: {  	_ =	shalt  }
0x62: {  	_ =	shalt  }
0x63: {  	_ =	shalt  }
0x64: {  	_ =	shalt  }
0x65: {  	_ =	shalt  }
0x66: {  	_ =	shalt  }
0x67: {  	_ =	shalt  }
0x68: {  	_ =	shalt  }
0x69: {  	_ =	shalt  }
0x6a: {  	_ =	shalt  }
0x6b: {  	_ =	shalt  }
0x6c: {  	_ =	shalt  }
0x6d: {  	_ =	shalt  }
0x6e: {  	_ =	shalt  }
0x6f: {  	_ =	shalt  }
0x70: {  	_ =	shalt  }
0x71: {  	_ =	shalt  }
0x72: {  	_ =	shalt  }
0x73: {  	_ =	shalt  }
0x74: {  	_ =	shalt  }
0x75: {  	_ =	shalt  }
0x76: {  	_ =	shalt  }
0x77: {  	_ =	shalt  }
0x78: {  	_ =	shalt  }
0x79: {  	_ =	shalt  }
0x7a: {  	_ =	shalt  }
0x7b: {  	_ =	shalt  }
0x7c: {  	_ =	shalt  }
0x7d: {  	_ =	shalt  }
0x7e: {  	_ =	shalt  }
0x7f: {  	_ =	shalt  }
0x80: {  	_ =	shalt  }
0x81: {  	_ =	shalt  }
0x82: {  	_ =	shalt  }
0x83: {  	_ =	shalt  }
0x84: {  	_ =	shalt  }
0x85: {  	_ =	shalt  }
0x86: {  	_ =	shalt  }
0x87: {  	_ =	shalt  }
.Lfunc_end0:
.L_simem_size_0:
called_computation.2_lowered:
.L_overlay_start_0:
0x88: {  	s2 =	sld [smem:$0x3FD9]  }
0x89: {  	s3 =	sld [smem:$0x3FFE];
	_ =	sdelay $0x1  }
0x8a: {  	s1 =	srdreg.scid  }
0x8b: {  	s0 =	sand.u32 $0x1, s1  }
0x8c: {  	s17 =	sshll.u32 s0, $0xA;
	s2 =	sadd.s32 s3, s2  }
0x8d: {  	s2 =	sadd.s32 s2, s17  }
0x8e: {  	[smem:$0x3FC0] =	sst s2  }
0x8f: {  	_ = 	snop  }
0x90: {  	s2 =	sld [smem:$0x3FD0];
	(tm) =	ssettm $0x1  }
0x91: {  	s18 =	sld [smem:$0x3FFB];
	_ =	sdelay $0x3  }
0x92: {  	_ =	strace s18  }
0x93: {  	s3 =	sld [smem:$0x3FFC];
	_ =	sdelay $0x3  }
0x94: {  	_ =	strace s3  }
0x95: {  	s3 =	sld [smem:$0x3FFD];
	_ =	sdelay $0x3  }
0x96: {  	_ =	strace s3  }
0x97: {  	_ =	strace $0x8FFFFFFF  }
0x98: {  	s19 =	sld [smem:$0x3FDB];
	_ =	sdelay $0x1  }
0x99: {  	s4 =	simm.s32 $_scs_section_size  }
0x9a: {  	s5 =	simm.s32 $_size__tile_overlayer_lowered;
	s6 =	simm.s32 $_tile_overlayer_lowered  }
0x9b: {  	s22 =	simm.s32 $0x1BFF;
	s21 =	sshll.u32 s6, $0x1;
	s3 =	sadd.s32 s4, s19  }
0x9c: {  	s7 =	simm.s32 $0x0;
	s20 =	sshll.u32 s5, $0x1;
	s5 =	sadd.s32 s21, s3  }
0x9d: {  	[timem:s7], [sflag:s22] =	dma.local [hbm:s5], s20  }
0x9e: {  	_ =	swait.ge [sflag:s22], s20  }
0x9f: {  	s4 =	ssub.s32 $0x0, s20;
	[sflag:s22] =	ssyncset.done $0x0  }
0xa0: {  	[sflag:s22] =	ssyncadd.s32 s4;
	_ =	sdelay $0x1  }
0xa1: {  	s23 =	simm.s32 $0x1B8B  }
0xa2: {  	_ =	swait.ge [sflag:s23], $0x1  }
0xa3: {  	[sflag:s23] =	ssyncset.done $0x0  }
0xa4: {  	s25 =	simm.s32 $0x1B8E;
	s24 =	sld [smem:$0x3FFE];
	[sflag:s23] =	ssyncadd.s32 $0xFFFFFFFF  }
0xa5: {  	s26 =	simm.s32 $execute0_lowered;
	[smem:$0x3FD2] =	sst s25  }
0xa6: {  	s5 =	sshll.u32 s26, $0x1;
	_ =	strace $0x8000004C;
	[dreg:$0x1] =	wrdreg $0xFFFFFFFF  }
0xa7: {  	s28 =	simm.s32 $_size_execute0_lowered;
	s3 =	sadd.s32 s3, s5;
	[dreg:$0x0] =	wrdreg $0x0  }
0xa8: {  	s5 =	sshll.u32 s28, $0x1;
	[dreg:$0x2] =	wrdreg s3  }
0xa9: {  	[dreg:$0x3] =	wrdreg s5  }
0xaa: {  	[dreg:$0x4] =	wrdreg $0xC0  }
0xab: {  	_ =	task [dreg:s7], $0x5FFFF  }
0xac: {  	[dreg:$0x1] =	wrdreg $0xFFFFFFFF  }
0xad: {  	[dreg:$0x0] =	wrdreg $0x60  }
0xae: {  	[dreg:$0x2] =	wrdreg s24  }
0xaf: {  	[dreg:$0x3] =	wrdreg s2  }
0xb0: {  	[dreg:$0x4] =	wrdreg $0xC1800  }
0xb1: {  	[dreg:$0x5] =	wrdreg $0x9  }
0xb2: {  	_ =	task.clear_ibuf [dreg:s7], $0x6FFFF;
	_ =	strace $0x9000004C  }
0xb3: {  	s29 =	simm.s32 $0x9;
	_ =	strace $0x8000004E  }
0xb4: {  	_ =	swait.ge [sflag:s29], $0x1  }
0xb5: {  	[sflag:s29] =	ssyncadd.s32 $0xFFFFFFFF  }
0xb6: {  	_ =	strace $0x9000004E  }
0xb7: {  	_ =	sfence  }
0xb8: {  	s30 =	sld [smem:$0x0];
	_ =	sdelay $0x2  }
0xb9: {  	s31 =	sshll.u32 s1, $0xD;
	s1 =	sshrl.u32 s1, $0x2  }
0xba: {  	s3 =	sand.u32 $0x4000, s31;
	s1 =	sadd.s32 s1, s30  }
0xbb: {  	s0 =	sor.u32 s3, s0;
	s1 =	sshll.u32 s1, $0x11  }
0xbc: {  	s0 =	sor.u32 s1, s0  }
0xbd: {  	s0 =	sadd.s32 $0x8F2B, s0  }
0xbe: {  	[sflag:s0] =	ssyncadd.remote.s32 $0x1  }
0xbf: {  	_ =	sfence.sel $0xFFFF  }
0xc0: {  	[dreg:$0x0] =	wrdreg $0xFFFFFFFF;
	(pc) =	sbr.abs _section_cstart, $3  }
0xc1: {  	[dreg:$0x1] =	wrdreg $0xFFFFFFFF  }
0xc2: {  	_ =	task.clear_ibuf [dreg:s7], $0x2FFFF;
	_ =	strace $0x9FFFFFFF  }
0xc3: {  	(tm) =	ssettm $0x7FFFFFFF  }
tec
execute0_lowered:
.L_overlay_start_1:
0x0: {  	(tag) =	ssettag $0x1  }
0x1: {  	s1 =	rddreg [dreg:$0x0]  }
0x2: {  	s0 =	srdreg.scid;
	s2 =	rddreg [dreg:$0x1]  }
0x3: {  	s11 =	stileid.u32;
	s3 =	rddreg [dreg:$0x2]  }
0x4: {  	s4 =	simm.s32 $0x0;
	s28 =	simm.s32 $0x60;
	s6 =	smul.u32 $0x2710, s11  }
0x5: {  	s29 =	simm.s32 $0x2800;
	s30 =	simm.s32 $0x6180;
	s7 =	smul.u32 $0x4E000, s11  }
0x6: {  	s31 =	simm.s32 $0x1;
	s0 =	sand.u32 $0x1, s0;
	s19 =	smul.u32 $0x13800, s11  }
0x7: {  	[smem:$0x7FF] =	sst s4;
	s9 =	sadd.s32 $0x1E00, s1;
	s5 =	smul.u32 $0x27100, s0  }
0x8: {  	s24 =	smul.u32 $0x4E2, s11;
	p0 =	sne.s32 s11, $0xF;
	s11 =	simm.s32 $0x6  }
0x9: {  	_ =	strace $0x8000004D;
	s10 =	ssub.s32 $0x2, s0;
	s5 =	sadd.s32 s6, s5  }
0xa: {  	s0 =	smul.u32 $0x138800, s0;
	s7 =	sshrl.u32 s7, $0x2;
	s5 =	sshrl.u32 s5, $0x3  }
0xb: {  	s12 =	sshrl.u32 s10, $0x1;
	s8 =	sadd.s32 s5, s1;
	s5 =	sadd.s32 s7, s3  }
0xc: {  	s6 =	sshrl.u32 s6, $0x3;
	s1 =	sadd.s32 $0x10C00, s1;
	s13 =	sadd.s32 $0x3000, s5  }
0xd: {  	s7 =	ssub.s32 s10, s12;
	s14 =	sadd.s32 $0x6000, s5;
	[dreg:$0x4] =	wrdreg s13  }
0xe: {  	s12 =	sadd.s32 $0x138000, s3;
	s15 =	sadd.s32 $0x9000, s5;
	[dreg:$0x5] =	wrdreg s14  }
0xf: {  	s10 =	simm.s32 $0x3;
	s16 =	sadd.s32 $0xC000, s5;
	[dreg:$0x6] =	wrdreg s15  }
0x10: {  	s17 =	sadd.s32 $0xF000, s5;
	s18 =	sadd.s32 $0x12000, s5;
	[dreg:$0x7] =	wrdreg s16  }
0x11: {  	s8 =	sadd.s32 $0x6E00, s8;
	s26 =	smax.u32 s7, $0x1;
	[dreg:$0x8] =	wrdreg s17  }
0x12: {  	s7 =	simm.s32 $0x2;
	[dreg:$0x9] =	wrdreg s18;
	s13 =	sadd.s32 s9, s6  }
0x13: {  	[dreg:$0xa] =	wrdreg s8;
	s6 =	sadd.s32 s19, s0;
	s0 =	sshrl.u32 s0, $0x3  }
0x14: {  	[dreg:$0x12] =	wrdreg s26;
	s26 =	simm.s32 $0x2780;
	s20 =	sadd.s32 $0xC, s13  }
0x15: {  	s8 =	simm.s32 $0x5;
	s21 =	sadd.s32 $0x18, s13;
	[dreg:$0xb] =	wrdreg s20  }
0x16: {  	s14 =	simm.s32 $0x8;
	s22 =	sadd.s32 $0x24, s13;
	[dreg:$0xc] =	wrdreg s21  }
0x17: {  	s15 =	simm.s32 $0x9;
	s23 =	sadd.s32 $0x30, s13;
	[dreg:$0xd] =	wrdreg s22  }
0x18: {  	s19 =	simm.s32 $0xA;
	s25 =	sadd.s32 $0x4E0, s13;
	[dreg:$0xe] =	wrdreg s23  }
0x19: {  	s6 =	sshrl.u32 s6, $0x3;
	s0 =	sadd.s32 s1, s0;
	[dreg:$0xf] =	wrdreg s25  }
0x1a: {  	s6 =	sadd.s32 s1, s6;
	s0 =	sadd.s32 $0x27000, s0;
	s23 =	sadd.s32 s24, s9  }
0x1b: {  	s24 =	simm.s32 $0x3180;
	s25 =	simm.s32 $0xB;
	s1 =	simm.s32 $0x4  }
0x1c: {  	s9 =	simm.s32 $0x7;
	s20 =	simm.s32 $0x0;
	[dreg:$0x10] =	wrdreg s6  }
0x1d: {  	v0 =	vimm.f32 $0.0e+00;
	[dreg:$0x11] =	wrdreg s0;
	s0 =	simm.s32 $0x2880;
	s6 =	simm.s32 $0x9180  }
.LBB2_1:
0x1e: {  	s16 =	simm.s32 $0x0;
	s21 =	simm.s32 $0x200  }
.LBB2_2:
0x1f: {  	p1 =	sne.s32 s21, $0xBE00;
	[tilespmem:s16+$0x31F0] =	vst v0  }
0x20: {  	[tilespmem:s16+$0x3180] =	vst v0  }
0x21: {  	[tilespmem:s16+$0x3190] =	vst v0  }
.Ltmp0:
0x22: {  	[tilespmem:s16+$0x31A0] =	vst v0;
	(pc) =	sbr.rel @p1 .LBB2_2-.Ltmp0, $4  }
0x23: {  	[tilespmem:s16+$0x31B0] =	vst v0  }
0x24: {  	[tilespmem:s16+$0x31C0] =	vst v0  }
0x25: {  	[tilespmem:s16+$0x31D0] =	vst v0  }
0x26: {  	[tilespmem:s16+$0x31E0] =	vst v0;
	s16 =	sshra.s32 s21, $0x2;
	s21 =	sadd.s32 $0x200, s21  }
0x27: {  	[tilespmem:s16+$0x31F0] =	vst v0  }
0x28: {  	[tilespmem:s16+$0x3180] =	vst v0  }
0x29: {  	[tilespmem:s16+$0x3190] =	vst v0  }
0x2a: {  	[tilespmem:s16+$0x31A0] =	vst v0  }
0x2b: {  	[tilespmem:s16+$0x31B0] =	vst v0  }
0x2c: {  	[tilespmem:s16+$0x31C0] =	vst v0  }
0x2d: {  	[tilespmem:s16+$0x31D0] =	vst v0  }
0x2e: {  	[tilespmem:s16+$0x31E0] =	vst v0  }
0x2f: {  	[spmem:s5] =	stream.linear.scatter [tilespmem:s24], [sflag:$0xB], $0x3000, $0x38;
	[tilespmem:$0x1FA00] =	vst v63  }
0x30: {  	_ =	swait.ge [sflag:s25], $0x3000  }
0x31: {  	[sflag:s25] =	ssyncset.done $0x0  }
0x32: {  	s18 =	rddreg [dreg:$0x4];
	[sflag:s25] =	ssyncadd.s32 $0xFFFFD000  }
0x33: {  	[spmem:s18] =	stream.linear.scatter [tilespmem:s24], [sflag:$0xB], $0x3000, $0x38;
	[tilespmem:$0x1FA00] =	vst v63  }
0x34: {  	_ =	swait.ge [sflag:s25], $0x3000  }
0x35: {  	[sflag:s25] =	ssyncset.done $0x0  }
0x36: {  	s21 =	rddreg [dreg:$0x5];
	[sflag:s25] =	ssyncadd.s32 $0xFFFFD000  }
0x37: {  	[spmem:s21] =	stream.linear.scatter [tilespmem:s24], [sflag:$0xB], $0x3000, $0x38;
	[tilespmem:$0x1FA00] =	vst v63  }
0x38: {  	_ =	swait.ge [sflag:s25], $0x3000  }
0x39: {  	[sflag:s25] =	ssyncset.done $0x0  }
0x3a: {  	s22 =	rddreg [dreg:$0x6];
	[sflag:s25] =	ssyncadd.s32 $0xFFFFD000  }
0x3b: {  	[spmem:s22] =	stream.linear.scatter [tilespmem:s24], [sflag:$0xB], $0x3000, $0x38;
	[tilespmem:$0x1FA00] =	vst v63  }
0x3c: {  	_ =	swait.ge [sflag:s25], $0x3000  }
0x3d: {  	[sflag:s25] =	ssyncset.done $0x0  }
0x3e: {  	s17 =	rddreg [dreg:$0x7];
	[sflag:s25] =	ssyncadd.s32 $0xFFFFD000  }
0x3f: {  	[spmem:s17] =	stream.linear.scatter [tilespmem:s24], [sflag:$0xB], $0x3000, $0x38;
	[tilespmem:$0x1FA00] =	vst v63  }
0x40: {  	_ =	swait.ge [sflag:s25], $0x3000  }
0x41: {  	[sflag:s25] =	ssyncset.done $0x0  }
0x42: {  	s18 =	rddreg [dreg:$0x8];
	[sflag:s25] =	ssyncadd.s32 $0xFFFFD000  }
0x43: {  	[spmem:s18] =	stream.linear.scatter [tilespmem:s24], [sflag:$0xB], $0x3000, $0x38;
	[tilespmem:$0x1FA00] =	vst v63  }
0x44: {  	_ =	swait.ge [sflag:s25], $0x3000  }
0x45: {  	[sflag:s25] =	ssyncset.done $0x0  }
0x46: {  	s21 =	rddreg [dreg:$0x9];
	[sflag:s25] =	ssyncadd.s32 $0xFFFFD000  }
0x47: {  	[spmem:s21] =	stream.linear.scatter [tilespmem:s24], [sflag:$0xB], $0x1800, $0x38;
	[tilespmem:$0x1FA00] =	vst v63  }
0x48: {  	_ =	swait.ge [sflag:s25], $0x1800  }
0x49: {  	[sflag:s25] =	ssyncset.done $0x0  }
0x4a: {  	s16 =	simm.s32 @!p0 $0x3180;
	[sflag:s25] =	ssyncadd.s32 $0xFFFFE800  }
0x4b: {  	[spmem:s12] =	stream.linear.scatter @!p0 [tilespmem:s16], [sflag:$0xB], $0x800, $0x38;
	[tilespmem:$0x1FA00] =	vst v63  }
0x4c: {  	s16 =	simm.s32 @!p0 $0xB  }
0x4d: {  	_ =	swait.ge @!p0 [sflag:s16], $0x800  }
0x4e: {  	[sflag:s16] =	ssyncset.done @!p0 $0x0  }
0x4f: {  	s17 =	rddreg [dreg:$0xa];
	[sflag:s16] =	ssyncadd.s32 @!p0 $0xFFFFF800;
	s16 =	simm.s32 $0x0  }
0x50: {  	[tilespmem:s16], [sflag:$0xB] =	stream.linear.gather [hbm4b:s17+s16], $0x2710, $0x38;
	[tilespmem:$0x1FA00] =	vst v63  }
0x51: {  	_ =	swait.ge [sflag:s25], $0x2710  }
0x52: {  	[sflag:s25] =	ssyncset.done $0x0  }
0x53: {  	[sflag:s25] =	ssyncadd.s32 $0xFFFFD8F0  }
0x54: {  	[bflag:$0x0] =	sbarrier.arrive $0xFFFF  }
0x55: {  	[tilespmem:s26], [sflag:$0x4] =	stream.linear.gather [hbm4b:s13+s16], $0x60, $0x38;
	[tilespmem:$0x1FA00] =	vst v63  }
0x56: {  	_ = 	snop  }
0x57: {  	[tilespmem:s24], [sflag:$0x1] =	stream.indirect.gather [hbm4b:s2+s28], $0x80, s16, s28, $0xb8;
	[tilespmem:$0x1FA00] =	vst v63  }
0x58: {  	s22 =	rddreg [dreg:$0xb]  }
0x59: {  	[tilespmem:s29], [sflag:$0x5] =	stream.linear.gather [hbm4b:s22+s16], $0x60, $0x38;
	[tilespmem:$0x1FA00] =	vst v63  }
0x5a: {  	_ = 	snop  }
0x5b: {  	[tilespmem:s30], [sflag:$0x2] =	stream.indirect.gather [hbm4b:s2+s28], $0x80, s28, s28, $0xb8;
	[tilespmem:$0x1FA00] =	vst v63  }
0x5c: {  	_ =	swait.ge [sflag:s31], $0x3000  }
0x5d: {  	[sflag:s31] =	ssyncset.done $0x0  }
0x5e: {  	[sflag:s31] =	ssyncadd.s32 $0xFFFFD000  }
0x5f: {  	_ =	swait.ge [sflag:s1], $0x60  }
0x60: {  	[sflag:s1] =	ssyncset.done $0x0  }
0x61: {  	[sflag:s1] =	ssyncadd.s32 $0xFFFFFFA0  }
0x62: {  	[spmem:s3] =	stream.indirect.scatter.add.f32 [tilespmem:s24], [sflag:$0x7], $0x80, s26, s28, $0xb8;
	[tilespmem:$0x1FA00] =	vst v63  }
0x63: {  	s18 =	rddreg [dreg:$0xc]  }
0x64: {  	[tilespmem:s0], [sflag:$0x6] =	stream.linear.gather [hbm4b:s18+s16], $0x60, $0x38;
	[tilespmem:$0x1FA00] =	vst v63  }
0x65: {  	s21 =	simm.s32 $0xC0  }
0x66: {  	[tilespmem:s6], [sflag:$0x3] =	stream.indirect.gather [hbm4b:s2+s28], $0x80, s21, s28, $0xb8;
	[tilespmem:$0x1FA00] =	vst v63  }
0x67: {  	_ =	swait.ge [sflag:s7], $0x3000  }
0x68: {  	[sflag:s7] =	ssyncset.done $0x0  }
0x69: {  	[sflag:s7] =	ssyncadd.s32 $0xFFFFD000  }
0x6a: {  	_ =	swait.ge [sflag:s8], $0x60  }
0x6b: {  	[sflag:s8] =	ssyncset.done $0x0  }
0x6c: {  	[sflag:s8] =	ssyncadd.s32 $0xFFFFFFA0  }
0x6d: {  	[spmem:s3] =	stream.indirect.scatter.add.f32 [tilespmem:s30], [sflag:$0x8], $0x80, s29, s28, $0xb8;
	[tilespmem:$0x1FA00] =	vst v63  }
0x6e: {  	_ =	swait.ge [sflag:s9], $0x3000  }
0x6f: {  	[sflag:s9] =	ssyncset.done $0x0  }
0x70: {  	s22 =	rddreg [dreg:$0xd];
	[sflag:s9] =	ssyncadd.s32 $0xFFFFD000  }
0x71: {  	[tilespmem:s26], [sflag:$0x4] =	stream.linear.gather [hbm4b:s22+s16], $0x60, $0x38;
	[tilespmem:$0x1FA00] =	vst v63  }
0x72: {  	s18 =	simm.s32 $0x120  }
0x73: {  	[tilespmem:s24], [sflag:$0x1] =	stream.indirect.gather [hbm4b:s2+s28], $0x80, s18, s28, $0xb8;
	[tilespmem:$0x1FA00] =	vst v63  }
0x74: {  	_ =	swait.ge [sflag:s10], $0x3000  }
0x75: {  	[sflag:s10] =	ssyncset.done $0x0  }
0x76: {  	[sflag:s10] =	ssyncadd.s32 $0xFFFFD000  }
0x77: {  	_ =	swait.ge [sflag:s11], $0x60  }
0x78: {  	[sflag:s11] =	ssyncset.done $0x0  }
0x79: {  	[sflag:s11] =	ssyncadd.s32 $0xFFFFFFA0  }
0x7a: {  	[spmem:s3] =	stream.indirect.scatter.add.f32 [tilespmem:s6], [sflag:$0x9], $0x80, s0, s28, $0xb8;
	[tilespmem:$0x1FA00] =	vst v63  }
0x7b: {  	_ =	swait.ge [sflag:s14], $0x3000  }
0x7c: {  	[sflag:s14] =	ssyncset.done $0x0  }
0x7d: {  	s21 =	rddreg [dreg:$0xe];
	[sflag:s14] =	ssyncadd.s32 $0xFFFFD000  }
0x7e: {  	[tilespmem:s29], [sflag:$0x5] =	stream.linear.gather [hbm4b:s21+s16], $0x60, $0x38;
	[tilespmem:$0x1FA00] =	vst v63  }
0x7f: {  	s22 =	simm.s32 $0x180  }
0x80: {  	[tilespmem:s30], [sflag:$0x2] =	stream.indirect.gather [hbm4b:s2+s28], $0x80, s22, s28, $0xb8;
	[tilespmem:$0x1FA00] =	vst v63  }
0x81: {  	_ =	swait.ge [sflag:s31], $0x3000  }
0x82: {  	[sflag:s31] =	ssyncset.done $0x0  }
0x83: {  	[sflag:s31] =	ssyncadd.s32 $0xFFFFD000  }
0x84: {  	_ =	swait.ge [sflag:s1], $0x60  }
0x85: {  	[sflag:s1] =	ssyncset.done $0x0  }
0x86: {  	[sflag:s1] =	ssyncadd.s32 $0xFFFFFFA0  }
0x87: {  	[spmem:s3] =	stream.indirect.scatter.add.f32 [tilespmem:s24], [sflag:$0x7], $0x80, s26, s28, $0xb8;
	[tilespmem:$0x1FA00] =	vst v63  }
0x88: {  	_ =	swait.ge [sflag:s15], $0x3000  }
0x89: {  	s16 =	sadd.s32 $0x0, s23;
	[sflag:s15] =	ssyncset.done $0x0  }
0x8a: {  	s21 =	sadd.s32 $0x3C, s16;
	[sflag:s15] =	ssyncadd.s32 $0xFFFFD000  }
0x8b: {  	[tilespmem:s0], [sflag:$0x6] =	stream.linear.gather [hbm4b:s21+s4], $0x60, $0x38;
	[tilespmem:$0x1FA00] =	vst v63  }
0x8c: {  	s17 =	simm.s32 $0x1E0  }
0x8d: {  	[tilespmem:s6], [sflag:$0x3] =	stream.indirect.gather [hbm4b:s2+s28], $0x80, s17, s28, $0xb8;
	[tilespmem:$0x1FA00] =	vst v63  }
0x8e: {  	_ =	swait.ge [sflag:s7], $0x3000  }
0x8f: {  	[sflag:s7] =	ssyncset.done $0x0  }
0x90: {  	[sflag:s7] =	ssyncadd.s32 $0xFFFFD000  }
0x91: {  	_ =	swait.ge [sflag:s8], $0x60  }
0x92: {  	[sflag:s8] =	ssyncset.done $0x0  }
0x93: {  	[sflag:s8] =	ssyncadd.s32 $0xFFFFFFA0  }
0x94: {  	[spmem:s3] =	stream.indirect.scatter.add.f32 [tilespmem:s30], [sflag:$0x8], $0x80, s29, s28, $0xb8;
	[tilespmem:$0x1FA00] =	vst v63  }
0x95: {  	_ =	swait.ge [sflag:s9], $0x3000  }
0x96: {  	[sflag:s9] =	ssyncset.done $0x0  }
0x97: {  	s18 =	sadd.s32 $0x48, s16;
	[sflag:s9] =	ssyncadd.s32 $0xFFFFD000  }
0x98: {  	[tilespmem:s26], [sflag:$0x4] =	stream.linear.gather [hbm4b:s18+s4], $0x60, $0x38;
	[tilespmem:$0x1FA00] =	vst v63  }
0x99: {  	s22 =	simm.s32 $0x240  }
0x9a: {  	[tilespmem:s24], [sflag:$0x1] =	stream.indirect.gather [hbm4b:s2+s28], $0x80, s22, s28, $0xb8;
	[tilespmem:$0x1FA00] =	vst v63  }
0x9b: {  	_ =	swait.ge [sflag:s10], $0x3000  }
0x9c: {  	[sflag:s10] =	ssyncset.done $0x0  }
0x9d: {  	[sflag:s10] =	ssyncadd.s32 $0xFFFFD000  }
0x9e: {  	_ =	swait.ge [sflag:s11], $0x60  }
0x9f: {  	[sflag:s11] =	ssyncset.done $0x0  }
0xa0: {  	[sflag:s11] =	ssyncadd.s32 $0xFFFFFFA0  }
0xa1: {  	[spmem:s3] =	stream.indirect.scatter.add.f32 [tilespmem:s6], [sflag:$0x9], $0x80, s0, s28, $0xb8;
	[tilespmem:$0x1FA00] =	vst v63  }
0xa2: {  	_ =	swait.ge [sflag:s14], $0x3000  }
0xa3: {  	[sflag:s14] =	ssyncset.done $0x0  }
0xa4: {  	s16 =	sadd.s32 $0x54, s16;
	[sflag:s14] =	ssyncadd.s32 $0xFFFFD000  }
0xa5: {  	[tilespmem:s29], [sflag:$0x5] =	stream.linear.gather [hbm4b:s16+s4], $0x60, $0x38;
	[tilespmem:$0x1FA00] =	vst v63  }
0xa6: {  	s21 =	simm.s32 $0x2A0;
	s22 =	simm.s32 $0x24;
	s16 =	simm.s32 $0x3C0  }
.LBB2_4:
0xa7: {  	[tilespmem:s30], [sflag:$0x2] =	stream.indirect.gather [hbm4b:s2+s28], $0x80, s21, s28, $0xb8;
	[tilespmem:$0x1FA00] =	vst v63  }
0xa8: {  	s17 =	smov.u32 s22;
	s21 =	smov.u32 s16  }
0xa9: {  	p1 =	sne.s32 s22, $0x480;
	s22 =	sadd.s32 $0x24, s22;
	_ =	swait.ge [sflag:s31], $0x3000  }
0xaa: {  	[sflag:s31] =	ssyncset.done $0x0  }
0xab: {  	[sflag:s31] =	ssyncadd.s32 $0xFFFFD000  }
0xac: {  	_ =	swait.ge [sflag:s1], $0x60  }
0xad: {  	[sflag:s1] =	ssyncset.done $0x0  }
0xae: {  	[sflag:s1] =	ssyncadd.s32 $0xFFFFFFA0  }
0xaf: {  	[spmem:s3] =	stream.indirect.scatter.add.f32 [tilespmem:s24], [sflag:$0x7], $0x80, s26, s28, $0xb8;
	[tilespmem:$0x1FA00] =	vst v63  }
0xb0: {  	_ =	swait.ge [sflag:s15], $0x3000  }
0xb1: {  	s17 =	sadd.s32 s17, s23;
	[sflag:s15] =	ssyncset.done $0x0  }
0xb2: {  	s18 =	sadd.s32 $0x3C, s17;
	[sflag:s15] =	ssyncadd.s32 $0xFFFFD000  }
0xb3: {  	[tilespmem:s0], [sflag:$0x6] =	stream.linear.gather [hbm4b:s18+s4], $0x60, $0x38;
	[tilespmem:$0x1FA00] =	vst v63  }
0xb4: {  	s18 =	sadd.s32 $0xFFFFFF40, s16  }
0xb5: {  	[tilespmem:s6], [sflag:$0x3] =	stream.indirect.gather [hbm4b:s2+s28], $0x80, s18, s28, $0xb8;
	[tilespmem:$0x1FA00] =	vst v63  }
0xb6: {  	_ =	swait.ge [sflag:s7], $0x3000  }
0xb7: {  	[sflag:s7] =	ssyncset.done $0x0  }
0xb8: {  	[sflag:s7] =	ssyncadd.s32 $0xFFFFD000  }
0xb9: {  	_ =	swait.ge [sflag:s8], $0x60  }
0xba: {  	[sflag:s8] =	ssyncset.done $0x0  }
0xbb: {  	[sflag:s8] =	ssyncadd.s32 $0xFFFFFFA0  }
0xbc: {  	[spmem:s3] =	stream.indirect.scatter.add.f32 [tilespmem:s30], [sflag:$0x8], $0x80, s29, s28, $0xb8;
	[tilespmem:$0x1FA00] =	vst v63  }
0xbd: {  	_ =	swait.ge [sflag:s9], $0x3000  }
0xbe: {  	[sflag:s9] =	ssyncset.done $0x0  }
0xbf: {  	s18 =	sadd.s32 $0x48, s17;
	[sflag:s9] =	ssyncadd.s32 $0xFFFFD000  }
0xc0: {  	[tilespmem:s26], [sflag:$0x4] =	stream.linear.gather [hbm4b:s18+s4], $0x60, $0x38;
	[tilespmem:$0x1FA00] =	vst v63  }
0xc1: {  	s18 =	sadd.s32 $0xFFFFFFA0, s16  }
0xc2: {  	[tilespmem:s24], [sflag:$0x1] =	stream.indirect.gather [hbm4b:s2+s28], $0x80, s18, s28, $0xb8;
	[tilespmem:$0x1FA00] =	vst v63  }
0xc3: {  	_ =	swait.ge [sflag:s10], $0x3000  }
0xc4: {  	[sflag:s10] =	ssyncset.done $0x0  }
0xc5: {  	[sflag:s10] =	ssyncadd.s32 $0xFFFFD000  }
0xc6: {  	_ =	swait.ge [sflag:s11], $0x60  }
0xc7: {  	[sflag:s11] =	ssyncset.done $0x0  }
0xc8: {  	[sflag:s11] =	ssyncadd.s32 $0xFFFFFFA0  }
0xc9: {  	[spmem:s3] =	stream.indirect.scatter.add.f32 [tilespmem:s6], [sflag:$0x9], $0x80, s0, s28, $0xb8;
	[tilespmem:$0x1FA00] =	vst v63  }
.Ltmp1:
0xca: {  	_ =	swait.ge [sflag:s14], $0x3000;
	(pc) =	sbr.rel @p1 .LBB2_4-.Ltmp1, $4  }
0xcb: {  	[sflag:s14] =	ssyncset.done $0x0  }
0xcc: {  	s17 =	sadd.s32 $0x54, s17;
	[sflag:s14] =	ssyncadd.s32 $0xFFFFD000  }
0xcd: {  	[tilespmem:s29], [sflag:$0x5] =	stream.linear.gather [hbm4b:s17+s4], $0x60, $0x38;
	[tilespmem:$0x1FA00] =	vst v63  }
0xce: {  	s16 =	sadd.s32 $0x120, s16  }
0xcf: {  	[tilespmem:s30], [sflag:$0x2] =	stream.indirect.gather [hbm4b:s2+s28], $0x80, s21, s28, $0xb8;
	[tilespmem:$0x1FA00] =	vst v63  }
0xd0: {  	_ =	swait.ge [sflag:s31], $0x3000  }
0xd1: {  	[sflag:s31] =	ssyncset.done $0x0  }
0xd2: {  	[sflag:s31] =	ssyncadd.s32 $0xFFFFD000  }
0xd3: {  	_ =	swait.ge [sflag:s1], $0x60  }
0xd4: {  	[sflag:s1] =	ssyncset.done $0x0  }
0xd5: {  	[sflag:s1] =	ssyncadd.s32 $0xFFFFFFA0  }
0xd6: {  	[spmem:s3] =	stream.indirect.scatter.add.f32 [tilespmem:s24], [sflag:$0x7], $0x80, s26, s28, $0xb8;
	[tilespmem:$0x1FA00] =	vst v63  }
0xd7: {  	_ =	swait.ge [sflag:s15], $0x3000  }
0xd8: {  	[sflag:s15] =	ssyncset.done $0x0  }
0xd9: {  	[sflag:s15] =	ssyncadd.s32 $0xFFFFD000  }
0xda: {  	_ =	swait.ge [sflag:s7], $0x3000  }
0xdb: {  	[sflag:s7] =	ssyncset.done $0x0  }
0xdc: {  	[sflag:s7] =	ssyncadd.s32 $0xFFFFD000  }
0xdd: {  	_ =	swait.ge [sflag:s8], $0x60  }
0xde: {  	[sflag:s8] =	ssyncset.done $0x0  }
0xdf: {  	[sflag:s8] =	ssyncadd.s32 $0xFFFFFFA0  }
0xe0: {  	[spmem:s3] =	stream.indirect.scatter.add.f32 [tilespmem:s30], [sflag:$0x8], $0x80, s29, s28, $0xb8;
	[tilespmem:$0x1FA00] =	vst v63  }
0xe1: {  	_ =	swait.ge [sflag:s9], $0x3000  }
0xe2: {  	[sflag:s9] =	ssyncset.done $0x0  }
0xe3: {  	[sflag:s9] =	ssyncadd.s32 $0xFFFFD000  }
0xe4: {  	_ =	swait.ge [sflag:s14], $0x3000  }
0xe5: {  	[sflag:s14] =	ssyncset.done $0x0  }
0xe6: {  	s17 =	simm.s32 $0x2900;
	s16 =	rddreg [dreg:$0xf];
	[sflag:s14] =	ssyncadd.s32 $0xFFFFD000  }
0xe7: {  	[tilespmem:s17], [sflag:$0xB] =	stream.linear.gather [hbm4b:s16+s4], $0x10, $0x38;
	[tilespmem:$0x1FA00] =	vst v63  }
0xe8: {  	_ =	swait.ge [sflag:s25], $0x10  }
0xe9: {  	s21 =	simm.s32 $0x10;
	[sflag:s25] =	ssyncset.done $0x0  }
0xea: {  	s18 =	simm.s32 $0x2700;
	s22 =	simm.s32 $0x2980;
	[sflag:s25] =	ssyncadd.s32 $0xFFFFFFF0  }
0xeb: {  	[tilespmem:s22], [sflag:$0xA] =	stream.indirect.gather [hbm4b:s2+s21], $0x80, s18, s21, $0xb8;
	[tilespmem:$0x1FA00] =	vst v63  }
0xec: {  	_ =	swait.ge [sflag:s19], $0x800  }
0xed: {  	[sflag:s19] =	ssyncset.done $0x0  }
0xee: {  	[sflag:s19] =	ssyncadd.s32 $0xFFFFF800  }
0xef: {  	[spmem:s3] =	stream.indirect.scatter.add.f32 [tilespmem:s22], [sflag:$0xB], $0x80, s17, s21, $0xb8;
	[tilespmem:$0x1FA00] =	vst v63  }
0xf0: {  	_ =	swait.ge [sflag:s25], $0x800  }
0xf1: {  	[sflag:s25] =	ssyncset.done $0x0  }
0xf2: {  	s17 =	stileid.u32;
	[sflag:s25] =	ssyncadd.s32 $0xFFFFF800  }
0xf3: {  	s16 =	sshll.u32 s17, $0x6;
	[bflag:$0x0] =	sbarrier.arrive $0xFFFF  }
0xf4: {  	s18 =	sshrl.u32 s5, $0x3;
	s16 =	sor.u32 $0x1C0B, s16;
	s21 =	rddreg [dreg:$0x10]  }
0xf5: {  	[hbm:s21], [sflag:s16] =	dma.local [spmem:s18], $0x2700  }
0xf6: {  	_ =	swait.ge [sflag:s25], $0x2700  }
0xf7: {  	[sflag:s25] =	ssyncset.done $0x0  }
0xf8: {  	s17 =	sshrl.u32 @!p0 s12, $0x3;
	s18 =	rddreg [dreg:$0x11];
	[sflag:s25] =	ssyncadd.s32 $0xFFFFD900  }
0xf9: {  	[hbm:s18], [sflag:s16] =	dma.local @!p0 [spmem:s17], $0x100  }
0xfa: {  	s16 =	simm.s32 @!p0 $0xB  }
0xfb: {  	_ =	swait.ge @!p0 [sflag:s16], $0x100  }
0xfc: {  	s20 =	sadd.s32 $0x1, s20;
	s22 =	rddreg [dreg:$0x12]  }
0xfd: {  	p1 =	sne.s32 s20, s22  }
.Ltmp2:
0xfe: {  	_ = 	snop;
	(pc) =	sbr.rel @p1 .LBB2_1-.Ltmp2, $3  }
0xff: {  	_ =	sdelay $0x1  }
0x100: {  	[sflag:s16] =	ssyncset.done @!p0 $0x0  }
0x101: {  	[sflag:s16] =	ssyncadd.s32 @!p0 $0xFFFFFF00  }
0x102: {  	_ =	sfence.sel $0x180000  }
0x103: {  	[bflag:$0x0] =	sbarrier.arrive $0xFFFF  }
0x104: {  	_ =	strace $0x9000004D  }
0x105: {  	s0 =	stileid.u32;
	[bflag:$0x2] =	sbarrier.arrive $0xFFFF  }
0x106: {  	p0 =	sne.s32 s0, $0x0;
	s0 =	rddreg [dreg:$0x3]  }
0x107: {  	s0 =	sadd.s32 @!p0 $0x100000, s0  }
0x108: {  	[sflag:s0] =	ssyncadd.tile.s32 @!p0 $0x1;
	_ =	shalt  }
.Lfunc_end2:
_tile_overlayer_lowered:
.L_overlay_start_2:
0x109: {  	(tag) =	ssettag $0x2  }
0x10a: {  	s0 =	rddreg [dreg:$0x0];
	s2 =	stileid.u32  }
0x10b: {  	s1 =	rddreg [dreg:$0x1];
	p0 =	sne.s32 s2, $0x0  }
0x10c: {  	s3 =	rddreg [dreg:$0x2];
	[bflag:$0x3] =	sbarrier.arrive $0xFFFF;
	s2 =	simm.s32 @!p0 $0x1C0B  }
0x10d: {  	[timem:s3], [sflag:s2] =	dma.local @!p0 [hbm:s0], s1  }
0x10e: {  	s0 =	simm.s32 @!p0 $0xB  }
0x10f: {  	_ =	swait.ge @!p0 [sflag:s0], s1  }
0x110: {  	s1 =	ssub.s32 @!p0 $0x0, s1;
	[sflag:s0] =	ssyncset.done @!p0 $0x0  }
0x111: {  	[sflag:s0] =	ssyncadd.s32 @!p0 s1  }
0x112: {  	[bflag:$0x3] =	sbarrier.arrive $0xFFFF  }
0x113: {  	_ =	shalt  }

// kernel: kernel.8.cloned.1.call-start
scs
__scs_entry_jumppad:
0x0: {  	(pc) =	sbr.rel $0x88, $3  }
0x1: {  	(tag) =	ssettag $0x0;
	lr =	simm.s32 $0x1  }
0x2: {  	[smem:$0x3F99] =	sst lr;
	_ =	strace $0xD0000000  }
0x3: {  	_ = 	snop  }
0x4: {  	_ = 	snop  }
0x5: {  	_ = 	snop  }
0x6: {  	_ = 	snop  }
0x7: {  	_ = 	snop  }
__scs_overlays_trampoline_lowered:
0x8: {  	[smem:$0x3FA8] =	sst s0  }
0x9: {  	[smem:$0x3FA9] =	sst s1  }
0xa: {  	[smem:$0x3FAA] =	sst s2  }
0xb: {  	[smem:$0x3FAB] =	sst s3  }
0xc: {  	[smem:$0x3FAC] =	sst s4  }
0xd: {  	[smem:$0x3FAD] =	sst s5  }
0xe: {  	[smem:$0x3FAE] =	sst s6  }
0xf: {  	[smem:$0x3FAF] =	sst s7  }
0x10: {  	[smem:$0x3FB0] =	sst s8  }
0x11: {  	[smem:$0x3FB1] =	sst s9;
	s0 =	simm.s32 @!p0 $0x0  }
0x12: {  	s1 =	sld [smem:$0x3F97];
	s0 =	simm.s32 @p0 $0x1  }
0x13: {  	[smem:$0x3FB2] =	sst s0;
	s0 =	simm.s32 @!p1 $0x0  }
0x14: {  	s2 =	sld [smem:$0x3F96];
	s0 =	simm.s32 @p1 $0x1  }
0x15: {  	[smem:$0x3FB3] =	sst s0;
	s0 =	simm.s32 @!p2 $0x0  }
0x16: {  	s3 =	sld [smem:$0x3FDB];
	s0 =	simm.s32 @p2 $0x1  }
0x17: {  	s4 =	simm.s32 $0x1BF5;
	[smem:$0x3FB5] =	sst s0  }
0x18: {  	s0 =	sld [smem:$0x3F98];
	_ =	swait.ge [sflag:s4], $0x0  }
0x19: {  	s7 =	sld [smem:$0x3F99]  }
0x1a: {  	s8 =	sadd.s32 $0xFFFFE003, lr  }
0x1b: {  	s9 =	sadd.s32 $0xFFFFFEF7, lr;
	s5 =	simm.s32 $0xFFFFFFFF;
	p2 =	slt.u32 s8, $0xFFFFF086  }
0x1c: {  	p1 =	slt.u32 s9, $0xF7A;
	s5 =	simm.s32 @!p2 $0x0  }
0x1d: {  	s5 =	simm.s32 @p1 $0x1;
	p0 =	seq.s32 s7, s2  }
0x1e: {  	s7 =	smul.u32 @!p0 $0xF7A, s2;
	p2 =	seq.s32 @!p0 s5, $0x0  }
0x1f: {  	s9 =	smul.u32 $0xF7A, s1;
	s8 =	simm.s32 @!p0 $0x1BF5;
	p2 =	por !p2, p0  }
0x20: {  	[sflag:s8] =	ssyncset.s32 @!p0 $0xFFFFF086;
	s6 =	sadd.s32 @!p0 s3, s7;
	s7 =	simm.s32 @!p0 $0x108  }
0x21: {  	s3 =	sadd.s32 s3, s9;
	s6 =	sadd.s32 @!p0 $0x88, s6;
	s7 =	simm.s32 @p2 $0x1082  }
0x22: {  	[simem:s7], [sflag:s8] =	dma.local @!p0 [hbm:s6], $0xF7A  }
0x23: {  	s9 =	sor.u32 $0xD0000000, s2;
	s6 =	simm.s32 $0x108;
	_ =	swait.ge @!p0 [sflag:s8], $0x0  }
0x24: {  	s3 =	sadd.s32 $0x88, s3;
	s6 =	simm.s32 @!p1 $0x1082;
	[sflag:s4] =	ssyncset.s32 $0xFFFFF086  }
0x25: {  	[simem:s6], [sflag:s4] =	dma.local [hbm:s3], $0xF7A  }
0x26: {  	[smem:$0x3F99] =	sst s1;
	(tag) =	ssettag s2;
	_ =	strace s9  }
0x27: {  	s1 =	sld [smem:$0x3FA9]  }
0x28: {  	s2 =	sld [smem:$0x3FAA]  }
0x29: {  	s4 =	sld [smem:$0x3FAC]  }
0x2a: {  	p0 =	seq.s32 s5, $0x0;
	s5 =	sld [smem:$0x3FAD]  }
0x2b: {  	s6 =	sld [smem:$0x3FAE]  }
0x2c: {  	s7 =	sld [smem:$0x3FAF]  }
0x2d: {  	s3 =	simm.s32 $0x108;
	s8 =	sld [smem:$0x3FB0]  }
0x2e: {  	s3 =	simm.s32 @!p0 $0x1082;
	s9 =	sld [smem:$0x3FB1]  }
0x2f: {  	lr =	sadd.s32 s0, s3;
	s0 =	sld [smem:$0x3FA8]  }
0x30: {  	s3 =	sld [smem:$0x3FAB]  }
0x31: {  	[smem:$0x3FB4] =	sst s10  }
0x32: {  	s10 =	sld [smem:$0x3FB2];
	_ =	sdelay $0x3  }
0x33: {  	p0 =	seq.s32 s10, $0x1;
	s10 =	sld [smem:$0x3FB4];
	_ =	sdelay $0x3  }
0x34: {  	[smem:$0x3FB4] =	sst s10  }
0x35: {  	s10 =	sld [smem:$0x3FB3];
	_ =	sdelay $0x3  }
0x36: {  	p1 =	seq.s32 s10, $0x1;
	s10 =	sld [smem:$0x3FB4];
	_ =	sdelay $0x3  }
0x37: {  	[smem:$0x3FB4] =	sst s10  }
0x38: {  	s10 =	sld [smem:$0x3FB5]  }
0x39: {  	_ = 	snop;
	(pc) =	sbr.ind lr, $3  }
0x3a: {  	_ = 	snop  }
0x3b: {  	_ = 	snop  }
0x3c: {  	p2 =	seq.s32 s10, $0x1;
	s10 =	sld [smem:$0x3FB4]  }
0x3d: {  	_ =	shalt  }
0x3e: {  	_ =	shalt  }
0x3f: {  	_ =	shalt  }
0x40: {  	_ =	shalt  }
0x41: {  	_ =	shalt  }
0x42: {  	_ =	shalt  }
0x43: {  	_ =	shalt  }
0x44: {  	_ =	shalt  }
0x45: {  	_ =	shalt  }
0x46: {  	_ =	shalt  }
0x47: {  	_ =	shalt  }
0x48: {  	_ =	shalt  }
0x49: {  	_ =	shalt  }
0x4a: {  	_ =	shalt  }
0x4b: {  	_ =	shalt  }
0x4c: {  	_ =	shalt  }
0x4d: {  	_ =	shalt  }
0x4e: {  	_ =	shalt  }
0x4f: {  	_ =	shalt  }
0x50: {  	_ =	shalt  }
0x51: {  	_ =	shalt  }
0x52: {  	_ =	shalt  }
0x53: {  	_ =	shalt  }
0x54: {  	_ =	shalt  }
0x55: {  	_ =	shalt  }
0x56: {  	_ =	shalt  }
0x57: {  	_ =	shalt  }
0x58: {  	_ =	shalt  }
0x59: {  	_ =	shalt  }
0x5a: {  	_ =	shalt  }
0x5b: {  	_ =	shalt  }
0x5c: {  	_ =	shalt  }
0x5d: {  	_ =	shalt  }
0x5e: {  	_ =	shalt  }
0x5f: {  	_ =	shalt  }
0x60: {  	_ =	shalt  }
0x61: {  	_ =	shalt  }
0x62: {  	_ =	shalt  }
0x63: {  	_ =	shalt  }
0x64: {  	_ =	shalt  }
0x65: {  	_ =	shalt  }
0x66: {  	_ =	shalt  }
0x67: {  	_ =	shalt  }
0x68: {  	_ =	shalt  }
0x69: {  	_ =	shalt  }
0x6a: {  	_ =	shalt  }
0x6b: {  	_ =	shalt  }
0x6c: {  	_ =	shalt  }
0x6d: {  	_ =	shalt  }
0x6e: {  	_ =	shalt  }
0x6f: {  	_ =	shalt  }
0x70: {  	_ =	shalt  }
0x71: {  	_ =	shalt  }
0x72: {  	_ =	shalt  }
0x73: {  	_ =	shalt  }
0x74: {  	_ =	shalt  }
0x75: {  	_ =	shalt  }
0x76: {  	_ =	shalt  }
0x77: {  	_ =	shalt  }
0x78: {  	_ =	shalt  }
0x79: {  	_ =	shalt  }
0x7a: {  	_ =	shalt  }
0x7b: {  	_ =	shalt  }
0x7c: {  	_ =	shalt  }
0x7d: {  	_ =	shalt  }
0x7e: {  	_ =	shalt  }
0x7f: {  	_ =	shalt  }
0x80: {  	_ =	shalt  }
0x81: {  	_ =	shalt  }
0x82: {  	_ =	shalt  }
0x83: {  	_ =	shalt  }
0x84: {  	_ =	shalt  }
0x85: {  	_ =	shalt  }
0x86: {  	_ =	shalt  }
0x87: {  	_ =	shalt  }
.Lfunc_end0:
.L_simem_size_0:
called_computation_lowered:
.L_overlay_start_0:
0x88: {  	s2 =	sld [smem:$0x3FD9]  }
0x89: {  	s3 =	sld [smem:$0x3FFE];
	_ =	sdelay $0x1  }
0x8a: {  	s1 =	srdreg.scid  }
0x8b: {  	s0 =	sand.u32 $0x1, s1  }
0x8c: {  	s17 =	sshll.u32 s0, $0xA;
	s2 =	sadd.s32 s3, s2  }
0x8d: {  	s2 =	sadd.s32 s2, s17  }
0x8e: {  	[smem:$0x3FC0] =	sst s2  }
0x8f: {  	_ = 	snop  }
0x90: {  	s2 =	sld [smem:$0x3FD0];
	(tm) =	ssettm $0x1  }
0x91: {  	s18 =	sld [smem:$0x3FFB];
	_ =	sdelay $0x3  }
0x92: {  	_ =	strace s18  }
0x93: {  	s3 =	sld [smem:$0x3FFC];
	_ =	sdelay $0x3  }
0x94: {  	_ =	strace s3  }
0x95: {  	s3 =	sld [smem:$0x3FFD];
	_ =	sdelay $0x3  }
0x96: {  	_ =	strace s3  }
0x97: {  	_ =	strace $0x8FFFFFFF  }
0x98: {  	s19 =	sld [smem:$0x3FDB];
	_ =	sdelay $0x1  }
0x99: {  	s4 =	simm.s32 $_scs_section_size  }
0x9a: {  	s5 =	simm.s32 $_size__tile_overlayer_lowered;
	s6 =	simm.s32 $_tile_overlayer_lowered  }
0x9b: {  	s22 =	simm.s32 $0x1BFF;
	s21 =	sshll.u32 s6, $0x1;
	s3 =	sadd.s32 s4, s19  }
0x9c: {  	s7 =	simm.s32 $0x0;
	s20 =	sshll.u32 s5, $0x1;
	s5 =	sadd.s32 s21, s3  }
0x9d: {  	[timem:s7], [sflag:s22] =	dma.local [hbm:s5], s20  }
0x9e: {  	_ =	swait.ge [sflag:s22], s20  }
0x9f: {  	s4 =	ssub.s32 $0x0, s20;
	[sflag:s22] =	ssyncset.done $0x0  }
0xa0: {  	[sflag:s22] =	ssyncadd.s32 s4;
	_ =	sdelay $0x1  }
0xa1: {  	s23 =	simm.s32 $0x1B8B  }
0xa2: {  	_ =	swait.ge [sflag:s23], $0x1  }
0xa3: {  	[sflag:s23] =	ssyncset.done $0x0  }
0xa4: {  	s25 =	simm.s32 $0x1B8E;
	s24 =	sld [smem:$0x3FFE];
	[sflag:s23] =	ssyncadd.s32 $0xFFFFFFFF  }
0xa5: {  	s26 =	simm.s32 $execute0_lowered;
	[smem:$0x3FD2] =	sst s25  }
0xa6: {  	s5 =	sshll.u32 s26, $0x1;
	_ =	strace $0x80000046;
	[dreg:$0x1] =	wrdreg $0xFFFFFFFF  }
0xa7: {  	s28 =	simm.s32 $_size_execute0_lowered;
	s3 =	sadd.s32 s3, s5;
	[dreg:$0x0] =	wrdreg $0x0  }
0xa8: {  	s5 =	sshll.u32 s28, $0x1;
	[dreg:$0x2] =	wrdreg s3  }
0xa9: {  	[dreg:$0x3] =	wrdreg s5  }
0xaa: {  	[dreg:$0x4] =	wrdreg $0xC0  }
0xab: {  	_ =	task [dreg:s7], $0x5FFFF  }
0xac: {  	[dreg:$0x1] =	wrdreg $0xFFFFFFFF  }
0xad: {  	[dreg:$0x0] =	wrdreg $0x60  }
0xae: {  	[dreg:$0x2] =	wrdreg s24  }
0xaf: {  	[dreg:$0x3] =	wrdreg s2  }
0xb0: {  	[dreg:$0x4] =	wrdreg $0xC1800  }
0xb1: {  	[dreg:$0x5] =	wrdreg $0x9  }
0xb2: {  	_ =	task.clear_ibuf [dreg:s7], $0x6FFFF;
	_ =	strace $0x90000046  }
0xb3: {  	s29 =	simm.s32 $0x9;
	_ =	strace $0x80000048  }
0xb4: {  	_ =	swait.ge [sflag:s29], $0x1  }
0xb5: {  	[sflag:s29] =	ssyncadd.s32 $0xFFFFFFFF  }
0xb6: {  	_ =	strace $0x90000048  }
0xb7: {  	_ =	sfence  }
0xb8: {  	s30 =	sld [smem:$0x0];
	_ =	sdelay $0x2  }
0xb9: {  	s31 =	sshll.u32 s1, $0xD;
	s1 =	sshrl.u32 s1, $0x2  }
0xba: {  	s3 =	sand.u32 $0x4000, s31;
	s1 =	sadd.s32 s1, s30  }
0xbb: {  	s0 =	sor.u32 s3, s0;
	s1 =	sshll.u32 s1, $0x11  }
0xbc: {  	s0 =	sor.u32 s1, s0  }
0xbd: {  	s0 =	sadd.s32 $0x8F2B, s0  }
0xbe: {  	[sflag:s0] =	ssyncadd.remote.s32 $0x1  }
0xbf: {  	_ =	sfence.sel $0xFFFF  }
0xc0: {  	[dreg:$0x0] =	wrdreg $0xFFFFFFFF;
	(pc) =	sbr.abs _section_cstart, $3  }
0xc1: {  	[dreg:$0x1] =	wrdreg $0xFFFFFFFF  }
0xc2: {  	_ =	task.clear_ibuf [dreg:s7], $0x2FFFF;
	_ =	strace $0x9FFFFFFF  }
0xc3: {  	(tm) =	ssettm $0x7FFFFFFF  }
tec
execute0_lowered:
.L_overlay_start_1:
0x0: {  	(tag) =	ssettag $0x1  }
0x1: {  	s1 =	rddreg [dreg:$0x0]  }
0x2: {  	s0 =	srdreg.scid;
	s2 =	rddreg [dreg:$0x1]  }
0x3: {  	s11 =	stileid.u32;
	s3 =	rddreg [dreg:$0x2]  }
0x4: {  	s4 =	simm.s32 $0x0;
	s28 =	simm.s32 $0x60;
	s6 =	smul.u32 $0x2710, s11  }
0x5: {  	s29 =	simm.s32 $0x2800;
	s30 =	simm.s32 $0x6180;
	s7 =	smul.u32 $0x4E000, s11  }
0x6: {  	s31 =	simm.s32 $0x1;
	s0 =	sand.u32 $0x1, s0;
	s19 =	smul.u32 $0x13800, s11  }
0x7: {  	[smem:$0x7FF] =	sst s4;
	s9 =	sadd.s32 $0x1E00, s1;
	s5 =	smul.u32 $0x27100, s0  }
0x8: {  	s24 =	smul.u32 $0x4E2, s11;
	p0 =	sne.s32 s11, $0xF;
	s11 =	simm.s32 $0x6  }
0x9: {  	_ =	strace $0x80000047;
	s10 =	ssub.s32 $0x2, s0;
	s5 =	sadd.s32 s6, s5  }
0xa: {  	s0 =	smul.u32 $0x138800, s0;
	s7 =	sshrl.u32 s7, $0x2;
	s5 =	sshrl.u32 s5, $0x3  }
0xb: {  	s12 =	sshrl.u32 s10, $0x1;
	s8 =	sadd.s32 s5, s1;
	s5 =	sadd.s32 s7, s3  }
0xc: {  	s6 =	sshrl.u32 s6, $0x3;
	s1 =	sadd.s32 $0x10C00, s1;
	s13 =	sadd.s32 $0x3000, s5  }
0xd: {  	s7 =	ssub.s32 s10, s12;
	s14 =	sadd.s32 $0x6000, s5;
	[dreg:$0x4] =	wrdreg s13  }
0xe: {  	s12 =	sadd.s32 $0x138000, s3;
	s15 =	sadd.s32 $0x9000, s5;
	[dreg:$0x5] =	wrdreg s14  }
0xf: {  	s10 =	simm.s32 $0x3;
	s16 =	sadd.s32 $0xC000, s5;
	[dreg:$0x6] =	wrdreg s15  }
0x10: {  	s17 =	sadd.s32 $0xF000, s5;
	s18 =	sadd.s32 $0x12000, s5;
	[dreg:$0x7] =	wrdreg s16  }
0x11: {  	s8 =	sadd.s32 $0x6E00, s8;
	s26 =	smax.u32 s7, $0x1;
	[dreg:$0x8] =	wrdreg s17  }
0x12: {  	s7 =	simm.s32 $0x2;
	[dreg:$0x9] =	wrdreg s18;
	s13 =	sadd.s32 s9, s6  }
0x13: {  	[dreg:$0xa] =	wrdreg s8;
	s6 =	sadd.s32 s19, s0;
	s0 =	sshrl.u32 s0, $0x3  }
0x14: {  	[dreg:$0x12] =	wrdreg s26;
	s26 =	simm.s32 $0x2780;
	s20 =	sadd.s32 $0xC, s13  }
0x15: {  	s8 =	simm.s32 $0x5;
	s21 =	sadd.s32 $0x18, s13;
	[dreg:$0xb] =	wrdreg s20  }
0x16: {  	s14 =	simm.s32 $0x8;
	s22 =	sadd.s32 $0x24, s13;
	[dreg:$0xc] =	wrdreg s21  }
0x17: {  	s15 =	simm.s32 $0x9;
	s23 =	sadd.s32 $0x30, s13;
	[dreg:$0xd] =	wrdreg s22  }
0x18: {  	s19 =	simm.s32 $0xA;
	s25 =	sadd.s32 $0x4E0, s13;
	[dreg:$0xe] =	wrdreg s23  }
0x19: {  	s6 =	sshrl.u32 s6, $0x3;
	s0 =	sadd.s32 s1, s0;
	[dreg:$0xf] =	wrdreg s25  }
0x1a: {  	s6 =	sadd.s32 s1, s6;
	s0 =	sadd.s32 $0x27000, s0;
	s23 =	sadd.s32 s24, s9  }
0x1b: {  	s24 =	simm.s32 $0x3180;
	s25 =	simm.s32 $0xB;
	s1 =	simm.s32 $0x4  }
0x1c: {  	s9 =	simm.s32 $0x7;
	s20 =	simm.s32 $0x0;
	[dreg:$0x10] =	wrdreg s6  }
0x1d: {  	v0 =	vimm.f32 $0.0e+00;
	[dreg:$0x11] =	wrdreg s0;
	s0 =	simm.s32 $0x2880;
	s6 =	simm.s32 $0x9180  }
.LBB2_1:
0x1e: {  	s16 =	simm.s32 $0x0;
	s21 =	simm.s32 $0x200  }
.LBB2_2:
0x1f: {  	p1 =	sne.s32 s21, $0xBE00;
	[tilespmem:s16+$0x31F0] =	vst v0  }
0x20: {  	[tilespmem:s16+$0x3180] =	vst v0  }
0x21: {  	[tilespmem:s16+$0x3190] =	vst v0  }
.Ltmp0:
0x22: {  	[tilespmem:s16+$0x31A0] =	vst v0;
	(pc) =	sbr.rel @p1 .LBB2_2-.Ltmp0, $4  }
0x23: {  	[tilespmem:s16+$0x31B0] =	vst v0  }
0x24: {  	[tilespmem:s16+$0x31C0] =	vst v0  }
0x25: {  	[tilespmem:s16+$0x31D0] =	vst v0  }
0x26: {  	[tilespmem:s16+$0x31E0] =	vst v0;
	s16 =	sshra.s32 s21, $0x2;
	s21 =	sadd.s32 $0x200, s21  }
0x27: {  	[tilespmem:s16+$0x31F0] =	vst v0  }
0x28: {  	[tilespmem:s16+$0x3180] =	vst v0  }
0x29: {  	[tilespmem:s16+$0x3190] =	vst v0  }
0x2a: {  	[tilespmem:s16+$0x31A0] =	vst v0  }
0x2b: {  	[tilespmem:s16+$0x31B0] =	vst v0  }
0x2c: {  	[tilespmem:s16+$0x31C0] =	vst v0  }
0x2d: {  	[tilespmem:s16+$0x31D0] =	vst v0  }
0x2e: {  	[tilespmem:s16+$0x31E0] =	vst v0  }
0x2f: {  	[spmem:s5] =	stream.linear.scatter [tilespmem:s24], [sflag:$0xB], $0x3000, $0x38;
	[tilespmem:$0x1FA00] =	vst v63  }
0x30: {  	_ =	swait.ge [sflag:s25], $0x3000  }
0x31: {  	[sflag:s25] =	ssyncset.done $0x0  }
0x32: {  	s18 =	rddreg [dreg:$0x4];
	[sflag:s25] =	ssyncadd.s32 $0xFFFFD000  }
0x33: {  	[spmem:s18] =	stream.linear.scatter [tilespmem:s24], [sflag:$0xB], $0x3000, $0x38;
	[tilespmem:$0x1FA00] =	vst v63  }
0x34: {  	_ =	swait.ge [sflag:s25], $0x3000  }
0x35: {  	[sflag:s25] =	ssyncset.done $0x0  }
0x36: {  	s21 =	rddreg [dreg:$0x5];
	[sflag:s25] =	ssyncadd.s32 $0xFFFFD000  }
0x37: {  	[spmem:s21] =	stream.linear.scatter [tilespmem:s24], [sflag:$0xB], $0x3000, $0x38;
	[tilespmem:$0x1FA00] =	vst v63  }
0x38: {  	_ =	swait.ge [sflag:s25], $0x3000  }
0x39: {  	[sflag:s25] =	ssyncset.done $0x0  }
0x3a: {  	s22 =	rddreg [dreg:$0x6];
	[sflag:s25] =	ssyncadd.s32 $0xFFFFD000  }
0x3b: {  	[spmem:s22] =	stream.linear.scatter [tilespmem:s24], [sflag:$0xB], $0x3000, $0x38;
	[tilespmem:$0x1FA00] =	vst v63  }
0x3c: {  	_ =	swait.ge [sflag:s25], $0x3000  }
0x3d: {  	[sflag:s25] =	ssyncset.done $0x0  }
0x3e: {  	s17 =	rddreg [dreg:$0x7];
	[sflag:s25] =	ssyncadd.s32 $0xFFFFD000  }
0x3f: {  	[spmem:s17] =	stream.linear.scatter [tilespmem:s24], [sflag:$0xB], $0x3000, $0x38;
	[tilespmem:$0x1FA00] =	vst v63  }
0x40: {  	_ =	swait.ge [sflag:s25], $0x3000  }
0x41: {  	[sflag:s25] =	ssyncset.done $0x0  }
0x42: {  	s18 =	rddreg [dreg:$0x8];
	[sflag:s25] =	ssyncadd.s32 $0xFFFFD000  }
0x43: {  	[spmem:s18] =	stream.linear.scatter [tilespmem:s24], [sflag:$0xB], $0x3000, $0x38;
	[tilespmem:$0x1FA00] =	vst v63  }
0x44: {  	_ =	swait.ge [sflag:s25], $0x3000  }
0x45: {  	[sflag:s25] =	ssyncset.done $0x0  }
0x46: {  	s21 =	rddreg [dreg:$0x9];
	[sflag:s25] =	ssyncadd.s32 $0xFFFFD000  }
0x47: {  	[spmem:s21] =	stream.linear.scatter [tilespmem:s24], [sflag:$0xB], $0x1800, $0x38;
	[tilespmem:$0x1FA00] =	vst v63  }
0x48: {  	_ =	swait.ge [sflag:s25], $0x1800  }
0x49: {  	[sflag:s25] =	ssyncset.done $0x0  }
0x4a: {  	s16 =	simm.s32 @!p0 $0x3180;
	[sflag:s25] =	ssyncadd.s32 $0xFFFFE800  }
0x4b: {  	[spmem:s12] =	stream.linear.scatter @!p0 [tilespmem:s16], [sflag:$0xB], $0x800, $0x38;
	[tilespmem:$0x1FA00] =	vst v63  }
0x4c: {  	s16 =	simm.s32 @!p0 $0xB  }
0x4d: {  	_ =	swait.ge @!p0 [sflag:s16], $0x800  }
0x4e: {  	[sflag:s16] =	ssyncset.done @!p0 $0x0  }
0x4f: {  	s17 =	rddreg [dreg:$0xa];
	[sflag:s16] =	ssyncadd.s32 @!p0 $0xFFFFF800;
	s16 =	simm.s32 $0x0  }
0x50: {  	[tilespmem:s16], [sflag:$0xB] =	stream.linear.gather [hbm4b:s17+s16], $0x2710, $0x38;
	[tilespmem:$0x1FA00] =	vst v63  }
0x51: {  	_ =	swait.ge [sflag:s25], $0x2710  }
0x52: {  	[sflag:s25] =	ssyncset.done $0x0  }
0x53: {  	[sflag:s25] =	ssyncadd.s32 $0xFFFFD8F0  }
0x54: {  	[bflag:$0x0] =	sbarrier.arrive $0xFFFF  }
0x55: {  	[tilespmem:s26], [sflag:$0x4] =	stream.linear.gather [hbm4b:s13+s16], $0x60, $0x38;
	[tilespmem:$0x1FA00] =	vst v63  }
0x56: {  	_ = 	snop  }
0x57: {  	[tilespmem:s24], [sflag:$0x1] =	stream.indirect.gather [hbm4b:s2+s28], $0x80, s16, s28, $0xb8;
	[tilespmem:$0x1FA00] =	vst v63  }
0x58: {  	s22 =	rddreg [dreg:$0xb]  }
0x59: {  	[tilespmem:s29], [sflag:$0x5] =	stream.linear.gather [hbm4b:s22+s16], $0x60, $0x38;
	[tilespmem:$0x1FA00] =	vst v63  }
0x5a: {  	_ = 	snop  }
0x5b: {  	[tilespmem:s30], [sflag:$0x2] =	stream.indirect.gather [hbm4b:s2+s28], $0x80, s28, s28, $0xb8;
	[tilespmem:$0x1FA00] =	vst v63  }
0x5c: {  	_ =	swait.ge [sflag:s31], $0x3000  }
0x5d: {  	[sflag:s31] =	ssyncset.done $0x0  }
0x5e: {  	[sflag:s31] =	ssyncadd.s32 $0xFFFFD000  }
0x5f: {  	_ =	swait.ge [sflag:s1], $0x60  }
0x60: {  	[sflag:s1] =	ssyncset.done $0x0  }
0x61: {  	[sflag:s1] =	ssyncadd.s32 $0xFFFFFFA0  }
0x62: {  	[spmem:s3] =	stream.indirect.scatter.add.f32 [tilespmem:s24], [sflag:$0x7], $0x80, s26, s28, $0xb8;
	[tilespmem:$0x1FA00] =	vst v63  }
0x63: {  	s18 =	rddreg [dreg:$0xc]  }
0x64: {  	[tilespmem:s0], [sflag:$0x6] =	stream.linear.gather [hbm4b:s18+s16], $0x60, $0x38;
	[tilespmem:$0x1FA00] =	vst v63  }
0x65: {  	s21 =	simm.s32 $0xC0  }
0x66: {  	[tilespmem:s6], [sflag:$0x3] =	stream.indirect.gather [hbm4b:s2+s28], $0x80, s21, s28, $0xb8;
	[tilespmem:$0x1FA00] =	vst v63  }
0x67: {  	_ =	swait.ge [sflag:s7], $0x3000  }
0x68: {  	[sflag:s7] =	ssyncset.done $0x0  }
0x69: {  	[sflag:s7] =	ssyncadd.s32 $0xFFFFD000  }
0x6a: {  	_ =	swait.ge [sflag:s8], $0x60  }
0x6b: {  	[sflag:s8] =	ssyncset.done $0x0  }
0x6c: {  	[sflag:s8] =	ssyncadd.s32 $0xFFFFFFA0  }
0x6d: {  	[spmem:s3] =	stream.indirect.scatter.add.f32 [tilespmem:s30], [sflag:$0x8], $0x80, s29, s28, $0xb8;
	[tilespmem:$0x1FA00] =	vst v63  }
0x6e: {  	_ =	swait.ge [sflag:s9], $0x3000  }
0x6f: {  	[sflag:s9] =	ssyncset.done $0x0  }
0x70: {  	s22 =	rddreg [dreg:$0xd];
	[sflag:s9] =	ssyncadd.s32 $0xFFFFD000  }
0x71: {  	[tilespmem:s26], [sflag:$0x4] =	stream.linear.gather [hbm4b:s22+s16], $0x60, $0x38;
	[tilespmem:$0x1FA00] =	vst v63  }
0x72: {  	s18 =	simm.s32 $0x120  }
0x73: {  	[tilespmem:s24], [sflag:$0x1] =	stream.indirect.gather [hbm4b:s2+s28], $0x80, s18, s28, $0xb8;
	[tilespmem:$0x1FA00] =	vst v63  }
0x74: {  	_ =	swait.ge [sflag:s10], $0x3000  }
0x75: {  	[sflag:s10] =	ssyncset.done $0x0  }
0x76: {  	[sflag:s10] =	ssyncadd.s32 $0xFFFFD000  }
0x77: {  	_ =	swait.ge [sflag:s11], $0x60  }
0x78: {  	[sflag:s11] =	ssyncset.done $0x0  }
0x79: {  	[sflag:s11] =	ssyncadd.s32 $0xFFFFFFA0  }
0x7a: {  	[spmem:s3] =	stream.indirect.scatter.add.f32 [tilespmem:s6], [sflag:$0x9], $0x80, s0, s28, $0xb8;
	[tilespmem:$0x1FA00] =	vst v63  }
0x7b: {  	_ =	swait.ge [sflag:s14], $0x3000  }
0x7c: {  	[sflag:s14] =	ssyncset.done $0x0  }
0x7d: {  	s21 =	rddreg [dreg:$0xe];
	[sflag:s14] =	ssyncadd.s32 $0xFFFFD000  }
0x7e: {  	[tilespmem:s29], [sflag:$0x5] =	stream.linear.gather [hbm4b:s21+s16], $0x60, $0x38;
	[tilespmem:$0x1FA00] =	vst v63  }
0x7f: {  	s22 =	simm.s32 $0x180  }
0x80: {  	[tilespmem:s30], [sflag:$0x2] =	stream.indirect.gather [hbm4b:s2+s28], $0x80, s22, s28, $0xb8;
	[tilespmem:$0x1FA00] =	vst v63  }
0x81: {  	_ =	swait.ge [sflag:s31], $0x3000  }
0x82: {  	[sflag:s31] =	ssyncset.done $0x0  }
0x83: {  	[sflag:s31] =	ssyncadd.s32 $0xFFFFD000  }
0x84: {  	_ =	swait.ge [sflag:s1], $0x60  }
0x85: {  	[sflag:s1] =	ssyncset.done $0x0  }
0x86: {  	[sflag:s1] =	ssyncadd.s32 $0xFFFFFFA0  }
0x87: {  	[spmem:s3] =	stream.indirect.scatter.add.f32 [tilespmem:s24], [sflag:$0x7], $0x80, s26, s28, $0xb8;
	[tilespmem:$0x1FA00] =	vst v63  }
0x88: {  	_ =	swait.ge [sflag:s15], $0x3000  }
0x89: {  	s16 =	sadd.s32 $0x0, s23;
	[sflag:s15] =	ssyncset.done $0x0  }
0x8a: {  	s21 =	sadd.s32 $0x3C, s16;
	[sflag:s15] =	ssyncadd.s32 $0xFFFFD000  }
0x8b: {  	[tilespmem:s0], [sflag:$0x6] =	stream.linear.gather [hbm4b:s21+s4], $0x60, $0x38;
	[tilespmem:$0x1FA00] =	vst v63  }
0x8c: {  	s17 =	simm.s32 $0x1E0  }
0x8d: {  	[tilespmem:s6], [sflag:$0x3] =	stream.indirect.gather [hbm4b:s2+s28], $0x80, s17, s28, $0xb8;
	[tilespmem:$0x1FA00] =	vst v63  }
0x8e: {  	_ =	swait.ge [sflag:s7], $0x3000  }
0x8f: {  	[sflag:s7] =	ssyncset.done $0x0  }
0x90: {  	[sflag:s7] =	ssyncadd.s32 $0xFFFFD000  }
0x91: {  	_ =	swait.ge [sflag:s8], $0x60  }
0x92: {  	[sflag:s8] =	ssyncset.done $0x0  }
0x93: {  	[sflag:s8] =	ssyncadd.s32 $0xFFFFFFA0  }
0x94: {  	[spmem:s3] =	stream.indirect.scatter.add.f32 [tilespmem:s30], [sflag:$0x8], $0x80, s29, s28, $0xb8;
	[tilespmem:$0x1FA00] =	vst v63  }
0x95: {  	_ =	swait.ge [sflag:s9], $0x3000  }
0x96: {  	[sflag:s9] =	ssyncset.done $0x0  }
0x97: {  	s18 =	sadd.s32 $0x48, s16;
	[sflag:s9] =	ssyncadd.s32 $0xFFFFD000  }
0x98: {  	[tilespmem:s26], [sflag:$0x4] =	stream.linear.gather [hbm4b:s18+s4], $0x60, $0x38;
	[tilespmem:$0x1FA00] =	vst v63  }
0x99: {  	s22 =	simm.s32 $0x240  }
0x9a: {  	[tilespmem:s24], [sflag:$0x1] =	stream.indirect.gather [hbm4b:s2+s28], $0x80, s22, s28, $0xb8;
	[tilespmem:$0x1FA00] =	vst v63  }
0x9b: {  	_ =	swait.ge [sflag:s10], $0x3000  }
0x9c: {  	[sflag:s10] =	ssyncset.done $0x0  }
0x9d: {  	[sflag:s10] =	ssyncadd.s32 $0xFFFFD000  }
0x9e: {  	_ =	swait.ge [sflag:s11], $0x60  }
0x9f: {  	[sflag:s11] =	ssyncset.done $0x0  }
0xa0: {  	[sflag:s11] =	ssyncadd.s32 $0xFFFFFFA0  }
0xa1: {  	[spmem:s3] =	stream.indirect.scatter.add.f32 [tilespmem:s6], [sflag:$0x9], $0x80, s0, s28, $0xb8;
	[tilespmem:$0x1FA00] =	vst v63  }
0xa2: {  	_ =	swait.ge [sflag:s14], $0x3000  }
0xa3: {  	[sflag:s14] =	ssyncset.done $0x0  }
0xa4: {  	s16 =	sadd.s32 $0x54, s16;
	[sflag:s14] =	ssyncadd.s32 $0xFFFFD000  }
0xa5: {  	[tilespmem:s29], [sflag:$0x5] =	stream.linear.gather [hbm4b:s16+s4], $0x60, $0x38;
	[tilespmem:$0x1FA00] =	vst v63  }
0xa6: {  	s21 =	simm.s32 $0x2A0;
	s22 =	simm.s32 $0x24;
	s16 =	simm.s32 $0x3C0  }
.LBB2_4:
0xa7: {  	[tilespmem:s30], [sflag:$0x2] =	stream.indirect.gather [hbm4b:s2+s28], $0x80, s21, s28, $0xb8;
	[tilespmem:$0x1FA00] =	vst v63  }
0xa8: {  	s17 =	smov.u32 s22;
	s21 =	smov.u32 s16  }
0xa9: {  	p1 =	sne.s32 s22, $0x480;
	s22 =	sadd.s32 $0x24, s22;
	_ =	swait.ge [sflag:s31], $0x3000  }
0xaa: {  	[sflag:s31] =	ssyncset.done $0x0  }
0xab: {  	[sflag:s31] =	ssyncadd.s32 $0xFFFFD000  }
0xac: {  	_ =	swait.ge [sflag:s1], $0x60  }
0xad: {  	[sflag:s1] =	ssyncset.done $0x0  }
0xae: {  	[sflag:s1] =	ssyncadd.s32 $0xFFFFFFA0  }
0xaf: {  	[spmem:s3] =	stream.indirect.scatter.add.f32 [tilespmem:s24], [sflag:$0x7], $0x80, s26, s28, $0xb8;
	[tilespmem:$0x1FA00] =	vst v63  }
0xb0: {  	_ =	swait.ge [sflag:s15], $0x3000  }
0xb1: {  	s17 =	sadd.s32 s17, s23;
	[sflag:s15] =	ssyncset.done $0x0  }
0xb2: {  	s18 =	sadd.s32 $0x3C, s17;
	[sflag:s15] =	ssyncadd.s32 $0xFFFFD000  }
0xb3: {  	[tilespmem:s0], [sflag:$0x6] =	stream.linear.gather [hbm4b:s18+s4], $0x60, $0x38;
	[tilespmem:$0x1FA00] =	vst v63  }
0xb4: {  	s18 =	sadd.s32 $0xFFFFFF40, s16  }
0xb5: {  	[tilespmem:s6], [sflag:$0x3] =	stream.indirect.gather [hbm4b:s2+s28], $0x80, s18, s28, $0xb8;
	[tilespmem:$0x1FA00] =	vst v63  }
0xb6: {  	_ =	swait.ge [sflag:s7], $0x3000  }
0xb7: {  	[sflag:s7] =	ssyncset.done $0x0  }
0xb8: {  	[sflag:s7] =	ssyncadd.s32 $0xFFFFD000  }
0xb9: {  	_ =	swait.ge [sflag:s8], $0x60  }
0xba: {  	[sflag:s8] =	ssyncset.done $0x0  }
0xbb: {  	[sflag:s8] =	ssyncadd.s32 $0xFFFFFFA0  }
0xbc: {  	[spmem:s3] =	stream.indirect.scatter.add.f32 [tilespmem:s30], [sflag:$0x8], $0x80, s29, s28, $0xb8;
	[tilespmem:$0x1FA00] =	vst v63  }
0xbd: {  	_ =	swait.ge [sflag:s9], $0x3000  }
0xbe: {  	[sflag:s9] =	ssyncset.done $0x0  }
0xbf: {  	s18 =	sadd.s32 $0x48, s17;
	[sflag:s9] =	ssyncadd.s32 $0xFFFFD000  }
0xc0: {  	[tilespmem:s26], [sflag:$0x4] =	stream.linear.gather [hbm4b:s18+s4], $0x60, $0x38;
	[tilespmem:$0x1FA00] =	vst v63  }
0xc1: {  	s18 =	sadd.s32 $0xFFFFFFA0, s16  }
0xc2: {  	[tilespmem:s24], [sflag:$0x1] =	stream.indirect.gather [hbm4b:s2+s28], $0x80, s18, s28, $0xb8;
	[tilespmem:$0x1FA00] =	vst v63  }
0xc3: {  	_ =	swait.ge [sflag:s10], $0x3000  }
0xc4: {  	[sflag:s10] =	ssyncset.done $0x0  }
0xc5: {  	[sflag:s10] =	ssyncadd.s32 $0xFFFFD000  }
0xc6: {  	_ =	swait.ge [sflag:s11], $0x60  }
0xc7: {  	[sflag:s11] =	ssyncset.done $0x0  }
0xc8: {  	[sflag:s11] =	ssyncadd.s32 $0xFFFFFFA0  }
0xc9: {  	[spmem:s3] =	stream.indirect.scatter.add.f32 [tilespmem:s6], [sflag:$0x9], $0x80, s0, s28, $0xb8;
	[tilespmem:$0x1FA00] =	vst v63  }
.Ltmp1:
0xca: {  	_ =	swait.ge [sflag:s14], $0x3000;
	(pc) =	sbr.rel @p1 .LBB2_4-.Ltmp1, $4  }
0xcb: {  	[sflag:s14] =	ssyncset.done $0x0  }
0xcc: {  	s17 =	sadd.s32 $0x54, s17;
	[sflag:s14] =	ssyncadd.s32 $0xFFFFD000  }
0xcd: {  	[tilespmem:s29], [sflag:$0x5] =	stream.linear.gather [hbm4b:s17+s4], $0x60, $0x38;
	[tilespmem:$0x1FA00] =	vst v63  }
0xce: {  	s16 =	sadd.s32 $0x120, s16  }
0xcf: {  	[tilespmem:s30], [sflag:$0x2] =	stream.indirect.gather [hbm4b:s2+s28], $0x80, s21, s28, $0xb8;
	[tilespmem:$0x1FA00] =	vst v63  }
0xd0: {  	_ =	swait.ge [sflag:s31], $0x3000  }
0xd1: {  	[sflag:s31] =	ssyncset.done $0x0  }
0xd2: {  	[sflag:s31] =	ssyncadd.s32 $0xFFFFD000  }
0xd3: {  	_ =	swait.ge [sflag:s1], $0x60  }
0xd4: {  	[sflag:s1] =	ssyncset.done $0x0  }
0xd5: {  	[sflag:s1] =	ssyncadd.s32 $0xFFFFFFA0  }
0xd6: {  	[spmem:s3] =	stream.indirect.scatter.add.f32 [tilespmem:s24], [sflag:$0x7], $0x80, s26, s28, $0xb8;
	[tilespmem:$0x1FA00] =	vst v63  }
0xd7: {  	_ =	swait.ge [sflag:s15], $0x3000  }
0xd8: {  	[sflag:s15] =	ssyncset.done $0x0  }
0xd9: {  	[sflag:s15] =	ssyncadd.s32 $0xFFFFD000  }
0xda: {  	_ =	swait.ge [sflag:s7], $0x3000  }
0xdb: {  	[sflag:s7] =	ssyncset.done $0x0  }
0xdc: {  	[sflag:s7] =	ssyncadd.s32 $0xFFFFD000  }
0xdd: {  	_ =	swait.ge [sflag:s8], $0x60  }
0xde: {  	[sflag:s8] =	ssyncset.done $0x0  }
0xdf: {  	[sflag:s8] =	ssyncadd.s32 $0xFFFFFFA0  }
0xe0: {  	[spmem:s3] =	stream.indirect.scatter.add.f32 [tilespmem:s30], [sflag:$0x8], $0x80, s29, s28, $0xb8;
	[tilespmem:$0x1FA00] =	vst v63  }
0xe1: {  	_ =	swait.ge [sflag:s9], $0x3000  }
0xe2: {  	[sflag:s9] =	ssyncset.done $0x0  }
0xe3: {  	[sflag:s9] =	ssyncadd.s32 $0xFFFFD000  }
0xe4: {  	_ =	swait.ge [sflag:s14], $0x3000  }
0xe5: {  	[sflag:s14] =	ssyncset.done $0x0  }
0xe6: {  	s17 =	simm.s32 $0x2900;
	s16 =	rddreg [dreg:$0xf];
	[sflag:s14] =	ssyncadd.s32 $0xFFFFD000  }
0xe7: {  	[tilespmem:s17], [sflag:$0xB] =	stream.linear.gather [hbm4b:s16+s4], $0x10, $0x38;
	[tilespmem:$0x1FA00] =	vst v63  }
0xe8: {  	_ =	swait.ge [sflag:s25], $0x10  }
0xe9: {  	s21 =	simm.s32 $0x10;
	[sflag:s25] =	ssyncset.done $0x0  }
0xea: {  	s18 =	simm.s32 $0x2700;
	s22 =	simm.s32 $0x2980;
	[sflag:s25] =	ssyncadd.s32 $0xFFFFFFF0  }
0xeb: {  	[tilespmem:s22], [sflag:$0xA] =	stream.indirect.gather [hbm4b:s2+s21], $0x80, s18, s21, $0xb8;
	[tilespmem:$0x1FA00] =	vst v63  }
0xec: {  	_ =	swait.ge [sflag:s19], $0x800  }
0xed: {  	[sflag:s19] =	ssyncset.done $0x0  }
0xee: {  	[sflag:s19] =	ssyncadd.s32 $0xFFFFF800  }
0xef: {  	[spmem:s3] =	stream.indirect.scatter.add.f32 [tilespmem:s22], [sflag:$0xB], $0x80, s17, s21, $0xb8;
	[tilespmem:$0x1FA00] =	vst v63  }
0xf0: {  	_ =	swait.ge [sflag:s25], $0x800  }
0xf1: {  	[sflag:s25] =	ssyncset.done $0x0  }
0xf2: {  	s17 =	stileid.u32;
	[sflag:s25] =	ssyncadd.s32 $0xFFFFF800  }
0xf3: {  	s16 =	sshll.u32 s17, $0x6;
	[bflag:$0x0] =	sbarrier.arrive $0xFFFF  }
0xf4: {  	s18 =	sshrl.u32 s5, $0x3;
	s16 =	sor.u32 $0x1C0B, s16;
	s21 =	rddreg [dreg:$0x10]  }
0xf5: {  	[hbm:s21], [sflag:s16] =	dma.local [spmem:s18], $0x2700  }
0xf6: {  	_ =	swait.ge [sflag:s25], $0x2700  }
0xf7: {  	[sflag:s25] =	ssyncset.done $0x0  }
0xf8: {  	s17 =	sshrl.u32 @!p0 s12, $0x3;
	s18 =	rddreg [dreg:$0x11];
	[sflag:s25] =	ssyncadd.s32 $0xFFFFD900  }
0xf9: {  	[hbm:s18], [sflag:s16] =	dma.local @!p0 [spmem:s17], $0x100  }
0xfa: {  	s16 =	simm.s32 @!p0 $0xB  }
0xfb: {  	_ =	swait.ge @!p0 [sflag:s16], $0x100  }
0xfc: {  	s20 =	sadd.s32 $0x1, s20;
	s22 =	rddreg [dreg:$0x12]  }
0xfd: {  	p1 =	sne.s32 s20, s22  }
.Ltmp2:
0xfe: {  	_ = 	snop;
	(pc) =	sbr.rel @p1 .LBB2_1-.Ltmp2, $3  }
0xff: {  	_ =	sdelay $0x1  }
0x100: {  	[sflag:s16] =	ssyncset.done @!p0 $0x0  }
0x101: {  	[sflag:s16] =	ssyncadd.s32 @!p0 $0xFFFFFF00  }
0x102: {  	_ =	sfence.sel $0x180000  }
0x103: {  	[bflag:$0x0] =	sbarrier.arrive $0xFFFF  }
0x104: {  	_ =	strace $0x90000047  }
0x105: {  	s0 =	stileid.u32;
	[bflag:$0x2] =	sbarrier.arrive $0xFFFF  }
0x106: {  	p0 =	sne.s32 s0, $0x0;
	s0 =	rddreg [dreg:$0x3]  }
0x107: {  	s0 =	sadd.s32 @!p0 $0x100000, s0  }
0x108: {  	[sflag:s0] =	ssyncadd.tile.s32 @!p0 $0x1;
	_ =	shalt  }
.Lfunc_end2:
_tile_overlayer_lowered:
.L_overlay_start_2:
0x109: {  	(tag) =	ssettag $0x2  }
0x10a: {  	s0 =	rddreg [dreg:$0x0];
	s2 =	stileid.u32  }
0x10b: {  	s1 =	rddreg [dreg:$0x1];
	p0 =	sne.s32 s2, $0x0  }
0x10c: {  	s3 =	rddreg [dreg:$0x2];
	[bflag:$0x3] =	sbarrier.arrive $0xFFFF;
	s2 =	simm.s32 @!p0 $0x1C0B  }
0x10d: {  	[timem:s3], [sflag:s2] =	dma.local @!p0 [hbm:s0], s1  }
0x10e: {  	s0 =	simm.s32 @!p0 $0xB  }
0x10f: {  	_ =	swait.ge @!p0 [sflag:s0], s1  }
0x110: {  	s1 =	ssub.s32 @!p0 $0x0, s1;
	[sflag:s0] =	ssyncset.done @!p0 $0x0  }
0x111: {  	[sflag:s0] =	ssyncadd.s32 @!p0 s1  }
0x112: {  	[bflag:$0x3] =	sbarrier.arrive $0xFFFF  }
0x113: {  	_ =	shalt  }

</sc_bundles>
